<compile_context>
chip_gen: v7x
topology: tpu7x:2x2x1
jax: 0.10.2.dev20260603
libtpu: 0.0.44.dev20260713+nightly
codegen_flags: <defaults>
</compile_context>

<pallas_src>
import functools

import jax
import jax.numpy as jnp
from jax import lax
from jax.experimental import pallas as pl
from jax.experimental.pallas import tpu as pltpu
from jax.experimental.pallas import tpu_sc as plsc

N_NODES = 10000
E_RAW = 320000
E_TOT = E_RAW + N_NODES
NC, NS = 2, 16
NW = NC * NS
CHUNK = 128
EPAD = ((E_TOT + NW * CHUNK - 1) // (NW * CHUNK)) * (NW * CHUNK)
PER_W = EPAD // NW
N_CHUNKS = PER_W // CHUNK
EBLK = 2048
NBLK = 2000

_mesh = plsc.VectorSubcoreMesh(core_axis_name="c", subcore_axis_name="s",
                               num_cores=NC)


def _sc_gather(d):

    @functools.partial(
        pl.kernel, mesh=_mesh,
        out_type=jax.ShapeDtypeStruct((EPAD, d), jnp.float32),
        scratch_types=[
            pltpu.VMEM((CHUNK,), jnp.int32),
            pltpu.VMEM((CHUNK, d), jnp.float32),
            pltpu.SemaphoreType.DMA,
        ],
    )
    def k(table_hbm, idx_hbm, out_hbm, idx_v, rows_v, sem):
        wid = lax.axis_index("s") * NC + lax.axis_index("c")

        def chunk(i, carry):
            b = wid * PER_W + i * CHUNK
            pltpu.sync_copy(idx_hbm.at[pl.ds(b, CHUNK)], idx_v)
            pltpu.async_copy(table_hbm.at[idx_v], rows_v, sem).wait()
            pltpu.sync_copy(rows_v, out_hbm.at[pl.ds(b, CHUNK)])
            return carry

        lax.fori_loop(0, N_CHUNKS, chunk, 0)

    return k


def _sc_scatter_add(d):

    @functools.partial(
        pl.kernel, mesh=_mesh,
        out_type=jax.ShapeDtypeStruct((NC, N_NODES, d), jnp.float32),
        scratch_types=[
            pltpu.VMEM((CHUNK,), jnp.int32),
            pltpu.VMEM((CHUNK, d), jnp.float32),
            pltpu.VMEM_SHARED((N_NODES, d), jnp.float32),
        ],
    )
    def k(rows_hbm, idx_hbm, zeros_hbm, out_hbm, idx_v, rows_v, accum):
        c = lax.axis_index("c")
        s = lax.axis_index("s")

        @pl.when(s == 0)
        def _():
            pltpu.sync_copy(zeros_hbm, accum)

        plsc.subcore_barrier()

        def chunk(i, carry):
            b = (s * NC + c) * PER_W + i * CHUNK
            pltpu.sync_copy(idx_hbm.at[pl.ds(b, CHUNK)], idx_v)
            pltpu.sync_copy(rows_hbm.at[pl.ds(b, CHUNK)], rows_v)
            pltpu.sync_copy(rows_v, accum.at[idx_v], add=True)
            return carry

        lax.fori_loop(0, N_CHUNKS, chunk, 0)
        plsc.subcore_barrier()

        @pl.when(s == 0)
        def _():
            pltpu.sync_copy(accum, out_hbm.at[c])

    return k



def _tc1_body(x_ref, wg_ref, asrc_ref, adst_ref, h_ref, asd_ref):
    h = jnp.dot(x_ref[...], wg_ref[...],
                preferred_element_type=jnp.float32,
                precision=lax.Precision.HIGHEST)
    h_ref[...] = h
    h3 = h.reshape(h.shape[0], 8, 64)
    a_s = (h3 * asrc_ref[...][None]).sum(-1)
    a_d = (h3 * adst_ref[...][None]).sum(-1)
    asd_ref[...] = jnp.concatenate(
        [a_s, a_d, jnp.zeros((NBLK, 112), jnp.float32)], axis=1)


def _valid_col(pid, blk):
    row = pid * blk + lax.broadcasted_iota(jnp.int32, (blk, 1), 0)
    return (row < E_TOT).astype(jnp.float32)


def _tc2_body(gs_ref, gd_ref, ex_ref):
    valid = _valid_col(pl.program_id(0), EBLK)
    e = gs_ref[...][:, 0:8] + gd_ref[...][:, 8:16]
    e = jnp.where(e >= 0, e, 0.2 * e)
    ex = jnp.exp(e) * valid
    ex_ref[...] = jnp.concatenate(
        [ex, valid, jnp.zeros((EBLK, 119), jnp.float32)], axis=1)


def _tc4_body(dd_ref, q_ref):
    dd = dd_ref[...][0] + dd_ref[...][1]
    den = dd[:, 0:8]
    deg = dd[:, 8:9]
    dinv = jnp.where(deg > 0, lax.rsqrt(jnp.maximum(deg, 1e-12)), 0.0)
    q_ref[...] = jnp.concatenate(
        [den, dinv, jnp.zeros((NBLK, 119), jnp.float32)], axis=1)


def _tc5_body(ex_ref, qs_ref, qd_ref, al_ref):
    valid = _valid_col(pl.program_id(0), EBLK)
    alpha = ex_ref[...][:, 0:8] / qd_ref[...][:, 0:8]
    norm = qs_ref[...][:, 8:9] * qd_ref[...][:, 8:9] * valid
    al_ref[...] = jnp.concatenate(
        [alpha, norm, jnp.zeros((EBLK, 7), jnp.float32)], axis=1)


def _tc6_body(hs_ref, al_ref, m0_ref, m1_ref, m2_ref, m3_ref):
    a3 = al_ref[...][:, 0:8].reshape(EBLK, 8, 1)
    h3 = hs_ref[...].reshape(EBLK, 8, 64)
    msg = (h3 * a3).reshape(EBLK, 512)
    m0_ref[...] = msg[:, 0:128]
    m1_ref[...] = msg[:, 128:256]
    m2_ref[...] = msg[:, 256:384]
    m3_ref[...] = msg[:, 384:512]


def _elu(x):
    return jnp.where(x > 0, x, jnp.exp(x) - 1.0)


def _tc7_body(g0_ref, g1_ref, g2_ref, g3_ref, bg_ref, we_ref, be_ref,
              w1_ref, xw1_ref):
    outg = jnp.concatenate(
        [g0_ref[...][0] + g0_ref[...][1],
         g1_ref[...][0] + g1_ref[...][1],
         g2_ref[...][0] + g2_ref[...][1],
         g3_ref[...][0] + g3_ref[...][1]], axis=1)
    g = _elu(outg + bg_ref[...])
    g = _elu(jnp.dot(g, we_ref[...], preferred_element_type=jnp.float32,
                     precision=lax.Precision.HIGHEST) + be_ref[...])
    xw1 = jnp.dot(g, w1_ref[...], preferred_element_type=jnp.float32,
                  precision=lax.Precision.HIGHEST)
    xw1_ref[...] = jnp.concatenate(
        [xw1, jnp.zeros((NBLK, 64), jnp.float32)], axis=1)


def _tc8_body(xs_ref, al_ref, m_ref):
    m_ref[...] = xs_ref[...] * al_ref[...][:, 8:9]


def _tc9_body(p_ref, b1_ref, w2_ref, xw2_ref):
    p = p_ref[...][0] + p_ref[...][1]
    g = _elu(p[:, 0:64] + b1_ref[...])
    xw2_ref[...] = jnp.dot(g, w2_ref[...], preferred_element_type=jnp.float32,
                           precision=lax.Precision.HIGHEST)


def _tc11_body(p_ref, b2_ref, out_ref):
    out_ref[...] = p_ref[...][0] + p_ref[...][1] + b2_ref[...]


def _node_spec(d):
    return pl.BlockSpec((NBLK, d), lambda i: (i, 0))


def _edge_spec(d):
    return pl.BlockSpec((EBLK, d), lambda i: (i, 0))


def _full_spec(shape):
    nd = len(shape)
    return pl.BlockSpec(shape, lambda i: (0,) * nd)


def _part_spec(d):
    return pl.BlockSpec((NC, NBLK, d), lambda i: (0, i, 0))


def kernel(x, edge_index, W_gat, att_src, att_dst, b_gat, W_emb, b_emb,
           W1, b1, W2, b2):
    n = N_NODES
    loops = jnp.arange(n, dtype=jnp.int32)
    pad = jnp.zeros((EPAD - E_TOT,), jnp.int32)
    src = jnp.concatenate([edge_index[0].astype(jnp.int32), loops, pad])
    dst = jnp.concatenate([edge_index[1].astype(jnp.int32), loops, pad])

    ngrid = n // NBLK
    egrid = EPAD // EBLK

    h, asd = pl.pallas_call(
        _tc1_body,
        grid=(ngrid,),
        in_specs=[_node_spec(128), _full_spec((128, 512)),
                  _full_spec((8, 64)), _full_spec((8, 64))],
        out_specs=[_node_spec(512), _node_spec(128)],
        out_shape=[jax.ShapeDtypeStruct((n, 512), jnp.float32),
                   jax.ShapeDtypeStruct((n, 128), jnp.float32)],
    )(x, W_gat, att_src, att_dst)

    gather128 = _sc_gather(128)
    gs = gather128(asd, src)
    gd = gather128(asd, dst)

    ex16 = pl.pallas_call(
        _tc2_body,
        grid=(egrid,),
        in_specs=[_edge_spec(128), _edge_spec(128)],
        out_specs=_edge_spec(128),
        out_shape=jax.ShapeDtypeStruct((EPAD, 128), jnp.float32),
    )(gs, gd)

    scat128 = _sc_scatter_add(128)
    z128 = jnp.zeros((n, 128), jnp.float32)
    dd2 = scat128(ex16, dst, z128)

    q = pl.pallas_call(
        _tc4_body,
        grid=(ngrid,),
        in_specs=[_part_spec(128)],
        out_specs=_node_spec(128),
        out_shape=jax.ShapeDtypeStruct((n, 128), jnp.float32),
    )(dd2)

    qd = gather128(q, dst)
    qs = gather128(q, src)

    al = pl.pallas_call(
        _tc5_body,
        grid=(egrid,),
        in_specs=[_edge_spec(128)] * 3,
        out_specs=_edge_spec(16),
        out_shape=jax.ShapeDtypeStruct((EPAD, 16), jnp.float32),
    )(ex16, qs, qd)

    hs = _sc_gather(512)(h, src)

    msgs = pl.pallas_call(
        _tc6_body,
        grid=(egrid,),
        in_specs=[_edge_spec(512), _edge_spec(16)],
        out_specs=[_edge_spec(128)] * 4,
        out_shape=[jax.ShapeDtypeStruct((EPAD, 128), jnp.float32)] * 4,
    )(hs, al)

    parts = [scat128(m, dst, z128) for m in msgs]

    xw1 = pl.pallas_call(
        _tc7_body,
        grid=(ngrid,),
        in_specs=[_part_spec(128)] * 4 + [
            _full_spec((1, 512)), _full_spec((512, 64)), _full_spec((1, 64)),
            _full_spec((64, 64))],
        out_specs=_node_spec(128),
        out_shape=jax.ShapeDtypeStruct((n, 128), jnp.float32),
    )(*parts, b_gat.reshape(1, 512), W_emb, b_emb.reshape(1, 64), W1)

    x1s = gather128(xw1, src)
    m1 = pl.pallas_call(
        _tc8_body,
        grid=(egrid,),
        in_specs=[_edge_spec(128), _edge_spec(16)],
        out_specs=_edge_spec(128),
        out_shape=jax.ShapeDtypeStruct((EPAD, 128), jnp.float32),
    )(x1s, al)
    p1 = scat128(m1, dst, z128)

    xw2 = pl.pallas_call(
        _tc9_body,
        grid=(ngrid,),
        in_specs=[_part_spec(128), _full_spec((1, 64)), _full_spec((64, 128))],
        out_specs=_node_spec(128),
        out_shape=jax.ShapeDtypeStruct((n, 128), jnp.float32),
    )(p1, b1.reshape(1, 64), W2)

    x2s = gather128(xw2, src)
    m2 = pl.pallas_call(
        _tc8_body,
        grid=(egrid,),
        in_specs=[_edge_spec(128), _edge_spec(16)],
        out_specs=_edge_spec(128),
        out_shape=jax.ShapeDtypeStruct((EPAD, 128), jnp.float32),
    )(x2s, al)
    p2 = _sc_scatter_add(128)(m2, dst, z128)

    out = pl.pallas_call(
        _tc11_body,
        grid=(ngrid,),
        in_specs=[_part_spec(128), _full_spec((1, 128))],
        out_specs=_node_spec(128),
        out_shape=jax.ShapeDtypeStruct((n, 128), jnp.float32),
    )(p2, b2.reshape(1, 128))
    return out

# --- scband reference (transcript-rebuilt; emitter-appended) ---
"""Pipeline reference for scband-gat-gcn-model-82557861363802 (READ-ONLY COPY).

The authoritative reference and input builder live on the scoring server;
editing this copy changes nothing except your own understanding.
"""

import jax, jax.numpy as jnp
import numpy as np

N = 10000
E = 320000
IN = 128
HID = 64
HEADS = 8
OUT = 128


def setup_inputs(seed: int = 0) -> dict:
    key = jax.random.key(seed)
    ks = jax.random.split(key, 14)
    x = jax.random.normal(ks[0], (N, IN), dtype=jnp.float32)
    edge_index = jax.random.randint(ks[1], (2, E), 0, N)
    s_in = 1.0 / np.sqrt(IN)
    s_gh = 1.0 / np.sqrt(HEADS * HID)
    s_h = 1.0 / np.sqrt(HID)
    W_gat = jax.random.normal(ks[2], (IN, HEADS * HID), dtype=jnp.float32) * s_in
    att_src = jax.random.normal(ks[3], (HEADS, HID), dtype=jnp.float32) * s_h
    att_dst = jax.random.normal(ks[4], (HEADS, HID), dtype=jnp.float32) * s_h
    b_gat = jnp.zeros((HEADS * HID,), dtype=jnp.float32)
    W_emb = jax.random.normal(ks[5], (HEADS * HID, HID), dtype=jnp.float32) * s_gh
    b_emb = jnp.zeros((HID,), dtype=jnp.float32)
    W1 = jax.random.normal(ks[6], (HID, HID), dtype=jnp.float32) * s_h
    b1 = jnp.zeros((HID,), dtype=jnp.float32)
    W2 = jax.random.normal(ks[7], (HID, OUT), dtype=jnp.float32) * s_h
    b2 = jnp.zeros((OUT,), dtype=jnp.float32)
    return {"x": x, "edge_index": edge_index, "W_gat": W_gat, "att_src": att_src,
            "att_dst": att_dst, "b_gat": b_gat, "W_emb": W_emb, "b_emb": b_emb,
            "W1": W1, "b1": b1, "W2": W2, "b2": b2}


def _forward(x, edge_index, W_gat, att_src, att_dst, b_gat, W_emb, b_emb, W1, b1, W2, b2):
    n = x.shape[0]
    loops = jnp.arange(n, dtype=edge_index.dtype)
    src = jnp.concatenate([edge_index[0], loops])  # add self-loops (PyG default)
    dst = jnp.concatenate([edge_index[1], loops])
    # ---- GATConv(in=IN, out=HID, heads=HEADS, concat=True) ----
    h = (x @ W_gat).reshape(n, HEADS, HID)
    a_s = (h * att_src[None, :, :]).sum(-1)  # [N, H]
    a_d = (h * att_dst[None, :, :]).sum(-1)  # [N, H]
    e = jax.nn.leaky_relu(a_s[src] + a_d[dst], negative_slope=0.2)  # [E+N, H]
    m = jax.ops.segment_max(e, dst, num_segments=n)
    ex = jnp.exp(e - m[dst])
    den = jax.ops.segment_sum(ex, dst, num_segments=n)
    alpha = ex / den[dst]
    out = jax.ops.segment_sum(h[src] * alpha[..., None], dst, num_segments=n)
    out = out.reshape(n, HEADS * HID) + b_gat
    out = jax.nn.elu(out)
    # ---- node_embedding Linear ----
    out = jax.nn.elu(out @ W_emb + b_emb)
    # ---- GCN normalization (symmetric, with self-loops) ----
    deg = jax.ops.segment_sum(jnp.ones(dst.shape[0], dtype=jnp.float32), dst, num_segments=n)
    dinv = jnp.where(deg > 0, jax.lax.rsqrt(jnp.maximum(deg, 1e-12)), 0.0)
    norm = dinv[src] * dinv[dst]

    def gcn(xx, W, b):
        xw = xx @ W
        return jax.ops.segment_sum(xw[src] * norm[:, None], dst, num_segments=n) + b

    out = jax.nn.elu(gcn(out, W1, b1))
    out = gcn(out, W2, b2)
    return out


def reference(x, edge_index, W_gat, att_src, att_dst, b_gat, W_emb, b_emb, W1, b1, W2, b2):
    return _forward(x, edge_index, W_gat, att_src, att_dst, b_gat, W_emb, b_emb, W1, b1, W2, b2)

if __name__ == "__main__":
    import jax
    _d = setup_inputs()
    print(jax.jit(kernel)(*tuple(_d.values())))

</pallas_src>

<mosaic_0001>
#map = affine_map<(d0, d1) -> (0, 0)>
#map1 = affine_map<(d0, d1) -> (0)>
#map2 = affine_map<(d0, d1) -> (0, 0, 0)>
module attributes {stable_mosaic.version = 14 : i64} {
  func.func @k(%arg0: i32, %arg1: i32, %arg2: memref<331776x128xf32, #tpu.memory_space<hbm>>, %arg3: memref<331776xi32, #tpu.memory_space<hbm>>, %arg4: memref<10000x128xf32, #tpu.memory_space<hbm>>, %arg5: memref<2x10000x128xf32, #tpu.memory_space<hbm>>, %arg6: memref<128xi32, #tpu.memory_space<vmem>>, %arg7: memref<128x128xf32, #tpu.memory_space<vmem>>, %arg8: memref<10000x128xf32, #tpu.memory_space<vmem_shared>>) attributes {dimension_semantics = [#tpu.dimension_semantics<core_parallel>, #tpu.dimension_semantics<subcore_parallel>], iteration_bounds = array<i64: 2, 16>, scalar_prefetch = 0 : i64, scratch_operands = 3 : i64, tpu.core_type = #tpu.core_type<sc_vector_subcore>, window_params = [{transform_indices = #map}, {transform_indices = #map1}, {transform_indices = #map}, {transform_indices = #map2}]} {
    %eq3A = arith.constant 0 : i32
    %eq3A_0 = arith.cmpi eq, %arg1, %eq3A : i32
    %convert_element_type3A = arith.extui %eq3A_0 : i1 to i32
    %cond3A = arith.constant 0 : i32
    %cond3A_1 = arith.cmpi ne, %convert_element_type3A, %cond3A : i32
    scf.if %cond3A_1 {
      "tpu.region"() ({
        %run_scoped3A = tpu.sem_alloc : memref<!tpu.dma_semaphore, #tpu.memory_space<semaphore_mem>>
        tpu.enqueue_dma source(%arg4 : memref<10000x128xf32, #tpu.memory_space<hbm>>) target(%arg8 : memref<10000x128xf32, #tpu.memory_space<vmem_shared>>) target_semaphore(%run_scoped3A : memref<!tpu.dma_semaphore, #tpu.memory_space<semaphore_mem>>)
        tpu.wait_dma2 semaphore(%run_scoped3A : memref<!tpu.dma_semaphore, #tpu.memory_space<semaphore_mem>>) src(%arg4 : memref<10000x128xf32, #tpu.memory_space<hbm>>) dst(%arg8 : memref<10000x128xf32, #tpu.memory_space<vmem_shared>>)
        tpu.yield
      }) : () -> ()
    } else {
    }
    %barrier3A = arith.constant 0 : index
    tpu.barrier barrier_id(%barrier3A)
    %scan3A = arith.constant 0 : i32
    %scan3A_2 = arith.constant 0 : i32
    %scan3A_3 = arith.constant 81 : i32
    %scan3A_4 = arith.addi %scan3A_2, %scan3A_3 : i32
    %scan3A_5 = arith.constant 1 : i32
    scf.for %scan3A_13 = %scan3A_2 to %scan3A_4 step %scan3A_5  : i32 {
      %mul3A = arith.constant 2 : i32
      %mul3A_14 = arith.muli %arg1, %mul3A : i32
      %add3A = arith.addi %mul3A_14, %arg0 : i32
      %mul3A_15 = arith.constant 10368 : i32
      %mul3A_16 = arith.muli %add3A, %mul3A_15 : i32
      %mul3A_17 = arith.constant 128 : i32
      %mul3A_18 = arith.muli %scan3A_13, %mul3A_17 : i32
      %add3A_19 = arith.addi %mul3A_16, %mul3A_18 : i32
      "tpu.region"() ({
        %run_scoped3A = tpu.sem_alloc : memref<!tpu.dma_semaphore, #tpu.memory_space<semaphore_mem>>
        %dma_start3A = tpu.memref_slice %arg3[%add3A_19] : memref<331776xi32, #tpu.memory_space<hbm>> -> memref<128xi32, #tpu.memory_space<hbm>>
        %dma_start3A_20 = tpu.memref_slice %arg3[%add3A_19] : memref<331776xi32, #tpu.memory_space<hbm>> -> memref<128xi32, #tpu.memory_space<hbm>>
        tpu.enqueue_dma source(%dma_start3A_20 : memref<128xi32, #tpu.memory_space<hbm>>) target(%arg6 : memref<128xi32, #tpu.memory_space<vmem>>) target_semaphore(%run_scoped3A : memref<!tpu.dma_semaphore, #tpu.memory_space<semaphore_mem>>)
        %dma_wait3A = tpu.memref_slice %arg3[%add3A_19] : memref<331776xi32, #tpu.memory_space<hbm>> -> memref<128xi32, #tpu.memory_space<hbm>>
        %dma_wait3A_21 = tpu.memref_slice %arg3[%add3A_19] : memref<331776xi32, #tpu.memory_space<hbm>> -> memref<128xi32, #tpu.memory_space<hbm>>
        tpu.wait_dma2 semaphore(%run_scoped3A : memref<!tpu.dma_semaphore, #tpu.memory_space<semaphore_mem>>) src(%dma_wait3A_21 : memref<128xi32, #tpu.memory_space<hbm>>) dst(%arg6 : memref<128xi32, #tpu.memory_space<vmem>>)
        tpu.yield
      }) : () -> ()
      "tpu.region"() ({
        %run_scoped3A = tpu.sem_alloc : memref<!tpu.dma_semaphore, #tpu.memory_space<semaphore_mem>>
        %dma_start3A = arith.constant 0 : i32
        %dma_start3A_20 = tpu.memref_slice %arg2[%add3A_19, %dma_start3A] : memref<331776x128xf32, #tpu.memory_space<hbm>> -> memref<128x128xf32, #tpu.memory_space<hbm>>
        %dma_start3A_21 = arith.constant 0 : i32
        %dma_start3A_22 = tpu.memref_slice %arg2[%add3A_19, %dma_start3A_21] : memref<331776x128xf32, #tpu.memory_space<hbm>> -> memref<128x128xf32, #tpu.memory_space<hbm>>
        tpu.enqueue_dma source(%dma_start3A_22 : memref<128x128xf32, #tpu.memory_space<hbm>>) target(%arg7 : memref<128x128xf32, #tpu.memory_space<vmem>>) target_semaphore(%run_scoped3A : memref<!tpu.dma_semaphore, #tpu.memory_space<semaphore_mem>>)
        %dma_wait3A = arith.constant 0 : i32
        %dma_wait3A_23 = tpu.memref_slice %arg2[%add3A_19, %dma_wait3A] : memref<331776x128xf32, #tpu.memory_space<hbm>> -> memref<128x128xf32, #tpu.memory_space<hbm>>
        %dma_wait3A_24 = arith.constant 0 : i32
        %dma_wait3A_25 = tpu.memref_slice %arg2[%add3A_19, %dma_wait3A_24] : memref<331776x128xf32, #tpu.memory_space<hbm>> -> memref<128x128xf32, #tpu.memory_space<hbm>>
        tpu.wait_dma2 semaphore(%run_scoped3A : memref<!tpu.dma_semaphore, #tpu.memory_space<semaphore_mem>>) src(%dma_wait3A_25 : memref<128x128xf32, #tpu.memory_space<hbm>>) dst(%arg7 : memref<128x128xf32, #tpu.memory_space<vmem>>)
        tpu.yield
      }) : () -> ()
      "tpu.region"() ({
        %run_scoped3A = tpu.sem_alloc : memref<!tpu.dma_semaphore, #tpu.memory_space<semaphore_mem>>
        %dma_start3A = arith.constant 0 : i32
        %dma_start3A_20 = arith.constant 0 : i32
        %dma_start3A_21 = tpu.memref_slice %arg8[%dma_start3A, %dma_start3A_20] : memref<10000x128xf32, #tpu.memory_space<vmem_shared>> -> memref<10000x128xf32, #tpu.memory_space<vmem_shared>>
        tpu.enqueue_indirect_dma source(%arg7 : memref<128x128xf32, #tpu.memory_space<vmem>>) target(%dma_start3A_21 : memref<10000x128xf32, #tpu.memory_space<vmem_shared>>) offsets(%arg6 : memref<128xi32, #tpu.memory_space<vmem>>) semaphore(%run_scoped3A : memref<!tpu.dma_semaphore, #tpu.memory_space<semaphore_mem>>) {add = true}
        %dma_wait3A = arith.constant 0 : i32
        %dma_wait3A_22 = arith.constant 0 : i32
        %dma_wait3A_23 = tpu.memref_slice %arg8[%dma_wait3A, %dma_wait3A_22] : memref<10000x128xf32, #tpu.memory_space<vmem_shared>> -> memref<10000x128xf32, #tpu.memory_space<vmem_shared>>
        tpu.wait_indirect_dma semaphore(%run_scoped3A : memref<!tpu.dma_semaphore, #tpu.memory_space<semaphore_mem>>) src(%arg7 : memref<128x128xf32, #tpu.memory_space<vmem>>) dst(%dma_wait3A_23 : memref<10000x128xf32, #tpu.memory_space<vmem_shared>>)
        tpu.yield
      }) : () -> ()
    }
    %scan3A_6 = arith.constant 81 : i32
    %barrier3A_7 = arith.constant 0 : index
    tpu.barrier barrier_id(%barrier3A_7)
    %eq3A_8 = arith.constant 0 : i32
    %eq3A_9 = arith.cmpi eq, %arg1, %eq3A_8 : i32
    %convert_element_type3A_10 = arith.extui %eq3A_9 : i1 to i32
    %cond3A_11 = arith.constant 0 : i32
    %cond3A_12 = arith.cmpi ne, %convert_element_type3A_10, %cond3A_11 : i32
    scf.if %cond3A_12 {
      "tpu.region"() ({
        %run_scoped3A = tpu.sem_alloc : memref<!tpu.dma_semaphore, #tpu.memory_space<semaphore_mem>>
        %dma_start3A = arith.constant 0 : i32
        %dma_start3A_13 = arith.constant 0 : i32
        %dma_start3A_14 = tpu.memref_slice %arg5[%arg0, %dma_start3A, %dma_start3A_13] : memref<2x10000x128xf32, #tpu.memory_space<hbm>> -> memref<1x10000x128xf32, #tpu.memory_space<hbm>>
        %dma_start3A_15 = tpu.memref_squeeze %dma_start3A_14 : memref<1x10000x128xf32, #tpu.memory_space<hbm>> -> memref<10000x128xf32, #tpu.memory_space<hbm>>
        tpu.enqueue_dma source(%arg8 : memref<10000x128xf32, #tpu.memory_space<vmem_shared>>) target(%dma_start3A_15 : memref<10000x128xf32, #tpu.memory_space<hbm>>) target_semaphore(%run_scoped3A : memref<!tpu.dma_semaphore, #tpu.memory_space<semaphore_mem>>)
        %dma_wait3A = arith.constant 0 : i32
        %dma_wait3A_16 = arith.constant 0 : i32
        %dma_wait3A_17 = tpu.memref_slice %arg5[%arg0, %dma_wait3A, %dma_wait3A_16] : memref<2x10000x128xf32, #tpu.memory_space<hbm>> -> memref<1x10000x128xf32, #tpu.memory_space<hbm>>
        %dma_wait3A_18 = tpu.memref_squeeze %dma_wait3A_17 : memref<1x10000x128xf32, #tpu.memory_space<hbm>> -> memref<10000x128xf32, #tpu.memory_space<hbm>>
        tpu.wait_dma2 semaphore(%run_scoped3A : memref<!tpu.dma_semaphore, #tpu.memory_space<semaphore_mem>>) src(%arg8 : memref<10000x128xf32, #tpu.memory_space<vmem_shared>>) dst(%dma_wait3A_18 : memref<10000x128xf32, #tpu.memory_space<hbm>>)
        tpu.yield
      }) : () -> ()
    } else {
    }
    return
  }
}

#map = affine_map<(d0, d1) -> (0, 0)>
#map1 = affine_map<(d0, d1) -> (0)>
module attributes {stable_mosaic.version = 14 : i64} {
  func.func @k(%arg0: i32, %arg1: i32, %arg2: memref<10000x128xf32, #tpu.memory_space<hbm>>, %arg3: memref<331776xi32, #tpu.memory_space<hbm>>, %arg4: memref<331776x128xf32, #tpu.memory_space<hbm>>, %arg5: memref<128xi32, #tpu.memory_space<vmem>>, %arg6: memref<128x128xf32, #tpu.memory_space<vmem>>, %arg7: memref<!tpu.dma_semaphore, #tpu.memory_space<semaphore_mem>>) attributes {dimension_semantics = [#tpu.dimension_semantics<core_parallel>, #tpu.dimension_semantics<subcore_parallel>], iteration_bounds = array<i64: 2, 16>, scalar_prefetch = 0 : i64, scratch_operands = 3 : i64, tpu.core_type = #tpu.core_type<sc_vector_subcore>, window_params = [{transform_indices = #map}, {transform_indices = #map1}, {transform_indices = #map}]} {
    %mul3A = arith.constant 2 : i32
    %mul3A_0 = arith.muli %arg1, %mul3A : i32
    %add3A = arith.addi %mul3A_0, %arg0 : i32
    %scan3A = arith.constant 0 : i32
    %scan3A_1 = arith.constant 0 : i32
    %scan3A_2 = arith.constant 81 : i32
    %scan3A_3 = arith.addi %scan3A_1, %scan3A_2 : i32
    %scan3A_4 = arith.constant 1 : i32
    scf.for %scan3A_6 = %scan3A_1 to %scan3A_3 step %scan3A_4  : i32 {
      %mul3A_7 = arith.constant 10368 : i32
      %mul3A_8 = arith.muli %add3A, %mul3A_7 : i32
      %mul3A_9 = arith.constant 128 : i32
      %mul3A_10 = arith.muli %scan3A_6, %mul3A_9 : i32
      %add3A_11 = arith.addi %mul3A_8, %mul3A_10 : i32
      "tpu.region"() ({
        %run_scoped3A = tpu.sem_alloc : memref<!tpu.dma_semaphore, #tpu.memory_space<semaphore_mem>>
        %dma_start3A_16 = tpu.memref_slice %arg3[%add3A_11] : memref<331776xi32, #tpu.memory_space<hbm>> -> memref<128xi32, #tpu.memory_space<hbm>>
        %dma_start3A_17 = tpu.memref_slice %arg3[%add3A_11] : memref<331776xi32, #tpu.memory_space<hbm>> -> memref<128xi32, #tpu.memory_space<hbm>>
        tpu.enqueue_dma source(%dma_start3A_17 : memref<128xi32, #tpu.memory_space<hbm>>) target(%arg5 : memref<128xi32, #tpu.memory_space<vmem>>) target_semaphore(%run_scoped3A : memref<!tpu.dma_semaphore, #tpu.memory_space<semaphore_mem>>)
        %dma_wait3A_18 = tpu.memref_slice %arg3[%add3A_11] : memref<331776xi32, #tpu.memory_space<hbm>> -> memref<128xi32, #tpu.memory_space<hbm>>
        %dma_wait3A_19 = tpu.memref_slice %arg3[%add3A_11] : memref<331776xi32, #tpu.memory_space<hbm>> -> memref<128xi32, #tpu.memory_space<hbm>>
        tpu.wait_dma2 semaphore(%run_scoped3A : memref<!tpu.dma_semaphore, #tpu.memory_space<semaphore_mem>>) src(%dma_wait3A_19 : memref<128xi32, #tpu.memory_space<hbm>>) dst(%arg5 : memref<128xi32, #tpu.memory_space<vmem>>)
        tpu.yield
      }) : () -> ()
      %dma_start3A = arith.constant 0 : i32
      %dma_start3A_12 = arith.constant 0 : i32
      %dma_start3A_13 = tpu.memref_slice %arg2[%dma_start3A, %dma_start3A_12] : memref<10000x128xf32, #tpu.memory_space<hbm>> -> memref<10000x128xf32, #tpu.memory_space<hbm>>
      tpu.enqueue_indirect_dma source(%dma_start3A_13 : memref<10000x128xf32, #tpu.memory_space<hbm>>) target(%arg6 : memref<128x128xf32, #tpu.memory_space<vmem>>) offsets(%arg5 : memref<128xi32, #tpu.memory_space<vmem>>) semaphore(%arg7 : memref<!tpu.dma_semaphore, #tpu.memory_space<semaphore_mem>>)
      %dma_wait3A = arith.constant 0 : i32
      %dma_wait3A_14 = arith.constant 0 : i32
      %dma_wait3A_15 = tpu.memref_slice %arg2[%dma_wait3A, %dma_wait3A_14] : memref<10000x128xf32, #tpu.memory_space<hbm>> -> memref<10000x128xf32, #tpu.memory_space<hbm>>
      tpu.wait_indirect_dma semaphore(%arg7 : memref<!tpu.dma_semaphore, #tpu.memory_space<semaphore_mem>>) src(%dma_wait3A_15 : memref<10000x128xf32, #tpu.memory_space<hbm>>) dst(%arg6 : memref<128x128xf32, #tpu.memory_space<vmem>>)
      "tpu.region"() ({
        %run_scoped3A = tpu.sem_alloc : memref<!tpu.dma_semaphore, #tpu.memory_space<semaphore_mem>>
        %dma_start3A_16 = arith.constant 0 : i32
        %dma_start3A_17 = tpu.memref_slice %arg4[%add3A_11, %dma_start3A_16] : memref<331776x128xf32, #tpu.memory_space<hbm>> -> memref<128x128xf32, #tpu.memory_space<hbm>>
        %dma_start3A_18 = arith.constant 0 : i32
        %dma_start3A_19 = tpu.memref_slice %arg4[%add3A_11, %dma_start3A_18] : memref<331776x128xf32, #tpu.memory_space<hbm>> -> memref<128x128xf32, #tpu.memory_space<hbm>>
        tpu.enqueue_dma source(%arg6 : memref<128x128xf32, #tpu.memory_space<vmem>>) target(%dma_start3A_19 : memref<128x128xf32, #tpu.memory_space<hbm>>) target_semaphore(%run_scoped3A : memref<!tpu.dma_semaphore, #tpu.memory_space<semaphore_mem>>)
        %dma_wait3A_20 = arith.constant 0 : i32
        %dma_wait3A_21 = tpu.memref_slice %arg4[%add3A_11, %dma_wait3A_20] : memref<331776x128xf32, #tpu.memory_space<hbm>> -> memref<128x128xf32, #tpu.memory_space<hbm>>
        %dma_wait3A_22 = arith.constant 0 : i32
        %dma_wait3A_23 = tpu.memref_slice %arg4[%add3A_11, %dma_wait3A_22] : memref<331776x128xf32, #tpu.memory_space<hbm>> -> memref<128x128xf32, #tpu.memory_space<hbm>>
        tpu.wait_dma2 semaphore(%run_scoped3A : memref<!tpu.dma_semaphore, #tpu.memory_space<semaphore_mem>>) src(%arg6 : memref<128x128xf32, #tpu.memory_space<vmem>>) dst(%dma_wait3A_23 : memref<128x128xf32, #tpu.memory_space<hbm>>)
        tpu.yield
      }) : () -> ()
    }
    %scan3A_5 = arith.constant 81 : i32
    return
  }
}

#map = affine_map<(d0, d1) -> (0, 0)>
#map1 = affine_map<(d0, d1) -> (0)>
module attributes {stable_mosaic.version = 14 : i64} {
  func.func @k(%arg0: i32, %arg1: i32, %arg2: memref<10000x128xf32, #tpu.memory_space<hbm>>, %arg3: memref<331776xi32, #tpu.memory_space<hbm>>, %arg4: memref<331776x128xf32, #tpu.memory_space<hbm>>, %arg5: memref<128xi32, #tpu.memory_space<vmem>>, %arg6: memref<128x128xf32, #tpu.memory_space<vmem>>, %arg7: memref<!tpu.dma_semaphore, #tpu.memory_space<semaphore_mem>>) attributes {dimension_semantics = [#tpu.dimension_semantics<core_parallel>, #tpu.dimension_semantics<subcore_parallel>], iteration_bounds = array<i64: 2, 16>, scalar_prefetch = 0 : i64, scratch_operands = 3 : i64, tpu.core_type = #tpu.core_type<sc_vector_subcore>, window_params = [{transform_indices = #map}, {transform_indices = #map1}, {transform_indices = #map}]} {
    %mul3A = arith.constant 2 : i32
    %mul3A_0 = arith.muli %arg1, %mul3A : i32
    %add3A = arith.addi %mul3A_0, %arg0 : i32
    %scan3A = arith.constant 0 : i32
    %scan3A_1 = arith.constant 0 : i32
    %scan3A_2 = arith.constant 81 : i32
    %scan3A_3 = arith.addi %scan3A_1, %scan3A_2 : i32
    %scan3A_4 = arith.constant 1 : i32
    scf.for %scan3A_6 = %scan3A_1 to %scan3A_3 step %scan3A_4  : i32 {
      %mul3A_7 = arith.constant 10368 : i32
      %mul3A_8 = arith.muli %add3A, %mul3A_7 : i32
      %mul3A_9 = arith.constant 128 : i32
      %mul3A_10 = arith.muli %scan3A_6, %mul3A_9 : i32
      %add3A_11 = arith.addi %mul3A_8, %mul3A_10 : i32
      "tpu.region"() ({
        %run_scoped3A = tpu.sem_alloc : memref<!tpu.dma_semaphore, #tpu.memory_space<semaphore_mem>>
        %dma_start3A_16 = tpu.memref_slice %arg3[%add3A_11] : memref<331776xi32, #tpu.memory_space<hbm>> -> memref<128xi32, #tpu.memory_space<hbm>>
        %dma_start3A_17 = tpu.memref_slice %arg3[%add3A_11] : memref<331776xi32, #tpu.memory_space<hbm>> -> memref<128xi32, #tpu.memory_space<hbm>>
        tpu.enqueue_dma source(%dma_start3A_17 : memref<128xi32, #tpu.memory_space<hbm>>) target(%arg5 : memref<128xi32, #tpu.memory_space<vmem>>) target_semaphore(%run_scoped3A : memref<!tpu.dma_semaphore, #tpu.memory_space<semaphore_mem>>)
        %dma_wait3A_18 = tpu.memref_slice %arg3[%add3A_11] : memref<331776xi32, #tpu.memory_space<hbm>> -> memref<128xi32, #tpu.memory_space<hbm>>
        %dma_wait3A_19 = tpu.memref_slice %arg3[%add3A_11] : memref<331776xi32, #tpu.memory_space<hbm>> -> memref<128xi32, #tpu.memory_space<hbm>>
        tpu.wait_dma2 semaphore(%run_scoped3A : memref<!tpu.dma_semaphore, #tpu.memory_space<semaphore_mem>>) src(%dma_wait3A_19 : memref<128xi32, #tpu.memory_space<hbm>>) dst(%arg5 : memref<128xi32, #tpu.memory_space<vmem>>)
        tpu.yield
      }) : () -> ()
      %dma_start3A = arith.constant 0 : i32
      %dma_start3A_12 = arith.constant 0 : i32
      %dma_start3A_13 = tpu.memref_slice %arg2[%dma_start3A, %dma_start3A_12] : memref<10000x128xf32, #tpu.memory_space<hbm>> -> memref<10000x128xf32, #tpu.memory_space<hbm>>
      tpu.enqueue_indirect_dma source(%dma_start3A_13 : memref<10000x128xf32, #tpu.memory_space<hbm>>) target(%arg6 : memref<128x128xf32, #tpu.memory_space<vmem>>) offsets(%arg5 : memref<128xi32, #tpu.memory_space<vmem>>) semaphore(%arg7 : memref<!tpu.dma_semaphore, #tpu.memory_space<semaphore_mem>>)
      %dma_wait3A = arith.constant 0 : i32
      %dma_wait3A_14 = arith.constant 0 : i32
      %dma_wait3A_15 = tpu.memref_slice %arg2[%dma_wait3A, %dma_wait3A_14] : memref<10000x128xf32, #tpu.memory_space<hbm>> -> memref<10000x128xf32, #tpu.memory_space<hbm>>
      tpu.wait_indirect_dma semaphore(%arg7 : memref<!tpu.dma_semaphore, #tpu.memory_space<semaphore_mem>>) src(%dma_wait3A_15 : memref<10000x128xf32, #tpu.memory_space<hbm>>) dst(%arg6 : memref<128x128xf32, #tpu.memory_space<vmem>>)
      "tpu.region"() ({
        %run_scoped3A = tpu.sem_alloc : memref<!tpu.dma_semaphore, #tpu.memory_space<semaphore_mem>>
        %dma_start3A_16 = arith.constant 0 : i32
        %dma_start3A_17 = tpu.memref_slice %arg4[%add3A_11, %dma_start3A_16] : memref<331776x128xf32, #tpu.memory_space<hbm>> -> memref<128x128xf32, #tpu.memory_space<hbm>>
        %dma_start3A_18 = arith.constant 0 : i32
        %dma_start3A_19 = tpu.memref_slice %arg4[%add3A_11, %dma_start3A_18] : memref<331776x128xf32, #tpu.memory_space<hbm>> -> memref<128x128xf32, #tpu.memory_space<hbm>>
        tpu.enqueue_dma source(%arg6 : memref<128x128xf32, #tpu.memory_space<vmem>>) target(%dma_start3A_19 : memref<128x128xf32, #tpu.memory_space<hbm>>) target_semaphore(%run_scoped3A : memref<!tpu.dma_semaphore, #tpu.memory_space<semaphore_mem>>)
        %dma_wait3A_20 = arith.constant 0 : i32
        %dma_wait3A_21 = tpu.memref_slice %arg4[%add3A_11, %dma_wait3A_20] : memref<331776x128xf32, #tpu.memory_space<hbm>> -> memref<128x128xf32, #tpu.memory_space<hbm>>
        %dma_wait3A_22 = arith.constant 0 : i32
        %dma_wait3A_23 = tpu.memref_slice %arg4[%add3A_11, %dma_wait3A_22] : memref<331776x128xf32, #tpu.memory_space<hbm>> -> memref<128x128xf32, #tpu.memory_space<hbm>>
        tpu.wait_dma2 semaphore(%run_scoped3A : memref<!tpu.dma_semaphore, #tpu.memory_space<semaphore_mem>>) src(%arg6 : memref<128x128xf32, #tpu.memory_space<vmem>>) dst(%dma_wait3A_23 : memref<128x128xf32, #tpu.memory_space<hbm>>)
        tpu.yield
      }) : () -> ()
    }
    %scan3A_5 = arith.constant 81 : i32
    return
  }
}

#map = affine_map<(d0, d1) -> (0, 0)>
#map1 = affine_map<(d0, d1) -> (0)>
module attributes {stable_mosaic.version = 14 : i64} {
  func.func @k(%arg0: i32, %arg1: i32, %arg2: memref<10000x128xf32, #tpu.memory_space<hbm>>, %arg3: memref<331776xi32, #tpu.memory_space<hbm>>, %arg4: memref<331776x128xf32, #tpu.memory_space<hbm>>, %arg5: memref<128xi32, #tpu.memory_space<vmem>>, %arg6: memref<128x128xf32, #tpu.memory_space<vmem>>, %arg7: memref<!tpu.dma_semaphore, #tpu.memory_space<semaphore_mem>>) attributes {dimension_semantics = [#tpu.dimension_semantics<core_parallel>, #tpu.dimension_semantics<subcore_parallel>], iteration_bounds = array<i64: 2, 16>, scalar_prefetch = 0 : i64, scratch_operands = 3 : i64, tpu.core_type = #tpu.core_type<sc_vector_subcore>, window_params = [{transform_indices = #map}, {transform_indices = #map1}, {transform_indices = #map}]} {
    %mul3A = arith.constant 2 : i32
    %mul3A_0 = arith.muli %arg1, %mul3A : i32
    %add3A = arith.addi %mul3A_0, %arg0 : i32
    %scan3A = arith.constant 0 : i32
    %scan3A_1 = arith.constant 0 : i32
    %scan3A_2 = arith.constant 81 : i32
    %scan3A_3 = arith.addi %scan3A_1, %scan3A_2 : i32
    %scan3A_4 = arith.constant 1 : i32
    scf.for %scan3A_6 = %scan3A_1 to %scan3A_3 step %scan3A_4  : i32 {
      %mul3A_7 = arith.constant 10368 : i32
      %mul3A_8 = arith.muli %add3A, %mul3A_7 : i32
      %mul3A_9 = arith.constant 128 : i32
      %mul3A_10 = arith.muli %scan3A_6, %mul3A_9 : i32
      %add3A_11 = arith.addi %mul3A_8, %mul3A_10 : i32
      "tpu.region"() ({
        %run_scoped3A = tpu.sem_alloc : memref<!tpu.dma_semaphore, #tpu.memory_space<semaphore_mem>>
        %dma_start3A_16 = tpu.memref_slice %arg3[%add3A_11] : memref<331776xi32, #tpu.memory_space<hbm>> -> memref<128xi32, #tpu.memory_space<hbm>>
        %dma_start3A_17 = tpu.memref_slice %arg3[%add3A_11] : memref<331776xi32, #tpu.memory_space<hbm>> -> memref<128xi32, #tpu.memory_space<hbm>>
        tpu.enqueue_dma source(%dma_start3A_17 : memref<128xi32, #tpu.memory_space<hbm>>) target(%arg5 : memref<128xi32, #tpu.memory_space<vmem>>) target_semaphore(%run_scoped3A : memref<!tpu.dma_semaphore, #tpu.memory_space<semaphore_mem>>)
        %dma_wait3A_18 = tpu.memref_slice %arg3[%add3A_11] : memref<331776xi32, #tpu.memory_space<hbm>> -> memref<128xi32, #tpu.memory_space<hbm>>
        %dma_wait3A_19 = tpu.memref_slice %arg3[%add3A_11] : memref<331776xi32, #tpu.memory_space<hbm>> -> memref<128xi32, #tpu.memory_space<hbm>>
        tpu.wait_dma2 semaphore(%run_scoped3A : memref<!tpu.dma_semaphore, #tpu.memory_space<semaphore_mem>>) src(%dma_wait3A_19 : memref<128xi32, #tpu.memory_space<hbm>>) dst(%arg5 : memref<128xi32, #tpu.memory_space<vmem>>)
        tpu.yield
      }) : () -> ()
      %dma_start3A = arith.constant 0 : i32
      %dma_start3A_12 = arith.constant 0 : i32
      %dma_start3A_13 = tpu.memref_slice %arg2[%dma_start3A, %dma_start3A_12] : memref<10000x128xf32, #tpu.memory_space<hbm>> -> memref<10000x128xf32, #tpu.memory_space<hbm>>
      tpu.enqueue_indirect_dma source(%dma_start3A_13 : memref<10000x128xf32, #tpu.memory_space<hbm>>) target(%arg6 : memref<128x128xf32, #tpu.memory_space<vmem>>) offsets(%arg5 : memref<128xi32, #tpu.memory_space<vmem>>) semaphore(%arg7 : memref<!tpu.dma_semaphore, #tpu.memory_space<semaphore_mem>>)
      %dma_wait3A = arith.constant 0 : i32
      %dma_wait3A_14 = arith.constant 0 : i32
      %dma_wait3A_15 = tpu.memref_slice %arg2[%dma_wait3A, %dma_wait3A_14] : memref<10000x128xf32, #tpu.memory_space<hbm>> -> memref<10000x128xf32, #tpu.memory_space<hbm>>
      tpu.wait_indirect_dma semaphore(%arg7 : memref<!tpu.dma_semaphore, #tpu.memory_space<semaphore_mem>>) src(%dma_wait3A_15 : memref<10000x128xf32, #tpu.memory_space<hbm>>) dst(%arg6 : memref<128x128xf32, #tpu.memory_space<vmem>>)
      "tpu.region"() ({
        %run_scoped3A = tpu.sem_alloc : memref<!tpu.dma_semaphore, #tpu.memory_space<semaphore_mem>>
        %dma_start3A_16 = arith.constant 0 : i32
        %dma_start3A_17 = tpu.memref_slice %arg4[%add3A_11, %dma_start3A_16] : memref<331776x128xf32, #tpu.memory_space<hbm>> -> memref<128x128xf32, #tpu.memory_space<hbm>>
        %dma_start3A_18 = arith.constant 0 : i32
        %dma_start3A_19 = tpu.memref_slice %arg4[%add3A_11, %dma_start3A_18] : memref<331776x128xf32, #tpu.memory_space<hbm>> -> memref<128x128xf32, #tpu.memory_space<hbm>>
        tpu.enqueue_dma source(%arg6 : memref<128x128xf32, #tpu.memory_space<vmem>>) target(%dma_start3A_19 : memref<128x128xf32, #tpu.memory_space<hbm>>) target_semaphore(%run_scoped3A : memref<!tpu.dma_semaphore, #tpu.memory_space<semaphore_mem>>)
        %dma_wait3A_20 = arith.constant 0 : i32
        %dma_wait3A_21 = tpu.memref_slice %arg4[%add3A_11, %dma_wait3A_20] : memref<331776x128xf32, #tpu.memory_space<hbm>> -> memref<128x128xf32, #tpu.memory_space<hbm>>
        %dma_wait3A_22 = arith.constant 0 : i32
        %dma_wait3A_23 = tpu.memref_slice %arg4[%add3A_11, %dma_wait3A_22] : memref<331776x128xf32, #tpu.memory_space<hbm>> -> memref<128x128xf32, #tpu.memory_space<hbm>>
        tpu.wait_dma2 semaphore(%run_scoped3A : memref<!tpu.dma_semaphore, #tpu.memory_space<semaphore_mem>>) src(%arg6 : memref<128x128xf32, #tpu.memory_space<vmem>>) dst(%dma_wait3A_23 : memref<128x128xf32, #tpu.memory_space<hbm>>)
        tpu.yield
      }) : () -> ()
    }
    %scan3A_5 = arith.constant 81 : i32
    return
  }
}

#map = affine_map<(d0, d1) -> (0, 0)>
#map1 = affine_map<(d0, d1) -> (0)>
module attributes {stable_mosaic.version = 14 : i64} {
  func.func @k(%arg0: i32, %arg1: i32, %arg2: memref<10000x128xf32, #tpu.memory_space<hbm>>, %arg3: memref<331776xi32, #tpu.memory_space<hbm>>, %arg4: memref<331776x128xf32, #tpu.memory_space<hbm>>, %arg5: memref<128xi32, #tpu.memory_space<vmem>>, %arg6: memref<128x128xf32, #tpu.memory_space<vmem>>, %arg7: memref<!tpu.dma_semaphore, #tpu.memory_space<semaphore_mem>>) attributes {dimension_semantics = [#tpu.dimension_semantics<core_parallel>, #tpu.dimension_semantics<subcore_parallel>], iteration_bounds = array<i64: 2, 16>, scalar_prefetch = 0 : i64, scratch_operands = 3 : i64, tpu.core_type = #tpu.core_type<sc_vector_subcore>, window_params = [{transform_indices = #map}, {transform_indices = #map1}, {transform_indices = #map}]} {
    %mul3A = arith.constant 2 : i32
    %mul3A_0 = arith.muli %arg1, %mul3A : i32
    %add3A = arith.addi %mul3A_0, %arg0 : i32
    %scan3A = arith.constant 0 : i32
    %scan3A_1 = arith.constant 0 : i32
    %scan3A_2 = arith.constant 81 : i32
    %scan3A_3 = arith.addi %scan3A_1, %scan3A_2 : i32
    %scan3A_4 = arith.constant 1 : i32
    scf.for %scan3A_6 = %scan3A_1 to %scan3A_3 step %scan3A_4  : i32 {
      %mul3A_7 = arith.constant 10368 : i32
      %mul3A_8 = arith.muli %add3A, %mul3A_7 : i32
      %mul3A_9 = arith.constant 128 : i32
      %mul3A_10 = arith.muli %scan3A_6, %mul3A_9 : i32
      %add3A_11 = arith.addi %mul3A_8, %mul3A_10 : i32
      "tpu.region"() ({
        %run_scoped3A = tpu.sem_alloc : memref<!tpu.dma_semaphore, #tpu.memory_space<semaphore_mem>>
        %dma_start3A_16 = tpu.memref_slice %arg3[%add3A_11] : memref<331776xi32, #tpu.memory_space<hbm>> -> memref<128xi32, #tpu.memory_space<hbm>>
        %dma_start3A_17 = tpu.memref_slice %arg3[%add3A_11] : memref<331776xi32, #tpu.memory_space<hbm>> -> memref<128xi32, #tpu.memory_space<hbm>>
        tpu.enqueue_dma source(%dma_start3A_17 : memref<128xi32, #tpu.memory_space<hbm>>) target(%arg5 : memref<128xi32, #tpu.memory_space<vmem>>) target_semaphore(%run_scoped3A : memref<!tpu.dma_semaphore, #tpu.memory_space<semaphore_mem>>)
        %dma_wait3A_18 = tpu.memref_slice %arg3[%add3A_11] : memref<331776xi32, #tpu.memory_space<hbm>> -> memref<128xi32, #tpu.memory_space<hbm>>
        %dma_wait3A_19 = tpu.memref_slice %arg3[%add3A_11] : memref<331776xi32, #tpu.memory_space<hbm>> -> memref<128xi32, #tpu.memory_space<hbm>>
        tpu.wait_dma2 semaphore(%run_scoped3A : memref<!tpu.dma_semaphore, #tpu.memory_space<semaphore_mem>>) src(%dma_wait3A_19 : memref<128xi32, #tpu.memory_space<hbm>>) dst(%arg5 : memref<128xi32, #tpu.memory_space<vmem>>)
        tpu.yield
      }) : () -> ()
      %dma_start3A = arith.constant 0 : i32
      %dma_start3A_12 = arith.constant 0 : i32
      %dma_start3A_13 = tpu.memref_slice %arg2[%dma_start3A, %dma_start3A_12] : memref<10000x128xf32, #tpu.memory_space<hbm>> -> memref<10000x128xf32, #tpu.memory_space<hbm>>
      tpu.enqueue_indirect_dma source(%dma_start3A_13 : memref<10000x128xf32, #tpu.memory_space<hbm>>) target(%arg6 : memref<128x128xf32, #tpu.memory_space<vmem>>) offsets(%arg5 : memref<128xi32, #tpu.memory_space<vmem>>) semaphore(%arg7 : memref<!tpu.dma_semaphore, #tpu.memory_space<semaphore_mem>>)
      %dma_wait3A = arith.constant 0 : i32
      %dma_wait3A_14 = arith.constant 0 : i32
      %dma_wait3A_15 = tpu.memref_slice %arg2[%dma_wait3A, %dma_wait3A_14] : memref<10000x128xf32, #tpu.memory_space<hbm>> -> memref<10000x128xf32, #tpu.memory_space<hbm>>
      tpu.wait_indirect_dma semaphore(%arg7 : memref<!tpu.dma_semaphore, #tpu.memory_space<semaphore_mem>>) src(%dma_wait3A_15 : memref<10000x128xf32, #tpu.memory_space<hbm>>) dst(%arg6 : memref<128x128xf32, #tpu.memory_space<vmem>>)
      "tpu.region"() ({
        %run_scoped3A = tpu.sem_alloc : memref<!tpu.dma_semaphore, #tpu.memory_space<semaphore_mem>>
        %dma_start3A_16 = arith.constant 0 : i32
        %dma_start3A_17 = tpu.memref_slice %arg4[%add3A_11, %dma_start3A_16] : memref<331776x128xf32, #tpu.memory_space<hbm>> -> memref<128x128xf32, #tpu.memory_space<hbm>>
        %dma_start3A_18 = arith.constant 0 : i32
        %dma_start3A_19 = tpu.memref_slice %arg4[%add3A_11, %dma_start3A_18] : memref<331776x128xf32, #tpu.memory_space<hbm>> -> memref<128x128xf32, #tpu.memory_space<hbm>>
        tpu.enqueue_dma source(%arg6 : memref<128x128xf32, #tpu.memory_space<vmem>>) target(%dma_start3A_19 : memref<128x128xf32, #tpu.memory_space<hbm>>) target_semaphore(%run_scoped3A : memref<!tpu.dma_semaphore, #tpu.memory_space<semaphore_mem>>)
        %dma_wait3A_20 = arith.constant 0 : i32
        %dma_wait3A_21 = tpu.memref_slice %arg4[%add3A_11, %dma_wait3A_20] : memref<331776x128xf32, #tpu.memory_space<hbm>> -> memref<128x128xf32, #tpu.memory_space<hbm>>
        %dma_wait3A_22 = arith.constant 0 : i32
        %dma_wait3A_23 = tpu.memref_slice %arg4[%add3A_11, %dma_wait3A_22] : memref<331776x128xf32, #tpu.memory_space<hbm>> -> memref<128x128xf32, #tpu.memory_space<hbm>>
        tpu.wait_dma2 semaphore(%run_scoped3A : memref<!tpu.dma_semaphore, #tpu.memory_space<semaphore_mem>>) src(%arg6 : memref<128x128xf32, #tpu.memory_space<vmem>>) dst(%dma_wait3A_23 : memref<128x128xf32, #tpu.memory_space<hbm>>)
        tpu.yield
      }) : () -> ()
    }
    %scan3A_5 = arith.constant 81 : i32
    return
  }
}

#map = affine_map<(d0, d1) -> (0, 0)>
#map1 = affine_map<(d0, d1) -> (0)>
module attributes {stable_mosaic.version = 14 : i64} {
  func.func @k(%arg0: i32, %arg1: i32, %arg2: memref<10000x512xf32, #tpu.memory_space<hbm>>, %arg3: memref<331776xi32, #tpu.memory_space<hbm>>, %arg4: memref<331776x512xf32, #tpu.memory_space<hbm>>, %arg5: memref<128xi32, #tpu.memory_space<vmem>>, %arg6: memref<128x512xf32, #tpu.memory_space<vmem>>, %arg7: memref<!tpu.dma_semaphore, #tpu.memory_space<semaphore_mem>>) attributes {dimension_semantics = [#tpu.dimension_semantics<core_parallel>, #tpu.dimension_semantics<subcore_parallel>], iteration_bounds = array<i64: 2, 16>, scalar_prefetch = 0 : i64, scratch_operands = 3 : i64, tpu.core_type = #tpu.core_type<sc_vector_subcore>, window_params = [{transform_indices = #map}, {transform_indices = #map1}, {transform_indices = #map}]} {
    %mul3A = arith.constant 2 : i32
    %mul3A_0 = arith.muli %arg1, %mul3A : i32
    %add3A = arith.addi %mul3A_0, %arg0 : i32
    %scan3A = arith.constant 0 : i32
    %scan3A_1 = arith.constant 0 : i32
    %scan3A_2 = arith.constant 81 : i32
    %scan3A_3 = arith.addi %scan3A_1, %scan3A_2 : i32
    %scan3A_4 = arith.constant 1 : i32
    scf.for %scan3A_6 = %scan3A_1 to %scan3A_3 step %scan3A_4  : i32 {
      %mul3A_7 = arith.constant 10368 : i32
      %mul3A_8 = arith.muli %add3A, %mul3A_7 : i32
      %mul3A_9 = arith.constant 128 : i32
      %mul3A_10 = arith.muli %scan3A_6, %mul3A_9 : i32
      %add3A_11 = arith.addi %mul3A_8, %mul3A_10 : i32
      "tpu.region"() ({
        %run_scoped3A = tpu.sem_alloc : memref<!tpu.dma_semaphore, #tpu.memory_space<semaphore_mem>>
        %dma_start3A_16 = tpu.memref_slice %arg3[%add3A_11] : memref<331776xi32, #tpu.memory_space<hbm>> -> memref<128xi32, #tpu.memory_space<hbm>>
        %dma_start3A_17 = tpu.memref_slice %arg3[%add3A_11] : memref<331776xi32, #tpu.memory_space<hbm>> -> memref<128xi32, #tpu.memory_space<hbm>>
        tpu.enqueue_dma source(%dma_start3A_17 : memref<128xi32, #tpu.memory_space<hbm>>) target(%arg5 : memref<128xi32, #tpu.memory_space<vmem>>) target_semaphore(%run_scoped3A : memref<!tpu.dma_semaphore, #tpu.memory_space<semaphore_mem>>)
        %dma_wait3A_18 = tpu.memref_slice %arg3[%add3A_11] : memref<331776xi32, #tpu.memory_space<hbm>> -> memref<128xi32, #tpu.memory_space<hbm>>
        %dma_wait3A_19 = tpu.memref_slice %arg3[%add3A_11] : memref<331776xi32, #tpu.memory_space<hbm>> -> memref<128xi32, #tpu.memory_space<hbm>>
        tpu.wait_dma2 semaphore(%run_scoped3A : memref<!tpu.dma_semaphore, #tpu.memory_space<semaphore_mem>>) src(%dma_wait3A_19 : memref<128xi32, #tpu.memory_space<hbm>>) dst(%arg5 : memref<128xi32, #tpu.memory_space<vmem>>)
        tpu.yield
      }) : () -> ()
      %dma_start3A = arith.constant 0 : i32
      %dma_start3A_12 = arith.constant 0 : i32
      %dma_start3A_13 = tpu.memref_slice %arg2[%dma_start3A, %dma_start3A_12] : memref<10000x512xf32, #tpu.memory_space<hbm>> -> memref<10000x512xf32, #tpu.memory_space<hbm>>
      tpu.enqueue_indirect_dma source(%dma_start3A_13 : memref<10000x512xf32, #tpu.memory_space<hbm>>) target(%arg6 : memref<128x512xf32, #tpu.memory_space<vmem>>) offsets(%arg5 : memref<128xi32, #tpu.memory_space<vmem>>) semaphore(%arg7 : memref<!tpu.dma_semaphore, #tpu.memory_space<semaphore_mem>>)
      %dma_wait3A = arith.constant 0 : i32
      %dma_wait3A_14 = arith.constant 0 : i32
      %dma_wait3A_15 = tpu.memref_slice %arg2[%dma_wait3A, %dma_wait3A_14] : memref<10000x512xf32, #tpu.memory_space<hbm>> -> memref<10000x512xf32, #tpu.memory_space<hbm>>
      tpu.wait_indirect_dma semaphore(%arg7 : memref<!tpu.dma_semaphore, #tpu.memory_space<semaphore_mem>>) src(%dma_wait3A_15 : memref<10000x512xf32, #tpu.memory_space<hbm>>) dst(%arg6 : memref<128x512xf32, #tpu.memory_space<vmem>>)
      "tpu.region"() ({
        %run_scoped3A = tpu.sem_alloc : memref<!tpu.dma_semaphore, #tpu.memory_space<semaphore_mem>>
        %dma_start3A_16 = arith.constant 0 : i32
        %dma_start3A_17 = tpu.memref_slice %arg4[%add3A_11, %dma_start3A_16] : memref<331776x512xf32, #tpu.memory_space<hbm>> -> memref<128x512xf32, #tpu.memory_space<hbm>>
        %dma_start3A_18 = arith.constant 0 : i32
        %dma_start3A_19 = tpu.memref_slice %arg4[%add3A_11, %dma_start3A_18] : memref<331776x512xf32, #tpu.memory_space<hbm>> -> memref<128x512xf32, #tpu.memory_space<hbm>>
        tpu.enqueue_dma source(%arg6 : memref<128x512xf32, #tpu.memory_space<vmem>>) target(%dma_start3A_19 : memref<128x512xf32, #tpu.memory_space<hbm>>) target_semaphore(%run_scoped3A : memref<!tpu.dma_semaphore, #tpu.memory_space<semaphore_mem>>)
        %dma_wait3A_20 = arith.constant 0 : i32
        %dma_wait3A_21 = tpu.memref_slice %arg4[%add3A_11, %dma_wait3A_20] : memref<331776x512xf32, #tpu.memory_space<hbm>> -> memref<128x512xf32, #tpu.memory_space<hbm>>
        %dma_wait3A_22 = arith.constant 0 : i32
        %dma_wait3A_23 = tpu.memref_slice %arg4[%add3A_11, %dma_wait3A_22] : memref<331776x512xf32, #tpu.memory_space<hbm>> -> memref<128x512xf32, #tpu.memory_space<hbm>>
        tpu.wait_dma2 semaphore(%run_scoped3A : memref<!tpu.dma_semaphore, #tpu.memory_space<semaphore_mem>>) src(%arg6 : memref<128x512xf32, #tpu.memory_space<vmem>>) dst(%dma_wait3A_23 : memref<128x512xf32, #tpu.memory_space<hbm>>)
        tpu.yield
      }) : () -> ()
    }
    %scan3A_5 = arith.constant 81 : i32
    return
  }
}

#map = affine_map<(d0, d1) -> (0, 0)>
#map1 = affine_map<(d0, d1) -> (0)>
#map2 = affine_map<(d0, d1) -> (0, 0, 0)>
module attributes {stable_mosaic.version = 14 : i64} {
  func.func @k(%arg0: i32, %arg1: i32, %arg2: memref<331776x128xf32, #tpu.memory_space<hbm>>, %arg3: memref<331776xi32, #tpu.memory_space<hbm>>, %arg4: memref<10000x128xf32, #tpu.memory_space<hbm>>, %arg5: memref<2x10000x128xf32, #tpu.memory_space<hbm>>, %arg6: memref<128xi32, #tpu.memory_space<vmem>>, %arg7: memref<128x128xf32, #tpu.memory_space<vmem>>, %arg8: memref<10000x128xf32, #tpu.memory_space<vmem_shared>>) attributes {dimension_semantics = [#tpu.dimension_semantics<core_parallel>, #tpu.dimension_semantics<subcore_parallel>], iteration_bounds = array<i64: 2, 16>, scalar_prefetch = 0 : i64, scratch_operands = 3 : i64, tpu.core_type = #tpu.core_type<sc_vector_subcore>, window_params = [{transform_indices = #map}, {transform_indices = #map1}, {transform_indices = #map}, {transform_indices = #map2}]} {
    %eq3A = arith.constant 0 : i32
    %eq3A_0 = arith.cmpi eq, %arg1, %eq3A : i32
    %convert_element_type3A = arith.extui %eq3A_0 : i1 to i32
    %cond3A = arith.constant 0 : i32
    %cond3A_1 = arith.cmpi ne, %convert_element_type3A, %cond3A : i32
    scf.if %cond3A_1 {
      "tpu.region"() ({
        %run_scoped3A = tpu.sem_alloc : memref<!tpu.dma_semaphore, #tpu.memory_space<semaphore_mem>>
        tpu.enqueue_dma source(%arg4 : memref<10000x128xf32, #tpu.memory_space<hbm>>) target(%arg8 : memref<10000x128xf32, #tpu.memory_space<vmem_shared>>) target_semaphore(%run_scoped3A : memref<!tpu.dma_semaphore, #tpu.memory_space<semaphore_mem>>)
        tpu.wait_dma2 semaphore(%run_scoped3A : memref<!tpu.dma_semaphore, #tpu.memory_space<semaphore_mem>>) src(%arg4 : memref<10000x128xf32, #tpu.memory_space<hbm>>) dst(%arg8 : memref<10000x128xf32, #tpu.memory_space<vmem_shared>>)
        tpu.yield
      }) : () -> ()
    } else {
    }
    %barrier3A = arith.constant 0 : index
    tpu.barrier barrier_id(%barrier3A)
    %scan3A = arith.constant 0 : i32
    %scan3A_2 = arith.constant 0 : i32
    %scan3A_3 = arith.constant 81 : i32
    %scan3A_4 = arith.addi %scan3A_2, %scan3A_3 : i32
    %scan3A_5 = arith.constant 1 : i32
    scf.for %scan3A_13 = %scan3A_2 to %scan3A_4 step %scan3A_5  : i32 {
      %mul3A = arith.constant 2 : i32
      %mul3A_14 = arith.muli %arg1, %mul3A : i32
      %add3A = arith.addi %mul3A_14, %arg0 : i32
      %mul3A_15 = arith.constant 10368 : i32
      %mul3A_16 = arith.muli %add3A, %mul3A_15 : i32
      %mul3A_17 = arith.constant 128 : i32
      %mul3A_18 = arith.muli %scan3A_13, %mul3A_17 : i32
      %add3A_19 = arith.addi %mul3A_16, %mul3A_18 : i32
      "tpu.region"() ({
        %run_scoped3A = tpu.sem_alloc : memref<!tpu.dma_semaphore, #tpu.memory_space<semaphore_mem>>
        %dma_start3A = tpu.memref_slice %arg3[%add3A_19] : memref<331776xi32, #tpu.memory_space<hbm>> -> memref<128xi32, #tpu.memory_space<hbm>>
        %dma_start3A_20 = tpu.memref_slice %arg3[%add3A_19] : memref<331776xi32, #tpu.memory_space<hbm>> -> memref<128xi32, #tpu.memory_space<hbm>>
        tpu.enqueue_dma source(%dma_start3A_20 : memref<128xi32, #tpu.memory_space<hbm>>) target(%arg6 : memref<128xi32, #tpu.memory_space<vmem>>) target_semaphore(%run_scoped3A : memref<!tpu.dma_semaphore, #tpu.memory_space<semaphore_mem>>)
        %dma_wait3A = tpu.memref_slice %arg3[%add3A_19] : memref<331776xi32, #tpu.memory_space<hbm>> -> memref<128xi32, #tpu.memory_space<hbm>>
        %dma_wait3A_21 = tpu.memref_slice %arg3[%add3A_19] : memref<331776xi32, #tpu.memory_space<hbm>> -> memref<128xi32, #tpu.memory_space<hbm>>
        tpu.wait_dma2 semaphore(%run_scoped3A : memref<!tpu.dma_semaphore, #tpu.memory_space<semaphore_mem>>) src(%dma_wait3A_21 : memref<128xi32, #tpu.memory_space<hbm>>) dst(%arg6 : memref<128xi32, #tpu.memory_space<vmem>>)
        tpu.yield
      }) : () -> ()
      "tpu.region"() ({
        %run_scoped3A = tpu.sem_alloc : memref<!tpu.dma_semaphore, #tpu.memory_space<semaphore_mem>>
        %dma_start3A = arith.constant 0 : i32
        %dma_start3A_20 = tpu.memref_slice %arg2[%add3A_19, %dma_start3A] : memref<331776x128xf32, #tpu.memory_space<hbm>> -> memref<128x128xf32, #tpu.memory_space<hbm>>
        %dma_start3A_21 = arith.constant 0 : i32
        %dma_start3A_22 = tpu.memref_slice %arg2[%add3A_19, %dma_start3A_21] : memref<331776x128xf32, #tpu.memory_space<hbm>> -> memref<128x128xf32, #tpu.memory_space<hbm>>
        tpu.enqueue_dma source(%dma_start3A_22 : memref<128x128xf32, #tpu.memory_space<hbm>>) target(%arg7 : memref<128x128xf32, #tpu.memory_space<vmem>>) target_semaphore(%run_scoped3A : memref<!tpu.dma_semaphore, #tpu.memory_space<semaphore_mem>>)
        %dma_wait3A = arith.constant 0 : i32
        %dma_wait3A_23 = tpu.memref_slice %arg2[%add3A_19, %dma_wait3A] : memref<331776x128xf32, #tpu.memory_space<hbm>> -> memref<128x128xf32, #tpu.memory_space<hbm>>
        %dma_wait3A_24 = arith.constant 0 : i32
        %dma_wait3A_25 = tpu.memref_slice %arg2[%add3A_19, %dma_wait3A_24] : memref<331776x128xf32, #tpu.memory_space<hbm>> -> memref<128x128xf32, #tpu.memory_space<hbm>>
        tpu.wait_dma2 semaphore(%run_scoped3A : memref<!tpu.dma_semaphore, #tpu.memory_space<semaphore_mem>>) src(%dma_wait3A_25 : memref<128x128xf32, #tpu.memory_space<hbm>>) dst(%arg7 : memref<128x128xf32, #tpu.memory_space<vmem>>)
        tpu.yield
      }) : () -> ()
      "tpu.region"() ({
        %run_scoped3A = tpu.sem_alloc : memref<!tpu.dma_semaphore, #tpu.memory_space<semaphore_mem>>
        %dma_start3A = arith.constant 0 : i32
        %dma_start3A_20 = arith.constant 0 : i32
        %dma_start3A_21 = tpu.memref_slice %arg8[%dma_start3A, %dma_start3A_20] : memref<10000x128xf32, #tpu.memory_space<vmem_shared>> -> memref<10000x128xf32, #tpu.memory_space<vmem_shared>>
        tpu.enqueue_indirect_dma source(%arg7 : memref<128x128xf32, #tpu.memory_space<vmem>>) target(%dma_start3A_21 : memref<10000x128xf32, #tpu.memory_space<vmem_shared>>) offsets(%arg6 : memref<128xi32, #tpu.memory_space<vmem>>) semaphore(%run_scoped3A : memref<!tpu.dma_semaphore, #tpu.memory_space<semaphore_mem>>) {add = true}
        %dma_wait3A = arith.constant 0 : i32
        %dma_wait3A_22 = arith.constant 0 : i32
        %dma_wait3A_23 = tpu.memref_slice %arg8[%dma_wait3A, %dma_wait3A_22] : memref<10000x128xf32, #tpu.memory_space<vmem_shared>> -> memref<10000x128xf32, #tpu.memory_space<vmem_shared>>
        tpu.wait_indirect_dma semaphore(%run_scoped3A : memref<!tpu.dma_semaphore, #tpu.memory_space<semaphore_mem>>) src(%arg7 : memref<128x128xf32, #tpu.memory_space<vmem>>) dst(%dma_wait3A_23 : memref<10000x128xf32, #tpu.memory_space<vmem_shared>>)
        tpu.yield
      }) : () -> ()
    }
    %scan3A_6 = arith.constant 81 : i32
    %barrier3A_7 = arith.constant 0 : index
    tpu.barrier barrier_id(%barrier3A_7)
    %eq3A_8 = arith.constant 0 : i32
    %eq3A_9 = arith.cmpi eq, %arg1, %eq3A_8 : i32
    %convert_element_type3A_10 = arith.extui %eq3A_9 : i1 to i32
    %cond3A_11 = arith.constant 0 : i32
    %cond3A_12 = arith.cmpi ne, %convert_element_type3A_10, %cond3A_11 : i32
    scf.if %cond3A_12 {
      "tpu.region"() ({
        %run_scoped3A = tpu.sem_alloc : memref<!tpu.dma_semaphore, #tpu.memory_space<semaphore_mem>>
        %dma_start3A = arith.constant 0 : i32
        %dma_start3A_13 = arith.constant 0 : i32
        %dma_start3A_14 = tpu.memref_slice %arg5[%arg0, %dma_start3A, %dma_start3A_13] : memref<2x10000x128xf32, #tpu.memory_space<hbm>> -> memref<1x10000x128xf32, #tpu.memory_space<hbm>>
        %dma_start3A_15 = tpu.memref_squeeze %dma_start3A_14 : memref<1x10000x128xf32, #tpu.memory_space<hbm>> -> memref<10000x128xf32, #tpu.memory_space<hbm>>
        tpu.enqueue_dma source(%arg8 : memref<10000x128xf32, #tpu.memory_space<vmem_shared>>) target(%dma_start3A_15 : memref<10000x128xf32, #tpu.memory_space<hbm>>) target_semaphore(%run_scoped3A : memref<!tpu.dma_semaphore, #tpu.memory_space<semaphore_mem>>)
        %dma_wait3A = arith.constant 0 : i32
        %dma_wait3A_16 = arith.constant 0 : i32
        %dma_wait3A_17 = tpu.memref_slice %arg5[%arg0, %dma_wait3A, %dma_wait3A_16] : memref<2x10000x128xf32, #tpu.memory_space<hbm>> -> memref<1x10000x128xf32, #tpu.memory_space<hbm>>
        %dma_wait3A_18 = tpu.memref_squeeze %dma_wait3A_17 : memref<1x10000x128xf32, #tpu.memory_space<hbm>> -> memref<10000x128xf32, #tpu.memory_space<hbm>>
        tpu.wait_dma2 semaphore(%run_scoped3A : memref<!tpu.dma_semaphore, #tpu.memory_space<semaphore_mem>>) src(%arg8 : memref<10000x128xf32, #tpu.memory_space<vmem_shared>>) dst(%dma_wait3A_18 : memref<10000x128xf32, #tpu.memory_space<hbm>>)
        tpu.yield
      }) : () -> ()
    } else {
    }
    return
  }
}

#map = affine_map<(d0, d1) -> (0, 0)>
#map1 = affine_map<(d0, d1) -> (0)>
#map2 = affine_map<(d0, d1) -> (0, 0, 0)>
module attributes {stable_mosaic.version = 14 : i64} {
  func.func @k(%arg0: i32, %arg1: i32, %arg2: memref<331776x128xf32, #tpu.memory_space<hbm>>, %arg3: memref<331776xi32, #tpu.memory_space<hbm>>, %arg4: memref<10000x128xf32, #tpu.memory_space<hbm>>, %arg5: memref<2x10000x128xf32, #tpu.memory_space<hbm>>, %arg6: memref<128xi32, #tpu.memory_space<vmem>>, %arg7: memref<128x128xf32, #tpu.memory_space<vmem>>, %arg8: memref<10000x128xf32, #tpu.memory_space<vmem_shared>>) attributes {dimension_semantics = [#tpu.dimension_semantics<core_parallel>, #tpu.dimension_semantics<subcore_parallel>], iteration_bounds = array<i64: 2, 16>, scalar_prefetch = 0 : i64, scratch_operands = 3 : i64, tpu.core_type = #tpu.core_type<sc_vector_subcore>, window_params = [{transform_indices = #map}, {transform_indices = #map1}, {transform_indices = #map}, {transform_indices = #map2}]} {
    %eq3A = arith.constant 0 : i32
    %eq3A_0 = arith.cmpi eq, %arg1, %eq3A : i32
    %convert_element_type3A = arith.extui %eq3A_0 : i1 to i32
    %cond3A = arith.constant 0 : i32
    %cond3A_1 = arith.cmpi ne, %convert_element_type3A, %cond3A : i32
    scf.if %cond3A_1 {
      "tpu.region"() ({
        %run_scoped3A = tpu.sem_alloc : memref<!tpu.dma_semaphore, #tpu.memory_space<semaphore_mem>>
        tpu.enqueue_dma source(%arg4 : memref<10000x128xf32, #tpu.memory_space<hbm>>) target(%arg8 : memref<10000x128xf32, #tpu.memory_space<vmem_shared>>) target_semaphore(%run_scoped3A : memref<!tpu.dma_semaphore, #tpu.memory_space<semaphore_mem>>)
        tpu.wait_dma2 semaphore(%run_scoped3A : memref<!tpu.dma_semaphore, #tpu.memory_space<semaphore_mem>>) src(%arg4 : memref<10000x128xf32, #tpu.memory_space<hbm>>) dst(%arg8 : memref<10000x128xf32, #tpu.memory_space<vmem_shared>>)
        tpu.yield
      }) : () -> ()
    } else {
    }
    %barrier3A = arith.constant 0 : index
    tpu.barrier barrier_id(%barrier3A)
    %scan3A = arith.constant 0 : i32
    %scan3A_2 = arith.constant 0 : i32
    %scan3A_3 = arith.constant 81 : i32
    %scan3A_4 = arith.addi %scan3A_2, %scan3A_3 : i32
    %scan3A_5 = arith.constant 1 : i32
    scf.for %scan3A_13 = %scan3A_2 to %scan3A_4 step %scan3A_5  : i32 {
      %mul3A = arith.constant 2 : i32
      %mul3A_14 = arith.muli %arg1, %mul3A : i32
      %add3A = arith.addi %mul3A_14, %arg0 : i32
      %mul3A_15 = arith.constant 10368 : i32
      %mul3A_16 = arith.muli %add3A, %mul3A_15 : i32
      %mul3A_17 = arith.constant 128 : i32
      %mul3A_18 = arith.muli %scan3A_13, %mul3A_17 : i32
      %add3A_19 = arith.addi %mul3A_16, %mul3A_18 : i32
      "tpu.region"() ({
        %run_scoped3A = tpu.sem_alloc : memref<!tpu.dma_semaphore, #tpu.memory_space<semaphore_mem>>
        %dma_start3A = tpu.memref_slice %arg3[%add3A_19] : memref<331776xi32, #tpu.memory_space<hbm>> -> memref<128xi32, #tpu.memory_space<hbm>>
        %dma_start3A_20 = tpu.memref_slice %arg3[%add3A_19] : memref<331776xi32, #tpu.memory_space<hbm>> -> memref<128xi32, #tpu.memory_space<hbm>>
        tpu.enqueue_dma source(%dma_start3A_20 : memref<128xi32, #tpu.memory_space<hbm>>) target(%arg6 : memref<128xi32, #tpu.memory_space<vmem>>) target_semaphore(%run_scoped3A : memref<!tpu.dma_semaphore, #tpu.memory_space<semaphore_mem>>)
        %dma_wait3A = tpu.memref_slice %arg3[%add3A_19] : memref<331776xi32, #tpu.memory_space<hbm>> -> memref<128xi32, #tpu.memory_space<hbm>>
        %dma_wait3A_21 = tpu.memref_slice %arg3[%add3A_19] : memref<331776xi32, #tpu.memory_space<hbm>> -> memref<128xi32, #tpu.memory_space<hbm>>
        tpu.wait_dma2 semaphore(%run_scoped3A : memref<!tpu.dma_semaphore, #tpu.memory_space<semaphore_mem>>) src(%dma_wait3A_21 : memref<128xi32, #tpu.memory_space<hbm>>) dst(%arg6 : memref<128xi32, #tpu.memory_space<vmem>>)
        tpu.yield
      }) : () -> ()
      "tpu.region"() ({
        %run_scoped3A = tpu.sem_alloc : memref<!tpu.dma_semaphore, #tpu.memory_space<semaphore_mem>>
        %dma_start3A = arith.constant 0 : i32
        %dma_start3A_20 = tpu.memref_slice %arg2[%add3A_19, %dma_start3A] : memref<331776x128xf32, #tpu.memory_space<hbm>> -> memref<128x128xf32, #tpu.memory_space<hbm>>
        %dma_start3A_21 = arith.constant 0 : i32
        %dma_start3A_22 = tpu.memref_slice %arg2[%add3A_19, %dma_start3A_21] : memref<331776x128xf32, #tpu.memory_space<hbm>> -> memref<128x128xf32, #tpu.memory_space<hbm>>
        tpu.enqueue_dma source(%dma_start3A_22 : memref<128x128xf32, #tpu.memory_space<hbm>>) target(%arg7 : memref<128x128xf32, #tpu.memory_space<vmem>>) target_semaphore(%run_scoped3A : memref<!tpu.dma_semaphore, #tpu.memory_space<semaphore_mem>>)
        %dma_wait3A = arith.constant 0 : i32
        %dma_wait3A_23 = tpu.memref_slice %arg2[%add3A_19, %dma_wait3A] : memref<331776x128xf32, #tpu.memory_space<hbm>> -> memref<128x128xf32, #tpu.memory_space<hbm>>
        %dma_wait3A_24 = arith.constant 0 : i32
        %dma_wait3A_25 = tpu.memref_slice %arg2[%add3A_19, %dma_wait3A_24] : memref<331776x128xf32, #tpu.memory_space<hbm>> -> memref<128x128xf32, #tpu.memory_space<hbm>>
        tpu.wait_dma2 semaphore(%run_scoped3A : memref<!tpu.dma_semaphore, #tpu.memory_space<semaphore_mem>>) src(%dma_wait3A_25 : memref<128x128xf32, #tpu.memory_space<hbm>>) dst(%arg7 : memref<128x128xf32, #tpu.memory_space<vmem>>)
        tpu.yield
      }) : () -> ()
      "tpu.region"() ({
        %run_scoped3A = tpu.sem_alloc : memref<!tpu.dma_semaphore, #tpu.memory_space<semaphore_mem>>
        %dma_start3A = arith.constant 0 : i32
        %dma_start3A_20 = arith.constant 0 : i32
        %dma_start3A_21 = tpu.memref_slice %arg8[%dma_start3A, %dma_start3A_20] : memref<10000x128xf32, #tpu.memory_space<vmem_shared>> -> memref<10000x128xf32, #tpu.memory_space<vmem_shared>>
        tpu.enqueue_indirect_dma source(%arg7 : memref<128x128xf32, #tpu.memory_space<vmem>>) target(%dma_start3A_21 : memref<10000x128xf32, #tpu.memory_space<vmem_shared>>) offsets(%arg6 : memref<128xi32, #tpu.memory_space<vmem>>) semaphore(%run_scoped3A : memref<!tpu.dma_semaphore, #tpu.memory_space<semaphore_mem>>) {add = true}
        %dma_wait3A = arith.constant 0 : i32
        %dma_wait3A_22 = arith.constant 0 : i32
        %dma_wait3A_23 = tpu.memref_slice %arg8[%dma_wait3A, %dma_wait3A_22] : memref<10000x128xf32, #tpu.memory_space<vmem_shared>> -> memref<10000x128xf32, #tpu.memory_space<vmem_shared>>
        tpu.wait_indirect_dma semaphore(%run_scoped3A : memref<!tpu.dma_semaphore, #tpu.memory_space<semaphore_mem>>) src(%arg7 : memref<128x128xf32, #tpu.memory_space<vmem>>) dst(%dma_wait3A_23 : memref<10000x128xf32, #tpu.memory_space<vmem_shared>>)
        tpu.yield
      }) : () -> ()
    }
    %scan3A_6 = arith.constant 81 : i32
    %barrier3A_7 = arith.constant 0 : index
    tpu.barrier barrier_id(%barrier3A_7)
    %eq3A_8 = arith.constant 0 : i32
    %eq3A_9 = arith.cmpi eq, %arg1, %eq3A_8 : i32
    %convert_element_type3A_10 = arith.extui %eq3A_9 : i1 to i32
    %cond3A_11 = arith.constant 0 : i32
    %cond3A_12 = arith.cmpi ne, %convert_element_type3A_10, %cond3A_11 : i32
    scf.if %cond3A_12 {
      "tpu.region"() ({
        %run_scoped3A = tpu.sem_alloc : memref<!tpu.dma_semaphore, #tpu.memory_space<semaphore_mem>>
        %dma_start3A = arith.constant 0 : i32
        %dma_start3A_13 = arith.constant 0 : i32
        %dma_start3A_14 = tpu.memref_slice %arg5[%arg0, %dma_start3A, %dma_start3A_13] : memref<2x10000x128xf32, #tpu.memory_space<hbm>> -> memref<1x10000x128xf32, #tpu.memory_space<hbm>>
        %dma_start3A_15 = tpu.memref_squeeze %dma_start3A_14 : memref<1x10000x128xf32, #tpu.memory_space<hbm>> -> memref<10000x128xf32, #tpu.memory_space<hbm>>
        tpu.enqueue_dma source(%arg8 : memref<10000x128xf32, #tpu.memory_space<vmem_shared>>) target(%dma_start3A_15 : memref<10000x128xf32, #tpu.memory_space<hbm>>) target_semaphore(%run_scoped3A : memref<!tpu.dma_semaphore, #tpu.memory_space<semaphore_mem>>)
        %dma_wait3A = arith.constant 0 : i32
        %dma_wait3A_16 = arith.constant 0 : i32
        %dma_wait3A_17 = tpu.memref_slice %arg5[%arg0, %dma_wait3A, %dma_wait3A_16] : memref<2x10000x128xf32, #tpu.memory_space<hbm>> -> memref<1x10000x128xf32, #tpu.memory_space<hbm>>
        %dma_wait3A_18 = tpu.memref_squeeze %dma_wait3A_17 : memref<1x10000x128xf32, #tpu.memory_space<hbm>> -> memref<10000x128xf32, #tpu.memory_space<hbm>>
        tpu.wait_dma2 semaphore(%run_scoped3A : memref<!tpu.dma_semaphore, #tpu.memory_space<semaphore_mem>>) src(%arg8 : memref<10000x128xf32, #tpu.memory_space<vmem_shared>>) dst(%dma_wait3A_18 : memref<10000x128xf32, #tpu.memory_space<hbm>>)
        tpu.yield
      }) : () -> ()
    } else {
    }
    return
  }
}

#map = affine_map<(d0, d1) -> (0, 0)>
#map1 = affine_map<(d0, d1) -> (0)>
#map2 = affine_map<(d0, d1) -> (0, 0, 0)>
module attributes {stable_mosaic.version = 14 : i64} {
  func.func @k(%arg0: i32, %arg1: i32, %arg2: memref<331776x128xf32, #tpu.memory_space<hbm>>, %arg3: memref<331776xi32, #tpu.memory_space<hbm>>, %arg4: memref<10000x128xf32, #tpu.memory_space<hbm>>, %arg5: memref<2x10000x128xf32, #tpu.memory_space<hbm>>, %arg6: memref<128xi32, #tpu.memory_space<vmem>>, %arg7: memref<128x128xf32, #tpu.memory_space<vmem>>, %arg8: memref<10000x128xf32, #tpu.memory_space<vmem_shared>>) attributes {dimension_semantics = [#tpu.dimension_semantics<core_parallel>, #tpu.dimension_semantics<subcore_parallel>], iteration_bounds = array<i64: 2, 16>, scalar_prefetch = 0 : i64, scratch_operands = 3 : i64, tpu.core_type = #tpu.core_type<sc_vector_subcore>, window_params = [{transform_indices = #map}, {transform_indices = #map1}, {transform_indices = #map}, {transform_indices = #map2}]} {
    %eq3A = arith.constant 0 : i32
    %eq3A_0 = arith.cmpi eq, %arg1, %eq3A : i32
    %convert_element_type3A = arith.extui %eq3A_0 : i1 to i32
    %cond3A = arith.constant 0 : i32
    %cond3A_1 = arith.cmpi ne, %convert_element_type3A, %cond3A : i32
    scf.if %cond3A_1 {
      "tpu.region"() ({
        %run_scoped3A = tpu.sem_alloc : memref<!tpu.dma_semaphore, #tpu.memory_space<semaphore_mem>>
        tpu.enqueue_dma source(%arg4 : memref<10000x128xf32, #tpu.memory_space<hbm>>) target(%arg8 : memref<10000x128xf32, #tpu.memory_space<vmem_shared>>) target_semaphore(%run_scoped3A : memref<!tpu.dma_semaphore, #tpu.memory_space<semaphore_mem>>)
        tpu.wait_dma2 semaphore(%run_scoped3A : memref<!tpu.dma_semaphore, #tpu.memory_space<semaphore_mem>>) src(%arg4 : memref<10000x128xf32, #tpu.memory_space<hbm>>) dst(%arg8 : memref<10000x128xf32, #tpu.memory_space<vmem_shared>>)
        tpu.yield
      }) : () -> ()
    } else {
    }
    %barrier3A = arith.constant 0 : index
    tpu.barrier barrier_id(%barrier3A)
    %scan3A = arith.constant 0 : i32
    %scan3A_2 = arith.constant 0 : i32
    %scan3A_3 = arith.constant 81 : i32
    %scan3A_4 = arith.addi %scan3A_2, %scan3A_3 : i32
    %scan3A_5 = arith.constant 1 : i32
    scf.for %scan3A_13 = %scan3A_2 to %scan3A_4 step %scan3A_5  : i32 {
      %mul3A = arith.constant 2 : i32
      %mul3A_14 = arith.muli %arg1, %mul3A : i32
      %add3A = arith.addi %mul3A_14, %arg0 : i32
      %mul3A_15 = arith.constant 10368 : i32
      %mul3A_16 = arith.muli %add3A, %mul3A_15 : i32
      %mul3A_17 = arith.constant 128 : i32
      %mul3A_18 = arith.muli %scan3A_13, %mul3A_17 : i32
      %add3A_19 = arith.addi %mul3A_16, %mul3A_18 : i32
      "tpu.region"() ({
        %run_scoped3A = tpu.sem_alloc : memref<!tpu.dma_semaphore, #tpu.memory_space<semaphore_mem>>
        %dma_start3A = tpu.memref_slice %arg3[%add3A_19] : memref<331776xi32, #tpu.memory_space<hbm>> -> memref<128xi32, #tpu.memory_space<hbm>>
        %dma_start3A_20 = tpu.memref_slice %arg3[%add3A_19] : memref<331776xi32, #tpu.memory_space<hbm>> -> memref<128xi32, #tpu.memory_space<hbm>>
        tpu.enqueue_dma source(%dma_start3A_20 : memref<128xi32, #tpu.memory_space<hbm>>) target(%arg6 : memref<128xi32, #tpu.memory_space<vmem>>) target_semaphore(%run_scoped3A : memref<!tpu.dma_semaphore, #tpu.memory_space<semaphore_mem>>)
        %dma_wait3A = tpu.memref_slice %arg3[%add3A_19] : memref<331776xi32, #tpu.memory_space<hbm>> -> memref<128xi32, #tpu.memory_space<hbm>>
        %dma_wait3A_21 = tpu.memref_slice %arg3[%add3A_19] : memref<331776xi32, #tpu.memory_space<hbm>> -> memref<128xi32, #tpu.memory_space<hbm>>
        tpu.wait_dma2 semaphore(%run_scoped3A : memref<!tpu.dma_semaphore, #tpu.memory_space<semaphore_mem>>) src(%dma_wait3A_21 : memref<128xi32, #tpu.memory_space<hbm>>) dst(%arg6 : memref<128xi32, #tpu.memory_space<vmem>>)
        tpu.yield
      }) : () -> ()
      "tpu.region"() ({
        %run_scoped3A = tpu.sem_alloc : memref<!tpu.dma_semaphore, #tpu.memory_space<semaphore_mem>>
        %dma_start3A = arith.constant 0 : i32
        %dma_start3A_20 = tpu.memref_slice %arg2[%add3A_19, %dma_start3A] : memref<331776x128xf32, #tpu.memory_space<hbm>> -> memref<128x128xf32, #tpu.memory_space<hbm>>
        %dma_start3A_21 = arith.constant 0 : i32
        %dma_start3A_22 = tpu.memref_slice %arg2[%add3A_19, %dma_start3A_21] : memref<331776x128xf32, #tpu.memory_space<hbm>> -> memref<128x128xf32, #tpu.memory_space<hbm>>
        tpu.enqueue_dma source(%dma_start3A_22 : memref<128x128xf32, #tpu.memory_space<hbm>>) target(%arg7 : memref<128x128xf32, #tpu.memory_space<vmem>>) target_semaphore(%run_scoped3A : memref<!tpu.dma_semaphore, #tpu.memory_space<semaphore_mem>>)
        %dma_wait3A = arith.constant 0 : i32
        %dma_wait3A_23 = tpu.memref_slice %arg2[%add3A_19, %dma_wait3A] : memref<331776x128xf32, #tpu.memory_space<hbm>> -> memref<128x128xf32, #tpu.memory_space<hbm>>
        %dma_wait3A_24 = arith.constant 0 : i32
        %dma_wait3A_25 = tpu.memref_slice %arg2[%add3A_19, %dma_wait3A_24] : memref<331776x128xf32, #tpu.memory_space<hbm>> -> memref<128x128xf32, #tpu.memory_space<hbm>>
        tpu.wait_dma2 semaphore(%run_scoped3A : memref<!tpu.dma_semaphore, #tpu.memory_space<semaphore_mem>>) src(%dma_wait3A_25 : memref<128x128xf32, #tpu.memory_space<hbm>>) dst(%arg7 : memref<128x128xf32, #tpu.memory_space<vmem>>)
        tpu.yield
      }) : () -> ()
      "tpu.region"() ({
        %run_scoped3A = tpu.sem_alloc : memref<!tpu.dma_semaphore, #tpu.memory_space<semaphore_mem>>
        %dma_start3A = arith.constant 0 : i32
        %dma_start3A_20 = arith.constant 0 : i32
        %dma_start3A_21 = tpu.memref_slice %arg8[%dma_start3A, %dma_start3A_20] : memref<10000x128xf32, #tpu.memory_space<vmem_shared>> -> memref<10000x128xf32, #tpu.memory_space<vmem_shared>>
        tpu.enqueue_indirect_dma source(%arg7 : memref<128x128xf32, #tpu.memory_space<vmem>>) target(%dma_start3A_21 : memref<10000x128xf32, #tpu.memory_space<vmem_shared>>) offsets(%arg6 : memref<128xi32, #tpu.memory_space<vmem>>) semaphore(%run_scoped3A : memref<!tpu.dma_semaphore, #tpu.memory_space<semaphore_mem>>) {add = true}
        %dma_wait3A = arith.constant 0 : i32
        %dma_wait3A_22 = arith.constant 0 : i32
        %dma_wait3A_23 = tpu.memref_slice %arg8[%dma_wait3A, %dma_wait3A_22] : memref<10000x128xf32, #tpu.memory_space<vmem_shared>> -> memref<10000x128xf32, #tpu.memory_space<vmem_shared>>
        tpu.wait_indirect_dma semaphore(%run_scoped3A : memref<!tpu.dma_semaphore, #tpu.memory_space<semaphore_mem>>) src(%arg7 : memref<128x128xf32, #tpu.memory_space<vmem>>) dst(%dma_wait3A_23 : memref<10000x128xf32, #tpu.memory_space<vmem_shared>>)
        tpu.yield
      }) : () -> ()
    }
    %scan3A_6 = arith.constant 81 : i32
    %barrier3A_7 = arith.constant 0 : index
    tpu.barrier barrier_id(%barrier3A_7)
    %eq3A_8 = arith.constant 0 : i32
    %eq3A_9 = arith.cmpi eq, %arg1, %eq3A_8 : i32
    %convert_element_type3A_10 = arith.extui %eq3A_9 : i1 to i32
    %cond3A_11 = arith.constant 0 : i32
    %cond3A_12 = arith.cmpi ne, %convert_element_type3A_10, %cond3A_11 : i32
    scf.if %cond3A_12 {
      "tpu.region"() ({
        %run_scoped3A = tpu.sem_alloc : memref<!tpu.dma_semaphore, #tpu.memory_space<semaphore_mem>>
        %dma_start3A = arith.constant 0 : i32
        %dma_start3A_13 = arith.constant 0 : i32
        %dma_start3A_14 = tpu.memref_slice %arg5[%arg0, %dma_start3A, %dma_start3A_13] : memref<2x10000x128xf32, #tpu.memory_space<hbm>> -> memref<1x10000x128xf32, #tpu.memory_space<hbm>>
        %dma_start3A_15 = tpu.memref_squeeze %dma_start3A_14 : memref<1x10000x128xf32, #tpu.memory_space<hbm>> -> memref<10000x128xf32, #tpu.memory_space<hbm>>
        tpu.enqueue_dma source(%arg8 : memref<10000x128xf32, #tpu.memory_space<vmem_shared>>) target(%dma_start3A_15 : memref<10000x128xf32, #tpu.memory_space<hbm>>) target_semaphore(%run_scoped3A : memref<!tpu.dma_semaphore, #tpu.memory_space<semaphore_mem>>)
        %dma_wait3A = arith.constant 0 : i32
        %dma_wait3A_16 = arith.constant 0 : i32
        %dma_wait3A_17 = tpu.memref_slice %arg5[%arg0, %dma_wait3A, %dma_wait3A_16] : memref<2x10000x128xf32, #tpu.memory_space<hbm>> -> memref<1x10000x128xf32, #tpu.memory_space<hbm>>
        %dma_wait3A_18 = tpu.memref_squeeze %dma_wait3A_17 : memref<1x10000x128xf32, #tpu.memory_space<hbm>> -> memref<10000x128xf32, #tpu.memory_space<hbm>>
        tpu.wait_dma2 semaphore(%run_scoped3A : memref<!tpu.dma_semaphore, #tpu.memory_space<semaphore_mem>>) src(%arg8 : memref<10000x128xf32, #tpu.memory_space<vmem_shared>>) dst(%dma_wait3A_18 : memref<10000x128xf32, #tpu.memory_space<hbm>>)
        tpu.yield
      }) : () -> ()
    } else {
    }
    return
  }
}

#map = affine_map<(d0, d1) -> (0, 0)>
#map1 = affine_map<(d0, d1) -> (0)>
#map2 = affine_map<(d0, d1) -> (0, 0, 0)>
module attributes {stable_mosaic.version = 14 : i64} {
  func.func @k(%arg0: i32, %arg1: i32, %arg2: memref<331776x128xf32, #tpu.memory_space<hbm>>, %arg3: memref<331776xi32, #tpu.memory_space<hbm>>, %arg4: memref<10000x128xf32, #tpu.memory_space<hbm>>, %arg5: memref<2x10000x128xf32, #tpu.memory_space<hbm>>, %arg6: memref<128xi32, #tpu.memory_space<vmem>>, %arg7: memref<128x128xf32, #tpu.memory_space<vmem>>, %arg8: memref<10000x128xf32, #tpu.memory_space<vmem_shared>>) attributes {dimension_semantics = [#tpu.dimension_semantics<core_parallel>, #tpu.dimension_semantics<subcore_parallel>], iteration_bounds = array<i64: 2, 16>, scalar_prefetch = 0 : i64, scratch_operands = 3 : i64, tpu.core_type = #tpu.core_type<sc_vector_subcore>, window_params = [{transform_indices = #map}, {transform_indices = #map1}, {transform_indices = #map}, {transform_indices = #map2}]} {
    %eq3A = arith.constant 0 : i32
    %eq3A_0 = arith.cmpi eq, %arg1, %eq3A : i32
    %convert_element_type3A = arith.extui %eq3A_0 : i1 to i32
    %cond3A = arith.constant 0 : i32
    %cond3A_1 = arith.cmpi ne, %convert_element_type3A, %cond3A : i32
    scf.if %cond3A_1 {
      "tpu.region"() ({
        %run_scoped3A = tpu.sem_alloc : memref<!tpu.dma_semaphore, #tpu.memory_space<semaphore_mem>>
        tpu.enqueue_dma source(%arg4 : memref<10000x128xf32, #tpu.memory_space<hbm>>) target(%arg8 : memref<10000x128xf32, #tpu.memory_space<vmem_shared>>) target_semaphore(%run_scoped3A : memref<!tpu.dma_semaphore, #tpu.memory_space<semaphore_mem>>)
        tpu.wait_dma2 semaphore(%run_scoped3A : memref<!tpu.dma_semaphore, #tpu.memory_space<semaphore_mem>>) src(%arg4 : memref<10000x128xf32, #tpu.memory_space<hbm>>) dst(%arg8 : memref<10000x128xf32, #tpu.memory_space<vmem_shared>>)
        tpu.yield
      }) : () -> ()
    } else {
    }
    %barrier3A = arith.constant 0 : index
    tpu.barrier barrier_id(%barrier3A)
    %scan3A = arith.constant 0 : i32
    %scan3A_2 = arith.constant 0 : i32
    %scan3A_3 = arith.constant 81 : i32
    %scan3A_4 = arith.addi %scan3A_2, %scan3A_3 : i32
    %scan3A_5 = arith.constant 1 : i32
    scf.for %scan3A_13 = %scan3A_2 to %scan3A_4 step %scan3A_5  : i32 {
      %mul3A = arith.constant 2 : i32
      %mul3A_14 = arith.muli %arg1, %mul3A : i32
      %add3A = arith.addi %mul3A_14, %arg0 : i32
      %mul3A_15 = arith.constant 10368 : i32
      %mul3A_16 = arith.muli %add3A, %mul3A_15 : i32
      %mul3A_17 = arith.constant 128 : i32
      %mul3A_18 = arith.muli %scan3A_13, %mul3A_17 : i32
      %add3A_19 = arith.addi %mul3A_16, %mul3A_18 : i32
      "tpu.region"() ({
        %run_scoped3A = tpu.sem_alloc : memref<!tpu.dma_semaphore, #tpu.memory_space<semaphore_mem>>
        %dma_start3A = tpu.memref_slice %arg3[%add3A_19] : memref<331776xi32, #tpu.memory_space<hbm>> -> memref<128xi32, #tpu.memory_space<hbm>>
        %dma_start3A_20 = tpu.memref_slice %arg3[%add3A_19] : memref<331776xi32, #tpu.memory_space<hbm>> -> memref<128xi32, #tpu.memory_space<hbm>>
        tpu.enqueue_dma source(%dma_start3A_20 : memref<128xi32, #tpu.memory_space<hbm>>) target(%arg6 : memref<128xi32, #tpu.memory_space<vmem>>) target_semaphore(%run_scoped3A : memref<!tpu.dma_semaphore, #tpu.memory_space<semaphore_mem>>)
        %dma_wait3A = tpu.memref_slice %arg3[%add3A_19] : memref<331776xi32, #tpu.memory_space<hbm>> -> memref<128xi32, #tpu.memory_space<hbm>>
        %dma_wait3A_21 = tpu.memref_slice %arg3[%add3A_19] : memref<331776xi32, #tpu.memory_space<hbm>> -> memref<128xi32, #tpu.memory_space<hbm>>
        tpu.wait_dma2 semaphore(%run_scoped3A : memref<!tpu.dma_semaphore, #tpu.memory_space<semaphore_mem>>) src(%dma_wait3A_21 : memref<128xi32, #tpu.memory_space<hbm>>) dst(%arg6 : memref<128xi32, #tpu.memory_space<vmem>>)
        tpu.yield
      }) : () -> ()
      "tpu.region"() ({
        %run_scoped3A = tpu.sem_alloc : memref<!tpu.dma_semaphore, #tpu.memory_space<semaphore_mem>>
        %dma_start3A = arith.constant 0 : i32
        %dma_start3A_20 = tpu.memref_slice %arg2[%add3A_19, %dma_start3A] : memref<331776x128xf32, #tpu.memory_space<hbm>> -> memref<128x128xf32, #tpu.memory_space<hbm>>
        %dma_start3A_21 = arith.constant 0 : i32
        %dma_start3A_22 = tpu.memref_slice %arg2[%add3A_19, %dma_start3A_21] : memref<331776x128xf32, #tpu.memory_space<hbm>> -> memref<128x128xf32, #tpu.memory_space<hbm>>
        tpu.enqueue_dma source(%dma_start3A_22 : memref<128x128xf32, #tpu.memory_space<hbm>>) target(%arg7 : memref<128x128xf32, #tpu.memory_space<vmem>>) target_semaphore(%run_scoped3A : memref<!tpu.dma_semaphore, #tpu.memory_space<semaphore_mem>>)
        %dma_wait3A = arith.constant 0 : i32
        %dma_wait3A_23 = tpu.memref_slice %arg2[%add3A_19, %dma_wait3A] : memref<331776x128xf32, #tpu.memory_space<hbm>> -> memref<128x128xf32, #tpu.memory_space<hbm>>
        %dma_wait3A_24 = arith.constant 0 : i32
        %dma_wait3A_25 = tpu.memref_slice %arg2[%add3A_19, %dma_wait3A_24] : memref<331776x128xf32, #tpu.memory_space<hbm>> -> memref<128x128xf32, #tpu.memory_space<hbm>>
        tpu.wait_dma2 semaphore(%run_scoped3A : memref<!tpu.dma_semaphore, #tpu.memory_space<semaphore_mem>>) src(%dma_wait3A_25 : memref<128x128xf32, #tpu.memory_space<hbm>>) dst(%arg7 : memref<128x128xf32, #tpu.memory_space<vmem>>)
        tpu.yield
      }) : () -> ()
      "tpu.region"() ({
        %run_scoped3A = tpu.sem_alloc : memref<!tpu.dma_semaphore, #tpu.memory_space<semaphore_mem>>
        %dma_start3A = arith.constant 0 : i32
        %dma_start3A_20 = arith.constant 0 : i32
        %dma_start3A_21 = tpu.memref_slice %arg8[%dma_start3A, %dma_start3A_20] : memref<10000x128xf32, #tpu.memory_space<vmem_shared>> -> memref<10000x128xf32, #tpu.memory_space<vmem_shared>>
        tpu.enqueue_indirect_dma source(%arg7 : memref<128x128xf32, #tpu.memory_space<vmem>>) target(%dma_start3A_21 : memref<10000x128xf32, #tpu.memory_space<vmem_shared>>) offsets(%arg6 : memref<128xi32, #tpu.memory_space<vmem>>) semaphore(%run_scoped3A : memref<!tpu.dma_semaphore, #tpu.memory_space<semaphore_mem>>) {add = true}
        %dma_wait3A = arith.constant 0 : i32
        %dma_wait3A_22 = arith.constant 0 : i32
        %dma_wait3A_23 = tpu.memref_slice %arg8[%dma_wait3A, %dma_wait3A_22] : memref<10000x128xf32, #tpu.memory_space<vmem_shared>> -> memref<10000x128xf32, #tpu.memory_space<vmem_shared>>
        tpu.wait_indirect_dma semaphore(%run_scoped3A : memref<!tpu.dma_semaphore, #tpu.memory_space<semaphore_mem>>) src(%arg7 : memref<128x128xf32, #tpu.memory_space<vmem>>) dst(%dma_wait3A_23 : memref<10000x128xf32, #tpu.memory_space<vmem_shared>>)
        tpu.yield
      }) : () -> ()
    }
    %scan3A_6 = arith.constant 81 : i32
    %barrier3A_7 = arith.constant 0 : index
    tpu.barrier barrier_id(%barrier3A_7)
    %eq3A_8 = arith.constant 0 : i32
    %eq3A_9 = arith.cmpi eq, %arg1, %eq3A_8 : i32
    %convert_element_type3A_10 = arith.extui %eq3A_9 : i1 to i32
    %cond3A_11 = arith.constant 0 : i32
    %cond3A_12 = arith.cmpi ne, %convert_element_type3A_10, %cond3A_11 : i32
    scf.if %cond3A_12 {
      "tpu.region"() ({
        %run_scoped3A = tpu.sem_alloc : memref<!tpu.dma_semaphore, #tpu.memory_space<semaphore_mem>>
        %dma_start3A = arith.constant 0 : i32
        %dma_start3A_13 = arith.constant 0 : i32
        %dma_start3A_14 = tpu.memref_slice %arg5[%arg0, %dma_start3A, %dma_start3A_13] : memref<2x10000x128xf32, #tpu.memory_space<hbm>> -> memref<1x10000x128xf32, #tpu.memory_space<hbm>>
        %dma_start3A_15 = tpu.memref_squeeze %dma_start3A_14 : memref<1x10000x128xf32, #tpu.memory_space<hbm>> -> memref<10000x128xf32, #tpu.memory_space<hbm>>
        tpu.enqueue_dma source(%arg8 : memref<10000x128xf32, #tpu.memory_space<vmem_shared>>) target(%dma_start3A_15 : memref<10000x128xf32, #tpu.memory_space<hbm>>) target_semaphore(%run_scoped3A : memref<!tpu.dma_semaphore, #tpu.memory_space<semaphore_mem>>)
        %dma_wait3A = arith.constant 0 : i32
        %dma_wait3A_16 = arith.constant 0 : i32
        %dma_wait3A_17 = tpu.memref_slice %arg5[%arg0, %dma_wait3A, %dma_wait3A_16] : memref<2x10000x128xf32, #tpu.memory_space<hbm>> -> memref<1x10000x128xf32, #tpu.memory_space<hbm>>
        %dma_wait3A_18 = tpu.memref_squeeze %dma_wait3A_17 : memref<1x10000x128xf32, #tpu.memory_space<hbm>> -> memref<10000x128xf32, #tpu.memory_space<hbm>>
        tpu.wait_dma2 semaphore(%run_scoped3A : memref<!tpu.dma_semaphore, #tpu.memory_space<semaphore_mem>>) src(%arg8 : memref<10000x128xf32, #tpu.memory_space<vmem_shared>>) dst(%dma_wait3A_18 : memref<10000x128xf32, #tpu.memory_space<hbm>>)
        tpu.yield
      }) : () -> ()
    } else {
    }
    return
  }
}

#map = affine_map<(d0, d1) -> (0, 0)>
#map1 = affine_map<(d0, d1) -> (0)>
module attributes {stable_mosaic.version = 14 : i64} {
  func.func @k(%arg0: i32, %arg1: i32, %arg2: memref<10000x128xf32, #tpu.memory_space<hbm>>, %arg3: memref<331776xi32, #tpu.memory_space<hbm>>, %arg4: memref<331776x128xf32, #tpu.memory_space<hbm>>, %arg5: memref<128xi32, #tpu.memory_space<vmem>>, %arg6: memref<128x128xf32, #tpu.memory_space<vmem>>, %arg7: memref<!tpu.dma_semaphore, #tpu.memory_space<semaphore_mem>>) attributes {dimension_semantics = [#tpu.dimension_semantics<core_parallel>, #tpu.dimension_semantics<subcore_parallel>], iteration_bounds = array<i64: 2, 16>, scalar_prefetch = 0 : i64, scratch_operands = 3 : i64, tpu.core_type = #tpu.core_type<sc_vector_subcore>, window_params = [{transform_indices = #map}, {transform_indices = #map1}, {transform_indices = #map}]} {
    %mul3A = arith.constant 2 : i32
    %mul3A_0 = arith.muli %arg1, %mul3A : i32
    %add3A = arith.addi %mul3A_0, %arg0 : i32
    %scan3A = arith.constant 0 : i32
    %scan3A_1 = arith.constant 0 : i32
    %scan3A_2 = arith.constant 81 : i32
    %scan3A_3 = arith.addi %scan3A_1, %scan3A_2 : i32
    %scan3A_4 = arith.constant 1 : i32
    scf.for %scan3A_6 = %scan3A_1 to %scan3A_3 step %scan3A_4  : i32 {
      %mul3A_7 = arith.constant 10368 : i32
      %mul3A_8 = arith.muli %add3A, %mul3A_7 : i32
      %mul3A_9 = arith.constant 128 : i32
      %mul3A_10 = arith.muli %scan3A_6, %mul3A_9 : i32
      %add3A_11 = arith.addi %mul3A_8, %mul3A_10 : i32
      "tpu.region"() ({
        %run_scoped3A = tpu.sem_alloc : memref<!tpu.dma_semaphore, #tpu.memory_space<semaphore_mem>>
        %dma_start3A_16 = tpu.memref_slice %arg3[%add3A_11] : memref<331776xi32, #tpu.memory_space<hbm>> -> memref<128xi32, #tpu.memory_space<hbm>>
        %dma_start3A_17 = tpu.memref_slice %arg3[%add3A_11] : memref<331776xi32, #tpu.memory_space<hbm>> -> memref<128xi32, #tpu.memory_space<hbm>>
        tpu.enqueue_dma source(%dma_start3A_17 : memref<128xi32, #tpu.memory_space<hbm>>) target(%arg5 : memref<128xi32, #tpu.memory_space<vmem>>) target_semaphore(%run_scoped3A : memref<!tpu.dma_semaphore, #tpu.memory_space<semaphore_mem>>)
        %dma_wait3A_18 = tpu.memref_slice %arg3[%add3A_11] : memref<331776xi32, #tpu.memory_space<hbm>> -> memref<128xi32, #tpu.memory_space<hbm>>
        %dma_wait3A_19 = tpu.memref_slice %arg3[%add3A_11] : memref<331776xi32, #tpu.memory_space<hbm>> -> memref<128xi32, #tpu.memory_space<hbm>>
        tpu.wait_dma2 semaphore(%run_scoped3A : memref<!tpu.dma_semaphore, #tpu.memory_space<semaphore_mem>>) src(%dma_wait3A_19 : memref<128xi32, #tpu.memory_space<hbm>>) dst(%arg5 : memref<128xi32, #tpu.memory_space<vmem>>)
        tpu.yield
      }) : () -> ()
      %dma_start3A = arith.constant 0 : i32
      %dma_start3A_12 = arith.constant 0 : i32
      %dma_start3A_13 = tpu.memref_slice %arg2[%dma_start3A, %dma_start3A_12] : memref<10000x128xf32, #tpu.memory_space<hbm>> -> memref<10000x128xf32, #tpu.memory_space<hbm>>
      tpu.enqueue_indirect_dma source(%dma_start3A_13 : memref<10000x128xf32, #tpu.memory_space<hbm>>) target(%arg6 : memref<128x128xf32, #tpu.memory_space<vmem>>) offsets(%arg5 : memref<128xi32, #tpu.memory_space<vmem>>) semaphore(%arg7 : memref<!tpu.dma_semaphore, #tpu.memory_space<semaphore_mem>>)
      %dma_wait3A = arith.constant 0 : i32
      %dma_wait3A_14 = arith.constant 0 : i32
      %dma_wait3A_15 = tpu.memref_slice %arg2[%dma_wait3A, %dma_wait3A_14] : memref<10000x128xf32, #tpu.memory_space<hbm>> -> memref<10000x128xf32, #tpu.memory_space<hbm>>
      tpu.wait_indirect_dma semaphore(%arg7 : memref<!tpu.dma_semaphore, #tpu.memory_space<semaphore_mem>>) src(%dma_wait3A_15 : memref<10000x128xf32, #tpu.memory_space<hbm>>) dst(%arg6 : memref<128x128xf32, #tpu.memory_space<vmem>>)
      "tpu.region"() ({
        %run_scoped3A = tpu.sem_alloc : memref<!tpu.dma_semaphore, #tpu.memory_space<semaphore_mem>>
        %dma_start3A_16 = arith.constant 0 : i32
        %dma_start3A_17 = tpu.memref_slice %arg4[%add3A_11, %dma_start3A_16] : memref<331776x128xf32, #tpu.memory_space<hbm>> -> memref<128x128xf32, #tpu.memory_space<hbm>>
        %dma_start3A_18 = arith.constant 0 : i32
        %dma_start3A_19 = tpu.memref_slice %arg4[%add3A_11, %dma_start3A_18] : memref<331776x128xf32, #tpu.memory_space<hbm>> -> memref<128x128xf32, #tpu.memory_space<hbm>>
        tpu.enqueue_dma source(%arg6 : memref<128x128xf32, #tpu.memory_space<vmem>>) target(%dma_start3A_19 : memref<128x128xf32, #tpu.memory_space<hbm>>) target_semaphore(%run_scoped3A : memref<!tpu.dma_semaphore, #tpu.memory_space<semaphore_mem>>)
        %dma_wait3A_20 = arith.constant 0 : i32
        %dma_wait3A_21 = tpu.memref_slice %arg4[%add3A_11, %dma_wait3A_20] : memref<331776x128xf32, #tpu.memory_space<hbm>> -> memref<128x128xf32, #tpu.memory_space<hbm>>
        %dma_wait3A_22 = arith.constant 0 : i32
        %dma_wait3A_23 = tpu.memref_slice %arg4[%add3A_11, %dma_wait3A_22] : memref<331776x128xf32, #tpu.memory_space<hbm>> -> memref<128x128xf32, #tpu.memory_space<hbm>>
        tpu.wait_dma2 semaphore(%run_scoped3A : memref<!tpu.dma_semaphore, #tpu.memory_space<semaphore_mem>>) src(%arg6 : memref<128x128xf32, #tpu.memory_space<vmem>>) dst(%dma_wait3A_23 : memref<128x128xf32, #tpu.memory_space<hbm>>)
        tpu.yield
      }) : () -> ()
    }
    %scan3A_5 = arith.constant 81 : i32
    return
  }
}

#map = affine_map<(d0, d1) -> (0, 0)>
#map1 = affine_map<(d0, d1) -> (0)>
#map2 = affine_map<(d0, d1) -> (0, 0, 0)>
module attributes {stable_mosaic.version = 14 : i64} {
  func.func @k(%arg0: i32, %arg1: i32, %arg2: memref<331776x128xf32, #tpu.memory_space<hbm>>, %arg3: memref<331776xi32, #tpu.memory_space<hbm>>, %arg4: memref<10000x128xf32, #tpu.memory_space<hbm>>, %arg5: memref<2x10000x128xf32, #tpu.memory_space<hbm>>, %arg6: memref<128xi32, #tpu.memory_space<vmem>>, %arg7: memref<128x128xf32, #tpu.memory_space<vmem>>, %arg8: memref<10000x128xf32, #tpu.memory_space<vmem_shared>>) attributes {dimension_semantics = [#tpu.dimension_semantics<core_parallel>, #tpu.dimension_semantics<subcore_parallel>], iteration_bounds = array<i64: 2, 16>, scalar_prefetch = 0 : i64, scratch_operands = 3 : i64, tpu.core_type = #tpu.core_type<sc_vector_subcore>, window_params = [{transform_indices = #map}, {transform_indices = #map1}, {transform_indices = #map}, {transform_indices = #map2}]} {
    %eq3A = arith.constant 0 : i32
    %eq3A_0 = arith.cmpi eq, %arg1, %eq3A : i32
    %convert_element_type3A = arith.extui %eq3A_0 : i1 to i32
    %cond3A = arith.constant 0 : i32
    %cond3A_1 = arith.cmpi ne, %convert_element_type3A, %cond3A : i32
    scf.if %cond3A_1 {
      "tpu.region"() ({
        %run_scoped3A = tpu.sem_alloc : memref<!tpu.dma_semaphore, #tpu.memory_space<semaphore_mem>>
        tpu.enqueue_dma source(%arg4 : memref<10000x128xf32, #tpu.memory_space<hbm>>) target(%arg8 : memref<10000x128xf32, #tpu.memory_space<vmem_shared>>) target_semaphore(%run_scoped3A : memref<!tpu.dma_semaphore, #tpu.memory_space<semaphore_mem>>)
        tpu.wait_dma2 semaphore(%run_scoped3A : memref<!tpu.dma_semaphore, #tpu.memory_space<semaphore_mem>>) src(%arg4 : memref<10000x128xf32, #tpu.memory_space<hbm>>) dst(%arg8 : memref<10000x128xf32, #tpu.memory_space<vmem_shared>>)
        tpu.yield
      }) : () -> ()
    } else {
    }
    %barrier3A = arith.constant 0 : index
    tpu.barrier barrier_id(%barrier3A)
    %scan3A = arith.constant 0 : i32
    %scan3A_2 = arith.constant 0 : i32
    %scan3A_3 = arith.constant 81 : i32
    %scan3A_4 = arith.addi %scan3A_2, %scan3A_3 : i32
    %scan3A_5 = arith.constant 1 : i32
    scf.for %scan3A_13 = %scan3A_2 to %scan3A_4 step %scan3A_5  : i32 {
      %mul3A = arith.constant 2 : i32
      %mul3A_14 = arith.muli %arg1, %mul3A : i32
      %add3A = arith.addi %mul3A_14, %arg0 : i32
      %mul3A_15 = arith.constant 10368 : i32
      %mul3A_16 = arith.muli %add3A, %mul3A_15 : i32
      %mul3A_17 = arith.constant 128 : i32
      %mul3A_18 = arith.muli %scan3A_13, %mul3A_17 : i32
      %add3A_19 = arith.addi %mul3A_16, %mul3A_18 : i32
      "tpu.region"() ({
        %run_scoped3A = tpu.sem_alloc : memref<!tpu.dma_semaphore, #tpu.memory_space<semaphore_mem>>
        %dma_start3A = tpu.memref_slice %arg3[%add3A_19] : memref<331776xi32, #tpu.memory_space<hbm>> -> memref<128xi32, #tpu.memory_space<hbm>>
        %dma_start3A_20 = tpu.memref_slice %arg3[%add3A_19] : memref<331776xi32, #tpu.memory_space<hbm>> -> memref<128xi32, #tpu.memory_space<hbm>>
        tpu.enqueue_dma source(%dma_start3A_20 : memref<128xi32, #tpu.memory_space<hbm>>) target(%arg6 : memref<128xi32, #tpu.memory_space<vmem>>) target_semaphore(%run_scoped3A : memref<!tpu.dma_semaphore, #tpu.memory_space<semaphore_mem>>)
        %dma_wait3A = tpu.memref_slice %arg3[%add3A_19] : memref<331776xi32, #tpu.memory_space<hbm>> -> memref<128xi32, #tpu.memory_space<hbm>>
        %dma_wait3A_21 = tpu.memref_slice %arg3[%add3A_19] : memref<331776xi32, #tpu.memory_space<hbm>> -> memref<128xi32, #tpu.memory_space<hbm>>
        tpu.wait_dma2 semaphore(%run_scoped3A : memref<!tpu.dma_semaphore, #tpu.memory_space<semaphore_mem>>) src(%dma_wait3A_21 : memref<128xi32, #tpu.memory_space<hbm>>) dst(%arg6 : memref<128xi32, #tpu.memory_space<vmem>>)
        tpu.yield
      }) : () -> ()
      "tpu.region"() ({
        %run_scoped3A = tpu.sem_alloc : memref<!tpu.dma_semaphore, #tpu.memory_space<semaphore_mem>>
        %dma_start3A = arith.constant 0 : i32
        %dma_start3A_20 = tpu.memref_slice %arg2[%add3A_19, %dma_start3A] : memref<331776x128xf32, #tpu.memory_space<hbm>> -> memref<128x128xf32, #tpu.memory_space<hbm>>
        %dma_start3A_21 = arith.constant 0 : i32
        %dma_start3A_22 = tpu.memref_slice %arg2[%add3A_19, %dma_start3A_21] : memref<331776x128xf32, #tpu.memory_space<hbm>> -> memref<128x128xf32, #tpu.memory_space<hbm>>
        tpu.enqueue_dma source(%dma_start3A_22 : memref<128x128xf32, #tpu.memory_space<hbm>>) target(%arg7 : memref<128x128xf32, #tpu.memory_space<vmem>>) target_semaphore(%run_scoped3A : memref<!tpu.dma_semaphore, #tpu.memory_space<semaphore_mem>>)
        %dma_wait3A = arith.constant 0 : i32
        %dma_wait3A_23 = tpu.memref_slice %arg2[%add3A_19, %dma_wait3A] : memref<331776x128xf32, #tpu.memory_space<hbm>> -> memref<128x128xf32, #tpu.memory_space<hbm>>
        %dma_wait3A_24 = arith.constant 0 : i32
        %dma_wait3A_25 = tpu.memref_slice %arg2[%add3A_19, %dma_wait3A_24] : memref<331776x128xf32, #tpu.memory_space<hbm>> -> memref<128x128xf32, #tpu.memory_space<hbm>>
        tpu.wait_dma2 semaphore(%run_scoped3A : memref<!tpu.dma_semaphore, #tpu.memory_space<semaphore_mem>>) src(%dma_wait3A_25 : memref<128x128xf32, #tpu.memory_space<hbm>>) dst(%arg7 : memref<128x128xf32, #tpu.memory_space<vmem>>)
        tpu.yield
      }) : () -> ()
      "tpu.region"() ({
        %run_scoped3A = tpu.sem_alloc : memref<!tpu.dma_semaphore, #tpu.memory_space<semaphore_mem>>
        %dma_start3A = arith.constant 0 : i32
        %dma_start3A_20 = arith.constant 0 : i32
        %dma_start3A_21 = tpu.memref_slice %arg8[%dma_start3A, %dma_start3A_20] : memref<10000x128xf32, #tpu.memory_space<vmem_shared>> -> memref<10000x128xf32, #tpu.memory_space<vmem_shared>>
        tpu.enqueue_indirect_dma source(%arg7 : memref<128x128xf32, #tpu.memory_space<vmem>>) target(%dma_start3A_21 : memref<10000x128xf32, #tpu.memory_space<vmem_shared>>) offsets(%arg6 : memref<128xi32, #tpu.memory_space<vmem>>) semaphore(%run_scoped3A : memref<!tpu.dma_semaphore, #tpu.memory_space<semaphore_mem>>) {add = true}
        %dma_wait3A = arith.constant 0 : i32
        %dma_wait3A_22 = arith.constant 0 : i32
        %dma_wait3A_23 = tpu.memref_slice %arg8[%dma_wait3A, %dma_wait3A_22] : memref<10000x128xf32, #tpu.memory_space<vmem_shared>> -> memref<10000x128xf32, #tpu.memory_space<vmem_shared>>
        tpu.wait_indirect_dma semaphore(%run_scoped3A : memref<!tpu.dma_semaphore, #tpu.memory_space<semaphore_mem>>) src(%arg7 : memref<128x128xf32, #tpu.memory_space<vmem>>) dst(%dma_wait3A_23 : memref<10000x128xf32, #tpu.memory_space<vmem_shared>>)
        tpu.yield
      }) : () -> ()
    }
    %scan3A_6 = arith.constant 81 : i32
    %barrier3A_7 = arith.constant 0 : index
    tpu.barrier barrier_id(%barrier3A_7)
    %eq3A_8 = arith.constant 0 : i32
    %eq3A_9 = arith.cmpi eq, %arg1, %eq3A_8 : i32
    %convert_element_type3A_10 = arith.extui %eq3A_9 : i1 to i32
    %cond3A_11 = arith.constant 0 : i32
    %cond3A_12 = arith.cmpi ne, %convert_element_type3A_10, %cond3A_11 : i32
    scf.if %cond3A_12 {
      "tpu.region"() ({
        %run_scoped3A = tpu.sem_alloc : memref<!tpu.dma_semaphore, #tpu.memory_space<semaphore_mem>>
        %dma_start3A = arith.constant 0 : i32
        %dma_start3A_13 = arith.constant 0 : i32
        %dma_start3A_14 = tpu.memref_slice %arg5[%arg0, %dma_start3A, %dma_start3A_13] : memref<2x10000x128xf32, #tpu.memory_space<hbm>> -> memref<1x10000x128xf32, #tpu.memory_space<hbm>>
        %dma_start3A_15 = tpu.memref_squeeze %dma_start3A_14 : memref<1x10000x128xf32, #tpu.memory_space<hbm>> -> memref<10000x128xf32, #tpu.memory_space<hbm>>
        tpu.enqueue_dma source(%arg8 : memref<10000x128xf32, #tpu.memory_space<vmem_shared>>) target(%dma_start3A_15 : memref<10000x128xf32, #tpu.memory_space<hbm>>) target_semaphore(%run_scoped3A : memref<!tpu.dma_semaphore, #tpu.memory_space<semaphore_mem>>)
        %dma_wait3A = arith.constant 0 : i32
        %dma_wait3A_16 = arith.constant 0 : i32
        %dma_wait3A_17 = tpu.memref_slice %arg5[%arg0, %dma_wait3A, %dma_wait3A_16] : memref<2x10000x128xf32, #tpu.memory_space<hbm>> -> memref<1x10000x128xf32, #tpu.memory_space<hbm>>
        %dma_wait3A_18 = tpu.memref_squeeze %dma_wait3A_17 : memref<1x10000x128xf32, #tpu.memory_space<hbm>> -> memref<10000x128xf32, #tpu.memory_space<hbm>>
        tpu.wait_dma2 semaphore(%run_scoped3A : memref<!tpu.dma_semaphore, #tpu.memory_space<semaphore_mem>>) src(%arg8 : memref<10000x128xf32, #tpu.memory_space<vmem_shared>>) dst(%dma_wait3A_18 : memref<10000x128xf32, #tpu.memory_space<hbm>>)
        tpu.yield
      }) : () -> ()
    } else {
    }
    return
  }
}

#map = affine_map<(d0, d1) -> (0, 0)>
#map1 = affine_map<(d0, d1) -> (0)>
module attributes {stable_mosaic.version = 14 : i64} {
  func.func @k(%arg0: i32, %arg1: i32, %arg2: memref<10000x128xf32, #tpu.memory_space<hbm>>, %arg3: memref<331776xi32, #tpu.memory_space<hbm>>, %arg4: memref<331776x128xf32, #tpu.memory_space<hbm>>, %arg5: memref<128xi32, #tpu.memory_space<vmem>>, %arg6: memref<128x128xf32, #tpu.memory_space<vmem>>, %arg7: memref<!tpu.dma_semaphore, #tpu.memory_space<semaphore_mem>>) attributes {dimension_semantics = [#tpu.dimension_semantics<core_parallel>, #tpu.dimension_semantics<subcore_parallel>], iteration_bounds = array<i64: 2, 16>, scalar_prefetch = 0 : i64, scratch_operands = 3 : i64, tpu.core_type = #tpu.core_type<sc_vector_subcore>, window_params = [{transform_indices = #map}, {transform_indices = #map1}, {transform_indices = #map}]} {
    %mul3A = arith.constant 2 : i32
    %mul3A_0 = arith.muli %arg1, %mul3A : i32
    %add3A = arith.addi %mul3A_0, %arg0 : i32
    %scan3A = arith.constant 0 : i32
    %scan3A_1 = arith.constant 0 : i32
    %scan3A_2 = arith.constant 81 : i32
    %scan3A_3 = arith.addi %scan3A_1, %scan3A_2 : i32
    %scan3A_4 = arith.constant 1 : i32
    scf.for %scan3A_6 = %scan3A_1 to %scan3A_3 step %scan3A_4  : i32 {
      %mul3A_7 = arith.constant 10368 : i32
      %mul3A_8 = arith.muli %add3A, %mul3A_7 : i32
      %mul3A_9 = arith.constant 128 : i32
      %mul3A_10 = arith.muli %scan3A_6, %mul3A_9 : i32
      %add3A_11 = arith.addi %mul3A_8, %mul3A_10 : i32
      "tpu.region"() ({
        %run_scoped3A = tpu.sem_alloc : memref<!tpu.dma_semaphore, #tpu.memory_space<semaphore_mem>>
        %dma_start3A_16 = tpu.memref_slice %arg3[%add3A_11] : memref<331776xi32, #tpu.memory_space<hbm>> -> memref<128xi32, #tpu.memory_space<hbm>>
        %dma_start3A_17 = tpu.memref_slice %arg3[%add3A_11] : memref<331776xi32, #tpu.memory_space<hbm>> -> memref<128xi32, #tpu.memory_space<hbm>>
        tpu.enqueue_dma source(%dma_start3A_17 : memref<128xi32, #tpu.memory_space<hbm>>) target(%arg5 : memref<128xi32, #tpu.memory_space<vmem>>) target_semaphore(%run_scoped3A : memref<!tpu.dma_semaphore, #tpu.memory_space<semaphore_mem>>)
        %dma_wait3A_18 = tpu.memref_slice %arg3[%add3A_11] : memref<331776xi32, #tpu.memory_space<hbm>> -> memref<128xi32, #tpu.memory_space<hbm>>
        %dma_wait3A_19 = tpu.memref_slice %arg3[%add3A_11] : memref<331776xi32, #tpu.memory_space<hbm>> -> memref<128xi32, #tpu.memory_space<hbm>>
        tpu.wait_dma2 semaphore(%run_scoped3A : memref<!tpu.dma_semaphore, #tpu.memory_space<semaphore_mem>>) src(%dma_wait3A_19 : memref<128xi32, #tpu.memory_space<hbm>>) dst(%arg5 : memref<128xi32, #tpu.memory_space<vmem>>)
        tpu.yield
      }) : () -> ()
      %dma_start3A = arith.constant 0 : i32
      %dma_start3A_12 = arith.constant 0 : i32
      %dma_start3A_13 = tpu.memref_slice %arg2[%dma_start3A, %dma_start3A_12] : memref<10000x128xf32, #tpu.memory_space<hbm>> -> memref<10000x128xf32, #tpu.memory_space<hbm>>
      tpu.enqueue_indirect_dma source(%dma_start3A_13 : memref<10000x128xf32, #tpu.memory_space<hbm>>) target(%arg6 : memref<128x128xf32, #tpu.memory_space<vmem>>) offsets(%arg5 : memref<128xi32, #tpu.memory_space<vmem>>) semaphore(%arg7 : memref<!tpu.dma_semaphore, #tpu.memory_space<semaphore_mem>>)
      %dma_wait3A = arith.constant 0 : i32
      %dma_wait3A_14 = arith.constant 0 : i32
      %dma_wait3A_15 = tpu.memref_slice %arg2[%dma_wait3A, %dma_wait3A_14] : memref<10000x128xf32, #tpu.memory_space<hbm>> -> memref<10000x128xf32, #tpu.memory_space<hbm>>
      tpu.wait_indirect_dma semaphore(%arg7 : memref<!tpu.dma_semaphore, #tpu.memory_space<semaphore_mem>>) src(%dma_wait3A_15 : memref<10000x128xf32, #tpu.memory_space<hbm>>) dst(%arg6 : memref<128x128xf32, #tpu.memory_space<vmem>>)
      "tpu.region"() ({
        %run_scoped3A = tpu.sem_alloc : memref<!tpu.dma_semaphore, #tpu.memory_space<semaphore_mem>>
        %dma_start3A_16 = arith.constant 0 : i32
        %dma_start3A_17 = tpu.memref_slice %arg4[%add3A_11, %dma_start3A_16] : memref<331776x128xf32, #tpu.memory_space<hbm>> -> memref<128x128xf32, #tpu.memory_space<hbm>>
        %dma_start3A_18 = arith.constant 0 : i32
        %dma_start3A_19 = tpu.memref_slice %arg4[%add3A_11, %dma_start3A_18] : memref<331776x128xf32, #tpu.memory_space<hbm>> -> memref<128x128xf32, #tpu.memory_space<hbm>>
        tpu.enqueue_dma source(%arg6 : memref<128x128xf32, #tpu.memory_space<vmem>>) target(%dma_start3A_19 : memref<128x128xf32, #tpu.memory_space<hbm>>) target_semaphore(%run_scoped3A : memref<!tpu.dma_semaphore, #tpu.memory_space<semaphore_mem>>)
        %dma_wait3A_20 = arith.constant 0 : i32
        %dma_wait3A_21 = tpu.memref_slice %arg4[%add3A_11, %dma_wait3A_20] : memref<331776x128xf32, #tpu.memory_space<hbm>> -> memref<128x128xf32, #tpu.memory_space<hbm>>
        %dma_wait3A_22 = arith.constant 0 : i32
        %dma_wait3A_23 = tpu.memref_slice %arg4[%add3A_11, %dma_wait3A_22] : memref<331776x128xf32, #tpu.memory_space<hbm>> -> memref<128x128xf32, #tpu.memory_space<hbm>>
        tpu.wait_dma2 semaphore(%run_scoped3A : memref<!tpu.dma_semaphore, #tpu.memory_space<semaphore_mem>>) src(%arg6 : memref<128x128xf32, #tpu.memory_space<vmem>>) dst(%dma_wait3A_23 : memref<128x128xf32, #tpu.memory_space<hbm>>)
        tpu.yield
      }) : () -> ()
    }
    %scan3A_5 = arith.constant 81 : i32
    return
  }
}

#map = affine_map<(d0, d1) -> (0, 0)>
#map1 = affine_map<(d0, d1) -> (0)>
#map2 = affine_map<(d0, d1) -> (0, 0, 0)>
module attributes {stable_mosaic.version = 14 : i64} {
  func.func @k(%arg0: i32, %arg1: i32, %arg2: memref<331776x128xf32, #tpu.memory_space<hbm>>, %arg3: memref<331776xi32, #tpu.memory_space<hbm>>, %arg4: memref<10000x128xf32, #tpu.memory_space<hbm>>, %arg5: memref<2x10000x128xf32, #tpu.memory_space<hbm>>, %arg6: memref<128xi32, #tpu.memory_space<vmem>>, %arg7: memref<128x128xf32, #tpu.memory_space<vmem>>, %arg8: memref<10000x128xf32, #tpu.memory_space<vmem_shared>>) attributes {dimension_semantics = [#tpu.dimension_semantics<core_parallel>, #tpu.dimension_semantics<subcore_parallel>], iteration_bounds = array<i64: 2, 16>, scalar_prefetch = 0 : i64, scratch_operands = 3 : i64, tpu.core_type = #tpu.core_type<sc_vector_subcore>, window_params = [{transform_indices = #map}, {transform_indices = #map1}, {transform_indices = #map}, {transform_indices = #map2}]} {
    %eq3A = arith.constant 0 : i32
    %eq3A_0 = arith.cmpi eq, %arg1, %eq3A : i32
    %convert_element_type3A = arith.extui %eq3A_0 : i1 to i32
    %cond3A = arith.constant 0 : i32
    %cond3A_1 = arith.cmpi ne, %convert_element_type3A, %cond3A : i32
    scf.if %cond3A_1 {
      "tpu.region"() ({
        %run_scoped3A = tpu.sem_alloc : memref<!tpu.dma_semaphore, #tpu.memory_space<semaphore_mem>>
        tpu.enqueue_dma source(%arg4 : memref<10000x128xf32, #tpu.memory_space<hbm>>) target(%arg8 : memref<10000x128xf32, #tpu.memory_space<vmem_shared>>) target_semaphore(%run_scoped3A : memref<!tpu.dma_semaphore, #tpu.memory_space<semaphore_mem>>)
        tpu.wait_dma2 semaphore(%run_scoped3A : memref<!tpu.dma_semaphore, #tpu.memory_space<semaphore_mem>>) src(%arg4 : memref<10000x128xf32, #tpu.memory_space<hbm>>) dst(%arg8 : memref<10000x128xf32, #tpu.memory_space<vmem_shared>>)
        tpu.yield
      }) : () -> ()
    } else {
    }
    %barrier3A = arith.constant 0 : index
    tpu.barrier barrier_id(%barrier3A)
    %scan3A = arith.constant 0 : i32
    %scan3A_2 = arith.constant 0 : i32
    %scan3A_3 = arith.constant 81 : i32
    %scan3A_4 = arith.addi %scan3A_2, %scan3A_3 : i32
    %scan3A_5 = arith.constant 1 : i32
    scf.for %scan3A_13 = %scan3A_2 to %scan3A_4 step %scan3A_5  : i32 {
      %mul3A = arith.constant 2 : i32
      %mul3A_14 = arith.muli %arg1, %mul3A : i32
      %add3A = arith.addi %mul3A_14, %arg0 : i32
      %mul3A_15 = arith.constant 10368 : i32
      %mul3A_16 = arith.muli %add3A, %mul3A_15 : i32
      %mul3A_17 = arith.constant 128 : i32
      %mul3A_18 = arith.muli %scan3A_13, %mul3A_17 : i32
      %add3A_19 = arith.addi %mul3A_16, %mul3A_18 : i32
      "tpu.region"() ({
        %run_scoped3A = tpu.sem_alloc : memref<!tpu.dma_semaphore, #tpu.memory_space<semaphore_mem>>
        %dma_start3A = tpu.memref_slice %arg3[%add3A_19] : memref<331776xi32, #tpu.memory_space<hbm>> -> memref<128xi32, #tpu.memory_space<hbm>>
        %dma_start3A_20 = tpu.memref_slice %arg3[%add3A_19] : memref<331776xi32, #tpu.memory_space<hbm>> -> memref<128xi32, #tpu.memory_space<hbm>>
        tpu.enqueue_dma source(%dma_start3A_20 : memref<128xi32, #tpu.memory_space<hbm>>) target(%arg6 : memref<128xi32, #tpu.memory_space<vmem>>) target_semaphore(%run_scoped3A : memref<!tpu.dma_semaphore, #tpu.memory_space<semaphore_mem>>)
        %dma_wait3A = tpu.memref_slice %arg3[%add3A_19] : memref<331776xi32, #tpu.memory_space<hbm>> -> memref<128xi32, #tpu.memory_space<hbm>>
        %dma_wait3A_21 = tpu.memref_slice %arg3[%add3A_19] : memref<331776xi32, #tpu.memory_space<hbm>> -> memref<128xi32, #tpu.memory_space<hbm>>
        tpu.wait_dma2 semaphore(%run_scoped3A : memref<!tpu.dma_semaphore, #tpu.memory_space<semaphore_mem>>) src(%dma_wait3A_21 : memref<128xi32, #tpu.memory_space<hbm>>) dst(%arg6 : memref<128xi32, #tpu.memory_space<vmem>>)
        tpu.yield
      }) : () -> ()
      "tpu.region"() ({
        %run_scoped3A = tpu.sem_alloc : memref<!tpu.dma_semaphore, #tpu.memory_space<semaphore_mem>>
        %dma_start3A = arith.constant 0 : i32
        %dma_start3A_20 = tpu.memref_slice %arg2[%add3A_19, %dma_start3A] : memref<331776x128xf32, #tpu.memory_space<hbm>> -> memref<128x128xf32, #tpu.memory_space<hbm>>
        %dma_start3A_21 = arith.constant 0 : i32
        %dma_start3A_22 = tpu.memref_slice %arg2[%add3A_19, %dma_start3A_21] : memref<331776x128xf32, #tpu.memory_space<hbm>> -> memref<128x128xf32, #tpu.memory_space<hbm>>
        tpu.enqueue_dma source(%dma_start3A_22 : memref<128x128xf32, #tpu.memory_space<hbm>>) target(%arg7 : memref<128x128xf32, #tpu.memory_space<vmem>>) target_semaphore(%run_scoped3A : memref<!tpu.dma_semaphore, #tpu.memory_space<semaphore_mem>>)
        %dma_wait3A = arith.constant 0 : i32
        %dma_wait3A_23 = tpu.memref_slice %arg2[%add3A_19, %dma_wait3A] : memref<331776x128xf32, #tpu.memory_space<hbm>> -> memref<128x128xf32, #tpu.memory_space<hbm>>
        %dma_wait3A_24 = arith.constant 0 : i32
        %dma_wait3A_25 = tpu.memref_slice %arg2[%add3A_19, %dma_wait3A_24] : memref<331776x128xf32, #tpu.memory_space<hbm>> -> memref<128x128xf32, #tpu.memory_space<hbm>>
        tpu.wait_dma2 semaphore(%run_scoped3A : memref<!tpu.dma_semaphore, #tpu.memory_space<semaphore_mem>>) src(%dma_wait3A_25 : memref<128x128xf32, #tpu.memory_space<hbm>>) dst(%arg7 : memref<128x128xf32, #tpu.memory_space<vmem>>)
        tpu.yield
      }) : () -> ()
      "tpu.region"() ({
        %run_scoped3A = tpu.sem_alloc : memref<!tpu.dma_semaphore, #tpu.memory_space<semaphore_mem>>
        %dma_start3A = arith.constant 0 : i32
        %dma_start3A_20 = arith.constant 0 : i32
        %dma_start3A_21 = tpu.memref_slice %arg8[%dma_start3A, %dma_start3A_20] : memref<10000x128xf32, #tpu.memory_space<vmem_shared>> -> memref<10000x128xf32, #tpu.memory_space<vmem_shared>>
        tpu.enqueue_indirect_dma source(%arg7 : memref<128x128xf32, #tpu.memory_space<vmem>>) target(%dma_start3A_21 : memref<10000x128xf32, #tpu.memory_space<vmem_shared>>) offsets(%arg6 : memref<128xi32, #tpu.memory_space<vmem>>) semaphore(%run_scoped3A : memref<!tpu.dma_semaphore, #tpu.memory_space<semaphore_mem>>) {add = true}
        %dma_wait3A = arith.constant 0 : i32
        %dma_wait3A_22 = arith.constant 0 : i32
        %dma_wait3A_23 = tpu.memref_slice %arg8[%dma_wait3A, %dma_wait3A_22] : memref<10000x128xf32, #tpu.memory_space<vmem_shared>> -> memref<10000x128xf32, #tpu.memory_space<vmem_shared>>
        tpu.wait_indirect_dma semaphore(%run_scoped3A : memref<!tpu.dma_semaphore, #tpu.memory_space<semaphore_mem>>) src(%arg7 : memref<128x128xf32, #tpu.memory_space<vmem>>) dst(%dma_wait3A_23 : memref<10000x128xf32, #tpu.memory_space<vmem_shared>>)
        tpu.yield
      }) : () -> ()
    }
    %scan3A_6 = arith.constant 81 : i32
    %barrier3A_7 = arith.constant 0 : index
    tpu.barrier barrier_id(%barrier3A_7)
    %eq3A_8 = arith.constant 0 : i32
    %eq3A_9 = arith.cmpi eq, %arg1, %eq3A_8 : i32
    %convert_element_type3A_10 = arith.extui %eq3A_9 : i1 to i32
    %cond3A_11 = arith.constant 0 : i32
    %cond3A_12 = arith.cmpi ne, %convert_element_type3A_10, %cond3A_11 : i32
    scf.if %cond3A_12 {
      "tpu.region"() ({
        %run_scoped3A = tpu.sem_alloc : memref<!tpu.dma_semaphore, #tpu.memory_space<semaphore_mem>>
        %dma_start3A = arith.constant 0 : i32
        %dma_start3A_13 = arith.constant 0 : i32
        %dma_start3A_14 = tpu.memref_slice %arg5[%arg0, %dma_start3A, %dma_start3A_13] : memref<2x10000x128xf32, #tpu.memory_space<hbm>> -> memref<1x10000x128xf32, #tpu.memory_space<hbm>>
        %dma_start3A_15 = tpu.memref_squeeze %dma_start3A_14 : memref<1x10000x128xf32, #tpu.memory_space<hbm>> -> memref<10000x128xf32, #tpu.memory_space<hbm>>
        tpu.enqueue_dma source(%arg8 : memref<10000x128xf32, #tpu.memory_space<vmem_shared>>) target(%dma_start3A_15 : memref<10000x128xf32, #tpu.memory_space<hbm>>) target_semaphore(%run_scoped3A : memref<!tpu.dma_semaphore, #tpu.memory_space<semaphore_mem>>)
        %dma_wait3A = arith.constant 0 : i32
        %dma_wait3A_16 = arith.constant 0 : i32
        %dma_wait3A_17 = tpu.memref_slice %arg5[%arg0, %dma_wait3A, %dma_wait3A_16] : memref<2x10000x128xf32, #tpu.memory_space<hbm>> -> memref<1x10000x128xf32, #tpu.memory_space<hbm>>
        %dma_wait3A_18 = tpu.memref_squeeze %dma_wait3A_17 : memref<1x10000x128xf32, #tpu.memory_space<hbm>> -> memref<10000x128xf32, #tpu.memory_space<hbm>>
        tpu.wait_dma2 semaphore(%run_scoped3A : memref<!tpu.dma_semaphore, #tpu.memory_space<semaphore_mem>>) src(%arg8 : memref<10000x128xf32, #tpu.memory_space<vmem_shared>>) dst(%dma_wait3A_18 : memref<10000x128xf32, #tpu.memory_space<hbm>>)
        tpu.yield
      }) : () -> ()
    } else {
    }
    return
  }
}

module attributes {stable_mosaic.version = 14 : i64} {
  func.func @_tc1_body(%arg0: i32, %arg1: memref<2000x128xf32, #tpu.memory_space<vmem>>, %arg2: memref<128x512xf32, #tpu.memory_space<vmem>>, %arg3: memref<8x64xf32, #tpu.memory_space<vmem>>, %arg4: memref<8x64xf32, #tpu.memory_space<vmem>>, %arg5: memref<2000x512xf32, #tpu.memory_space<vmem>>, %arg6: memref<2000x128xf32, #tpu.memory_space<vmem>>) attributes {dimension_semantics = [#tpu.dimension_semantics<arbitrary>], iteration_bounds = array<i64: 5>, scalar_prefetch = 0 : i64, scratch_operands = 0 : i64, tpu.core_type = #tpu.core_type<tc>, window_params = [{transform_indices = @transform_0, window_bounds = array<i64: 2000, 128>}, {pipeline_mode = #tpu.pipeline_mode<synchronous>, transform_indices = @transform_1, window_bounds = array<i64: 128, 512>}, {pipeline_mode = #tpu.pipeline_mode<synchronous>, transform_indices = @transform_2, window_bounds = array<i64: 8, 64>}, {pipeline_mode = #tpu.pipeline_mode<synchronous>, transform_indices = @transform_3, window_bounds = array<i64: 8, 64>}, {transform_indices = @transform_4, window_bounds = array<i64: 2000, 512>}, {transform_indices = @transform_5, window_bounds = array<i64: 2000, 128>}]} {
    %get3A = arith.constant 0 : index
    %get3A_0 = arith.constant 0 : index
    %get3A_1 = vector.load %arg1[%get3A, %get3A_0] : memref<2000x128xf32, #tpu.memory_space<vmem>>, vector<2000x128xf32>
    %get3A_2 = arith.constant 0 : index
    %get3A_3 = arith.constant 0 : index
    %get3A_4 = vector.load %arg2[%get3A_2, %get3A_3] : memref<128x512xf32, #tpu.memory_space<vmem>>, vector<128x512xf32>
    %dot_general3A = arith.constant dense<0.000000e+00> : vector<2000x512xf32>
    %dot_general3A_5 = tpu.matmul %get3A_1, %get3A_4, %dot_general3A {dimension_numbers = #tpu.dot_dimension_numbers<[1], [0], [0], [1], [0, 0, 1, 1], [], []>, precision = #tpu.contract_precision<fp32>, transpose_lhs_hint = false} : vector<2000x128xf32>, vector<128x512xf32>, vector<2000x512xf32> -> vector<2000x512xf32>
    %swap3A = arith.constant 0 : index
    %swap3A_6 = arith.constant 0 : index
    %swap3A_7 = vector.load %arg5[%swap3A, %swap3A_6] : memref<2000x512xf32, #tpu.memory_space<vmem>>, vector<2000x512xf32>
    tpu.vector_store %arg5[%swap3A, %swap3A_6], %dot_general3A_5 {strides = array<i32>} : memref<2000x512xf32, #tpu.memory_space<vmem>>, vector<2000x512xf32>,
    %reshape3A = vector.shape_cast %dot_general3A_5 : vector<2000x512xf32> to vector<2000x8x64xf32>
    %get3A_8 = arith.constant 0 : index
    %get3A_9 = arith.constant 0 : index
    %get3A_10 = vector.load %arg3[%get3A_8, %get3A_9] : memref<8x64xf32, #tpu.memory_space<vmem>>, vector<8x64xf32>
    %broadcast_in_dim3A = vector.shape_cast %get3A_10 : vector<8x64xf32> to vector<1x8x64xf32>
    %mul3A = vector.broadcast %broadcast_in_dim3A : vector<1x8x64xf32> to vector<2000x8x64xf32>
    %mul3A_11 = arith.mulf %reshape3A, %mul3A : vector<2000x8x64xf32>
    %reduce_sum3A = arith.constant dense<0.000000e+00> : vector<2000x8xf32>
    %reduce_sum3A_12 = vector.multi_reduction <add>, %mul3A_11, %reduce_sum3A [2] : vector<2000x8x64xf32> to vector<2000x8xf32>
    %get3A_13 = arith.constant 0 : index
    %get3A_14 = arith.constant 0 : index
    %get3A_15 = vector.load %arg4[%get3A_13, %get3A_14] : memref<8x64xf32, #tpu.memory_space<vmem>>, vector<8x64xf32>
    %broadcast_in_dim3A_16 = vector.shape_cast %get3A_15 : vector<8x64xf32> to vector<1x8x64xf32>
    %mul3A_17 = vector.broadcast %broadcast_in_dim3A_16 : vector<1x8x64xf32> to vector<2000x8x64xf32>
    %mul3A_18 = arith.mulf %reshape3A, %mul3A_17 : vector<2000x8x64xf32>
    %reduce_sum3A_19 = arith.constant dense<0.000000e+00> : vector<2000x8xf32>
    %reduce_sum3A_20 = vector.multi_reduction <add>, %mul3A_18, %reduce_sum3A_19 [2] : vector<2000x8x64xf32> to vector<2000x8xf32>
    %broadcast_in_dim3A_21 = arith.constant 0.000000e+00 : f32
    %broadcast_in_dim3A_22 = vector.broadcast %broadcast_in_dim3A_21 : f32 to vector<2000x112xf32>
    %concatenate3A = tpu.concatenate %reduce_sum3A_12, %reduce_sum3A_20, %broadcast_in_dim3A_22 in 1 : vector<2000x8xf32>, vector<2000x8xf32>, vector<2000x112xf32> -> vector<2000x128xf32>
    %swap3A_23 = arith.constant 0 : index
    %swap3A_24 = arith.constant 0 : index
    %swap3A_25 = vector.load %arg6[%swap3A_23, %swap3A_24] : memref<2000x128xf32, #tpu.memory_space<vmem>>, vector<2000x128xf32>
    tpu.vector_store %arg6[%swap3A_23, %swap3A_24], %concatenate3A {strides = array<i32>} : memref<2000x128xf32, #tpu.memory_space<vmem>>, vector<2000x128xf32>,
    return
  }
  func.func @transform_0(%arg0: i32) -> (i32, i32) {
    %c0_i32 = arith.constant 0 : i32
    %c0_i32_0 = arith.constant 0 : i32
    return %arg0, %c0_i32 : i32, i32
  }
  func.func @transform_1(%arg0: i32) -> (i32, i32) {
    %c0_i32 = arith.constant 0 : i32
    %c0_i32_0 = arith.constant 0 : i32
    %c0_i32_1 = arith.constant 0 : i32
    return %c0_i32, %c0_i32_0 : i32, i32
  }
  func.func @transform_2(%arg0: i32) -> (i32, i32) {
    %c0_i32 = arith.constant 0 : i32
    %c0_i32_0 = arith.constant 0 : i32
    %c0_i32_1 = arith.constant 0 : i32
    return %c0_i32, %c0_i32_0 : i32, i32
  }
  func.func @transform_3(%arg0: i32) -> (i32, i32) {
    %c0_i32 = arith.constant 0 : i32
    %c0_i32_0 = arith.constant 0 : i32
    %c0_i32_1 = arith.constant 0 : i32
    return %c0_i32, %c0_i32_0 : i32, i32
  }
  func.func @transform_4(%arg0: i32) -> (i32, i32) {
    %c0_i32 = arith.constant 0 : i32
    %c0_i32_0 = arith.constant 0 : i32
    return %arg0, %c0_i32 : i32, i32
  }
  func.func @transform_5(%arg0: i32) -> (i32, i32) {
    %c0_i32 = arith.constant 0 : i32
    %c0_i32_0 = arith.constant 0 : i32
    return %arg0, %c0_i32 : i32, i32
  }
}

module attributes {stable_mosaic.version = 14 : i64} {
  func.func @_tc2_body(%arg0: i32, %arg1: memref<2048x128xf32, #tpu.memory_space<vmem>>, %arg2: memref<2048x128xf32, #tpu.memory_space<vmem>>, %arg3: memref<2048x128xf32, #tpu.memory_space<vmem>>) attributes {dimension_semantics = [#tpu.dimension_semantics<arbitrary>], iteration_bounds = array<i64: 162>, scalar_prefetch = 0 : i64, scratch_operands = 0 : i64, tpu.core_type = #tpu.core_type<tc>, window_params = [{transform_indices = @transform_0, window_bounds = array<i64: 2048, 128>}, {transform_indices = @transform_1, window_bounds = array<i64: 2048, 128>}, {transform_indices = @transform_2, window_bounds = array<i64: 2048, 128>}]} {
    %mul3A = arith.constant 2048 : i32
    %mul3A_0 = arith.muli %arg0, %mul3A : i32
    %iota3A = tpu.iota {dimensions = array<i32: 0>} : vector<2048x1xi32>
    %add3A = vector.broadcast %mul3A_0 : i32 to vector<2048x1xi32>
    %add3A_1 = arith.addi %add3A, %iota3A : vector<2048x1xi32>
    %lt3A = arith.constant 330000 : i32
    %lt3A_2 = vector.broadcast %lt3A : i32 to vector<2048x1xi32>
    %lt3A_3 = arith.cmpi slt, %add3A_1, %lt3A_2 : vector<2048x1xi32>
    %convert_element_type3A = arith.extui %lt3A_3 : vector<2048x1xi1> to vector<2048x1xi32>
    %convert_element_type3A_4 = arith.sitofp %convert_element_type3A : vector<2048x1xi32> to vector<2048x1xf32>
    %get3A = arith.constant 0 : index
    %get3A_5 = arith.constant 0 : index
    %get3A_6 = vector.load %arg1[%get3A, %get3A_5] : memref<2048x128xf32, #tpu.memory_space<vmem>>, vector<2048x128xf32>
    %slice3A = vector.extract_strided_slice %get3A_6 {offsets = [0, 0], sizes = [2048, 8], strides = [1, 1]} : vector<2048x128xf32> to vector<2048x8xf32>
    %get3A_7 = arith.constant 0 : index
    %get3A_8 = arith.constant 0 : index
    %get3A_9 = vector.load %arg2[%get3A_7, %get3A_8] : memref<2048x128xf32, #tpu.memory_space<vmem>>, vector<2048x128xf32>
    %slice3A_10 = vector.extract_strided_slice %get3A_9 {offsets = [0, 8], sizes = [2048, 8], strides = [1, 1]} : vector<2048x128xf32> to vector<2048x8xf32>
    %add3A_11 = arith.addf %slice3A, %slice3A_10 : vector<2048x8xf32>
    %ge3A = arith.constant 0.000000e+00 : f32
    %ge3A_12 = vector.broadcast %ge3A : f32 to vector<2048x8xf32>
    %ge3A_13 = arith.cmpf oge, %add3A_11, %ge3A_12 : vector<2048x8xf32>
    %mul3A_14 = arith.constant 2.000000e-01 : f32
    %mul3A_15 = vector.broadcast %mul3A_14 : f32 to vector<2048x8xf32>
    %mul3A_16 = arith.mulf %mul3A_15, %add3A_11 : vector<2048x8xf32>
    %select_n3A = arith.select %ge3A_13, %add3A_11, %mul3A_16 : vector<2048x8xi1>, vector<2048x8xf32>
    %exp3A = math.exp %select_n3A : vector<2048x8xf32>
    %mul3A_17 = vector.broadcast %convert_element_type3A_4 : vector<2048x1xf32> to vector<2048x8xf32>
    %mul3A_18 = arith.mulf %exp3A, %mul3A_17 : vector<2048x8xf32>
    %broadcast_in_dim3A = arith.constant 0.000000e+00 : f32
    %broadcast_in_dim3A_19 = vector.broadcast %broadcast_in_dim3A : f32 to vector<2048x119xf32>
    %concatenate3A = tpu.concatenate %mul3A_18, %convert_element_type3A_4, %broadcast_in_dim3A_19 in 1 : vector<2048x8xf32>, vector<2048x1xf32>, vector<2048x119xf32> -> vector<2048x128xf32>
    %swap3A = arith.constant 0 : index
    %swap3A_20 = arith.constant 0 : index
    %swap3A_21 = vector.load %arg3[%swap3A, %swap3A_20] : memref<2048x128xf32, #tpu.memory_space<vmem>>, vector<2048x128xf32>
    tpu.vector_store %arg3[%swap3A, %swap3A_20], %concatenate3A {strides = array<i32>} : memref<2048x128xf32, #tpu.memory_space<vmem>>, vector<2048x128xf32>,
    return
  }
  func.func @transform_0(%arg0: i32) -> (i32, i32) {
    %c0_i32 = arith.constant 0 : i32
    %c0_i32_0 = arith.constant 0 : i32
    return %arg0, %c0_i32 : i32, i32
  }
  func.func @transform_1(%arg0: i32) -> (i32, i32) {
    %c0_i32 = arith.constant 0 : i32
    %c0_i32_0 = arith.constant 0 : i32
    return %arg0, %c0_i32 : i32, i32
  }
  func.func @transform_2(%arg0: i32) -> (i32, i32) {
    %c0_i32 = arith.constant 0 : i32
    %c0_i32_0 = arith.constant 0 : i32
    return %arg0, %c0_i32 : i32, i32
  }
}

module attributes {stable_mosaic.version = 14 : i64} {
  func.func @_tc4_body(%arg0: i32, %arg1: memref<2x2000x128xf32, #tpu.memory_space<vmem>>, %arg2: memref<2000x128xf32, #tpu.memory_space<vmem>>) attributes {dimension_semantics = [#tpu.dimension_semantics<arbitrary>], iteration_bounds = array<i64: 5>, scalar_prefetch = 0 : i64, scratch_operands = 0 : i64, tpu.core_type = #tpu.core_type<tc>, window_params = [{transform_indices = @transform_0, window_bounds = array<i64: 2, 2000, 128>}, {transform_indices = @transform_1, window_bounds = array<i64: 2000, 128>}]} {
    %get3A = arith.constant 0 : index
    %get3A_0 = arith.constant 0 : index
    %get3A_1 = arith.constant 0 : index
    %get3A_2 = vector.load %arg1[%get3A, %get3A_0, %get3A_1] : memref<2x2000x128xf32, #tpu.memory_space<vmem>>, vector<2x2000x128xf32>
    %slice3A = vector.extract_strided_slice %get3A_2 {offsets = [0, 0, 0], sizes = [1, 2000, 128], strides = [1, 1, 1]} : vector<2x2000x128xf32> to vector<1x2000x128xf32>
    %squeeze3A = vector.shape_cast %slice3A : vector<1x2000x128xf32> to vector<2000x128xf32>
    %get3A_3 = arith.constant 0 : index
    %get3A_4 = arith.constant 0 : index
    %get3A_5 = arith.constant 0 : index
    %get3A_6 = vector.load %arg1[%get3A_3, %get3A_4, %get3A_5] : memref<2x2000x128xf32, #tpu.memory_space<vmem>>, vector<2x2000x128xf32>
    %slice3A_7 = vector.extract_strided_slice %get3A_6 {offsets = [1, 0, 0], sizes = [1, 2000, 128], strides = [1, 1, 1]} : vector<2x2000x128xf32> to vector<1x2000x128xf32>
    %squeeze3A_8 = vector.shape_cast %slice3A_7 : vector<1x2000x128xf32> to vector<2000x128xf32>
    %add3A = arith.addf %squeeze3A, %squeeze3A_8 : vector<2000x128xf32>
    %slice3A_9 = vector.extract_strided_slice %add3A {offsets = [0, 0], sizes = [2000, 8], strides = [1, 1]} : vector<2000x128xf32> to vector<2000x8xf32>
    %slice3A_10 = vector.extract_strided_slice %add3A {offsets = [0, 8], sizes = [2000, 1], strides = [1, 1]} : vector<2000x128xf32> to vector<2000x1xf32>
    %gt3A = arith.constant 0.000000e+00 : f32
    %gt3A_11 = vector.broadcast %gt3A : f32 to vector<2000x1xf32>
    %gt3A_12 = arith.cmpf ogt, %slice3A_10, %gt3A_11 : vector<2000x1xf32>
    %max3A = arith.constant 9.99999996E-13 : f32
    %max3A_13 = vector.broadcast %max3A : f32 to vector<2000x1xf32>
    %max3A_14 = arith.maximumf %slice3A_10, %max3A_13 : vector<2000x1xf32>
    %rsqrt3A = math.rsqrt %max3A_14 : vector<2000x1xf32>
    %jit3A = arith.constant 0.000000e+00 : f32
    %broadcast_in_dim3A = vector.broadcast %jit3A : f32 to vector<2000x1xf32>
    %select_n3A = arith.select %gt3A_12, %rsqrt3A, %broadcast_in_dim3A : vector<2000x1xi1>, vector<2000x1xf32>
    %broadcast_in_dim3A_15 = arith.constant 0.000000e+00 : f32
    %broadcast_in_dim3A_16 = vector.broadcast %broadcast_in_dim3A_15 : f32 to vector<2000x119xf32>
    %concatenate3A = tpu.concatenate %slice3A_9, %select_n3A, %broadcast_in_dim3A_16 in 1 : vector<2000x8xf32>, vector<2000x1xf32>, vector<2000x119xf32> -> vector<2000x128xf32>
    %swap3A = arith.constant 0 : index
    %swap3A_17 = arith.constant 0 : index
    %swap3A_18 = vector.load %arg2[%swap3A, %swap3A_17] : memref<2000x128xf32, #tpu.memory_space<vmem>>, vector<2000x128xf32>
    tpu.vector_store %arg2[%swap3A, %swap3A_17], %concatenate3A {strides = array<i32>} : memref<2000x128xf32, #tpu.memory_space<vmem>>, vector<2000x128xf32>,
    return
  }
  func.func @transform_0(%arg0: i32) -> (i32, i32, i32) {
    %c0_i32 = arith.constant 0 : i32
    %c0_i32_0 = arith.constant 0 : i32
    %c0_i32_1 = arith.constant 0 : i32
    return %c0_i32, %arg0, %c0_i32_0 : i32, i32, i32
  }
  func.func @transform_1(%arg0: i32) -> (i32, i32) {
    %c0_i32 = arith.constant 0 : i32
    %c0_i32_0 = arith.constant 0 : i32
    return %arg0, %c0_i32 : i32, i32
  }
}

module attributes {stable_mosaic.version = 14 : i64} {
  func.func @_tc5_body(%arg0: i32, %arg1: memref<2048x128xf32, #tpu.memory_space<vmem>>, %arg2: memref<2048x128xf32, #tpu.memory_space<vmem>>, %arg3: memref<2048x128xf32, #tpu.memory_space<vmem>>, %arg4: memref<2048x16xf32, #tpu.memory_space<vmem>>) attributes {dimension_semantics = [#tpu.dimension_semantics<arbitrary>], iteration_bounds = array<i64: 162>, scalar_prefetch = 0 : i64, scratch_operands = 0 : i64, tpu.core_type = #tpu.core_type<tc>, window_params = [{transform_indices = @transform_0, window_bounds = array<i64: 2048, 128>}, {transform_indices = @transform_1, window_bounds = array<i64: 2048, 128>}, {transform_indices = @transform_2, window_bounds = array<i64: 2048, 128>}, {transform_indices = @transform_3, window_bounds = array<i64: 2048, 16>}]} {
    %mul3A = arith.constant 2048 : i32
    %mul3A_0 = arith.muli %arg0, %mul3A : i32
    %iota3A = tpu.iota {dimensions = array<i32: 0>} : vector<2048x1xi32>
    %add3A = vector.broadcast %mul3A_0 : i32 to vector<2048x1xi32>
    %add3A_1 = arith.addi %add3A, %iota3A : vector<2048x1xi32>
    %lt3A = arith.constant 330000 : i32
    %lt3A_2 = vector.broadcast %lt3A : i32 to vector<2048x1xi32>
    %lt3A_3 = arith.cmpi slt, %add3A_1, %lt3A_2 : vector<2048x1xi32>
    %convert_element_type3A = arith.extui %lt3A_3 : vector<2048x1xi1> to vector<2048x1xi32>
    %convert_element_type3A_4 = arith.sitofp %convert_element_type3A : vector<2048x1xi32> to vector<2048x1xf32>
    %get3A = arith.constant 0 : index
    %get3A_5 = arith.constant 0 : index
    %get3A_6 = vector.load %arg1[%get3A, %get3A_5] : memref<2048x128xf32, #tpu.memory_space<vmem>>, vector<2048x128xf32>
    %slice3A = vector.extract_strided_slice %get3A_6 {offsets = [0, 0], sizes = [2048, 8], strides = [1, 1]} : vector<2048x128xf32> to vector<2048x8xf32>
    %get3A_7 = arith.constant 0 : index
    %get3A_8 = arith.constant 0 : index
    %get3A_9 = vector.load %arg3[%get3A_7, %get3A_8] : memref<2048x128xf32, #tpu.memory_space<vmem>>, vector<2048x128xf32>
    %slice3A_10 = vector.extract_strided_slice %get3A_9 {offsets = [0, 0], sizes = [2048, 8], strides = [1, 1]} : vector<2048x128xf32> to vector<2048x8xf32>
    %div3A = arith.divf %slice3A, %slice3A_10 : vector<2048x8xf32>
    %get3A_11 = arith.constant 0 : index
    %get3A_12 = arith.constant 0 : index
    %get3A_13 = vector.load %arg2[%get3A_11, %get3A_12] : memref<2048x128xf32, #tpu.memory_space<vmem>>, vector<2048x128xf32>
    %slice3A_14 = vector.extract_strided_slice %get3A_13 {offsets = [0, 8], sizes = [2048, 1], strides = [1, 1]} : vector<2048x128xf32> to vector<2048x1xf32>
    %get3A_15 = arith.constant 0 : index
    %get3A_16 = arith.constant 0 : index
    %get3A_17 = vector.load %arg3[%get3A_15, %get3A_16] : memref<2048x128xf32, #tpu.memory_space<vmem>>, vector<2048x128xf32>
    %slice3A_18 = vector.extract_strided_slice %get3A_17 {offsets = [0, 8], sizes = [2048, 1], strides = [1, 1]} : vector<2048x128xf32> to vector<2048x1xf32>
    %mul3A_19 = arith.mulf %slice3A_14, %slice3A_18 : vector<2048x1xf32>
    %mul3A_20 = arith.mulf %mul3A_19, %convert_element_type3A_4 : vector<2048x1xf32>
    %broadcast_in_dim3A = arith.constant 0.000000e+00 : f32
    %broadcast_in_dim3A_21 = vector.broadcast %broadcast_in_dim3A : f32 to vector<2048x7xf32>
    %concatenate3A = tpu.concatenate %div3A, %mul3A_20, %broadcast_in_dim3A_21 in 1 : vector<2048x8xf32>, vector<2048x1xf32>, vector<2048x7xf32> -> vector<2048x16xf32>
    %swap3A = arith.constant 0 : index
    %swap3A_22 = arith.constant 0 : index
    %swap3A_23 = vector.load %arg4[%swap3A, %swap3A_22] : memref<2048x16xf32, #tpu.memory_space<vmem>>, vector<2048x16xf32>
    tpu.vector_store %arg4[%swap3A, %swap3A_22], %concatenate3A {strides = array<i32>} : memref<2048x16xf32, #tpu.memory_space<vmem>>, vector<2048x16xf32>,
    return
  }
  func.func @transform_0(%arg0: i32) -> (i32, i32) {
    %c0_i32 = arith.constant 0 : i32
    %c0_i32_0 = arith.constant 0 : i32
    return %arg0, %c0_i32 : i32, i32
  }
  func.func @transform_1(%arg0: i32) -> (i32, i32) {
    %c0_i32 = arith.constant 0 : i32
    %c0_i32_0 = arith.constant 0 : i32
    return %arg0, %c0_i32 : i32, i32
  }
  func.func @transform_2(%arg0: i32) -> (i32, i32) {
    %c0_i32 = arith.constant 0 : i32
    %c0_i32_0 = arith.constant 0 : i32
    return %arg0, %c0_i32 : i32, i32
  }
  func.func @transform_3(%arg0: i32) -> (i32, i32) {
    %c0_i32 = arith.constant 0 : i32
    %c0_i32_0 = arith.constant 0 : i32
    return %arg0, %c0_i32 : i32, i32
  }
}

module attributes {stable_mosaic.version = 14 : i64} {
  func.func @_tc6_body(%arg0: i32, %arg1: memref<2048x512xf32, #tpu.memory_space<vmem>>, %arg2: memref<2048x16xf32, #tpu.memory_space<vmem>>, %arg3: memref<2048x128xf32, #tpu.memory_space<vmem>>, %arg4: memref<2048x128xf32, #tpu.memory_space<vmem>>, %arg5: memref<2048x128xf32, #tpu.memory_space<vmem>>, %arg6: memref<2048x128xf32, #tpu.memory_space<vmem>>) attributes {dimension_semantics = [#tpu.dimension_semantics<arbitrary>], iteration_bounds = array<i64: 162>, scalar_prefetch = 0 : i64, scratch_operands = 0 : i64, tpu.core_type = #tpu.core_type<tc>, window_params = [{transform_indices = @transform_0, window_bounds = array<i64: 2048, 512>}, {transform_indices = @transform_1, window_bounds = array<i64: 2048, 16>}, {transform_indices = @transform_2, window_bounds = array<i64: 2048, 128>}, {transform_indices = @transform_3, window_bounds = array<i64: 2048, 128>}, {transform_indices = @transform_4, window_bounds = array<i64: 2048, 128>}, {transform_indices = @transform_5, window_bounds = array<i64: 2048, 128>}]} {
    %get3A = arith.constant 0 : index
    %get3A_0 = arith.constant 0 : index
    %get3A_1 = vector.load %arg2[%get3A, %get3A_0] : memref<2048x16xf32, #tpu.memory_space<vmem>>, vector<2048x16xf32>
    %slice3A = vector.extract_strided_slice %get3A_1 {offsets = [0, 0], sizes = [2048, 8], strides = [1, 1]} : vector<2048x16xf32> to vector<2048x8xf32>
    %reshape3A = vector.shape_cast %slice3A : vector<2048x8xf32> to vector<2048x8x1xf32>
    %get3A_2 = arith.constant 0 : index
    %get3A_3 = arith.constant 0 : index
    %get3A_4 = vector.load %arg1[%get3A_2, %get3A_3] : memref<2048x512xf32, #tpu.memory_space<vmem>>, vector<2048x512xf32>
    %reshape3A_5 = vector.shape_cast %get3A_4 : vector<2048x512xf32> to vector<2048x8x64xf32>
    %mul3A = vector.broadcast %reshape3A : vector<2048x8x1xf32> to vector<2048x8x64xf32>
    %mul3A_6 = arith.mulf %reshape3A_5, %mul3A : vector<2048x8x64xf32>
    %reshape3A_7 = vector.shape_cast %mul3A_6 : vector<2048x8x64xf32> to vector<2048x512xf32>
    %slice3A_8 = vector.extract_strided_slice %reshape3A_7 {offsets = [0, 0], sizes = [2048, 128], strides = [1, 1]} : vector<2048x512xf32> to vector<2048x128xf32>
    %swap3A = arith.constant 0 : index
    %swap3A_9 = arith.constant 0 : index
    %swap3A_10 = vector.load %arg3[%swap3A, %swap3A_9] : memref<2048x128xf32, #tpu.memory_space<vmem>>, vector<2048x128xf32>
    tpu.vector_store %arg3[%swap3A, %swap3A_9], %slice3A_8 {strides = array<i32>} : memref<2048x128xf32, #tpu.memory_space<vmem>>, vector<2048x128xf32>,
    %slice3A_11 = vector.extract_strided_slice %reshape3A_7 {offsets = [0, 128], sizes = [2048, 128], strides = [1, 1]} : vector<2048x512xf32> to vector<2048x128xf32>
    %swap3A_12 = arith.constant 0 : index
    %swap3A_13 = arith.constant 0 : index
    %swap3A_14 = vector.load %arg4[%swap3A_12, %swap3A_13] : memref<2048x128xf32, #tpu.memory_space<vmem>>, vector<2048x128xf32>
    tpu.vector_store %arg4[%swap3A_12, %swap3A_13], %slice3A_11 {strides = array<i32>} : memref<2048x128xf32, #tpu.memory_space<vmem>>, vector<2048x128xf32>,
    %slice3A_15 = vector.extract_strided_slice %reshape3A_7 {offsets = [0, 256], sizes = [2048, 128], strides = [1, 1]} : vector<2048x512xf32> to vector<2048x128xf32>
    %swap3A_16 = arith.constant 0 : index
    %swap3A_17 = arith.constant 0 : index
    %swap3A_18 = vector.load %arg5[%swap3A_16, %swap3A_17] : memref<2048x128xf32, #tpu.memory_space<vmem>>, vector<2048x128xf32>
    tpu.vector_store %arg5[%swap3A_16, %swap3A_17], %slice3A_15 {strides = array<i32>} : memref<2048x128xf32, #tpu.memory_space<vmem>>, vector<2048x128xf32>,
    %slice3A_19 = vector.extract_strided_slice %reshape3A_7 {offsets = [0, 384], sizes = [2048, 128], strides = [1, 1]} : vector<2048x512xf32> to vector<2048x128xf32>
    %swap3A_20 = arith.constant 0 : index
    %swap3A_21 = arith.constant 0 : index
    %swap3A_22 = vector.load %arg6[%swap3A_20, %swap3A_21] : memref<2048x128xf32, #tpu.memory_space<vmem>>, vector<2048x128xf32>
    tpu.vector_store %arg6[%swap3A_20, %swap3A_21], %slice3A_19 {strides = array<i32>} : memref<2048x128xf32, #tpu.memory_space<vmem>>, vector<2048x128xf32>,
    return
  }
  func.func @transform_0(%arg0: i32) -> (i32, i32) {
    %c0_i32 = arith.constant 0 : i32
    %c0_i32_0 = arith.constant 0 : i32
    return %arg0, %c0_i32 : i32, i32
  }
  func.func @transform_1(%arg0: i32) -> (i32, i32) {
    %c0_i32 = arith.constant 0 : i32
    %c0_i32_0 = arith.constant 0 : i32
    return %arg0, %c0_i32 : i32, i32
  }
  func.func @transform_2(%arg0: i32) -> (i32, i32) {
    %c0_i32 = arith.constant 0 : i32
    %c0_i32_0 = arith.constant 0 : i32
    return %arg0, %c0_i32 : i32, i32
  }
  func.func @transform_3(%arg0: i32) -> (i32, i32) {
    %c0_i32 = arith.constant 0 : i32
    %c0_i32_0 = arith.constant 0 : i32
    return %arg0, %c0_i32 : i32, i32
  }
  func.func @transform_4(%arg0: i32) -> (i32, i32) {
    %c0_i32 = arith.constant 0 : i32
    %c0_i32_0 = arith.constant 0 : i32
    return %arg0, %c0_i32 : i32, i32
  }
  func.func @transform_5(%arg0: i32) -> (i32, i32) {
    %c0_i32 = arith.constant 0 : i32
    %c0_i32_0 = arith.constant 0 : i32
    return %arg0, %c0_i32 : i32, i32
  }
}

module attributes {stable_mosaic.version = 14 : i64} {
  func.func @_tc7_body(%arg0: i32, %arg1: memref<2x2000x128xf32, #tpu.memory_space<vmem>>, %arg2: memref<2x2000x128xf32, #tpu.memory_space<vmem>>, %arg3: memref<2x2000x128xf32, #tpu.memory_space<vmem>>, %arg4: memref<2x2000x128xf32, #tpu.memory_space<vmem>>, %arg5: memref<1x512xf32, #tpu.memory_space<vmem>>, %arg6: memref<512x64xf32, #tpu.memory_space<vmem>>, %arg7: memref<1x64xf32, #tpu.memory_space<vmem>>, %arg8: memref<64x64xf32, #tpu.memory_space<vmem>>, %arg9: memref<2000x128xf32, #tpu.memory_space<vmem>>) attributes {dimension_semantics = [#tpu.dimension_semantics<arbitrary>], iteration_bounds = array<i64: 5>, scalar_prefetch = 0 : i64, scratch_operands = 0 : i64, tpu.core_type = #tpu.core_type<tc>, window_params = [{transform_indices = @transform_0, window_bounds = array<i64: 2, 2000, 128>}, {transform_indices = @transform_1, window_bounds = array<i64: 2, 2000, 128>}, {transform_indices = @transform_2, window_bounds = array<i64: 2, 2000, 128>}, {transform_indices = @transform_3, window_bounds = array<i64: 2, 2000, 128>}, {pipeline_mode = #tpu.pipeline_mode<synchronous>, transform_indices = @transform_4, window_bounds = array<i64: 1, 512>}, {pipeline_mode = #tpu.pipeline_mode<synchronous>, transform_indices = @transform_5, window_bounds = array<i64: 512, 64>}, {pipeline_mode = #tpu.pipeline_mode<synchronous>, transform_indices = @transform_6, window_bounds = array<i64: 1, 64>}, {pipeline_mode = #tpu.pipeline_mode<synchronous>, transform_indices = @transform_7, window_bounds = array<i64: 64, 64>}, {transform_indices = @transform_8, window_bounds = array<i64: 2000, 128>}]} {
    %get3A = arith.constant 0 : index
    %get3A_0 = arith.constant 0 : index
    %get3A_1 = arith.constant 0 : index
    %get3A_2 = vector.load %arg1[%get3A, %get3A_0, %get3A_1] : memref<2x2000x128xf32, #tpu.memory_space<vmem>>, vector<2x2000x128xf32>
    %slice3A = vector.extract_strided_slice %get3A_2 {offsets = [0, 0, 0], sizes = [1, 2000, 128], strides = [1, 1, 1]} : vector<2x2000x128xf32> to vector<1x2000x128xf32>
    %squeeze3A = vector.shape_cast %slice3A : vector<1x2000x128xf32> to vector<2000x128xf32>
    %get3A_3 = arith.constant 0 : index
    %get3A_4 = arith.constant 0 : index
    %get3A_5 = arith.constant 0 : index
    %get3A_6 = vector.load %arg1[%get3A_3, %get3A_4, %get3A_5] : memref<2x2000x128xf32, #tpu.memory_space<vmem>>, vector<2x2000x128xf32>
    %slice3A_7 = vector.extract_strided_slice %get3A_6 {offsets = [1, 0, 0], sizes = [1, 2000, 128], strides = [1, 1, 1]} : vector<2x2000x128xf32> to vector<1x2000x128xf32>
    %squeeze3A_8 = vector.shape_cast %slice3A_7 : vector<1x2000x128xf32> to vector<2000x128xf32>
    %add3A = arith.addf %squeeze3A, %squeeze3A_8 : vector<2000x128xf32>
    %get3A_9 = arith.constant 0 : index
    %get3A_10 = arith.constant 0 : index
    %get3A_11 = arith.constant 0 : index
    %get3A_12 = vector.load %arg2[%get3A_9, %get3A_10, %get3A_11] : memref<2x2000x128xf32, #tpu.memory_space<vmem>>, vector<2x2000x128xf32>
    %slice3A_13 = vector.extract_strided_slice %get3A_12 {offsets = [0, 0, 0], sizes = [1, 2000, 128], strides = [1, 1, 1]} : vector<2x2000x128xf32> to vector<1x2000x128xf32>
    %squeeze3A_14 = vector.shape_cast %slice3A_13 : vector<1x2000x128xf32> to vector<2000x128xf32>
    %get3A_15 = arith.constant 0 : index
    %get3A_16 = arith.constant 0 : index
    %get3A_17 = arith.constant 0 : index
    %get3A_18 = vector.load %arg2[%get3A_15, %get3A_16, %get3A_17] : memref<2x2000x128xf32, #tpu.memory_space<vmem>>, vector<2x2000x128xf32>
    %slice3A_19 = vector.extract_strided_slice %get3A_18 {offsets = [1, 0, 0], sizes = [1, 2000, 128], strides = [1, 1, 1]} : vector<2x2000x128xf32> to vector<1x2000x128xf32>
    %squeeze3A_20 = vector.shape_cast %slice3A_19 : vector<1x2000x128xf32> to vector<2000x128xf32>
    %add3A_21 = arith.addf %squeeze3A_14, %squeeze3A_20 : vector<2000x128xf32>
    %get3A_22 = arith.constant 0 : index
    %get3A_23 = arith.constant 0 : index
    %get3A_24 = arith.constant 0 : index
    %get3A_25 = vector.load %arg3[%get3A_22, %get3A_23, %get3A_24] : memref<2x2000x128xf32, #tpu.memory_space<vmem>>, vector<2x2000x128xf32>
    %slice3A_26 = vector.extract_strided_slice %get3A_25 {offsets = [0, 0, 0], sizes = [1, 2000, 128], strides = [1, 1, 1]} : vector<2x2000x128xf32> to vector<1x2000x128xf32>
    %squeeze3A_27 = vector.shape_cast %slice3A_26 : vector<1x2000x128xf32> to vector<2000x128xf32>
    %get3A_28 = arith.constant 0 : index
    %get3A_29 = arith.constant 0 : index
    %get3A_30 = arith.constant 0 : index
    %get3A_31 = vector.load %arg3[%get3A_28, %get3A_29, %get3A_30] : memref<2x2000x128xf32, #tpu.memory_space<vmem>>, vector<2x2000x128xf32>
    %slice3A_32 = vector.extract_strided_slice %get3A_31 {offsets = [1, 0, 0], sizes = [1, 2000, 128], strides = [1, 1, 1]} : vector<2x2000x128xf32> to vector<1x2000x128xf32>
    %squeeze3A_33 = vector.shape_cast %slice3A_32 : vector<1x2000x128xf32> to vector<2000x128xf32>
    %add3A_34 = arith.addf %squeeze3A_27, %squeeze3A_33 : vector<2000x128xf32>
    %get3A_35 = arith.constant 0 : index
    %get3A_36 = arith.constant 0 : index
    %get3A_37 = arith.constant 0 : index
    %get3A_38 = vector.load %arg4[%get3A_35, %get3A_36, %get3A_37] : memref<2x2000x128xf32, #tpu.memory_space<vmem>>, vector<2x2000x128xf32>
    %slice3A_39 = vector.extract_strided_slice %get3A_38 {offsets = [0, 0, 0], sizes = [1, 2000, 128], strides = [1, 1, 1]} : vector<2x2000x128xf32> to vector<1x2000x128xf32>
    %squeeze3A_40 = vector.shape_cast %slice3A_39 : vector<1x2000x128xf32> to vector<2000x128xf32>
    %get3A_41 = arith.constant 0 : index
    %get3A_42 = arith.constant 0 : index
    %get3A_43 = arith.constant 0 : index
    %get3A_44 = vector.load %arg4[%get3A_41, %get3A_42, %get3A_43] : memref<2x2000x128xf32, #tpu.memory_space<vmem>>, vector<2x2000x128xf32>
    %slice3A_45 = vector.extract_strided_slice %get3A_44 {offsets = [1, 0, 0], sizes = [1, 2000, 128], strides = [1, 1, 1]} : vector<2x2000x128xf32> to vector<1x2000x128xf32>
    %squeeze3A_46 = vector.shape_cast %slice3A_45 : vector<1x2000x128xf32> to vector<2000x128xf32>
    %add3A_47 = arith.addf %squeeze3A_40, %squeeze3A_46 : vector<2000x128xf32>
    %concatenate3A = tpu.concatenate %add3A, %add3A_21, %add3A_34, %add3A_47 in 1 : vector<2000x128xf32>, vector<2000x128xf32>, vector<2000x128xf32>, vector<2000x128xf32> -> vector<2000x512xf32>
    %get3A_48 = arith.constant 0 : index
    %get3A_49 = arith.constant 0 : index
    %get3A_50 = vector.load %arg5[%get3A_48, %get3A_49] : memref<1x512xf32, #tpu.memory_space<vmem>>, vector<1x512xf32>
    %add3A_51 = vector.broadcast %get3A_50 : vector<1x512xf32> to vector<2000x512xf32>
    %add3A_52 = arith.addf %concatenate3A, %add3A_51 : vector<2000x512xf32>
    %gt3A = arith.constant 0.000000e+00 : f32
    %gt3A_53 = vector.broadcast %gt3A : f32 to vector<2000x512xf32>
    %gt3A_54 = arith.cmpf ogt, %add3A_52, %gt3A_53 : vector<2000x512xf32>
    %exp3A = math.exp %add3A_52 : vector<2000x512xf32>
    %sub3A = arith.constant 1.000000e+00 : f32
    %sub3A_55 = vector.broadcast %sub3A : f32 to vector<2000x512xf32>
    %sub3A_56 = arith.subf %exp3A, %sub3A_55 : vector<2000x512xf32>
    %select_n3A = arith.select %gt3A_54, %add3A_52, %sub3A_56 : vector<2000x512xi1>, vector<2000x512xf32>
    %get3A_57 = arith.constant 0 : index
    %get3A_58 = arith.constant 0 : index
    %get3A_59 = vector.load %arg6[%get3A_57, %get3A_58] : memref<512x64xf32, #tpu.memory_space<vmem>>, vector<512x64xf32>
    %dot_general3A = arith.constant dense<0.000000e+00> : vector<2000x64xf32>
    %dot_general3A_60 = tpu.matmul %select_n3A, %get3A_59, %dot_general3A {dimension_numbers = #tpu.dot_dimension_numbers<[1], [0], [0], [1], [0, 0, 1, 1], [], []>, precision = #tpu.contract_precision<fp32>, transpose_lhs_hint = false} : vector<2000x512xf32>, vector<512x64xf32>, vector<2000x64xf32> -> vector<2000x64xf32>
    %get3A_61 = arith.constant 0 : index
    %get3A_62 = arith.constant 0 : index
    %get3A_63 = vector.load %arg7[%get3A_61, %get3A_62] : memref<1x64xf32, #tpu.memory_space<vmem>>, vector<1x64xf32>
    %add3A_64 = vector.broadcast %get3A_63 : vector<1x64xf32> to vector<2000x64xf32>
    %add3A_65 = arith.addf %dot_general3A_60, %add3A_64 : vector<2000x64xf32>
    %gt3A_66 = arith.constant 0.000000e+00 : f32
    %gt3A_67 = vector.broadcast %gt3A_66 : f32 to vector<2000x64xf32>
    %gt3A_68 = arith.cmpf ogt, %add3A_65, %gt3A_67 : vector<2000x64xf32>
    %exp3A_69 = math.exp %add3A_65 : vector<2000x64xf32>
    %sub3A_70 = arith.constant 1.000000e+00 : f32
    %sub3A_71 = vector.broadcast %sub3A_70 : f32 to vector<2000x64xf32>
    %sub3A_72 = arith.subf %exp3A_69, %sub3A_71 : vector<2000x64xf32>
    %select_n3A_73 = arith.select %gt3A_68, %add3A_65, %sub3A_72 : vector<2000x64xi1>, vector<2000x64xf32>
    %get3A_74 = arith.constant 0 : index
    %get3A_75 = arith.constant 0 : index
    %get3A_76 = vector.load %arg8[%get3A_74, %get3A_75] : memref<64x64xf32, #tpu.memory_space<vmem>>, vector<64x64xf32>
    %dot_general3A_77 = arith.constant dense<0.000000e+00> : vector<2000x64xf32>
    %dot_general3A_78 = tpu.matmul %select_n3A_73, %get3A_76, %dot_general3A_77 {dimension_numbers = #tpu.dot_dimension_numbers<[1], [0], [0], [1], [0, 0, 1, 1], [], []>, precision = #tpu.contract_precision<fp32>, transpose_lhs_hint = false} : vector<2000x64xf32>, vector<64x64xf32>, vector<2000x64xf32> -> vector<2000x64xf32>
    %broadcast_in_dim3A = arith.constant 0.000000e+00 : f32
    %broadcast_in_dim3A_79 = vector.broadcast %broadcast_in_dim3A : f32 to vector<2000x64xf32>
    %concatenate3A_80 = tpu.concatenate %dot_general3A_78, %broadcast_in_dim3A_79 in 1 : vector<2000x64xf32>, vector<2000x64xf32> -> vector<2000x128xf32>
    %swap3A = arith.constant 0 : index
    %swap3A_81 = arith.constant 0 : index
    %swap3A_82 = vector.load %arg9[%swap3A, %swap3A_81] : memref<2000x128xf32, #tpu.memory_space<vmem>>, vector<2000x128xf32>
    tpu.vector_store %arg9[%swap3A, %swap3A_81], %concatenate3A_80 {strides = array<i32>} : memref<2000x128xf32, #tpu.memory_space<vmem>>, vector<2000x128xf32>,
    return
  }
  func.func @transform_0(%arg0: i32) -> (i32, i32, i32) {
    %c0_i32 = arith.constant 0 : i32
    %c0_i32_0 = arith.constant 0 : i32
    %c0_i32_1 = arith.constant 0 : i32
    return %c0_i32, %arg0, %c0_i32_0 : i32, i32, i32
  }
  func.func @transform_1(%arg0: i32) -> (i32, i32, i32) {
    %c0_i32 = arith.constant 0 : i32
    %c0_i32_0 = arith.constant 0 : i32
    %c0_i32_1 = arith.constant 0 : i32
    return %c0_i32, %arg0, %c0_i32_0 : i32, i32, i32
  }
  func.func @transform_2(%arg0: i32) -> (i32, i32, i32) {
    %c0_i32 = arith.constant 0 : i32
    %c0_i32_0 = arith.constant 0 : i32
    %c0_i32_1 = arith.constant 0 : i32
    return %c0_i32, %arg0, %c0_i32_0 : i32, i32, i32
  }
  func.func @transform_3(%arg0: i32) -> (i32, i32, i32) {
    %c0_i32 = arith.constant 0 : i32
    %c0_i32_0 = arith.constant 0 : i32
    %c0_i32_1 = arith.constant 0 : i32
    return %c0_i32, %arg0, %c0_i32_0 : i32, i32, i32
  }
  func.func @transform_4(%arg0: i32) -> (i32, i32) {
    %c0_i32 = arith.constant 0 : i32
    %c0_i32_0 = arith.constant 0 : i32
    %c0_i32_1 = arith.constant 0 : i32
    return %c0_i32, %c0_i32_0 : i32, i32
  }
  func.func @transform_5(%arg0: i32) -> (i32, i32) {
    %c0_i32 = arith.constant 0 : i32
    %c0_i32_0 = arith.constant 0 : i32
    %c0_i32_1 = arith.constant 0 : i32
    return %c0_i32, %c0_i32_0 : i32, i32
  }
  func.func @transform_6(%arg0: i32) -> (i32, i32) {
    %c0_i32 = arith.constant 0 : i32
    %c0_i32_0 = arith.constant 0 : i32
    %c0_i32_1 = arith.constant 0 : i32
    return %c0_i32, %c0_i32_0 : i32, i32
  }
  func.func @transform_7(%arg0: i32) -> (i32, i32) {
    %c0_i32 = arith.constant 0 : i32
    %c0_i32_0 = arith.constant 0 : i32
    %c0_i32_1 = arith.constant 0 : i32
    return %c0_i32, %c0_i32_0 : i32, i32
  }
  func.func @transform_8(%arg0: i32) -> (i32, i32) {
    %c0_i32 = arith.constant 0 : i32
    %c0_i32_0 = arith.constant 0 : i32
    return %arg0, %c0_i32 : i32, i32
  }
}

module attributes {stable_mosaic.version = 14 : i64} {
  func.func @_tc8_body(%arg0: i32, %arg1: memref<2048x128xf32, #tpu.memory_space<vmem>>, %arg2: memref<2048x16xf32, #tpu.memory_space<vmem>>, %arg3: memref<2048x128xf32, #tpu.memory_space<vmem>>) attributes {dimension_semantics = [#tpu.dimension_semantics<arbitrary>], iteration_bounds = array<i64: 162>, scalar_prefetch = 0 : i64, scratch_operands = 0 : i64, tpu.core_type = #tpu.core_type<tc>, window_params = [{transform_indices = @transform_0, window_bounds = array<i64: 2048, 128>}, {transform_indices = @transform_1, window_bounds = array<i64: 2048, 16>}, {transform_indices = @transform_2, window_bounds = array<i64: 2048, 128>}]} {
    %get3A = arith.constant 0 : index
    %get3A_0 = arith.constant 0 : index
    %get3A_1 = vector.load %arg1[%get3A, %get3A_0] : memref<2048x128xf32, #tpu.memory_space<vmem>>, vector<2048x128xf32>
    %get3A_2 = arith.constant 0 : index
    %get3A_3 = arith.constant 0 : index
    %get3A_4 = vector.load %arg2[%get3A_2, %get3A_3] : memref<2048x16xf32, #tpu.memory_space<vmem>>, vector<2048x16xf32>
    %slice3A = vector.extract_strided_slice %get3A_4 {offsets = [0, 8], sizes = [2048, 1], strides = [1, 1]} : vector<2048x16xf32> to vector<2048x1xf32>
    %mul3A = vector.broadcast %slice3A : vector<2048x1xf32> to vector<2048x128xf32>
    %mul3A_5 = arith.mulf %get3A_1, %mul3A : vector<2048x128xf32>
    %swap3A = arith.constant 0 : index
    %swap3A_6 = arith.constant 0 : index
    %swap3A_7 = vector.load %arg3[%swap3A, %swap3A_6] : memref<2048x128xf32, #tpu.memory_space<vmem>>, vector<2048x128xf32>
    tpu.vector_store %arg3[%swap3A, %swap3A_6], %mul3A_5 {strides = array<i32>} : memref<2048x128xf32, #tpu.memory_space<vmem>>, vector<2048x128xf32>,
    return
  }
  func.func @transform_0(%arg0: i32) -> (i32, i32) {
    %c0_i32 = arith.constant 0 : i32
    %c0_i32_0 = arith.constant 0 : i32
    return %arg0, %c0_i32 : i32, i32
  }
  func.func @transform_1(%arg0: i32) -> (i32, i32) {
    %c0_i32 = arith.constant 0 : i32
    %c0_i32_0 = arith.constant 0 : i32
    return %arg0, %c0_i32 : i32, i32
  }
  func.func @transform_2(%arg0: i32) -> (i32, i32) {
    %c0_i32 = arith.constant 0 : i32
    %c0_i32_0 = arith.constant 0 : i32
    return %arg0, %c0_i32 : i32, i32
  }
}

module attributes {stable_mosaic.version = 14 : i64} {
  func.func @_tc9_body(%arg0: i32, %arg1: memref<2x2000x128xf32, #tpu.memory_space<vmem>>, %arg2: memref<1x64xf32, #tpu.memory_space<vmem>>, %arg3: memref<64x128xf32, #tpu.memory_space<vmem>>, %arg4: memref<2000x128xf32, #tpu.memory_space<vmem>>) attributes {dimension_semantics = [#tpu.dimension_semantics<arbitrary>], iteration_bounds = array<i64: 5>, scalar_prefetch = 0 : i64, scratch_operands = 0 : i64, tpu.core_type = #tpu.core_type<tc>, window_params = [{transform_indices = @transform_0, window_bounds = array<i64: 2, 2000, 128>}, {pipeline_mode = #tpu.pipeline_mode<synchronous>, transform_indices = @transform_1, window_bounds = array<i64: 1, 64>}, {pipeline_mode = #tpu.pipeline_mode<synchronous>, transform_indices = @transform_2, window_bounds = array<i64: 64, 128>}, {transform_indices = @transform_3, window_bounds = array<i64: 2000, 128>}]} {
    %get3A = arith.constant 0 : index
    %get3A_0 = arith.constant 0 : index
    %get3A_1 = arith.constant 0 : index
    %get3A_2 = vector.load %arg1[%get3A, %get3A_0, %get3A_1] : memref<2x2000x128xf32, #tpu.memory_space<vmem>>, vector<2x2000x128xf32>
    %slice3A = vector.extract_strided_slice %get3A_2 {offsets = [0, 0, 0], sizes = [1, 2000, 128], strides = [1, 1, 1]} : vector<2x2000x128xf32> to vector<1x2000x128xf32>
    %squeeze3A = vector.shape_cast %slice3A : vector<1x2000x128xf32> to vector<2000x128xf32>
    %get3A_3 = arith.constant 0 : index
    %get3A_4 = arith.constant 0 : index
    %get3A_5 = arith.constant 0 : index
    %get3A_6 = vector.load %arg1[%get3A_3, %get3A_4, %get3A_5] : memref<2x2000x128xf32, #tpu.memory_space<vmem>>, vector<2x2000x128xf32>
    %slice3A_7 = vector.extract_strided_slice %get3A_6 {offsets = [1, 0, 0], sizes = [1, 2000, 128], strides = [1, 1, 1]} : vector<2x2000x128xf32> to vector<1x2000x128xf32>
    %squeeze3A_8 = vector.shape_cast %slice3A_7 : vector<1x2000x128xf32> to vector<2000x128xf32>
    %add3A = arith.addf %squeeze3A, %squeeze3A_8 : vector<2000x128xf32>
    %slice3A_9 = vector.extract_strided_slice %add3A {offsets = [0, 0], sizes = [2000, 64], strides = [1, 1]} : vector<2000x128xf32> to vector<2000x64xf32>
    %get3A_10 = arith.constant 0 : index
    %get3A_11 = arith.constant 0 : index
    %get3A_12 = vector.load %arg2[%get3A_10, %get3A_11] : memref<1x64xf32, #tpu.memory_space<vmem>>, vector<1x64xf32>
    %add3A_13 = vector.broadcast %get3A_12 : vector<1x64xf32> to vector<2000x64xf32>
    %add3A_14 = arith.addf %slice3A_9, %add3A_13 : vector<2000x64xf32>
    %gt3A = arith.constant 0.000000e+00 : f32
    %gt3A_15 = vector.broadcast %gt3A : f32 to vector<2000x64xf32>
    %gt3A_16 = arith.cmpf ogt, %add3A_14, %gt3A_15 : vector<2000x64xf32>
    %exp3A = math.exp %add3A_14 : vector<2000x64xf32>
    %sub3A = arith.constant 1.000000e+00 : f32
    %sub3A_17 = vector.broadcast %sub3A : f32 to vector<2000x64xf32>
    %sub3A_18 = arith.subf %exp3A, %sub3A_17 : vector<2000x64xf32>
    %select_n3A = arith.select %gt3A_16, %add3A_14, %sub3A_18 : vector<2000x64xi1>, vector<2000x64xf32>
    %get3A_19 = arith.constant 0 : index
    %get3A_20 = arith.constant 0 : index
    %get3A_21 = vector.load %arg3[%get3A_19, %get3A_20] : memref<64x128xf32, #tpu.memory_space<vmem>>, vector<64x128xf32>
    %dot_general3A = arith.constant dense<0.000000e+00> : vector<2000x128xf32>
    %dot_general3A_22 = tpu.matmul %select_n3A, %get3A_21, %dot_general3A {dimension_numbers = #tpu.dot_dimension_numbers<[1], [0], [0], [1], [0, 0, 1, 1], [], []>, precision = #tpu.contract_precision<fp32>, transpose_lhs_hint = false} : vector<2000x64xf32>, vector<64x128xf32>, vector<2000x128xf32> -> vector<2000x128xf32>
    %swap3A = arith.constant 0 : index
    %swap3A_23 = arith.constant 0 : index
    %swap3A_24 = vector.load %arg4[%swap3A, %swap3A_23] : memref<2000x128xf32, #tpu.memory_space<vmem>>, vector<2000x128xf32>
    tpu.vector_store %arg4[%swap3A, %swap3A_23], %dot_general3A_22 {strides = array<i32>} : memref<2000x128xf32, #tpu.memory_space<vmem>>, vector<2000x128xf32>,
    return
  }
  func.func @transform_0(%arg0: i32) -> (i32, i32, i32) {
    %c0_i32 = arith.constant 0 : i32
    %c0_i32_0 = arith.constant 0 : i32
    %c0_i32_1 = arith.constant 0 : i32
    return %c0_i32, %arg0, %c0_i32_0 : i32, i32, i32
  }
  func.func @transform_1(%arg0: i32) -> (i32, i32) {
    %c0_i32 = arith.constant 0 : i32
    %c0_i32_0 = arith.constant 0 : i32
    %c0_i32_1 = arith.constant 0 : i32
    return %c0_i32, %c0_i32_0 : i32, i32
  }
  func.func @transform_2(%arg0: i32) -> (i32, i32) {
    %c0_i32 = arith.constant 0 : i32
    %c0_i32_0 = arith.constant 0 : i32
    %c0_i32_1 = arith.constant 0 : i32
    return %c0_i32, %c0_i32_0 : i32, i32
  }
  func.func @transform_3(%arg0: i32) -> (i32, i32) {
    %c0_i32 = arith.constant 0 : i32
    %c0_i32_0 = arith.constant 0 : i32
    return %arg0, %c0_i32 : i32, i32
  }
}

module attributes {stable_mosaic.version = 14 : i64} {
  func.func @_tc11_body(%arg0: i32, %arg1: memref<2x2000x128xf32, #tpu.memory_space<vmem>>, %arg2: memref<1x128xf32, #tpu.memory_space<vmem>>, %arg3: memref<2000x128xf32, #tpu.memory_space<vmem>>) attributes {dimension_semantics = [#tpu.dimension_semantics<arbitrary>], iteration_bounds = array<i64: 5>, scalar_prefetch = 0 : i64, scratch_operands = 0 : i64, tpu.core_type = #tpu.core_type<tc>, window_params = [{transform_indices = @transform_0, window_bounds = array<i64: 2, 2000, 128>}, {pipeline_mode = #tpu.pipeline_mode<synchronous>, transform_indices = @transform_1, window_bounds = array<i64: 1, 128>}, {transform_indices = @transform_2, window_bounds = array<i64: 2000, 128>}]} {
    %get3A = arith.constant 0 : index
    %get3A_0 = arith.constant 0 : index
    %get3A_1 = arith.constant 0 : index
    %get3A_2 = vector.load %arg1[%get3A, %get3A_0, %get3A_1] : memref<2x2000x128xf32, #tpu.memory_space<vmem>>, vector<2x2000x128xf32>
    %slice3A = vector.extract_strided_slice %get3A_2 {offsets = [0, 0, 0], sizes = [1, 2000, 128], strides = [1, 1, 1]} : vector<2x2000x128xf32> to vector<1x2000x128xf32>
    %squeeze3A = vector.shape_cast %slice3A : vector<1x2000x128xf32> to vector<2000x128xf32>
    %get3A_3 = arith.constant 0 : index
    %get3A_4 = arith.constant 0 : index
    %get3A_5 = arith.constant 0 : index
    %get3A_6 = vector.load %arg1[%get3A_3, %get3A_4, %get3A_5] : memref<2x2000x128xf32, #tpu.memory_space<vmem>>, vector<2x2000x128xf32>
    %slice3A_7 = vector.extract_strided_slice %get3A_6 {offsets = [1, 0, 0], sizes = [1, 2000, 128], strides = [1, 1, 1]} : vector<2x2000x128xf32> to vector<1x2000x128xf32>
    %squeeze3A_8 = vector.shape_cast %slice3A_7 : vector<1x2000x128xf32> to vector<2000x128xf32>
    %add3A = arith.addf %squeeze3A, %squeeze3A_8 : vector<2000x128xf32>
    %get3A_9 = arith.constant 0 : index
    %get3A_10 = arith.constant 0 : index
    %get3A_11 = vector.load %arg2[%get3A_9, %get3A_10] : memref<1x128xf32, #tpu.memory_space<vmem>>, vector<1x128xf32>
    %add3A_12 = vector.broadcast %get3A_11 : vector<1x128xf32> to vector<2000x128xf32>
    %add3A_13 = arith.addf %add3A, %add3A_12 : vector<2000x128xf32>
    %swap3A = arith.constant 0 : index
    %swap3A_14 = arith.constant 0 : index
    %swap3A_15 = vector.load %arg3[%swap3A, %swap3A_14] : memref<2000x128xf32, #tpu.memory_space<vmem>>, vector<2000x128xf32>
    tpu.vector_store %arg3[%swap3A, %swap3A_14], %add3A_13 {strides = array<i32>} : memref<2000x128xf32, #tpu.memory_space<vmem>>, vector<2000x128xf32>,
    return
  }
  func.func @transform_0(%arg0: i32) -> (i32, i32, i32) {
    %c0_i32 = arith.constant 0 : i32
    %c0_i32_0 = arith.constant 0 : i32
    %c0_i32_1 = arith.constant 0 : i32
    return %c0_i32, %arg0, %c0_i32_0 : i32, i32, i32
  }
  func.func @transform_1(%arg0: i32) -> (i32, i32) {
    %c0_i32 = arith.constant 0 : i32
    %c0_i32_0 = arith.constant 0 : i32
    %c0_i32_1 = arith.constant 0 : i32
    return %c0_i32, %c0_i32_0 : i32, i32
  }
  func.func @transform_2(%arg0: i32) -> (i32, i32) {
    %c0_i32 = arith.constant 0 : i32
    %c0_i32_0 = arith.constant 0 : i32
    return %arg0, %c0_i32 : i32, i32
  }
}

</mosaic_0001>

<sc_bundles>
// kernel: kernel.26.cloned.1.call-start
scs
__scs_entry_jumppad:
0x0: {  	(pc) =	sbr.rel $0x88, $3  }
0x1: {  	(tag) =	ssettag $0x0;
	lr =	simm.s32 $0x1  }
0x2: {  	[smem:$0x3F95] =	sst lr;
	_ =	strace $0xD0000000  }
0x3: {  	_ = 	snop  }
0x4: {  	_ = 	snop  }
0x5: {  	_ = 	snop  }
0x6: {  	_ = 	snop  }
0x7: {  	_ = 	snop  }
__scs_overlays_trampoline_lowered:
0x8: {  	[smem:$0x3FA4] =	sst s0  }
0x9: {  	[smem:$0x3FA5] =	sst s1  }
0xa: {  	[smem:$0x3FA6] =	sst s2  }
0xb: {  	[smem:$0x3FA7] =	sst s3  }
0xc: {  	[smem:$0x3FA8] =	sst s4  }
0xd: {  	[smem:$0x3FA9] =	sst s5  }
0xe: {  	[smem:$0x3FAA] =	sst s6  }
0xf: {  	[smem:$0x3FAB] =	sst s7  }
0x10: {  	[smem:$0x3FAC] =	sst s8  }
0x11: {  	[smem:$0x3FAD] =	sst s9;
	s0 =	simm.s32 @!p0 $0x0  }
0x12: {  	s1 =	sld [smem:$0x3F93];
	s0 =	simm.s32 @p0 $0x1  }
0x13: {  	[smem:$0x3FAE] =	sst s0;
	s0 =	simm.s32 @!p1 $0x0  }
0x14: {  	s2 =	sld [smem:$0x3F92];
	s0 =	simm.s32 @p1 $0x1  }
0x15: {  	[smem:$0x3FAF] =	sst s0;
	s0 =	simm.s32 @!p2 $0x0  }
0x16: {  	s3 =	sld [smem:$0x3FDB];
	s0 =	simm.s32 @p2 $0x1  }
0x17: {  	s4 =	simm.s32 $0x1BF5;
	[smem:$0x3FB1] =	sst s0  }
0x18: {  	s0 =	sld [smem:$0x3F94];
	_ =	swait.ge [sflag:s4], $0x0  }
0x19: {  	s7 =	sld [smem:$0x3F95]  }
0x1a: {  	s8 =	sadd.s32 $0xFFFFE003, lr  }
0x1b: {  	s9 =	sadd.s32 $0xFFFFFEF7, lr;
	s5 =	simm.s32 $0xFFFFFFFF;
	p2 =	slt.u32 s8, $0xFFFFF086  }
0x1c: {  	p1 =	slt.u32 s9, $0xF7A;
	s5 =	simm.s32 @!p2 $0x0  }
0x1d: {  	s5 =	simm.s32 @p1 $0x1;
	p0 =	seq.s32 s7, s2  }
0x1e: {  	s7 =	smul.u32 @!p0 $0xF7A, s2;
	p2 =	seq.s32 @!p0 s5, $0x0  }
0x1f: {  	s9 =	smul.u32 $0xF7A, s1;
	s8 =	simm.s32 @!p0 $0x1BF5;
	p2 =	por !p2, p0  }
0x20: {  	[sflag:s8] =	ssyncset.s32 @!p0 $0xFFFFF086;
	s6 =	sadd.s32 @!p0 s3, s7;
	s7 =	simm.s32 @!p0 $0x108  }
0x21: {  	s3 =	sadd.s32 s3, s9;
	s6 =	sadd.s32 @!p0 $0x88, s6;
	s7 =	simm.s32 @p2 $0x1082  }
0x22: {  	[simem:s7], [sflag:s8] =	dma.local @!p0 [hbm:s6], $0xF7A  }
0x23: {  	s9 =	sor.u32 $0xD0000000, s2;
	s6 =	simm.s32 $0x108;
	_ =	swait.ge @!p0 [sflag:s8], $0x0  }
0x24: {  	s3 =	sadd.s32 $0x88, s3;
	s6 =	simm.s32 @!p1 $0x1082;
	[sflag:s4] =	ssyncset.s32 $0xFFFFF086  }
0x25: {  	[simem:s6], [sflag:s4] =	dma.local [hbm:s3], $0xF7A  }
0x26: {  	[smem:$0x3F95] =	sst s1;
	(tag) =	ssettag s2;
	_ =	strace s9  }
0x27: {  	s1 =	sld [smem:$0x3FA5]  }
0x28: {  	s2 =	sld [smem:$0x3FA6]  }
0x29: {  	s4 =	sld [smem:$0x3FA8]  }
0x2a: {  	p0 =	seq.s32 s5, $0x0;
	s5 =	sld [smem:$0x3FA9]  }
0x2b: {  	s6 =	sld [smem:$0x3FAA]  }
0x2c: {  	s7 =	sld [smem:$0x3FAB]  }
0x2d: {  	s3 =	simm.s32 $0x108;
	s8 =	sld [smem:$0x3FAC]  }
0x2e: {  	s3 =	simm.s32 @!p0 $0x1082;
	s9 =	sld [smem:$0x3FAD]  }
0x2f: {  	lr =	sadd.s32 s0, s3;
	s0 =	sld [smem:$0x3FA4]  }
0x30: {  	s3 =	sld [smem:$0x3FA7]  }
0x31: {  	[smem:$0x3FB0] =	sst s10  }
0x32: {  	s10 =	sld [smem:$0x3FAE];
	_ =	sdelay $0x3  }
0x33: {  	p0 =	seq.s32 s10, $0x1;
	s10 =	sld [smem:$0x3FB0];
	_ =	sdelay $0x3  }
0x34: {  	[smem:$0x3FB0] =	sst s10  }
0x35: {  	s10 =	sld [smem:$0x3FAF];
	_ =	sdelay $0x3  }
0x36: {  	p1 =	seq.s32 s10, $0x1;
	s10 =	sld [smem:$0x3FB0];
	_ =	sdelay $0x3  }
0x37: {  	[smem:$0x3FB0] =	sst s10  }
0x38: {  	s10 =	sld [smem:$0x3FB1]  }
0x39: {  	_ = 	snop;
	(pc) =	sbr.ind lr, $3  }
0x3a: {  	_ = 	snop  }
0x3b: {  	_ = 	snop  }
0x3c: {  	p2 =	seq.s32 s10, $0x1;
	s10 =	sld [smem:$0x3FB0]  }
0x3d: {  	_ =	shalt  }
0x3e: {  	_ =	shalt  }
0x3f: {  	_ =	shalt  }
0x40: {  	_ =	shalt  }
0x41: {  	_ =	shalt  }
0x42: {  	_ =	shalt  }
0x43: {  	_ =	shalt  }
0x44: {  	_ =	shalt  }
0x45: {  	_ =	shalt  }
0x46: {  	_ =	shalt  }
0x47: {  	_ =	shalt  }
0x48: {  	_ =	shalt  }
0x49: {  	_ =	shalt  }
0x4a: {  	_ =	shalt  }
0x4b: {  	_ =	shalt  }
0x4c: {  	_ =	shalt  }
0x4d: {  	_ =	shalt  }
0x4e: {  	_ =	shalt  }
0x4f: {  	_ =	shalt  }
0x50: {  	_ =	shalt  }
0x51: {  	_ =	shalt  }
0x52: {  	_ =	shalt  }
0x53: {  	_ =	shalt  }
0x54: {  	_ =	shalt  }
0x55: {  	_ =	shalt  }
0x56: {  	_ =	shalt  }
0x57: {  	_ =	shalt  }
0x58: {  	_ =	shalt  }
0x59: {  	_ =	shalt  }
0x5a: {  	_ =	shalt  }
0x5b: {  	_ =	shalt  }
0x5c: {  	_ =	shalt  }
0x5d: {  	_ =	shalt  }
0x5e: {  	_ =	shalt  }
0x5f: {  	_ =	shalt  }
0x60: {  	_ =	shalt  }
0x61: {  	_ =	shalt  }
0x62: {  	_ =	shalt  }
0x63: {  	_ =	shalt  }
0x64: {  	_ =	shalt  }
0x65: {  	_ =	shalt  }
0x66: {  	_ =	shalt  }
0x67: {  	_ =	shalt  }
0x68: {  	_ =	shalt  }
0x69: {  	_ =	shalt  }
0x6a: {  	_ =	shalt  }
0x6b: {  	_ =	shalt  }
0x6c: {  	_ =	shalt  }
0x6d: {  	_ =	shalt  }
0x6e: {  	_ =	shalt  }
0x6f: {  	_ =	shalt  }
0x70: {  	_ =	shalt  }
0x71: {  	_ =	shalt  }
0x72: {  	_ =	shalt  }
0x73: {  	_ =	shalt  }
0x74: {  	_ =	shalt  }
0x75: {  	_ =	shalt  }
0x76: {  	_ =	shalt  }
0x77: {  	_ =	shalt  }
0x78: {  	_ =	shalt  }
0x79: {  	_ =	shalt  }
0x7a: {  	_ =	shalt  }
0x7b: {  	_ =	shalt  }
0x7c: {  	_ =	shalt  }
0x7d: {  	_ =	shalt  }
0x7e: {  	_ =	shalt  }
0x7f: {  	_ =	shalt  }
0x80: {  	_ =	shalt  }
0x81: {  	_ =	shalt  }
0x82: {  	_ =	shalt  }
0x83: {  	_ =	shalt  }
0x84: {  	_ =	shalt  }
0x85: {  	_ =	shalt  }
0x86: {  	_ =	shalt  }
0x87: {  	_ =	shalt  }
.Lfunc_end0:
.L_simem_size_0:
called_computation_lowered:
.L_overlay_start_0:
0x88: {  	s2 =	sld [smem:$0x3FD9]  }
0x89: {  	s3 =	sld [smem:$0x3FFE];
	_ =	sdelay $0x1  }
0x8a: {  	s1 =	srdreg.scid  }
0x8b: {  	s0 =	sand.u32 $0x1, s1  }
0x8c: {  	s17 =	sshll.u32 s0, $0xA;
	s2 =	sadd.s32 s3, s2  }
0x8d: {  	s2 =	sadd.s32 s2, s17  }
0x8e: {  	[smem:$0x3FBC] =	sst s2  }
0x8f: {  	_ = 	snop  }
0x90: {  	s18 =	sld [smem:$0x3FD0];
	(tm) =	ssettm $0x1  }
0x91: {  	s19 =	sld [smem:$0x3FFB];
	_ =	sdelay $0x3  }
0x92: {  	_ =	strace s19  }
0x93: {  	s2 =	sld [smem:$0x3FFC];
	_ =	sdelay $0x3  }
0x94: {  	_ =	strace s2  }
0x95: {  	s2 =	sld [smem:$0x3FFD];
	_ =	sdelay $0x3  }
0x96: {  	_ =	strace s2  }
0x97: {  	_ =	strace $0x8FFFFFFF  }
0x98: {  	s20 =	sld [smem:$0x3FDB];
	_ =	sdelay $0x1  }
0x99: {  	s4 =	simm.s32 $_scs_section_size  }
0x9a: {  	s5 =	simm.s32 $_size__tile_overlayer_lowered;
	s6 =	simm.s32 $_tile_overlayer_lowered  }
0x9b: {  	s7 =	simm.s32 $0x1BFF;
	s21 =	sshll.u32 s6, $0x1;
	s4 =	sadd.s32 s4, s20  }
0x9c: {  	s22 =	simm.s32 $0x0;
	s5 =	sshll.u32 s5, $0x1;
	s6 =	sadd.s32 s21, s4  }
0x9d: {  	[timem:s22], [sflag:s7] =	dma.local [hbm:s6], s5  }
0x9e: {  	_ =	swait.ge [sflag:s7], s5  }
0x9f: {  	s5 =	ssub.s32 $0x0, s5;
	[sflag:s7] =	ssyncset.done $0x0  }
0xa0: {  	[sflag:s7] =	ssyncadd.s32 s5;
	_ =	sdelay $0x1  }
0xa1: {  	s23 =	simm.s32 $0x1B8B  }
0xa2: {  	_ =	swait.ge [sflag:s23], $0x1  }
0xa3: {  	[sflag:s23] =	ssyncset.done $0x0  }
0xa4: {  	[sflag:s23] =	ssyncadd.s32 $0xFFFFFFFF  }
0xa5: {  	s5 =	sld [smem:$0x0]  }
0xa6: {  	s6 =	sand.u32 $0xFFFFFFFE, s1  }
0xa7: {  	p0 =	sne.s32 s1, s6  }
0xa8: {  	s6 =	sshll.u32 @p0 s6, $0xE  }
0xa9: {  	s6 =	sadd.s32 @p0 $0x11B8D, s6;
	s7 =	sshll.u32 @p0 s5, $0x11  }
0xaa: {  	s6 =	sor.u32 @p0 s7, s6  }
0xab: {  	[sflag:s6] =	ssyncadd.remote.s32 @p0 $0x1;
	_ =	sdelay $0x1  }
0xac: {  	s6 =	simm.s32 @p0 $0x1B8D  }
0xad: {  	_ =	swait.eq @p0 [sflag:s6], $0x1  }
0xae: {  	[sflag:s6] =	ssyncadd.s32 @p0 $0xFFFFFFFF  }
0xaf: {  	s7 =	sshll.u32 @!p0 s1, $0xE  }
0xb0: {  	s7 =	sor.u32 @!p0 $0x4000, s7;
	s6 =	simm.s32 @!p0 $0x1B8D  }
0xb1: {  	s5 =	sshll.u32 @!p0 s5, $0x11;
	s7 =	sadd.s32 @!p0 $0x11B8D, s7;
	_ =	swait.eq @!p0 [sflag:s6], $0x1  }
0xb2: {  	s5 =	sor.u32 @!p0 s5, s7;
	[sflag:s6] =	ssyncadd.s32 @!p0 $0xFFFFFFFF  }
0xb3: {  	s25 =	simm.s32 $0x1B8E;
	s24 =	sld [smem:$0x3FFE];
	[sflag:s5] =	ssyncadd.remote.s32 @!p0 $0x1  }
0xb4: {  	s26 =	simm.s32 $execute0_lowered;
	[smem:$0x3FD2] =	sst s25  }
0xb5: {  	s6 =	sshll.u32 s26, $0x1;
	_ =	strace $0x80000049;
	[dreg:$0x1] =	wrdreg $0xFFFFFFFF  }
0xb6: {  	s28 =	simm.s32 $_size_execute0_lowered;
	s4 =	sadd.s32 s4, s6;
	[dreg:$0x0] =	wrdreg $0x0  }
0xb7: {  	s6 =	sshll.u32 s28, $0x1;
	[dreg:$0x2] =	wrdreg s4  }
0xb8: {  	[dreg:$0x3] =	wrdreg s6  }
0xb9: {  	[dreg:$0x4] =	wrdreg $0xC0  }
0xba: {  	_ =	task [dreg:s22], $0x5FFFF  }
0xbb: {  	[dreg:$0x1] =	wrdreg $0xFFFFFFFF  }
0xbc: {  	[dreg:$0x0] =	wrdreg $0x60  }
0xbd: {  	[dreg:$0x2] =	wrdreg s18  }
0xbe: {  	[dreg:$0x3] =	wrdreg s24  }
0xbf: {  	[dreg:$0x4] =	wrdreg $0x9  }
0xc0: {  	_ =	task.clear_ibuf [dreg:s22], $0x5FFFF;
	_ =	strace $0x90000049  }
0xc1: {  	s29 =	simm.s32 $0x9;
	_ =	strace $0x8000004B  }
0xc2: {  	_ =	swait.ge [sflag:s29], $0x1  }
0xc3: {  	[sflag:s29] =	ssyncadd.s32 $0xFFFFFFFF  }
0xc4: {  	_ =	strace $0x9000004B  }
0xc5: {  	_ =	sfence  }
0xc6: {  	s30 =	sld [smem:$0x0];
	_ =	sdelay $0x2  }
0xc7: {  	s31 =	sshll.u32 s1, $0xD;
	s1 =	sshrl.u32 s1, $0x2  }
0xc8: {  	s4 =	sand.u32 $0x4000, s31;
	s1 =	sadd.s32 s1, s30  }
0xc9: {  	s0 =	sor.u32 s4, s0;
	s1 =	sshll.u32 s1, $0x11  }
0xca: {  	s0 =	sor.u32 s1, s0  }
0xcb: {  	s0 =	sadd.s32 $0x8F2B, s0  }
0xcc: {  	[sflag:s0] =	ssyncadd.remote.s32 $0x1  }
0xcd: {  	_ =	sfence.sel $0xFFFF  }
0xce: {  	[dreg:$0x0] =	wrdreg $0xFFFFFFFF;
	(pc) =	sbr.abs _section_cstart, $3  }
0xcf: {  	[dreg:$0x1] =	wrdreg $0xFFFFFFFF  }
0xd0: {  	_ =	task.clear_ibuf [dreg:s22], $0x2FFFF;
	_ =	strace $0x9FFFFFFF  }
0xd1: {  	(tm) =	ssettm $0x7FFFFFFF  }
tec
execute0_lowered:
.L_overlay_start_1:
0x0: {  	(tag) =	ssettag $0x1  }
0x1: {  	s2 =	rddreg [dreg:$0x0]  }
0x2: {  	s4 =	rddreg [dreg:$0x1]  }
0x3: {  	s0 =	rddreg [dreg:$0x2];
	s1 =	stileid.u32  }
0x4: {  	s5 =	srdreg.scid;
	s3 =	simm.s32 $0x0;
	s6 =	smul.u32 $0x5100, s1  }
0x5: {  	s10 =	simm.s32 $0x0;
	s5 =	sand.u32 $0x1, s5;
	s8 =	smul.u32 $0x51000, s1  }
0x6: {  	[smem:$0x7FF] =	sst s3;
	s7 =	smul.u32 $0x2880, s5;
	s9 =	ssub.s32 $0x2, s5  }
0x7: {  	_ =	strace $0x8000004A;
	s5 =	smul.u32 $0x28800, s5;
	s31 =	sshrl.u32 s9, $0x1  }
0x8: {  	s8 =	sadd.s32 s8, s4;
	s6 =	sadd.s32 s7, s6;
	s7 =	ssub.s32 s9, s31  }
0x9: {  	s5 =	sadd.s32 s5, s8;
	s8 =	simm.s32 $0x80;
	s6 =	sshrl.u32 s6, $0x3  }
0xa: {  	s9 =	simm.s32 $0x1;
	s5 =	sadd.s32 $0x5C7000, s5;
	s6 =	sadd.s32 s6, s4  }
0xb: {  	s4 =	smax.u32 s7, $0x1;
	s7 =	simm.s32 $0x2;
	s6 =	sadd.s32 $0x6400, s6  }
.LBB2_1:
0xc: {  	s11 =	sadd.s32 $0x0, s6  }
0xd: {  	[tilespmem:s3], [sflag:$0x2] =	stream.linear.gather [hbm4b:s11+s3], $0x80, $0x38;
	[tilespmem:$0x4080] =	vst v63  }
0xe: {  	_ =	swait.ge [sflag:s7], $0x80  }
0xf: {  	[sflag:s7] =	ssyncset.done $0x0  }
0x10: {  	[sflag:s7] =	ssyncadd.s32 $0xFFFFFF80  }
0x11: {  	[tilespmem:s8], [sflag:$0x1] =	stream.indirect.gather [hbm4b:s2+s8], $0x80, s3, s8, $0xb8;
	[tilespmem:$0x4080] =	vst v63  }
0x12: {  	_ =	swait.ge [sflag:s9], $0x4000  }
0x13: {  	[sflag:s9] =	ssyncset.done $0x0  }
0x14: {  	[sflag:s9] =	ssyncadd.s32 $0xFFFFC000  }
0x15: {  	[hbm4b:s5+s3] =	stream.linear.scatter [tilespmem:s8], [sflag:$0x2], $0x4000, $0x38;
	[tilespmem:$0x4080] =	vst v63  }
0x16: {  	s12 =	simm.s32 $0x10;
	_ =	swait.ge [sflag:s7], $0x4000  }
0x17: {  	s13 =	simm.s32 $0x20;
	s11 =	sadd.s32 $0x800, s5;
	[sflag:s7] =	ssyncset.done $0x0  }
.LBB2_2:
0x18: {  	s14 =	sadd.s32 s12, s6  }
0x19: {  	[sflag:s7] =	ssyncadd.s32 $0xFFFFC000;
	s12 =	smov.u32 s13;
	s15 =	sadd.s32 $0x10, s13  }
0x1a: {  	[tilespmem:s3], [sflag:$0x2] =	stream.linear.gather [hbm4b:s14+s3], $0x80, $0x38;
	[tilespmem:$0x4080] =	vst v63  }
0x1b: {  	p0 =	sne.s32 s13, $0x500;
	_ =	swait.ge [sflag:s7], $0x80  }
0x1c: {  	[sflag:s7] =	ssyncset.done $0x0  }
0x1d: {  	[sflag:s7] =	ssyncadd.s32 $0xFFFFFF80  }
0x1e: {  	[tilespmem:s8], [sflag:$0x1] =	stream.indirect.gather [hbm4b:s2+s8], $0x80, s3, s8, $0xb8;
	[tilespmem:$0x4080] =	vst v63  }
0x1f: {  	_ =	swait.ge [sflag:s9], $0x4000  }
.Ltmp0:
0x20: {  	[sflag:s9] =	ssyncset.done $0x0;
	(pc) =	sbr.rel @p0 .LBB2_2-.Ltmp0, $4  }
0x21: {  	[sflag:s9] =	ssyncadd.s32 $0xFFFFC000  }
0x22: {  	[hbm4b:s11+s3] =	stream.linear.scatter [tilespmem:s8], [sflag:$0x2], $0x4000, $0x38;
	[tilespmem:$0x4080] =	vst v63  }
0x23: {  	_ =	swait.ge [sflag:s7], $0x4000  }
0x24: {  	s13 =	smov.u32 s15;
	s11 =	sadd.s32 $0x800, s11;
	[sflag:s7] =	ssyncset.done $0x0  }
0x25: {  	s12 =	sadd.s32 s12, s6;
	[sflag:s7] =	ssyncadd.s32 $0xFFFFC000  }
0x26: {  	[tilespmem:s3], [sflag:$0x2] =	stream.linear.gather [hbm4b:s12+s3], $0x80, $0x38;
	[tilespmem:$0x4080] =	vst v63  }
0x27: {  	_ =	swait.ge [sflag:s7], $0x80  }
0x28: {  	[sflag:s7] =	ssyncset.done $0x0  }
0x29: {  	[sflag:s7] =	ssyncadd.s32 $0xFFFFFF80  }
0x2a: {  	[tilespmem:s8], [sflag:$0x1] =	stream.indirect.gather [hbm4b:s2+s8], $0x80, s3, s8, $0xb8;
	[tilespmem:$0x4080] =	vst v63  }
0x2b: {  	s10 =	sadd.s32 $0x1, s10;
	_ =	swait.ge [sflag:s9], $0x4000  }
0x2c: {  	p0 =	sne.s32 s10, s4;
	[sflag:s9] =	ssyncset.done $0x0  }
.Ltmp1:
0x2d: {  	[sflag:s9] =	ssyncadd.s32 $0xFFFFC000;
	(pc) =	sbr.rel @p0 .LBB2_1-.Ltmp1, $4  }
0x2e: {  	[hbm4b:s11+s3] =	stream.linear.scatter [tilespmem:s8], [sflag:$0x2], $0x4000, $0x38;
	[tilespmem:$0x4080] =	vst v63  }
0x2f: {  	_ =	swait.ge [sflag:s7], $0x4000  }
0x30: {  	[sflag:s7] =	ssyncset.done $0x0  }
0x31: {  	[sflag:s7] =	ssyncadd.s32 $0xFFFFC000  }
0x32: {  	_ =	sfence.sel $0x180000  }
0x33: {  	[bflag:$0x0] =	sbarrier.arrive $0xFFFF  }
0x34: {  	p0 =	sne.s32 s1, $0x0;
	_ =	strace $0x9000004A  }
0x35: {  	s0 =	sadd.s32 @!p0 $0x100000, s0;
	[bflag:$0x2] =	sbarrier.arrive $0xFFFF  }
0x36: {  	[sflag:s0] =	ssyncadd.tile.s32 @!p0 $0x1;
	_ =	shalt  }
.Lfunc_end2:
_tile_overlayer_lowered:
.L_overlay_start_2:
0x37: {  	(tag) =	ssettag $0x2  }
0x38: {  	s0 =	rddreg [dreg:$0x0];
	s2 =	stileid.u32  }
0x39: {  	s1 =	rddreg [dreg:$0x1];
	p0 =	sne.s32 s2, $0x0  }
0x3a: {  	s3 =	rddreg [dreg:$0x2];
	[bflag:$0x3] =	sbarrier.arrive $0xFFFF;
	s2 =	simm.s32 @!p0 $0x1C02  }
0x3b: {  	[timem:s3], [sflag:s2] =	dma.local @!p0 [hbm:s0], s1  }
0x3c: {  	s0 =	simm.s32 @!p0 $0x2  }
0x3d: {  	_ =	swait.ge @!p0 [sflag:s0], s1  }
0x3e: {  	s1 =	ssub.s32 @!p0 $0x0, s1;
	[sflag:s0] =	ssyncset.done @!p0 $0x0  }
0x3f: {  	[sflag:s0] =	ssyncadd.s32 @!p0 s1  }
0x40: {  	[bflag:$0x3] =	sbarrier.arrive $0xFFFF  }
0x41: {  	_ =	shalt  }

// kernel: kernel.29.cloned.1.call-start
scs
__scs_entry_jumppad:
0x0: {  	(pc) =	sbr.rel $0x88, $3  }
0x1: {  	(tag) =	ssettag $0x0;
	lr =	simm.s32 $0x1  }
0x2: {  	[smem:$0x3F95] =	sst lr;
	_ =	strace $0xD0000000  }
0x3: {  	_ = 	snop  }
0x4: {  	_ = 	snop  }
0x5: {  	_ = 	snop  }
0x6: {  	_ = 	snop  }
0x7: {  	_ = 	snop  }
__scs_overlays_trampoline_lowered:
0x8: {  	[smem:$0x3FA4] =	sst s0  }
0x9: {  	[smem:$0x3FA5] =	sst s1  }
0xa: {  	[smem:$0x3FA6] =	sst s2  }
0xb: {  	[smem:$0x3FA7] =	sst s3  }
0xc: {  	[smem:$0x3FA8] =	sst s4  }
0xd: {  	[smem:$0x3FA9] =	sst s5  }
0xe: {  	[smem:$0x3FAA] =	sst s6  }
0xf: {  	[smem:$0x3FAB] =	sst s7  }
0x10: {  	[smem:$0x3FAC] =	sst s8  }
0x11: {  	[smem:$0x3FAD] =	sst s9;
	s0 =	simm.s32 @!p0 $0x0  }
0x12: {  	s1 =	sld [smem:$0x3F93];
	s0 =	simm.s32 @p0 $0x1  }
0x13: {  	[smem:$0x3FAE] =	sst s0;
	s0 =	simm.s32 @!p1 $0x0  }
0x14: {  	s2 =	sld [smem:$0x3F92];
	s0 =	simm.s32 @p1 $0x1  }
0x15: {  	[smem:$0x3FAF] =	sst s0;
	s0 =	simm.s32 @!p2 $0x0  }
0x16: {  	s3 =	sld [smem:$0x3FDB];
	s0 =	simm.s32 @p2 $0x1  }
0x17: {  	s4 =	simm.s32 $0x1BF5;
	[smem:$0x3FB1] =	sst s0  }
0x18: {  	s0 =	sld [smem:$0x3F94];
	_ =	swait.ge [sflag:s4], $0x0  }
0x19: {  	s7 =	sld [smem:$0x3F95]  }
0x1a: {  	s8 =	sadd.s32 $0xFFFFE003, lr  }
0x1b: {  	s9 =	sadd.s32 $0xFFFFFEF7, lr;
	s5 =	simm.s32 $0xFFFFFFFF;
	p2 =	slt.u32 s8, $0xFFFFF086  }
0x1c: {  	p1 =	slt.u32 s9, $0xF7A;
	s5 =	simm.s32 @!p2 $0x0  }
0x1d: {  	s5 =	simm.s32 @p1 $0x1;
	p0 =	seq.s32 s7, s2  }
0x1e: {  	s7 =	smul.u32 @!p0 $0xF7A, s2;
	p2 =	seq.s32 @!p0 s5, $0x0  }
0x1f: {  	s9 =	smul.u32 $0xF7A, s1;
	s8 =	simm.s32 @!p0 $0x1BF5;
	p2 =	por !p2, p0  }
0x20: {  	[sflag:s8] =	ssyncset.s32 @!p0 $0xFFFFF086;
	s6 =	sadd.s32 @!p0 s3, s7;
	s7 =	simm.s32 @!p0 $0x108  }
0x21: {  	s3 =	sadd.s32 s3, s9;
	s6 =	sadd.s32 @!p0 $0x88, s6;
	s7 =	simm.s32 @p2 $0x1082  }
0x22: {  	[simem:s7], [sflag:s8] =	dma.local @!p0 [hbm:s6], $0xF7A  }
0x23: {  	s9 =	sor.u32 $0xD0000000, s2;
	s6 =	simm.s32 $0x108;
	_ =	swait.ge @!p0 [sflag:s8], $0x0  }
0x24: {  	s3 =	sadd.s32 $0x88, s3;
	s6 =	simm.s32 @!p1 $0x1082;
	[sflag:s4] =	ssyncset.s32 $0xFFFFF086  }
0x25: {  	[simem:s6], [sflag:s4] =	dma.local [hbm:s3], $0xF7A  }
0x26: {  	[smem:$0x3F95] =	sst s1;
	(tag) =	ssettag s2;
	_ =	strace s9  }
0x27: {  	s1 =	sld [smem:$0x3FA5]  }
0x28: {  	s2 =	sld [smem:$0x3FA6]  }
0x29: {  	s4 =	sld [smem:$0x3FA8]  }
0x2a: {  	p0 =	seq.s32 s5, $0x0;
	s5 =	sld [smem:$0x3FA9]  }
0x2b: {  	s6 =	sld [smem:$0x3FAA]  }
0x2c: {  	s7 =	sld [smem:$0x3FAB]  }
0x2d: {  	s3 =	simm.s32 $0x108;
	s8 =	sld [smem:$0x3FAC]  }
0x2e: {  	s3 =	simm.s32 @!p0 $0x1082;
	s9 =	sld [smem:$0x3FAD]  }
0x2f: {  	lr =	sadd.s32 s0, s3;
	s0 =	sld [smem:$0x3FA4]  }
0x30: {  	s3 =	sld [smem:$0x3FA7]  }
0x31: {  	[smem:$0x3FB0] =	sst s10  }
0x32: {  	s10 =	sld [smem:$0x3FAE];
	_ =	sdelay $0x3  }
0x33: {  	p0 =	seq.s32 s10, $0x1;
	s10 =	sld [smem:$0x3FB0];
	_ =	sdelay $0x3  }
0x34: {  	[smem:$0x3FB0] =	sst s10  }
0x35: {  	s10 =	sld [smem:$0x3FAF];
	_ =	sdelay $0x3  }
0x36: {  	p1 =	seq.s32 s10, $0x1;
	s10 =	sld [smem:$0x3FB0];
	_ =	sdelay $0x3  }
0x37: {  	[smem:$0x3FB0] =	sst s10  }
0x38: {  	s10 =	sld [smem:$0x3FB1]  }
0x39: {  	_ = 	snop;
	(pc) =	sbr.ind lr, $3  }
0x3a: {  	_ = 	snop  }
0x3b: {  	_ = 	snop  }
0x3c: {  	p2 =	seq.s32 s10, $0x1;
	s10 =	sld [smem:$0x3FB0]  }
0x3d: {  	_ =	shalt  }
0x3e: {  	_ =	shalt  }
0x3f: {  	_ =	shalt  }
0x40: {  	_ =	shalt  }
0x41: {  	_ =	shalt  }
0x42: {  	_ =	shalt  }
0x43: {  	_ =	shalt  }
0x44: {  	_ =	shalt  }
0x45: {  	_ =	shalt  }
0x46: {  	_ =	shalt  }
0x47: {  	_ =	shalt  }
0x48: {  	_ =	shalt  }
0x49: {  	_ =	shalt  }
0x4a: {  	_ =	shalt  }
0x4b: {  	_ =	shalt  }
0x4c: {  	_ =	shalt  }
0x4d: {  	_ =	shalt  }
0x4e: {  	_ =	shalt  }
0x4f: {  	_ =	shalt  }
0x50: {  	_ =	shalt  }
0x51: {  	_ =	shalt  }
0x52: {  	_ =	shalt  }
0x53: {  	_ =	shalt  }
0x54: {  	_ =	shalt  }
0x55: {  	_ =	shalt  }
0x56: {  	_ =	shalt  }
0x57: {  	_ =	shalt  }
0x58: {  	_ =	shalt  }
0x59: {  	_ =	shalt  }
0x5a: {  	_ =	shalt  }
0x5b: {  	_ =	shalt  }
0x5c: {  	_ =	shalt  }
0x5d: {  	_ =	shalt  }
0x5e: {  	_ =	shalt  }
0x5f: {  	_ =	shalt  }
0x60: {  	_ =	shalt  }
0x61: {  	_ =	shalt  }
0x62: {  	_ =	shalt  }
0x63: {  	_ =	shalt  }
0x64: {  	_ =	shalt  }
0x65: {  	_ =	shalt  }
0x66: {  	_ =	shalt  }
0x67: {  	_ =	shalt  }
0x68: {  	_ =	shalt  }
0x69: {  	_ =	shalt  }
0x6a: {  	_ =	shalt  }
0x6b: {  	_ =	shalt  }
0x6c: {  	_ =	shalt  }
0x6d: {  	_ =	shalt  }
0x6e: {  	_ =	shalt  }
0x6f: {  	_ =	shalt  }
0x70: {  	_ =	shalt  }
0x71: {  	_ =	shalt  }
0x72: {  	_ =	shalt  }
0x73: {  	_ =	shalt  }
0x74: {  	_ =	shalt  }
0x75: {  	_ =	shalt  }
0x76: {  	_ =	shalt  }
0x77: {  	_ =	shalt  }
0x78: {  	_ =	shalt  }
0x79: {  	_ =	shalt  }
0x7a: {  	_ =	shalt  }
0x7b: {  	_ =	shalt  }
0x7c: {  	_ =	shalt  }
0x7d: {  	_ =	shalt  }
0x7e: {  	_ =	shalt  }
0x7f: {  	_ =	shalt  }
0x80: {  	_ =	shalt  }
0x81: {  	_ =	shalt  }
0x82: {  	_ =	shalt  }
0x83: {  	_ =	shalt  }
0x84: {  	_ =	shalt  }
0x85: {  	_ =	shalt  }
0x86: {  	_ =	shalt  }
0x87: {  	_ =	shalt  }
.Lfunc_end0:
.L_simem_size_0:
called_computation.1_lowered:
.L_overlay_start_0:
0x88: {  	s2 =	sld [smem:$0x3FD9]  }
0x89: {  	s3 =	sld [smem:$0x3FFE];
	_ =	sdelay $0x1  }
0x8a: {  	s1 =	srdreg.scid  }
0x8b: {  	s0 =	sand.u32 $0x1, s1  }
0x8c: {  	s17 =	sshll.u32 s0, $0xA;
	s2 =	sadd.s32 s3, s2  }
0x8d: {  	s2 =	sadd.s32 s2, s17  }
0x8e: {  	[smem:$0x3FBC] =	sst s2  }
0x8f: {  	_ = 	snop  }
0x90: {  	s2 =	sld [smem:$0x3FD0];
	(tm) =	ssettm $0x1  }
0x91: {  	s18 =	sld [smem:$0x3FFB];
	_ =	sdelay $0x3  }
0x92: {  	_ =	strace s18  }
0x93: {  	s3 =	sld [smem:$0x3FFC];
	_ =	sdelay $0x3  }
0x94: {  	_ =	strace s3  }
0x95: {  	s3 =	sld [smem:$0x3FFD];
	_ =	sdelay $0x3  }
0x96: {  	_ =	strace s3  }
0x97: {  	_ =	strace $0x8FFFFFFF  }
0x98: {  	s19 =	sld [smem:$0x3FDB];
	_ =	sdelay $0x1  }
0x99: {  	s4 =	simm.s32 $_scs_section_size  }
0x9a: {  	s5 =	simm.s32 $_size__tile_overlayer_lowered;
	s6 =	simm.s32 $_tile_overlayer_lowered  }
0x9b: {  	s22 =	simm.s32 $0x1BFF;
	s21 =	sshll.u32 s6, $0x1;
	s3 =	sadd.s32 s4, s19  }
0x9c: {  	s7 =	simm.s32 $0x0;
	s20 =	sshll.u32 s5, $0x1;
	s5 =	sadd.s32 s21, s3  }
0x9d: {  	[timem:s7], [sflag:s22] =	dma.local [hbm:s5], s20  }
0x9e: {  	_ =	swait.ge [sflag:s22], s20  }
0x9f: {  	s4 =	ssub.s32 $0x0, s20;
	[sflag:s22] =	ssyncset.done $0x0  }
0xa0: {  	[sflag:s22] =	ssyncadd.s32 s4;
	_ =	sdelay $0x1  }
0xa1: {  	s23 =	simm.s32 $0x1B8B  }
0xa2: {  	_ =	swait.ge [sflag:s23], $0x1  }
0xa3: {  	[sflag:s23] =	ssyncset.done $0x0  }
0xa4: {  	s25 =	simm.s32 $0x1B8E;
	s24 =	sld [smem:$0x3FFE];
	[sflag:s23] =	ssyncadd.s32 $0xFFFFFFFF  }
0xa5: {  	s26 =	simm.s32 $execute0_lowered;
	[smem:$0x3FD2] =	sst s25  }
0xa6: {  	s5 =	sshll.u32 s26, $0x1;
	_ =	strace $0x80000046;
	[dreg:$0x1] =	wrdreg $0xFFFFFFFF  }
0xa7: {  	s28 =	simm.s32 $_size_execute0_lowered;
	s3 =	sadd.s32 s3, s5;
	[dreg:$0x0] =	wrdreg $0x0  }
0xa8: {  	s5 =	sshll.u32 s28, $0x1;
	[dreg:$0x2] =	wrdreg s3  }
0xa9: {  	[dreg:$0x3] =	wrdreg s5  }
0xaa: {  	[dreg:$0x4] =	wrdreg $0xC0  }
0xab: {  	_ =	task [dreg:s7], $0x5FFFF  }
0xac: {  	[dreg:$0x1] =	wrdreg $0xFFFFFFFF  }
0xad: {  	[dreg:$0x0] =	wrdreg $0x60  }
0xae: {  	[dreg:$0x2] =	wrdreg s2  }
0xaf: {  	[dreg:$0x3] =	wrdreg s24  }
0xb0: {  	[dreg:$0x4] =	wrdreg $0xA  }
0xb1: {  	_ =	task.clear_ibuf [dreg:s7], $0x5FFFF;
	_ =	strace $0x90000046  }
0xb2: {  	s29 =	simm.s32 $0xA;
	_ =	strace $0x80000048  }
0xb3: {  	_ =	swait.ge [sflag:s29], $0x1  }
0xb4: {  	[sflag:s29] =	ssyncadd.s32 $0xFFFFFFFF  }
0xb5: {  	_ =	strace $0x90000048  }
0xb6: {  	_ =	sfence  }
0xb7: {  	s30 =	sld [smem:$0x0];
	_ =	sdelay $0x2  }
0xb8: {  	s31 =	sshll.u32 s1, $0xD;
	s1 =	sshrl.u32 s1, $0x2  }
0xb9: {  	s3 =	sand.u32 $0x4000, s31;
	s1 =	sadd.s32 s1, s30  }
0xba: {  	s0 =	sor.u32 s3, s0;
	s1 =	sshll.u32 s1, $0x11  }
0xbb: {  	s0 =	sor.u32 s1, s0  }
0xbc: {  	s0 =	sadd.s32 $0x8F2B, s0  }
0xbd: {  	[sflag:s0] =	ssyncadd.remote.s32 $0x1  }
0xbe: {  	_ =	sfence.sel $0xFFFF  }
0xbf: {  	[dreg:$0x0] =	wrdreg $0xFFFFFFFF;
	(pc) =	sbr.abs _section_cstart, $3  }
0xc0: {  	[dreg:$0x1] =	wrdreg $0xFFFFFFFF  }
0xc1: {  	_ =	task.clear_ibuf [dreg:s7], $0x2FFFF;
	_ =	strace $0x9FFFFFFF  }
0xc2: {  	(tm) =	ssettm $0x7FFFFFFF  }
0xc3: {  	_ =	shalt  }
tec
execute0_lowered:
.L_overlay_start_1:
0x0: {  	(tag) =	ssettag $0x1  }
0x1: {  	s2 =	rddreg [dreg:$0x0]  }
0x2: {  	s4 =	rddreg [dreg:$0x1]  }
0x3: {  	s0 =	rddreg [dreg:$0x2];
	s1 =	stileid.u32  }
0x4: {  	s5 =	srdreg.scid;
	s3 =	simm.s32 $0x0;
	s6 =	smul.u32 $0x5100, s1  }
0x5: {  	s10 =	simm.s32 $0x0;
	s5 =	sand.u32 $0x1, s5;
	s8 =	smul.u32 $0x51000, s1  }
0x6: {  	[smem:$0x7FF] =	sst s3;
	s7 =	smul.u32 $0x2880, s5;
	s9 =	ssub.s32 $0x2, s5  }
0x7: {  	_ =	strace $0x80000047;
	s5 =	smul.u32 $0x28800, s5;
	s31 =	sshrl.u32 s9, $0x1  }
0x8: {  	s8 =	sadd.s32 s8, s4;
	s6 =	sadd.s32 s7, s6;
	s7 =	ssub.s32 s9, s31  }
0x9: {  	s5 =	sadd.s32 s5, s8;
	s8 =	simm.s32 $0x80;
	s6 =	sshrl.u32 s6, $0x3  }
0xa: {  	s9 =	simm.s32 $0x1;
	s5 =	sadd.s32 $0xB7000, s5;
	s6 =	sadd.s32 s6, s4  }
0xb: {  	s4 =	smax.u32 s7, $0x1;
	s7 =	simm.s32 $0x2;
	s6 =	sadd.s32 $0x10A00, s6  }
.LBB2_1:
0xc: {  	s11 =	sadd.s32 $0x0, s6  }
0xd: {  	[tilespmem:s3], [sflag:$0x2] =	stream.linear.gather [hbm4b:s11+s3], $0x80, $0x38;
	[tilespmem:$0x4080] =	vst v63  }
0xe: {  	_ =	swait.ge [sflag:s7], $0x80  }
0xf: {  	[sflag:s7] =	ssyncset.done $0x0  }
0x10: {  	[sflag:s7] =	ssyncadd.s32 $0xFFFFFF80  }
0x11: {  	[tilespmem:s8], [sflag:$0x1] =	stream.indirect.gather [hbm4b:s2+s8], $0x80, s3, s8, $0xb8;
	[tilespmem:$0x4080] =	vst v63  }
0x12: {  	_ =	swait.ge [sflag:s9], $0x4000  }
0x13: {  	[sflag:s9] =	ssyncset.done $0x0  }
0x14: {  	[sflag:s9] =	ssyncadd.s32 $0xFFFFC000  }
0x15: {  	[hbm4b:s5+s3] =	stream.linear.scatter [tilespmem:s8], [sflag:$0x2], $0x4000, $0x38;
	[tilespmem:$0x4080] =	vst v63  }
0x16: {  	s12 =	simm.s32 $0x10;
	_ =	swait.ge [sflag:s7], $0x4000  }
0x17: {  	s13 =	simm.s32 $0x20;
	s11 =	sadd.s32 $0x800, s5;
	[sflag:s7] =	ssyncset.done $0x0  }
.LBB2_2:
0x18: {  	s14 =	sadd.s32 s12, s6  }
0x19: {  	[sflag:s7] =	ssyncadd.s32 $0xFFFFC000;
	s12 =	smov.u32 s13;
	s15 =	sadd.s32 $0x10, s13  }
0x1a: {  	[tilespmem:s3], [sflag:$0x2] =	stream.linear.gather [hbm4b:s14+s3], $0x80, $0x38;
	[tilespmem:$0x4080] =	vst v63  }
0x1b: {  	p0 =	sne.s32 s13, $0x500;
	_ =	swait.ge [sflag:s7], $0x80  }
0x1c: {  	[sflag:s7] =	ssyncset.done $0x0  }
0x1d: {  	[sflag:s7] =	ssyncadd.s32 $0xFFFFFF80  }
0x1e: {  	[tilespmem:s8], [sflag:$0x1] =	stream.indirect.gather [hbm4b:s2+s8], $0x80, s3, s8, $0xb8;
	[tilespmem:$0x4080] =	vst v63  }
0x1f: {  	_ =	swait.ge [sflag:s9], $0x4000  }
.Ltmp0:
0x20: {  	[sflag:s9] =	ssyncset.done $0x0;
	(pc) =	sbr.rel @p0 .LBB2_2-.Ltmp0, $4  }
0x21: {  	[sflag:s9] =	ssyncadd.s32 $0xFFFFC000  }
0x22: {  	[hbm4b:s11+s3] =	stream.linear.scatter [tilespmem:s8], [sflag:$0x2], $0x4000, $0x38;
	[tilespmem:$0x4080] =	vst v63  }
0x23: {  	_ =	swait.ge [sflag:s7], $0x4000  }
0x24: {  	s13 =	smov.u32 s15;
	s11 =	sadd.s32 $0x800, s11;
	[sflag:s7] =	ssyncset.done $0x0  }
0x25: {  	s12 =	sadd.s32 s12, s6;
	[sflag:s7] =	ssyncadd.s32 $0xFFFFC000  }
0x26: {  	[tilespmem:s3], [sflag:$0x2] =	stream.linear.gather [hbm4b:s12+s3], $0x80, $0x38;
	[tilespmem:$0x4080] =	vst v63  }
0x27: {  	_ =	swait.ge [sflag:s7], $0x80  }
0x28: {  	[sflag:s7] =	ssyncset.done $0x0  }
0x29: {  	[sflag:s7] =	ssyncadd.s32 $0xFFFFFF80  }
0x2a: {  	[tilespmem:s8], [sflag:$0x1] =	stream.indirect.gather [hbm4b:s2+s8], $0x80, s3, s8, $0xb8;
	[tilespmem:$0x4080] =	vst v63  }
0x2b: {  	s10 =	sadd.s32 $0x1, s10;
	_ =	swait.ge [sflag:s9], $0x4000  }
0x2c: {  	p0 =	sne.s32 s10, s4;
	[sflag:s9] =	ssyncset.done $0x0  }
.Ltmp1:
0x2d: {  	[sflag:s9] =	ssyncadd.s32 $0xFFFFC000;
	(pc) =	sbr.rel @p0 .LBB2_1-.Ltmp1, $4  }
0x2e: {  	[hbm4b:s11+s3] =	stream.linear.scatter [tilespmem:s8], [sflag:$0x2], $0x4000, $0x38;
	[tilespmem:$0x4080] =	vst v63  }
0x2f: {  	_ =	swait.ge [sflag:s7], $0x4000  }
0x30: {  	[sflag:s7] =	ssyncset.done $0x0  }
0x31: {  	[sflag:s7] =	ssyncadd.s32 $0xFFFFC000  }
0x32: {  	_ =	sfence.sel $0x180000  }
0x33: {  	[bflag:$0x0] =	sbarrier.arrive $0xFFFF  }
0x34: {  	p0 =	sne.s32 s1, $0x0;
	_ =	strace $0x90000047  }
0x35: {  	s0 =	sadd.s32 @!p0 $0x100000, s0;
	[bflag:$0x2] =	sbarrier.arrive $0xFFFF  }
0x36: {  	[sflag:s0] =	ssyncadd.tile.s32 @!p0 $0x1;
	_ =	shalt  }
.Lfunc_end2:
_tile_overlayer_lowered:
.L_overlay_start_2:
0x37: {  	(tag) =	ssettag $0x2  }
0x38: {  	s0 =	rddreg [dreg:$0x0];
	s2 =	stileid.u32  }
0x39: {  	s1 =	rddreg [dreg:$0x1];
	p0 =	sne.s32 s2, $0x0  }
0x3a: {  	s3 =	rddreg [dreg:$0x2];
	[bflag:$0x3] =	sbarrier.arrive $0xFFFF;
	s2 =	simm.s32 @!p0 $0x1C02  }
0x3b: {  	[timem:s3], [sflag:s2] =	dma.local @!p0 [hbm:s0], s1  }
0x3c: {  	s0 =	simm.s32 @!p0 $0x2  }
0x3d: {  	_ =	swait.ge @!p0 [sflag:s0], s1  }
0x3e: {  	s1 =	ssub.s32 @!p0 $0x0, s1;
	[sflag:s0] =	ssyncset.done @!p0 $0x0  }
0x3f: {  	[sflag:s0] =	ssyncadd.s32 @!p0 s1  }
0x40: {  	[bflag:$0x3] =	sbarrier.arrive $0xFFFF  }
0x41: {  	_ =	shalt  }

// kernel: kernel.32.cloned.1.call-start
scs
__scs_entry_jumppad:
0x0: {  	(pc) =	sbr.rel $0x88, $3  }
0x1: {  	(tag) =	ssettag $0x0;
	lr =	simm.s32 $0x1  }
0x2: {  	[smem:$0x3F95] =	sst lr;
	_ =	strace $0xD0000000  }
0x3: {  	_ = 	snop  }
0x4: {  	_ = 	snop  }
0x5: {  	_ = 	snop  }
0x6: {  	_ = 	snop  }
0x7: {  	_ = 	snop  }
__scs_overlays_trampoline_lowered:
0x8: {  	[smem:$0x3FA4] =	sst s0  }
0x9: {  	[smem:$0x3FA5] =	sst s1  }
0xa: {  	[smem:$0x3FA6] =	sst s2  }
0xb: {  	[smem:$0x3FA7] =	sst s3  }
0xc: {  	[smem:$0x3FA8] =	sst s4  }
0xd: {  	[smem:$0x3FA9] =	sst s5  }
0xe: {  	[smem:$0x3FAA] =	sst s6  }
0xf: {  	[smem:$0x3FAB] =	sst s7  }
0x10: {  	[smem:$0x3FAC] =	sst s8  }
0x11: {  	[smem:$0x3FAD] =	sst s9;
	s0 =	simm.s32 @!p0 $0x0  }
0x12: {  	s1 =	sld [smem:$0x3F93];
	s0 =	simm.s32 @p0 $0x1  }
0x13: {  	[smem:$0x3FAE] =	sst s0;
	s0 =	simm.s32 @!p1 $0x0  }
0x14: {  	s2 =	sld [smem:$0x3F92];
	s0 =	simm.s32 @p1 $0x1  }
0x15: {  	[smem:$0x3FAF] =	sst s0;
	s0 =	simm.s32 @!p2 $0x0  }
0x16: {  	s3 =	sld [smem:$0x3FDB];
	s0 =	simm.s32 @p2 $0x1  }
0x17: {  	s4 =	simm.s32 $0x1BF5;
	[smem:$0x3FB1] =	sst s0  }
0x18: {  	s0 =	sld [smem:$0x3F94];
	_ =	swait.ge [sflag:s4], $0x0  }
0x19: {  	s7 =	sld [smem:$0x3F95]  }
0x1a: {  	s8 =	sadd.s32 $0xFFFFE003, lr  }
0x1b: {  	s9 =	sadd.s32 $0xFFFFFEF7, lr;
	s5 =	simm.s32 $0xFFFFFFFF;
	p2 =	slt.u32 s8, $0xFFFFF086  }
0x1c: {  	p1 =	slt.u32 s9, $0xF7A;
	s5 =	simm.s32 @!p2 $0x0  }
0x1d: {  	s5 =	simm.s32 @p1 $0x1;
	p0 =	seq.s32 s7, s2  }
0x1e: {  	s7 =	smul.u32 @!p0 $0xF7A, s2;
	p2 =	seq.s32 @!p0 s5, $0x0  }
0x1f: {  	s9 =	smul.u32 $0xF7A, s1;
	s8 =	simm.s32 @!p0 $0x1BF5;
	p2 =	por !p2, p0  }
0x20: {  	[sflag:s8] =	ssyncset.s32 @!p0 $0xFFFFF086;
	s6 =	sadd.s32 @!p0 s3, s7;
	s7 =	simm.s32 @!p0 $0x108  }
0x21: {  	s3 =	sadd.s32 s3, s9;
	s6 =	sadd.s32 @!p0 $0x88, s6;
	s7 =	simm.s32 @p2 $0x1082  }
0x22: {  	[simem:s7], [sflag:s8] =	dma.local @!p0 [hbm:s6], $0xF7A  }
0x23: {  	s9 =	sor.u32 $0xD0000000, s2;
	s6 =	simm.s32 $0x108;
	_ =	swait.ge @!p0 [sflag:s8], $0x0  }
0x24: {  	s3 =	sadd.s32 $0x88, s3;
	s6 =	simm.s32 @!p1 $0x1082;
	[sflag:s4] =	ssyncset.s32 $0xFFFFF086  }
0x25: {  	[simem:s6], [sflag:s4] =	dma.local [hbm:s3], $0xF7A  }
0x26: {  	[smem:$0x3F95] =	sst s1;
	(tag) =	ssettag s2;
	_ =	strace s9  }
0x27: {  	s1 =	sld [smem:$0x3FA5]  }
0x28: {  	s2 =	sld [smem:$0x3FA6]  }
0x29: {  	s4 =	sld [smem:$0x3FA8]  }
0x2a: {  	p0 =	seq.s32 s5, $0x0;
	s5 =	sld [smem:$0x3FA9]  }
0x2b: {  	s6 =	sld [smem:$0x3FAA]  }
0x2c: {  	s7 =	sld [smem:$0x3FAB]  }
0x2d: {  	s3 =	simm.s32 $0x108;
	s8 =	sld [smem:$0x3FAC]  }
0x2e: {  	s3 =	simm.s32 @!p0 $0x1082;
	s9 =	sld [smem:$0x3FAD]  }
0x2f: {  	lr =	sadd.s32 s0, s3;
	s0 =	sld [smem:$0x3FA4]  }
0x30: {  	s3 =	sld [smem:$0x3FA7]  }
0x31: {  	[smem:$0x3FB0] =	sst s10  }
0x32: {  	s10 =	sld [smem:$0x3FAE];
	_ =	sdelay $0x3  }
0x33: {  	p0 =	seq.s32 s10, $0x1;
	s10 =	sld [smem:$0x3FB0];
	_ =	sdelay $0x3  }
0x34: {  	[smem:$0x3FB0] =	sst s10  }
0x35: {  	s10 =	sld [smem:$0x3FAF];
	_ =	sdelay $0x3  }
0x36: {  	p1 =	seq.s32 s10, $0x1;
	s10 =	sld [smem:$0x3FB0];
	_ =	sdelay $0x3  }
0x37: {  	[smem:$0x3FB0] =	sst s10  }
0x38: {  	s10 =	sld [smem:$0x3FB1]  }
0x39: {  	_ = 	snop;
	(pc) =	sbr.ind lr, $3  }
0x3a: {  	_ = 	snop  }
0x3b: {  	_ = 	snop  }
0x3c: {  	p2 =	seq.s32 s10, $0x1;
	s10 =	sld [smem:$0x3FB0]  }
0x3d: {  	_ =	shalt  }
0x3e: {  	_ =	shalt  }
0x3f: {  	_ =	shalt  }
0x40: {  	_ =	shalt  }
0x41: {  	_ =	shalt  }
0x42: {  	_ =	shalt  }
0x43: {  	_ =	shalt  }
0x44: {  	_ =	shalt  }
0x45: {  	_ =	shalt  }
0x46: {  	_ =	shalt  }
0x47: {  	_ =	shalt  }
0x48: {  	_ =	shalt  }
0x49: {  	_ =	shalt  }
0x4a: {  	_ =	shalt  }
0x4b: {  	_ =	shalt  }
0x4c: {  	_ =	shalt  }
0x4d: {  	_ =	shalt  }
0x4e: {  	_ =	shalt  }
0x4f: {  	_ =	shalt  }
0x50: {  	_ =	shalt  }
0x51: {  	_ =	shalt  }
0x52: {  	_ =	shalt  }
0x53: {  	_ =	shalt  }
0x54: {  	_ =	shalt  }
0x55: {  	_ =	shalt  }
0x56: {  	_ =	shalt  }
0x57: {  	_ =	shalt  }
0x58: {  	_ =	shalt  }
0x59: {  	_ =	shalt  }
0x5a: {  	_ =	shalt  }
0x5b: {  	_ =	shalt  }
0x5c: {  	_ =	shalt  }
0x5d: {  	_ =	shalt  }
0x5e: {  	_ =	shalt  }
0x5f: {  	_ =	shalt  }
0x60: {  	_ =	shalt  }
0x61: {  	_ =	shalt  }
0x62: {  	_ =	shalt  }
0x63: {  	_ =	shalt  }
0x64: {  	_ =	shalt  }
0x65: {  	_ =	shalt  }
0x66: {  	_ =	shalt  }
0x67: {  	_ =	shalt  }
0x68: {  	_ =	shalt  }
0x69: {  	_ =	shalt  }
0x6a: {  	_ =	shalt  }
0x6b: {  	_ =	shalt  }
0x6c: {  	_ =	shalt  }
0x6d: {  	_ =	shalt  }
0x6e: {  	_ =	shalt  }
0x6f: {  	_ =	shalt  }
0x70: {  	_ =	shalt  }
0x71: {  	_ =	shalt  }
0x72: {  	_ =	shalt  }
0x73: {  	_ =	shalt  }
0x74: {  	_ =	shalt  }
0x75: {  	_ =	shalt  }
0x76: {  	_ =	shalt  }
0x77: {  	_ =	shalt  }
0x78: {  	_ =	shalt  }
0x79: {  	_ =	shalt  }
0x7a: {  	_ =	shalt  }
0x7b: {  	_ =	shalt  }
0x7c: {  	_ =	shalt  }
0x7d: {  	_ =	shalt  }
0x7e: {  	_ =	shalt  }
0x7f: {  	_ =	shalt  }
0x80: {  	_ =	shalt  }
0x81: {  	_ =	shalt  }
0x82: {  	_ =	shalt  }
0x83: {  	_ =	shalt  }
0x84: {  	_ =	shalt  }
0x85: {  	_ =	shalt  }
0x86: {  	_ =	shalt  }
0x87: {  	_ =	shalt  }
.Lfunc_end0:
.L_simem_size_0:
called_computation.2_lowered:
.L_overlay_start_0:
0x88: {  	s2 =	sld [smem:$0x3FD9]  }
0x89: {  	s3 =	sld [smem:$0x3FFE];
	_ =	sdelay $0x1  }
0x8a: {  	s1 =	srdreg.scid  }
0x8b: {  	s0 =	sand.u32 $0x1, s1  }
0x8c: {  	s17 =	sshll.u32 s0, $0xA;
	s2 =	sadd.s32 s3, s2  }
0x8d: {  	s2 =	sadd.s32 s2, s17  }
0x8e: {  	[smem:$0x3FBC] =	sst s2  }
0x8f: {  	_ = 	snop  }
0x90: {  	s2 =	sld [smem:$0x3FD0];
	(tm) =	ssettm $0x1  }
0x91: {  	s18 =	sld [smem:$0x3FFB];
	_ =	sdelay $0x3  }
0x92: {  	_ =	strace s18  }
0x93: {  	s3 =	sld [smem:$0x3FFC];
	_ =	sdelay $0x3  }
0x94: {  	_ =	strace s3  }
0x95: {  	s3 =	sld [smem:$0x3FFD];
	_ =	sdelay $0x3  }
0x96: {  	_ =	strace s3  }
0x97: {  	_ =	strace $0x8FFFFFFF  }
0x98: {  	s19 =	sld [smem:$0x3FDB];
	_ =	sdelay $0x1  }
0x99: {  	s4 =	simm.s32 $_scs_section_size  }
0x9a: {  	s5 =	simm.s32 $_size__tile_overlayer_lowered;
	s6 =	simm.s32 $_tile_overlayer_lowered  }
0x9b: {  	s22 =	simm.s32 $0x1BFF;
	s21 =	sshll.u32 s6, $0x1;
	s3 =	sadd.s32 s4, s19  }
0x9c: {  	s7 =	simm.s32 $0x0;
	s20 =	sshll.u32 s5, $0x1;
	s5 =	sadd.s32 s21, s3  }
0x9d: {  	[timem:s7], [sflag:s22] =	dma.local [hbm:s5], s20  }
0x9e: {  	_ =	swait.ge [sflag:s22], s20  }
0x9f: {  	s4 =	ssub.s32 $0x0, s20;
	[sflag:s22] =	ssyncset.done $0x0  }
0xa0: {  	[sflag:s22] =	ssyncadd.s32 s4;
	_ =	sdelay $0x1  }
0xa1: {  	s23 =	simm.s32 $0x1B8B  }
0xa2: {  	_ =	swait.ge [sflag:s23], $0x1  }
0xa3: {  	[sflag:s23] =	ssyncset.done $0x0  }
0xa4: {  	s25 =	simm.s32 $0x1B8E;
	s24 =	sld [smem:$0x3FFE];
	[sflag:s23] =	ssyncadd.s32 $0xFFFFFFFF  }
0xa5: {  	s26 =	simm.s32 $execute0_lowered;
	[smem:$0x3FD2] =	sst s25  }
0xa6: {  	s5 =	sshll.u32 s26, $0x1;
	_ =	strace $0x8000004C;
	[dreg:$0x1] =	wrdreg $0xFFFFFFFF  }
0xa7: {  	s28 =	simm.s32 $_size_execute0_lowered;
	s3 =	sadd.s32 s3, s5;
	[dreg:$0x0] =	wrdreg $0x0  }
0xa8: {  	s5 =	sshll.u32 s28, $0x1;
	[dreg:$0x2] =	wrdreg s3  }
0xa9: {  	[dreg:$0x3] =	wrdreg s5  }
0xaa: {  	[dreg:$0x4] =	wrdreg $0xC0  }
0xab: {  	_ =	task [dreg:s7], $0x5FFFF  }
0xac: {  	[dreg:$0x1] =	wrdreg $0xFFFFFFFF  }
0xad: {  	[dreg:$0x0] =	wrdreg $0x60  }
0xae: {  	[dreg:$0x2] =	wrdreg s24  }
0xaf: {  	[dreg:$0x3] =	wrdreg s2  }
0xb0: {  	[dreg:$0x4] =	wrdreg $0x40800  }
0xb1: {  	[dreg:$0x5] =	wrdreg $0x9  }
0xb2: {  	_ =	task.clear_ibuf [dreg:s7], $0x6FFFF;
	_ =	strace $0x9000004C  }
0xb3: {  	s29 =	simm.s32 $0x9;
	_ =	strace $0x8000004E  }
0xb4: {  	_ =	swait.ge [sflag:s29], $0x1  }
0xb5: {  	[sflag:s29] =	ssyncadd.s32 $0xFFFFFFFF  }
0xb6: {  	_ =	strace $0x9000004E  }
0xb7: {  	_ =	sfence  }
0xb8: {  	s30 =	sld [smem:$0x0];
	_ =	sdelay $0x2  }
0xb9: {  	s31 =	sshll.u32 s1, $0xD;
	s1 =	sshrl.u32 s1, $0x2  }
0xba: {  	s3 =	sand.u32 $0x4000, s31;
	s1 =	sadd.s32 s1, s30  }
0xbb: {  	s0 =	sor.u32 s3, s0;
	s1 =	sshll.u32 s1, $0x11  }
0xbc: {  	s0 =	sor.u32 s1, s0  }
0xbd: {  	s0 =	sadd.s32 $0x8F2B, s0  }
0xbe: {  	[sflag:s0] =	ssyncadd.remote.s32 $0x1  }
0xbf: {  	_ =	sfence.sel $0xFFFF  }
0xc0: {  	[dreg:$0x0] =	wrdreg $0xFFFFFFFF;
	(pc) =	sbr.abs _section_cstart, $3  }
0xc1: {  	[dreg:$0x1] =	wrdreg $0xFFFFFFFF  }
0xc2: {  	_ =	task.clear_ibuf [dreg:s7], $0x2FFFF;
	_ =	strace $0x9FFFFFFF  }
0xc3: {  	(tm) =	ssettm $0x7FFFFFFF  }
tec
execute0_lowered:
.L_overlay_start_1:
0x0: {  	(tag) =	ssettag $0x1  }
0x1: {  	s4 =	rddreg [dreg:$0x0]  }
0x2: {  	s0 =	rddreg [dreg:$0x1]  }
0x3: {  	s6 =	stileid.u32;
	s1 =	srdreg.scid  }
0x4: {  	s2 =	rddreg [dreg:$0x2];
	s3 =	simm.s32 $0x0;
	s7 =	smul.u32 $0x5100, s6  }
0x5: {  	s5 =	sand.u32 $0x1, s1;
	s1 =	rddreg [dreg:$0x3];
	s9 =	smul.u32 $0x51000, s6  }
0x6: {  	[smem:$0x7FF] =	sst s3;
	s8 =	smul.u32 $0x2880, s5  }
0x7: {  	p0 =	sne.s32 s6, $0x0;
	_ =	strace $0x8000004D;
	s29 =	smul.u32 $0x27100, s5  }
0x8: {  	s10 =	ssub.s32 $0x2, s5;
	s12 =	smul.u32 $0x28800, s5;
	s9 =	sadd.s32 s9, s4  }
0x9: {  	s11 =	sshrl.u32 s10, $0x1;
	s7 =	sadd.s32 s8, s7;
	s8 =	sadd.s32 s29, s4  }
0xa: {  	s30 =	ssub.s32 s10, s11;
	s31 =	sadd.s32 s12, s9;
	s9 =	simm.s32 $0x1  }
0xb: {  	s10 =	simm.s32 $0x80;
	s11 =	simm.s32 $0x0;
	s7 =	sshrl.u32 s7, $0x3  }
0xc: {  	s5 =	smax.u32 s30, $0x1;
	s6 =	sadd.s32 $0xAD7000, s31;
	s7 =	sadd.s32 s7, s4  }
0xd: {  	s4 =	sadd.s32 $0xB7000, s8;
	s8 =	sshrl.u32 @!p0 s2, $0x3;
	s7 =	sadd.s32 $0x10A00, s7  }
.LBB2_1:
0xe: {  	s12 =	simm.s32 @!p0 $0x1C01  }
0xf: {  	[spmem:s8], [sflag:s12] =	dma.local @!p0 [hbm:s0], $0x27100  }
0x10: {  	s12 =	simm.s32 @!p0 $0x1  }
0x11: {  	_ =	swait.ge @!p0 [sflag:s12], $0x27100  }
0x12: {  	[sflag:s12] =	ssyncset.done @!p0 $0x0  }
0x13: {  	[sflag:s12] =	ssyncadd.s32 @!p0 $0xFFFD8F00  }
0x14: {  	s31 =	sadd.s32 $0x0, s7;
	[bflag:$0x0] =	sbarrier.arrive $0xFFFF  }
0x15: {  	[tilespmem:s3], [sflag:$0x1] =	stream.linear.gather [hbm4b:s31+s3], $0x80, $0x38;
	[tilespmem:$0x17900] =	vst v63  }
0x16: {  	_ =	swait.ge [sflag:s9], $0x80  }
0x17: {  	[sflag:s9] =	ssyncset.done $0x0  }
0x18: {  	[sflag:s9] =	ssyncadd.s32 $0xFFFFFF80  }
0x19: {  	[tilespmem:s10], [sflag:$0x1] =	stream.linear.gather [hbm4b:s6+s3], $0x4000, $0x38;
	[tilespmem:$0x17900] =	vst v63  }
0x1a: {  	_ =	swait.ge [sflag:s9], $0x4000  }
0x1b: {  	[sflag:s9] =	ssyncset.done $0x0  }
0x1c: {  	[sflag:s9] =	ssyncadd.s32 $0xFFFFC000  }
0x1d: {  	[spmem:s2] =	stream.indirect.scatter.add.f32 [tilespmem:s10], [sflag:$0x1], $0x80, s3, s10, $0xb8;
	[tilespmem:$0x17900] =	vst v63  }
0x1e: {  	s13 =	simm.s32 $0x10;
	_ =	swait.ge [sflag:s9], $0x4000  }
0x1f: {  	s14 =	simm.s32 $0x20;
	s12 =	sadd.s32 $0x800, s6;
	[sflag:s9] =	ssyncset.done $0x0  }
.LBB2_2:
0x20: {  	s15 =	sadd.s32 s13, s7  }
0x21: {  	[sflag:s9] =	ssyncadd.s32 $0xFFFFC000;
	s13 =	smov.u32 s14;
	s16 =	sadd.s32 $0x10, s14  }
0x22: {  	[tilespmem:s3], [sflag:$0x1] =	stream.linear.gather [hbm4b:s15+s3], $0x80, $0x38;
	[tilespmem:$0x17900] =	vst v63  }
0x23: {  	p1 =	sne.s32 s14, $0x500;
	_ =	swait.ge [sflag:s9], $0x80  }
0x24: {  	[sflag:s9] =	ssyncset.done $0x0  }
0x25: {  	[sflag:s9] =	ssyncadd.s32 $0xFFFFFF80  }
0x26: {  	[tilespmem:s10], [sflag:$0x1] =	stream.linear.gather [hbm4b:s12+s3], $0x4000, $0x38;
	[tilespmem:$0x17900] =	vst v63  }
0x27: {  	_ =	swait.ge [sflag:s9], $0x4000  }
.Ltmp0:
0x28: {  	[sflag:s9] =	ssyncset.done $0x0;
	(pc) =	sbr.rel @p1 .LBB2_2-.Ltmp0, $4  }
0x29: {  	[sflag:s9] =	ssyncadd.s32 $0xFFFFC000  }
0x2a: {  	[spmem:s2] =	stream.indirect.scatter.add.f32 [tilespmem:s10], [sflag:$0x1], $0x80, s3, s10, $0xb8;
	[tilespmem:$0x17900] =	vst v63  }
0x2b: {  	_ =	swait.ge [sflag:s9], $0x4000  }
0x2c: {  	s14 =	smov.u32 s16;
	s12 =	sadd.s32 $0x800, s12;
	[sflag:s9] =	ssyncset.done $0x0  }
0x2d: {  	s13 =	sadd.s32 s13, s7;
	[sflag:s9] =	ssyncadd.s32 $0xFFFFC000  }
0x2e: {  	[tilespmem:s3], [sflag:$0x1] =	stream.linear.gather [hbm4b:s13+s3], $0x80, $0x38;
	[tilespmem:$0x17900] =	vst v63  }
0x2f: {  	_ =	swait.ge [sflag:s9], $0x80  }
0x30: {  	[sflag:s9] =	ssyncset.done $0x0  }
0x31: {  	[sflag:s9] =	ssyncadd.s32 $0xFFFFFF80  }
0x32: {  	[tilespmem:s10], [sflag:$0x1] =	stream.linear.gather [hbm4b:s12+s3], $0x4000, $0x38;
	[tilespmem:$0x17900] =	vst v63  }
0x33: {  	_ =	swait.ge [sflag:s9], $0x4000  }
0x34: {  	[sflag:s9] =	ssyncset.done $0x0  }
0x35: {  	[sflag:s9] =	ssyncadd.s32 $0xFFFFC000  }
0x36: {  	[spmem:s2] =	stream.indirect.scatter.add.f32 [tilespmem:s10], [sflag:$0x1], $0x80, s3, s10, $0xb8;
	[tilespmem:$0x17900] =	vst v63  }
0x37: {  	_ =	swait.ge [sflag:s9], $0x4000  }
0x38: {  	[sflag:s9] =	ssyncset.done $0x0  }
0x39: {  	s11 =	sadd.s32 $0x1, s11;
	[sflag:s9] =	ssyncadd.s32 $0xFFFFC000  }
0x3a: {  	p1 =	sne.s32 s11, s5;
	s12 =	simm.s32 @!p0 $0x1C01;
	[bflag:$0x0] =	sbarrier.arrive $0xFFFF  }
0x3b: {  	[hbm:s4], [sflag:s12] =	dma.local @!p0 [spmem:s8], $0x27100  }
.Ltmp1:
0x3c: {  	_ = 	snop;
	(pc) =	sbr.rel @p1 .LBB2_1-.Ltmp1, $4  }
0x3d: {  	s12 =	simm.s32 @!p0 $0x1  }
0x3e: {  	_ =	swait.ge @!p0 [sflag:s12], $0x27100  }
0x3f: {  	[sflag:s12] =	ssyncset.done @!p0 $0x0  }
0x40: {  	[sflag:s12] =	ssyncadd.s32 @!p0 $0xFFFD8F00  }
0x41: {  	_ =	sfence.sel $0x180000  }
0x42: {  	[bflag:$0x0] =	sbarrier.arrive $0xFFFF  }
0x43: {  	_ =	strace $0x9000004D  }
0x44: {  	s0 =	sadd.s32 @!p0 $0x100000, s1;
	[bflag:$0x2] =	sbarrier.arrive $0xFFFF  }
0x45: {  	[sflag:s0] =	ssyncadd.tile.s32 @!p0 $0x1;
	_ =	shalt  }
.Lfunc_end2:
_tile_overlayer_lowered:
.L_overlay_start_2:
0x46: {  	(tag) =	ssettag $0x2  }
0x47: {  	s0 =	rddreg [dreg:$0x0];
	s2 =	stileid.u32  }
0x48: {  	s1 =	rddreg [dreg:$0x1];
	p0 =	sne.s32 s2, $0x0  }
0x49: {  	s3 =	rddreg [dreg:$0x2];
	[bflag:$0x3] =	sbarrier.arrive $0xFFFF;
	s2 =	simm.s32 @!p0 $0x1C01  }
0x4a: {  	[timem:s3], [sflag:s2] =	dma.local @!p0 [hbm:s0], s1  }
0x4b: {  	s0 =	simm.s32 @!p0 $0x1  }
0x4c: {  	_ =	swait.ge @!p0 [sflag:s0], s1  }
0x4d: {  	s1 =	ssub.s32 @!p0 $0x0, s1;
	[sflag:s0] =	ssyncset.done @!p0 $0x0  }
0x4e: {  	[sflag:s0] =	ssyncadd.s32 @!p0 s1  }
0x4f: {  	[bflag:$0x3] =	sbarrier.arrive $0xFFFF  }
0x50: {  	_ =	shalt  }

// kernel: kernel.35.cloned.1.call-start
scs
__scs_entry_jumppad:
0x0: {  	(pc) =	sbr.rel $0x88, $3  }
0x1: {  	(tag) =	ssettag $0x0;
	lr =	simm.s32 $0x1  }
0x2: {  	[smem:$0x3F95] =	sst lr;
	_ =	strace $0xD0000000  }
0x3: {  	_ = 	snop  }
0x4: {  	_ = 	snop  }
0x5: {  	_ = 	snop  }
0x6: {  	_ = 	snop  }
0x7: {  	_ = 	snop  }
__scs_overlays_trampoline_lowered:
0x8: {  	[smem:$0x3FA4] =	sst s0  }
0x9: {  	[smem:$0x3FA5] =	sst s1  }
0xa: {  	[smem:$0x3FA6] =	sst s2  }
0xb: {  	[smem:$0x3FA7] =	sst s3  }
0xc: {  	[smem:$0x3FA8] =	sst s4  }
0xd: {  	[smem:$0x3FA9] =	sst s5  }
0xe: {  	[smem:$0x3FAA] =	sst s6  }
0xf: {  	[smem:$0x3FAB] =	sst s7  }
0x10: {  	[smem:$0x3FAC] =	sst s8  }
0x11: {  	[smem:$0x3FAD] =	sst s9;
	s0 =	simm.s32 @!p0 $0x0  }
0x12: {  	s1 =	sld [smem:$0x3F93];
	s0 =	simm.s32 @p0 $0x1  }
0x13: {  	[smem:$0x3FAE] =	sst s0;
	s0 =	simm.s32 @!p1 $0x0  }
0x14: {  	s2 =	sld [smem:$0x3F92];
	s0 =	simm.s32 @p1 $0x1  }
0x15: {  	[smem:$0x3FAF] =	sst s0;
	s0 =	simm.s32 @!p2 $0x0  }
0x16: {  	s3 =	sld [smem:$0x3FDB];
	s0 =	simm.s32 @p2 $0x1  }
0x17: {  	s4 =	simm.s32 $0x1BF5;
	[smem:$0x3FB1] =	sst s0  }
0x18: {  	s0 =	sld [smem:$0x3F94];
	_ =	swait.ge [sflag:s4], $0x0  }
0x19: {  	s7 =	sld [smem:$0x3F95]  }
0x1a: {  	s8 =	sadd.s32 $0xFFFFE003, lr  }
0x1b: {  	s9 =	sadd.s32 $0xFFFFFEF7, lr;
	s5 =	simm.s32 $0xFFFFFFFF;
	p2 =	slt.u32 s8, $0xFFFFF086  }
0x1c: {  	p1 =	slt.u32 s9, $0xF7A;
	s5 =	simm.s32 @!p2 $0x0  }
0x1d: {  	s5 =	simm.s32 @p1 $0x1;
	p0 =	seq.s32 s7, s2  }
0x1e: {  	s7 =	smul.u32 @!p0 $0xF7A, s2;
	p2 =	seq.s32 @!p0 s5, $0x0  }
0x1f: {  	s9 =	smul.u32 $0xF7A, s1;
	s8 =	simm.s32 @!p0 $0x1BF5;
	p2 =	por !p2, p0  }
0x20: {  	[sflag:s8] =	ssyncset.s32 @!p0 $0xFFFFF086;
	s6 =	sadd.s32 @!p0 s3, s7;
	s7 =	simm.s32 @!p0 $0x108  }
0x21: {  	s3 =	sadd.s32 s3, s9;
	s6 =	sadd.s32 @!p0 $0x88, s6;
	s7 =	simm.s32 @p2 $0x1082  }
0x22: {  	[simem:s7], [sflag:s8] =	dma.local @!p0 [hbm:s6], $0xF7A  }
0x23: {  	s9 =	sor.u32 $0xD0000000, s2;
	s6 =	simm.s32 $0x108;
	_ =	swait.ge @!p0 [sflag:s8], $0x0  }
0x24: {  	s3 =	sadd.s32 $0x88, s3;
	s6 =	simm.s32 @!p1 $0x1082;
	[sflag:s4] =	ssyncset.s32 $0xFFFFF086  }
0x25: {  	[simem:s6], [sflag:s4] =	dma.local [hbm:s3], $0xF7A  }
0x26: {  	[smem:$0x3F95] =	sst s1;
	(tag) =	ssettag s2;
	_ =	strace s9  }
0x27: {  	s1 =	sld [smem:$0x3FA5]  }
0x28: {  	s2 =	sld [smem:$0x3FA6]  }
0x29: {  	s4 =	sld [smem:$0x3FA8]  }
0x2a: {  	p0 =	seq.s32 s5, $0x0;
	s5 =	sld [smem:$0x3FA9]  }
0x2b: {  	s6 =	sld [smem:$0x3FAA]  }
0x2c: {  	s7 =	sld [smem:$0x3FAB]  }
0x2d: {  	s3 =	simm.s32 $0x108;
	s8 =	sld [smem:$0x3FAC]  }
0x2e: {  	s3 =	simm.s32 @!p0 $0x1082;
	s9 =	sld [smem:$0x3FAD]  }
0x2f: {  	lr =	sadd.s32 s0, s3;
	s0 =	sld [smem:$0x3FA4]  }
0x30: {  	s3 =	sld [smem:$0x3FA7]  }
0x31: {  	[smem:$0x3FB0] =	sst s10  }
0x32: {  	s10 =	sld [smem:$0x3FAE];
	_ =	sdelay $0x3  }
0x33: {  	p0 =	seq.s32 s10, $0x1;
	s10 =	sld [smem:$0x3FB0];
	_ =	sdelay $0x3  }
0x34: {  	[smem:$0x3FB0] =	sst s10  }
0x35: {  	s10 =	sld [smem:$0x3FAF];
	_ =	sdelay $0x3  }
0x36: {  	p1 =	seq.s32 s10, $0x1;
	s10 =	sld [smem:$0x3FB0];
	_ =	sdelay $0x3  }
0x37: {  	[smem:$0x3FB0] =	sst s10  }
0x38: {  	s10 =	sld [smem:$0x3FB1]  }
0x39: {  	_ = 	snop;
	(pc) =	sbr.ind lr, $3  }
0x3a: {  	_ = 	snop  }
0x3b: {  	_ = 	snop  }
0x3c: {  	p2 =	seq.s32 s10, $0x1;
	s10 =	sld [smem:$0x3FB0]  }
0x3d: {  	_ =	shalt  }
0x3e: {  	_ =	shalt  }
0x3f: {  	_ =	shalt  }
0x40: {  	_ =	shalt  }
0x41: {  	_ =	shalt  }
0x42: {  	_ =	shalt  }
0x43: {  	_ =	shalt  }
0x44: {  	_ =	shalt  }
0x45: {  	_ =	shalt  }
0x46: {  	_ =	shalt  }
0x47: {  	_ =	shalt  }
0x48: {  	_ =	shalt  }
0x49: {  	_ =	shalt  }
0x4a: {  	_ =	shalt  }
0x4b: {  	_ =	shalt  }
0x4c: {  	_ =	shalt  }
0x4d: {  	_ =	shalt  }
0x4e: {  	_ =	shalt  }
0x4f: {  	_ =	shalt  }
0x50: {  	_ =	shalt  }
0x51: {  	_ =	shalt  }
0x52: {  	_ =	shalt  }
0x53: {  	_ =	shalt  }
0x54: {  	_ =	shalt  }
0x55: {  	_ =	shalt  }
0x56: {  	_ =	shalt  }
0x57: {  	_ =	shalt  }
0x58: {  	_ =	shalt  }
0x59: {  	_ =	shalt  }
0x5a: {  	_ =	shalt  }
0x5b: {  	_ =	shalt  }
0x5c: {  	_ =	shalt  }
0x5d: {  	_ =	shalt  }
0x5e: {  	_ =	shalt  }
0x5f: {  	_ =	shalt  }
0x60: {  	_ =	shalt  }
0x61: {  	_ =	shalt  }
0x62: {  	_ =	shalt  }
0x63: {  	_ =	shalt  }
0x64: {  	_ =	shalt  }
0x65: {  	_ =	shalt  }
0x66: {  	_ =	shalt  }
0x67: {  	_ =	shalt  }
0x68: {  	_ =	shalt  }
0x69: {  	_ =	shalt  }
0x6a: {  	_ =	shalt  }
0x6b: {  	_ =	shalt  }
0x6c: {  	_ =	shalt  }
0x6d: {  	_ =	shalt  }
0x6e: {  	_ =	shalt  }
0x6f: {  	_ =	shalt  }
0x70: {  	_ =	shalt  }
0x71: {  	_ =	shalt  }
0x72: {  	_ =	shalt  }
0x73: {  	_ =	shalt  }
0x74: {  	_ =	shalt  }
0x75: {  	_ =	shalt  }
0x76: {  	_ =	shalt  }
0x77: {  	_ =	shalt  }
0x78: {  	_ =	shalt  }
0x79: {  	_ =	shalt  }
0x7a: {  	_ =	shalt  }
0x7b: {  	_ =	shalt  }
0x7c: {  	_ =	shalt  }
0x7d: {  	_ =	shalt  }
0x7e: {  	_ =	shalt  }
0x7f: {  	_ =	shalt  }
0x80: {  	_ =	shalt  }
0x81: {  	_ =	shalt  }
0x82: {  	_ =	shalt  }
0x83: {  	_ =	shalt  }
0x84: {  	_ =	shalt  }
0x85: {  	_ =	shalt  }
0x86: {  	_ =	shalt  }
0x87: {  	_ =	shalt  }
.Lfunc_end0:
.L_simem_size_0:
called_computation.3_lowered:
.L_overlay_start_0:
0x88: {  	s2 =	sld [smem:$0x3FD9]  }
0x89: {  	s3 =	sld [smem:$0x3FFE];
	_ =	sdelay $0x1  }
0x8a: {  	s1 =	srdreg.scid  }
0x8b: {  	s0 =	sand.u32 $0x1, s1  }
0x8c: {  	s16 =	sshll.u32 s0, $0xA;
	s2 =	sadd.s32 s3, s2  }
0x8d: {  	s2 =	sadd.s32 s2, s16  }
0x8e: {  	[smem:$0x3FBC] =	sst s2  }
0x8f: {  	_ = 	snop  }
0x90: {  	(tm) =	ssettm $0x1  }
0x91: {  	s17 =	sld [smem:$0x3FFB];
	_ =	sdelay $0x3  }
0x92: {  	_ =	strace s17  }
0x93: {  	s2 =	sld [smem:$0x3FFC];
	_ =	sdelay $0x3  }
0x94: {  	_ =	strace s2  }
0x95: {  	s2 =	sld [smem:$0x3FFD];
	_ =	sdelay $0x3  }
0x96: {  	_ =	strace s2  }
0x97: {  	_ =	strace $0x8FFFFFFF  }
0x98: {  	s18 =	sld [smem:$0x3FDB];
	_ =	sdelay $0x1  }
0x99: {  	s19 =	simm.s32 $_scs_section_size  }
0x9a: {  	s4 =	simm.s32 $_size__tile_overlayer_lowered;
	s5 =	simm.s32 $_tile_overlayer_lowered  }
0x9b: {  	s22 =	simm.s32 $0x1BFF;
	s21 =	sshll.u32 s5, $0x1;
	s2 =	sadd.s32 s19, s18  }
0x9c: {  	s6 =	simm.s32 $0x0;
	s20 =	sshll.u32 s4, $0x1;
	s4 =	sadd.s32 s21, s2  }
0x9d: {  	[timem:s6], [sflag:s22] =	dma.local [hbm:s4], s20  }
0x9e: {  	_ =	swait.ge [sflag:s22], s20  }
0x9f: {  	s3 =	ssub.s32 $0x0, s20;
	[sflag:s22] =	ssyncset.done $0x0  }
0xa0: {  	[sflag:s22] =	ssyncadd.s32 s3;
	_ =	sdelay $0x1  }
0xa1: {  	s23 =	simm.s32 $0x1B8B  }
0xa2: {  	_ =	swait.ge [sflag:s23], $0x1  }
0xa3: {  	[sflag:s23] =	ssyncset.done $0x0  }
0xa4: {  	s25 =	simm.s32 $0x1B8E;
	s24 =	sld [smem:$0x3FFE];
	[sflag:s23] =	ssyncadd.s32 $0xFFFFFFFF  }
0xa5: {  	s26 =	simm.s32 $execute0_lowered;
	[smem:$0x3FD2] =	sst s25  }
0xa6: {  	s4 =	sshll.u32 s26, $0x1;
	_ =	strace $0x8000004F;
	[dreg:$0x1] =	wrdreg $0xFFFFFFFF  }
0xa7: {  	s28 =	simm.s32 $_size_execute0_lowered;
	s2 =	sadd.s32 s2, s4;
	[dreg:$0x0] =	wrdreg $0x0  }
0xa8: {  	s4 =	sshll.u32 s28, $0x1;
	[dreg:$0x2] =	wrdreg s2  }
0xa9: {  	[dreg:$0x3] =	wrdreg s4  }
0xaa: {  	[dreg:$0x4] =	wrdreg $0xC0  }
0xab: {  	_ =	task [dreg:s6], $0x5FFFF  }
0xac: {  	[dreg:$0x1] =	wrdreg $0xFFFFFFFF  }
0xad: {  	[dreg:$0x0] =	wrdreg $0x60  }
0xae: {  	[dreg:$0x2] =	wrdreg s24  }
0xaf: {  	[dreg:$0x3] =	wrdreg $0x9  }
0xb0: {  	_ =	task.clear_ibuf [dreg:s6], $0x4FFFF;
	_ =	strace $0x9000004F  }
0xb1: {  	s29 =	simm.s32 $0x9;
	_ =	strace $0x80000051  }
0xb2: {  	_ =	swait.ge [sflag:s29], $0x1  }
0xb3: {  	[sflag:s29] =	ssyncadd.s32 $0xFFFFFFFF  }
0xb4: {  	_ =	strace $0x90000051  }
0xb5: {  	_ =	sfence  }
0xb6: {  	s30 =	sld [smem:$0x0];
	_ =	sdelay $0x2  }
0xb7: {  	s31 =	sshll.u32 s1, $0xD;
	s1 =	sshrl.u32 s1, $0x2  }
0xb8: {  	s3 =	sand.u32 $0x4000, s31;
	s1 =	sadd.s32 s1, s30  }
0xb9: {  	s0 =	sor.u32 s3, s0;
	s1 =	sshll.u32 s1, $0x11  }
0xba: {  	s0 =	sor.u32 s1, s0  }
0xbb: {  	s0 =	sadd.s32 $0x8F2B, s0  }
0xbc: {  	[sflag:s0] =	ssyncadd.remote.s32 $0x1  }
0xbd: {  	_ =	sfence.sel $0xFFFF  }
0xbe: {  	[dreg:$0x0] =	wrdreg $0xFFFFFFFF;
	(pc) =	sbr.abs _section_cstart, $3  }
0xbf: {  	[dreg:$0x1] =	wrdreg $0xFFFFFFFF  }
0xc0: {  	_ =	task.clear_ibuf [dreg:s6], $0x2FFFF;
	_ =	strace $0x9FFFFFFF  }
0xc1: {  	(tm) =	ssettm $0x7FFFFFFF  }
tec
execute0_lowered:
.L_overlay_start_1:
0x0: {  	(tag) =	ssettag $0x1  }
0x1: {  	s4 =	rddreg [dreg:$0x0]  }
0x2: {  	s0 =	rddreg [dreg:$0x1];
	s2 =	simm.s32 $0x0;
	s1 =	stileid.u32  }
0x3: {  	s3 =	srdreg.scid;
	s10 =	simm.s32 $0x0;
	s6 =	smul.u32 $0x5100, s1  }
0x4: {  	[smem:$0x7FF] =	sst s2;
	s5 =	sand.u32 $0x1, s3;
	s8 =	smul.u32 $0x51000, s1  }
0x5: {  	s3 =	sadd.s32 $0xB7000, s4;
	s7 =	smul.u32 $0x2880, s5;
	s9 =	ssub.s32 $0x2, s5  }
0x6: {  	_ =	strace $0x80000050;
	s5 =	smul.u32 $0x28800, s5;
	s31 =	sshrl.u32 s9, $0x1  }
0x7: {  	s8 =	sadd.s32 s8, s4;
	s6 =	sadd.s32 s7, s6;
	s7 =	ssub.s32 s9, s31  }
0x8: {  	s5 =	sadd.s32 s5, s8;
	s8 =	simm.s32 $0x80;
	s6 =	sshrl.u32 s6, $0x3  }
0x9: {  	s9 =	simm.s32 $0x1;
	s5 =	sadd.s32 $0xDE200, s5;
	s6 =	sadd.s32 s6, s4  }
0xa: {  	s4 =	smax.u32 s7, $0x1;
	s7 =	simm.s32 $0x2;
	s6 =	sadd.s32 $0x10A00, s6  }
.LBB2_1:
0xb: {  	s11 =	sadd.s32 $0x0, s6  }
0xc: {  	[tilespmem:s2], [sflag:$0x2] =	stream.linear.gather [hbm4b:s11+s2], $0x80, $0x38;
	[tilespmem:$0x4080] =	vst v63  }
0xd: {  	_ =	swait.ge [sflag:s7], $0x80  }
0xe: {  	[sflag:s7] =	ssyncset.done $0x0  }
0xf: {  	[sflag:s7] =	ssyncadd.s32 $0xFFFFFF80  }
0x10: {  	[tilespmem:s8], [sflag:$0x1] =	stream.indirect.gather [hbm4b:s3+s8], $0x80, s2, s8, $0xb8;
	[tilespmem:$0x4080] =	vst v63  }
0x11: {  	_ =	swait.ge [sflag:s9], $0x4000  }
0x12: {  	[sflag:s9] =	ssyncset.done $0x0  }
0x13: {  	[sflag:s9] =	ssyncadd.s32 $0xFFFFC000  }
0x14: {  	[hbm4b:s5+s2] =	stream.linear.scatter [tilespmem:s8], [sflag:$0x2], $0x4000, $0x38;
	[tilespmem:$0x4080] =	vst v63  }
0x15: {  	s12 =	simm.s32 $0x10;
	_ =	swait.ge [sflag:s7], $0x4000  }
0x16: {  	s13 =	simm.s32 $0x20;
	s11 =	sadd.s32 $0x800, s5;
	[sflag:s7] =	ssyncset.done $0x0  }
.LBB2_2:
0x17: {  	s14 =	sadd.s32 s12, s6  }
0x18: {  	[sflag:s7] =	ssyncadd.s32 $0xFFFFC000;
	s12 =	smov.u32 s13;
	s15 =	sadd.s32 $0x10, s13  }
0x19: {  	[tilespmem:s2], [sflag:$0x2] =	stream.linear.gather [hbm4b:s14+s2], $0x80, $0x38;
	[tilespmem:$0x4080] =	vst v63  }
0x1a: {  	p0 =	sne.s32 s13, $0x500;
	_ =	swait.ge [sflag:s7], $0x80  }
0x1b: {  	[sflag:s7] =	ssyncset.done $0x0  }
0x1c: {  	[sflag:s7] =	ssyncadd.s32 $0xFFFFFF80  }
0x1d: {  	[tilespmem:s8], [sflag:$0x1] =	stream.indirect.gather [hbm4b:s3+s8], $0x80, s2, s8, $0xb8;
	[tilespmem:$0x4080] =	vst v63  }
0x1e: {  	_ =	swait.ge [sflag:s9], $0x4000  }
.Ltmp0:
0x1f: {  	[sflag:s9] =	ssyncset.done $0x0;
	(pc) =	sbr.rel @p0 .LBB2_2-.Ltmp0, $4  }
0x20: {  	[sflag:s9] =	ssyncadd.s32 $0xFFFFC000  }
0x21: {  	[hbm4b:s11+s2] =	stream.linear.scatter [tilespmem:s8], [sflag:$0x2], $0x4000, $0x38;
	[tilespmem:$0x4080] =	vst v63  }
0x22: {  	_ =	swait.ge [sflag:s7], $0x4000  }
0x23: {  	s13 =	smov.u32 s15;
	s11 =	sadd.s32 $0x800, s11;
	[sflag:s7] =	ssyncset.done $0x0  }
0x24: {  	s12 =	sadd.s32 s12, s6;
	[sflag:s7] =	ssyncadd.s32 $0xFFFFC000  }
0x25: {  	[tilespmem:s2], [sflag:$0x2] =	stream.linear.gather [hbm4b:s12+s2], $0x80, $0x38;
	[tilespmem:$0x4080] =	vst v63  }
0x26: {  	_ =	swait.ge [sflag:s7], $0x80  }
0x27: {  	[sflag:s7] =	ssyncset.done $0x0  }
0x28: {  	[sflag:s7] =	ssyncadd.s32 $0xFFFFFF80  }
0x29: {  	[tilespmem:s8], [sflag:$0x1] =	stream.indirect.gather [hbm4b:s3+s8], $0x80, s2, s8, $0xb8;
	[tilespmem:$0x4080] =	vst v63  }
0x2a: {  	s10 =	sadd.s32 $0x1, s10;
	_ =	swait.ge [sflag:s9], $0x4000  }
0x2b: {  	p0 =	sne.s32 s10, s4;
	[sflag:s9] =	ssyncset.done $0x0  }
.Ltmp1:
0x2c: {  	[sflag:s9] =	ssyncadd.s32 $0xFFFFC000;
	(pc) =	sbr.rel @p0 .LBB2_1-.Ltmp1, $4  }
0x2d: {  	[hbm4b:s11+s2] =	stream.linear.scatter [tilespmem:s8], [sflag:$0x2], $0x4000, $0x38;
	[tilespmem:$0x4080] =	vst v63  }
0x2e: {  	_ =	swait.ge [sflag:s7], $0x4000  }
0x2f: {  	[sflag:s7] =	ssyncset.done $0x0  }
0x30: {  	[sflag:s7] =	ssyncadd.s32 $0xFFFFC000  }
0x31: {  	_ =	sfence.sel $0x180000  }
0x32: {  	[bflag:$0x0] =	sbarrier.arrive $0xFFFF  }
0x33: {  	p0 =	sne.s32 s1, $0x0;
	_ =	strace $0x90000050  }
0x34: {  	s0 =	sadd.s32 @!p0 $0x100000, s0;
	[bflag:$0x2] =	sbarrier.arrive $0xFFFF  }
0x35: {  	[sflag:s0] =	ssyncadd.tile.s32 @!p0 $0x1;
	_ =	shalt  }
.Lfunc_end2:
_tile_overlayer_lowered:
.L_overlay_start_2:
0x36: {  	(tag) =	ssettag $0x2  }
0x37: {  	s0 =	rddreg [dreg:$0x0];
	s2 =	stileid.u32  }
0x38: {  	s1 =	rddreg [dreg:$0x1];
	p0 =	sne.s32 s2, $0x0  }
0x39: {  	s3 =	rddreg [dreg:$0x2];
	[bflag:$0x3] =	sbarrier.arrive $0xFFFF;
	s2 =	simm.s32 @!p0 $0x1C02  }
0x3a: {  	[timem:s3], [sflag:s2] =	dma.local @!p0 [hbm:s0], s1  }
0x3b: {  	s0 =	simm.s32 @!p0 $0x2  }
0x3c: {  	_ =	swait.ge @!p0 [sflag:s0], s1  }
0x3d: {  	s1 =	ssub.s32 @!p0 $0x0, s1;
	[sflag:s0] =	ssyncset.done @!p0 $0x0  }
0x3e: {  	[sflag:s0] =	ssyncadd.s32 @!p0 s1  }
0x3f: {  	[bflag:$0x3] =	sbarrier.arrive $0xFFFF  }
0x40: {  	_ =	shalt  }

// kernel: kernel.38.cloned.1.call-start
scs
__scs_entry_jumppad:
0x0: {  	(pc) =	sbr.rel $0x88, $3  }
0x1: {  	(tag) =	ssettag $0x0;
	lr =	simm.s32 $0x1  }
0x2: {  	[smem:$0x3F95] =	sst lr;
	_ =	strace $0xD0000000  }
0x3: {  	_ = 	snop  }
0x4: {  	_ = 	snop  }
0x5: {  	_ = 	snop  }
0x6: {  	_ = 	snop  }
0x7: {  	_ = 	snop  }
__scs_overlays_trampoline_lowered:
0x8: {  	[smem:$0x3FA4] =	sst s0  }
0x9: {  	[smem:$0x3FA5] =	sst s1  }
0xa: {  	[smem:$0x3FA6] =	sst s2  }
0xb: {  	[smem:$0x3FA7] =	sst s3  }
0xc: {  	[smem:$0x3FA8] =	sst s4  }
0xd: {  	[smem:$0x3FA9] =	sst s5  }
0xe: {  	[smem:$0x3FAA] =	sst s6  }
0xf: {  	[smem:$0x3FAB] =	sst s7  }
0x10: {  	[smem:$0x3FAC] =	sst s8  }
0x11: {  	[smem:$0x3FAD] =	sst s9;
	s0 =	simm.s32 @!p0 $0x0  }
0x12: {  	s1 =	sld [smem:$0x3F93];
	s0 =	simm.s32 @p0 $0x1  }
0x13: {  	[smem:$0x3FAE] =	sst s0;
	s0 =	simm.s32 @!p1 $0x0  }
0x14: {  	s2 =	sld [smem:$0x3F92];
	s0 =	simm.s32 @p1 $0x1  }
0x15: {  	[smem:$0x3FAF] =	sst s0;
	s0 =	simm.s32 @!p2 $0x0  }
0x16: {  	s3 =	sld [smem:$0x3FDB];
	s0 =	simm.s32 @p2 $0x1  }
0x17: {  	s4 =	simm.s32 $0x1BF5;
	[smem:$0x3FB1] =	sst s0  }
0x18: {  	s0 =	sld [smem:$0x3F94];
	_ =	swait.ge [sflag:s4], $0x0  }
0x19: {  	s7 =	sld [smem:$0x3F95]  }
0x1a: {  	s8 =	sadd.s32 $0xFFFFE003, lr  }
0x1b: {  	s9 =	sadd.s32 $0xFFFFFEF7, lr;
	s5 =	simm.s32 $0xFFFFFFFF;
	p2 =	slt.u32 s8, $0xFFFFF086  }
0x1c: {  	p1 =	slt.u32 s9, $0xF7A;
	s5 =	simm.s32 @!p2 $0x0  }
0x1d: {  	s5 =	simm.s32 @p1 $0x1;
	p0 =	seq.s32 s7, s2  }
0x1e: {  	s7 =	smul.u32 @!p0 $0xF7A, s2;
	p2 =	seq.s32 @!p0 s5, $0x0  }
0x1f: {  	s9 =	smul.u32 $0xF7A, s1;
	s8 =	simm.s32 @!p0 $0x1BF5;
	p2 =	por !p2, p0  }
0x20: {  	[sflag:s8] =	ssyncset.s32 @!p0 $0xFFFFF086;
	s6 =	sadd.s32 @!p0 s3, s7;
	s7 =	simm.s32 @!p0 $0x108  }
0x21: {  	s3 =	sadd.s32 s3, s9;
	s6 =	sadd.s32 @!p0 $0x88, s6;
	s7 =	simm.s32 @p2 $0x1082  }
0x22: {  	[simem:s7], [sflag:s8] =	dma.local @!p0 [hbm:s6], $0xF7A  }
0x23: {  	s9 =	sor.u32 $0xD0000000, s2;
	s6 =	simm.s32 $0x108;
	_ =	swait.ge @!p0 [sflag:s8], $0x0  }
0x24: {  	s3 =	sadd.s32 $0x88, s3;
	s6 =	simm.s32 @!p1 $0x1082;
	[sflag:s4] =	ssyncset.s32 $0xFFFFF086  }
0x25: {  	[simem:s6], [sflag:s4] =	dma.local [hbm:s3], $0xF7A  }
0x26: {  	[smem:$0x3F95] =	sst s1;
	(tag) =	ssettag s2;
	_ =	strace s9  }
0x27: {  	s1 =	sld [smem:$0x3FA5]  }
0x28: {  	s2 =	sld [smem:$0x3FA6]  }
0x29: {  	s4 =	sld [smem:$0x3FA8]  }
0x2a: {  	p0 =	seq.s32 s5, $0x0;
	s5 =	sld [smem:$0x3FA9]  }
0x2b: {  	s6 =	sld [smem:$0x3FAA]  }
0x2c: {  	s7 =	sld [smem:$0x3FAB]  }
0x2d: {  	s3 =	simm.s32 $0x108;
	s8 =	sld [smem:$0x3FAC]  }
0x2e: {  	s3 =	simm.s32 @!p0 $0x1082;
	s9 =	sld [smem:$0x3FAD]  }
0x2f: {  	lr =	sadd.s32 s0, s3;
	s0 =	sld [smem:$0x3FA4]  }
0x30: {  	s3 =	sld [smem:$0x3FA7]  }
0x31: {  	[smem:$0x3FB0] =	sst s10  }
0x32: {  	s10 =	sld [smem:$0x3FAE];
	_ =	sdelay $0x3  }
0x33: {  	p0 =	seq.s32 s10, $0x1;
	s10 =	sld [smem:$0x3FB0];
	_ =	sdelay $0x3  }
0x34: {  	[smem:$0x3FB0] =	sst s10  }
0x35: {  	s10 =	sld [smem:$0x3FAF];
	_ =	sdelay $0x3  }
0x36: {  	p1 =	seq.s32 s10, $0x1;
	s10 =	sld [smem:$0x3FB0];
	_ =	sdelay $0x3  }
0x37: {  	[smem:$0x3FB0] =	sst s10  }
0x38: {  	s10 =	sld [smem:$0x3FB1]  }
0x39: {  	_ = 	snop;
	(pc) =	sbr.ind lr, $3  }
0x3a: {  	_ = 	snop  }
0x3b: {  	_ = 	snop  }
0x3c: {  	p2 =	seq.s32 s10, $0x1;
	s10 =	sld [smem:$0x3FB0]  }
0x3d: {  	_ =	shalt  }
0x3e: {  	_ =	shalt  }
0x3f: {  	_ =	shalt  }
0x40: {  	_ =	shalt  }
0x41: {  	_ =	shalt  }
0x42: {  	_ =	shalt  }
0x43: {  	_ =	shalt  }
0x44: {  	_ =	shalt  }
0x45: {  	_ =	shalt  }
0x46: {  	_ =	shalt  }
0x47: {  	_ =	shalt  }
0x48: {  	_ =	shalt  }
0x49: {  	_ =	shalt  }
0x4a: {  	_ =	shalt  }
0x4b: {  	_ =	shalt  }
0x4c: {  	_ =	shalt  }
0x4d: {  	_ =	shalt  }
0x4e: {  	_ =	shalt  }
0x4f: {  	_ =	shalt  }
0x50: {  	_ =	shalt  }
0x51: {  	_ =	shalt  }
0x52: {  	_ =	shalt  }
0x53: {  	_ =	shalt  }
0x54: {  	_ =	shalt  }
0x55: {  	_ =	shalt  }
0x56: {  	_ =	shalt  }
0x57: {  	_ =	shalt  }
0x58: {  	_ =	shalt  }
0x59: {  	_ =	shalt  }
0x5a: {  	_ =	shalt  }
0x5b: {  	_ =	shalt  }
0x5c: {  	_ =	shalt  }
0x5d: {  	_ =	shalt  }
0x5e: {  	_ =	shalt  }
0x5f: {  	_ =	shalt  }
0x60: {  	_ =	shalt  }
0x61: {  	_ =	shalt  }
0x62: {  	_ =	shalt  }
0x63: {  	_ =	shalt  }
0x64: {  	_ =	shalt  }
0x65: {  	_ =	shalt  }
0x66: {  	_ =	shalt  }
0x67: {  	_ =	shalt  }
0x68: {  	_ =	shalt  }
0x69: {  	_ =	shalt  }
0x6a: {  	_ =	shalt  }
0x6b: {  	_ =	shalt  }
0x6c: {  	_ =	shalt  }
0x6d: {  	_ =	shalt  }
0x6e: {  	_ =	shalt  }
0x6f: {  	_ =	shalt  }
0x70: {  	_ =	shalt  }
0x71: {  	_ =	shalt  }
0x72: {  	_ =	shalt  }
0x73: {  	_ =	shalt  }
0x74: {  	_ =	shalt  }
0x75: {  	_ =	shalt  }
0x76: {  	_ =	shalt  }
0x77: {  	_ =	shalt  }
0x78: {  	_ =	shalt  }
0x79: {  	_ =	shalt  }
0x7a: {  	_ =	shalt  }
0x7b: {  	_ =	shalt  }
0x7c: {  	_ =	shalt  }
0x7d: {  	_ =	shalt  }
0x7e: {  	_ =	shalt  }
0x7f: {  	_ =	shalt  }
0x80: {  	_ =	shalt  }
0x81: {  	_ =	shalt  }
0x82: {  	_ =	shalt  }
0x83: {  	_ =	shalt  }
0x84: {  	_ =	shalt  }
0x85: {  	_ =	shalt  }
0x86: {  	_ =	shalt  }
0x87: {  	_ =	shalt  }
.Lfunc_end0:
.L_simem_size_0:
called_computation.4_lowered:
.L_overlay_start_0:
0x88: {  	s2 =	sld [smem:$0x3FD9]  }
0x89: {  	s3 =	sld [smem:$0x3FFE];
	_ =	sdelay $0x1  }
0x8a: {  	s1 =	srdreg.scid  }
0x8b: {  	s0 =	sand.u32 $0x1, s1  }
0x8c: {  	s17 =	sshll.u32 s0, $0xA;
	s2 =	sadd.s32 s3, s2  }
0x8d: {  	s2 =	sadd.s32 s2, s17  }
0x8e: {  	[smem:$0x3FBC] =	sst s2  }
0x8f: {  	_ = 	snop  }
0x90: {  	(tm) =	ssettm $0x1  }
0x91: {  	s18 =	sld [smem:$0x3FFB];
	_ =	sdelay $0x3  }
0x92: {  	_ =	strace s18  }
0x93: {  	s2 =	sld [smem:$0x3FFC];
	_ =	sdelay $0x3  }
0x94: {  	_ =	strace s2  }
0x95: {  	s2 =	sld [smem:$0x3FFD];
	_ =	sdelay $0x3  }
0x96: {  	_ =	strace s2  }
0x97: {  	_ =	strace $0x8FFFFFFF  }
0x98: {  	s19 =	sld [smem:$0x3FDB];
	_ =	sdelay $0x1  }
0x99: {  	s20 =	simm.s32 $_scs_section_size  }
0x9a: {  	s4 =	simm.s32 $_size__tile_overlayer_lowered;
	s5 =	simm.s32 $_tile_overlayer_lowered  }
0x9b: {  	s6 =	simm.s32 $0x1BFF;
	s21 =	sshll.u32 s5, $0x1;
	s3 =	sadd.s32 s20, s19  }
0x9c: {  	s22 =	simm.s32 $0x0;
	s4 =	sshll.u32 s4, $0x1;
	s5 =	sadd.s32 s21, s3  }
0x9d: {  	[timem:s22], [sflag:s6] =	dma.local [hbm:s5], s4  }
0x9e: {  	_ =	swait.ge [sflag:s6], s4  }
0x9f: {  	s4 =	ssub.s32 $0x0, s4;
	[sflag:s6] =	ssyncset.done $0x0  }
0xa0: {  	[sflag:s6] =	ssyncadd.s32 s4;
	_ =	sdelay $0x1  }
0xa1: {  	s23 =	simm.s32 $0x1B8B  }
0xa2: {  	_ =	swait.ge [sflag:s23], $0x1  }
0xa3: {  	[sflag:s23] =	ssyncset.done $0x0  }
0xa4: {  	[sflag:s23] =	ssyncadd.s32 $0xFFFFFFFF  }
0xa5: {  	s4 =	sld [smem:$0x0]  }
0xa6: {  	s5 =	sand.u32 $0xFFFFFFFE, s1  }
0xa7: {  	p0 =	sne.s32 s1, s5  }
0xa8: {  	s5 =	sshll.u32 @p0 s5, $0xE  }
0xa9: {  	s5 =	sadd.s32 @p0 $0x11B8D, s5;
	s6 =	sshll.u32 @p0 s4, $0x11  }
0xaa: {  	s5 =	sor.u32 @p0 s6, s5  }
0xab: {  	[sflag:s5] =	ssyncadd.remote.s32 @p0 $0x1;
	_ =	sdelay $0x1  }
0xac: {  	s5 =	simm.s32 @p0 $0x1B8D  }
0xad: {  	_ =	swait.eq @p0 [sflag:s5], $0x1  }
0xae: {  	[sflag:s5] =	ssyncadd.s32 @p0 $0xFFFFFFFF  }
0xaf: {  	s6 =	sshll.u32 @!p0 s1, $0xE  }
0xb0: {  	s6 =	sor.u32 @!p0 $0x4000, s6;
	s5 =	simm.s32 @!p0 $0x1B8D  }
0xb1: {  	s4 =	sshll.u32 @!p0 s4, $0x11;
	s6 =	sadd.s32 @!p0 $0x11B8D, s6;
	_ =	swait.eq @!p0 [sflag:s5], $0x1  }
0xb2: {  	s4 =	sor.u32 @!p0 s4, s6;
	[sflag:s5] =	ssyncadd.s32 @!p0 $0xFFFFFFFF  }
0xb3: {  	s25 =	simm.s32 $0x1B8E;
	s24 =	sld [smem:$0x3FFE];
	[sflag:s4] =	ssyncadd.remote.s32 @!p0 $0x1  }
0xb4: {  	s26 =	simm.s32 $execute0_lowered;
	[smem:$0x3FD2] =	sst s25  }
0xb5: {  	s5 =	sshll.u32 s26, $0x1;
	_ =	strace $0x80000052;
	[dreg:$0x1] =	wrdreg $0xFFFFFFFF  }
0xb6: {  	s28 =	simm.s32 $_size_execute0_lowered;
	s3 =	sadd.s32 s3, s5;
	[dreg:$0x0] =	wrdreg $0x0  }
0xb7: {  	s5 =	sshll.u32 s28, $0x1;
	[dreg:$0x2] =	wrdreg s3  }
0xb8: {  	[dreg:$0x3] =	wrdreg s5  }
0xb9: {  	[dreg:$0x4] =	wrdreg $0xC0  }
0xba: {  	_ =	task [dreg:s22], $0x5FFFF  }
0xbb: {  	[dreg:$0x1] =	wrdreg $0xFFFFFFFF  }
0xbc: {  	[dreg:$0x0] =	wrdreg $0x60  }
0xbd: {  	[dreg:$0x2] =	wrdreg s24  }
0xbe: {  	[dreg:$0x3] =	wrdreg $0xA  }
0xbf: {  	_ =	task.clear_ibuf [dreg:s22], $0x4FFFF;
	_ =	strace $0x90000052  }
0xc0: {  	s29 =	simm.s32 $0xA;
	_ =	strace $0x80000054  }
0xc1: {  	_ =	swait.ge [sflag:s29], $0x1  }
0xc2: {  	[sflag:s29] =	ssyncadd.s32 $0xFFFFFFFF  }
0xc3: {  	_ =	strace $0x90000054  }
0xc4: {  	_ =	sfence  }
0xc5: {  	s30 =	sld [smem:$0x0];
	_ =	sdelay $0x2  }
0xc6: {  	s31 =	sshll.u32 s1, $0xD;
	s1 =	sshrl.u32 s1, $0x2  }
0xc7: {  	s4 =	sand.u32 $0x4000, s31;
	s1 =	sadd.s32 s1, s30  }
0xc8: {  	s0 =	sor.u32 s4, s0;
	s1 =	sshll.u32 s1, $0x11  }
0xc9: {  	s0 =	sor.u32 s1, s0  }
0xca: {  	s0 =	sadd.s32 $0x8F2B, s0  }
0xcb: {  	[sflag:s0] =	ssyncadd.remote.s32 $0x1  }
0xcc: {  	_ =	sfence.sel $0xFFFF  }
0xcd: {  	[dreg:$0x0] =	wrdreg $0xFFFFFFFF;
	(pc) =	sbr.abs _section_cstart, $3  }
0xce: {  	[dreg:$0x1] =	wrdreg $0xFFFFFFFF  }
0xcf: {  	_ =	task.clear_ibuf [dreg:s22], $0x2FFFF;
	_ =	strace $0x9FFFFFFF  }
0xd0: {  	(tm) =	ssettm $0x7FFFFFFF  }
0xd1: {  	_ =	shalt  }
tec
execute0_lowered:
.L_overlay_start_1:
0x0: {  	(tag) =	ssettag $0x1  }
0x1: {  	s4 =	rddreg [dreg:$0x0]  }
0x2: {  	s0 =	rddreg [dreg:$0x1];
	s2 =	simm.s32 $0x0;
	s1 =	stileid.u32  }
0x3: {  	s3 =	srdreg.scid;
	s10 =	simm.s32 $0x0;
	s6 =	smul.u32 $0x5100, s1  }
0x4: {  	[smem:$0x7FF] =	sst s2;
	s5 =	sand.u32 $0x1, s3;
	s8 =	smul.u32 $0x51000, s1  }
0x5: {  	s3 =	sadd.s32 $0xB7000, s4;
	s7 =	smul.u32 $0x2880, s5;
	s9 =	ssub.s32 $0x2, s5  }
0x6: {  	_ =	strace $0x80000053;
	s5 =	smul.u32 $0x28800, s5;
	s31 =	sshrl.u32 s9, $0x1  }
0x7: {  	s8 =	sadd.s32 s8, s4;
	s6 =	sadd.s32 s7, s6;
	s7 =	ssub.s32 s9, s31  }
0x8: {  	s5 =	sadd.s32 s5, s8;
	s8 =	simm.s32 $0x80;
	s6 =	sshrl.u32 s6, $0x3  }
0x9: {  	s9 =	simm.s32 $0x1;
	s5 =	sadd.s32 $0xFE7000, s5;
	s6 =	sadd.s32 s6, s4  }
0xa: {  	s4 =	smax.u32 s7, $0x1;
	s7 =	simm.s32 $0x2;
	s6 =	sadd.s32 $0x6400, s6  }
.LBB2_1:
0xb: {  	s11 =	sadd.s32 $0x0, s6  }
0xc: {  	[tilespmem:s2], [sflag:$0x2] =	stream.linear.gather [hbm4b:s11+s2], $0x80, $0x38;
	[tilespmem:$0x4080] =	vst v63  }
0xd: {  	_ =	swait.ge [sflag:s7], $0x80  }
0xe: {  	[sflag:s7] =	ssyncset.done $0x0  }
0xf: {  	[sflag:s7] =	ssyncadd.s32 $0xFFFFFF80  }
0x10: {  	[tilespmem:s8], [sflag:$0x1] =	stream.indirect.gather [hbm4b:s3+s8], $0x80, s2, s8, $0xb8;
	[tilespmem:$0x4080] =	vst v63  }
0x11: {  	_ =	swait.ge [sflag:s9], $0x4000  }
0x12: {  	[sflag:s9] =	ssyncset.done $0x0  }
0x13: {  	[sflag:s9] =	ssyncadd.s32 $0xFFFFC000  }
0x14: {  	[hbm4b:s5+s2] =	stream.linear.scatter [tilespmem:s8], [sflag:$0x2], $0x4000, $0x38;
	[tilespmem:$0x4080] =	vst v63  }
0x15: {  	s12 =	simm.s32 $0x10;
	_ =	swait.ge [sflag:s7], $0x4000  }
0x16: {  	s13 =	simm.s32 $0x20;
	s11 =	sadd.s32 $0x800, s5;
	[sflag:s7] =	ssyncset.done $0x0  }
.LBB2_2:
0x17: {  	s14 =	sadd.s32 s12, s6  }
0x18: {  	[sflag:s7] =	ssyncadd.s32 $0xFFFFC000;
	s12 =	smov.u32 s13;
	s15 =	sadd.s32 $0x10, s13  }
0x19: {  	[tilespmem:s2], [sflag:$0x2] =	stream.linear.gather [hbm4b:s14+s2], $0x80, $0x38;
	[tilespmem:$0x4080] =	vst v63  }
0x1a: {  	p0 =	sne.s32 s13, $0x500;
	_ =	swait.ge [sflag:s7], $0x80  }
0x1b: {  	[sflag:s7] =	ssyncset.done $0x0  }
0x1c: {  	[sflag:s7] =	ssyncadd.s32 $0xFFFFFF80  }
0x1d: {  	[tilespmem:s8], [sflag:$0x1] =	stream.indirect.gather [hbm4b:s3+s8], $0x80, s2, s8, $0xb8;
	[tilespmem:$0x4080] =	vst v63  }
0x1e: {  	_ =	swait.ge [sflag:s9], $0x4000  }
.Ltmp0:
0x1f: {  	[sflag:s9] =	ssyncset.done $0x0;
	(pc) =	sbr.rel @p0 .LBB2_2-.Ltmp0, $4  }
0x20: {  	[sflag:s9] =	ssyncadd.s32 $0xFFFFC000  }
0x21: {  	[hbm4b:s11+s2] =	stream.linear.scatter [tilespmem:s8], [sflag:$0x2], $0x4000, $0x38;
	[tilespmem:$0x4080] =	vst v63  }
0x22: {  	_ =	swait.ge [sflag:s7], $0x4000  }
0x23: {  	s13 =	smov.u32 s15;
	s11 =	sadd.s32 $0x800, s11;
	[sflag:s7] =	ssyncset.done $0x0  }
0x24: {  	s12 =	sadd.s32 s12, s6;
	[sflag:s7] =	ssyncadd.s32 $0xFFFFC000  }
0x25: {  	[tilespmem:s2], [sflag:$0x2] =	stream.linear.gather [hbm4b:s12+s2], $0x80, $0x38;
	[tilespmem:$0x4080] =	vst v63  }
0x26: {  	_ =	swait.ge [sflag:s7], $0x80  }
0x27: {  	[sflag:s7] =	ssyncset.done $0x0  }
0x28: {  	[sflag:s7] =	ssyncadd.s32 $0xFFFFFF80  }
0x29: {  	[tilespmem:s8], [sflag:$0x1] =	stream.indirect.gather [hbm4b:s3+s8], $0x80, s2, s8, $0xb8;
	[tilespmem:$0x4080] =	vst v63  }
0x2a: {  	s10 =	sadd.s32 $0x1, s10;
	_ =	swait.ge [sflag:s9], $0x4000  }
0x2b: {  	p0 =	sne.s32 s10, s4;
	[sflag:s9] =	ssyncset.done $0x0  }
.Ltmp1:
0x2c: {  	[sflag:s9] =	ssyncadd.s32 $0xFFFFC000;
	(pc) =	sbr.rel @p0 .LBB2_1-.Ltmp1, $4  }
0x2d: {  	[hbm4b:s11+s2] =	stream.linear.scatter [tilespmem:s8], [sflag:$0x2], $0x4000, $0x38;
	[tilespmem:$0x4080] =	vst v63  }
0x2e: {  	_ =	swait.ge [sflag:s7], $0x4000  }
0x2f: {  	[sflag:s7] =	ssyncset.done $0x0  }
0x30: {  	[sflag:s7] =	ssyncadd.s32 $0xFFFFC000  }
0x31: {  	_ =	sfence.sel $0x180000  }
0x32: {  	[bflag:$0x0] =	sbarrier.arrive $0xFFFF  }
0x33: {  	p0 =	sne.s32 s1, $0x0;
	_ =	strace $0x90000053  }
0x34: {  	s0 =	sadd.s32 @!p0 $0x100000, s0;
	[bflag:$0x2] =	sbarrier.arrive $0xFFFF  }
0x35: {  	[sflag:s0] =	ssyncadd.tile.s32 @!p0 $0x1;
	_ =	shalt  }
.Lfunc_end2:
_tile_overlayer_lowered:
.L_overlay_start_2:
0x36: {  	(tag) =	ssettag $0x2  }
0x37: {  	s0 =	rddreg [dreg:$0x0];
	s2 =	stileid.u32  }
0x38: {  	s1 =	rddreg [dreg:$0x1];
	p0 =	sne.s32 s2, $0x0  }
0x39: {  	s3 =	rddreg [dreg:$0x2];
	[bflag:$0x3] =	sbarrier.arrive $0xFFFF;
	s2 =	simm.s32 @!p0 $0x1C02  }
0x3a: {  	[timem:s3], [sflag:s2] =	dma.local @!p0 [hbm:s0], s1  }
0x3b: {  	s0 =	simm.s32 @!p0 $0x2  }
0x3c: {  	_ =	swait.ge @!p0 [sflag:s0], s1  }
0x3d: {  	s1 =	ssub.s32 @!p0 $0x0, s1;
	[sflag:s0] =	ssyncset.done @!p0 $0x0  }
0x3e: {  	[sflag:s0] =	ssyncadd.s32 @!p0 s1  }
0x3f: {  	[bflag:$0x3] =	sbarrier.arrive $0xFFFF  }
0x40: {  	_ =	shalt  }

// kernel: kernel.41.cloned.1.call-start
scs
__scs_entry_jumppad:
0x0: {  	(pc) =	sbr.rel $0x88, $3  }
0x1: {  	(tag) =	ssettag $0x0;
	lr =	simm.s32 $0x1  }
0x2: {  	[smem:$0x3F95] =	sst lr;
	_ =	strace $0xD0000000  }
0x3: {  	_ = 	snop  }
0x4: {  	_ = 	snop  }
0x5: {  	_ = 	snop  }
0x6: {  	_ = 	snop  }
0x7: {  	_ = 	snop  }
__scs_overlays_trampoline_lowered:
0x8: {  	[smem:$0x3FA4] =	sst s0  }
0x9: {  	[smem:$0x3FA5] =	sst s1  }
0xa: {  	[smem:$0x3FA6] =	sst s2  }
0xb: {  	[smem:$0x3FA7] =	sst s3  }
0xc: {  	[smem:$0x3FA8] =	sst s4  }
0xd: {  	[smem:$0x3FA9] =	sst s5  }
0xe: {  	[smem:$0x3FAA] =	sst s6  }
0xf: {  	[smem:$0x3FAB] =	sst s7  }
0x10: {  	[smem:$0x3FAC] =	sst s8  }
0x11: {  	[smem:$0x3FAD] =	sst s9;
	s0 =	simm.s32 @!p0 $0x0  }
0x12: {  	s1 =	sld [smem:$0x3F93];
	s0 =	simm.s32 @p0 $0x1  }
0x13: {  	[smem:$0x3FAE] =	sst s0;
	s0 =	simm.s32 @!p1 $0x0  }
0x14: {  	s2 =	sld [smem:$0x3F92];
	s0 =	simm.s32 @p1 $0x1  }
0x15: {  	[smem:$0x3FAF] =	sst s0;
	s0 =	simm.s32 @!p2 $0x0  }
0x16: {  	s3 =	sld [smem:$0x3FDB];
	s0 =	simm.s32 @p2 $0x1  }
0x17: {  	s4 =	simm.s32 $0x1BF5;
	[smem:$0x3FB1] =	sst s0  }
0x18: {  	s0 =	sld [smem:$0x3F94];
	_ =	swait.ge [sflag:s4], $0x0  }
0x19: {  	s7 =	sld [smem:$0x3F95]  }
0x1a: {  	s8 =	sadd.s32 $0xFFFFE003, lr  }
0x1b: {  	s9 =	sadd.s32 $0xFFFFFEF7, lr;
	s5 =	simm.s32 $0xFFFFFFFF;
	p2 =	slt.u32 s8, $0xFFFFF086  }
0x1c: {  	p1 =	slt.u32 s9, $0xF7A;
	s5 =	simm.s32 @!p2 $0x0  }
0x1d: {  	s5 =	simm.s32 @p1 $0x1;
	p0 =	seq.s32 s7, s2  }
0x1e: {  	s7 =	smul.u32 @!p0 $0xF7A, s2;
	p2 =	seq.s32 @!p0 s5, $0x0  }
0x1f: {  	s9 =	smul.u32 $0xF7A, s1;
	s8 =	simm.s32 @!p0 $0x1BF5;
	p2 =	por !p2, p0  }
0x20: {  	[sflag:s8] =	ssyncset.s32 @!p0 $0xFFFFF086;
	s6 =	sadd.s32 @!p0 s3, s7;
	s7 =	simm.s32 @!p0 $0x108  }
0x21: {  	s3 =	sadd.s32 s3, s9;
	s6 =	sadd.s32 @!p0 $0x88, s6;
	s7 =	simm.s32 @p2 $0x1082  }
0x22: {  	[simem:s7], [sflag:s8] =	dma.local @!p0 [hbm:s6], $0xF7A  }
0x23: {  	s9 =	sor.u32 $0xD0000000, s2;
	s6 =	simm.s32 $0x108;
	_ =	swait.ge @!p0 [sflag:s8], $0x0  }
0x24: {  	s3 =	sadd.s32 $0x88, s3;
	s6 =	simm.s32 @!p1 $0x1082;
	[sflag:s4] =	ssyncset.s32 $0xFFFFF086  }
0x25: {  	[simem:s6], [sflag:s4] =	dma.local [hbm:s3], $0xF7A  }
0x26: {  	[smem:$0x3F95] =	sst s1;
	(tag) =	ssettag s2;
	_ =	strace s9  }
0x27: {  	s1 =	sld [smem:$0x3FA5]  }
0x28: {  	s2 =	sld [smem:$0x3FA6]  }
0x29: {  	s4 =	sld [smem:$0x3FA8]  }
0x2a: {  	p0 =	seq.s32 s5, $0x0;
	s5 =	sld [smem:$0x3FA9]  }
0x2b: {  	s6 =	sld [smem:$0x3FAA]  }
0x2c: {  	s7 =	sld [smem:$0x3FAB]  }
0x2d: {  	s3 =	simm.s32 $0x108;
	s8 =	sld [smem:$0x3FAC]  }
0x2e: {  	s3 =	simm.s32 @!p0 $0x1082;
	s9 =	sld [smem:$0x3FAD]  }
0x2f: {  	lr =	sadd.s32 s0, s3;
	s0 =	sld [smem:$0x3FA4]  }
0x30: {  	s3 =	sld [smem:$0x3FA7]  }
0x31: {  	[smem:$0x3FB0] =	sst s10  }
0x32: {  	s10 =	sld [smem:$0x3FAE];
	_ =	sdelay $0x3  }
0x33: {  	p0 =	seq.s32 s10, $0x1;
	s10 =	sld [smem:$0x3FB0];
	_ =	sdelay $0x3  }
0x34: {  	[smem:$0x3FB0] =	sst s10  }
0x35: {  	s10 =	sld [smem:$0x3FAF];
	_ =	sdelay $0x3  }
0x36: {  	p1 =	seq.s32 s10, $0x1;
	s10 =	sld [smem:$0x3FB0];
	_ =	sdelay $0x3  }
0x37: {  	[smem:$0x3FB0] =	sst s10  }
0x38: {  	s10 =	sld [smem:$0x3FB1]  }
0x39: {  	_ = 	snop;
	(pc) =	sbr.ind lr, $3  }
0x3a: {  	_ = 	snop  }
0x3b: {  	_ = 	snop  }
0x3c: {  	p2 =	seq.s32 s10, $0x1;
	s10 =	sld [smem:$0x3FB0]  }
0x3d: {  	_ =	shalt  }
0x3e: {  	_ =	shalt  }
0x3f: {  	_ =	shalt  }
0x40: {  	_ =	shalt  }
0x41: {  	_ =	shalt  }
0x42: {  	_ =	shalt  }
0x43: {  	_ =	shalt  }
0x44: {  	_ =	shalt  }
0x45: {  	_ =	shalt  }
0x46: {  	_ =	shalt  }
0x47: {  	_ =	shalt  }
0x48: {  	_ =	shalt  }
0x49: {  	_ =	shalt  }
0x4a: {  	_ =	shalt  }
0x4b: {  	_ =	shalt  }
0x4c: {  	_ =	shalt  }
0x4d: {  	_ =	shalt  }
0x4e: {  	_ =	shalt  }
0x4f: {  	_ =	shalt  }
0x50: {  	_ =	shalt  }
0x51: {  	_ =	shalt  }
0x52: {  	_ =	shalt  }
0x53: {  	_ =	shalt  }
0x54: {  	_ =	shalt  }
0x55: {  	_ =	shalt  }
0x56: {  	_ =	shalt  }
0x57: {  	_ =	shalt  }
0x58: {  	_ =	shalt  }
0x59: {  	_ =	shalt  }
0x5a: {  	_ =	shalt  }
0x5b: {  	_ =	shalt  }
0x5c: {  	_ =	shalt  }
0x5d: {  	_ =	shalt  }
0x5e: {  	_ =	shalt  }
0x5f: {  	_ =	shalt  }
0x60: {  	_ =	shalt  }
0x61: {  	_ =	shalt  }
0x62: {  	_ =	shalt  }
0x63: {  	_ =	shalt  }
0x64: {  	_ =	shalt  }
0x65: {  	_ =	shalt  }
0x66: {  	_ =	shalt  }
0x67: {  	_ =	shalt  }
0x68: {  	_ =	shalt  }
0x69: {  	_ =	shalt  }
0x6a: {  	_ =	shalt  }
0x6b: {  	_ =	shalt  }
0x6c: {  	_ =	shalt  }
0x6d: {  	_ =	shalt  }
0x6e: {  	_ =	shalt  }
0x6f: {  	_ =	shalt  }
0x70: {  	_ =	shalt  }
0x71: {  	_ =	shalt  }
0x72: {  	_ =	shalt  }
0x73: {  	_ =	shalt  }
0x74: {  	_ =	shalt  }
0x75: {  	_ =	shalt  }
0x76: {  	_ =	shalt  }
0x77: {  	_ =	shalt  }
0x78: {  	_ =	shalt  }
0x79: {  	_ =	shalt  }
0x7a: {  	_ =	shalt  }
0x7b: {  	_ =	shalt  }
0x7c: {  	_ =	shalt  }
0x7d: {  	_ =	shalt  }
0x7e: {  	_ =	shalt  }
0x7f: {  	_ =	shalt  }
0x80: {  	_ =	shalt  }
0x81: {  	_ =	shalt  }
0x82: {  	_ =	shalt  }
0x83: {  	_ =	shalt  }
0x84: {  	_ =	shalt  }
0x85: {  	_ =	shalt  }
0x86: {  	_ =	shalt  }
0x87: {  	_ =	shalt  }
.Lfunc_end0:
.L_simem_size_0:
called_computation.5_lowered:
.L_overlay_start_0:
0x88: {  	s2 =	sld [smem:$0x3FD9]  }
0x89: {  	s3 =	sld [smem:$0x3FFE];
	_ =	sdelay $0x1  }
0x8a: {  	s1 =	srdreg.scid  }
0x8b: {  	s0 =	sand.u32 $0x1, s1  }
0x8c: {  	s17 =	sshll.u32 s0, $0xA;
	s2 =	sadd.s32 s3, s2  }
0x8d: {  	s2 =	sadd.s32 s2, s17  }
0x8e: {  	[smem:$0x3FBC] =	sst s2  }
0x8f: {  	_ = 	snop  }
0x90: {  	(tm) =	ssettm $0x1  }
0x91: {  	s18 =	sld [smem:$0x3FFB];
	_ =	sdelay $0x3  }
0x92: {  	_ =	strace s18  }
0x93: {  	s2 =	sld [smem:$0x3FFC];
	_ =	sdelay $0x3  }
0x94: {  	_ =	strace s2  }
0x95: {  	s2 =	sld [smem:$0x3FFD];
	_ =	sdelay $0x3  }
0x96: {  	_ =	strace s2  }
0x97: {  	_ =	strace $0x8FFFFFFF  }
0x98: {  	s19 =	sld [smem:$0x3FDB];
	_ =	sdelay $0x1  }
0x99: {  	s20 =	simm.s32 $_scs_section_size  }
0x9a: {  	s4 =	simm.s32 $_size__tile_overlayer_lowered;
	s5 =	simm.s32 $_tile_overlayer_lowered  }
0x9b: {  	s6 =	simm.s32 $0x1BFF;
	s21 =	sshll.u32 s5, $0x1;
	s3 =	sadd.s32 s20, s19  }
0x9c: {  	s22 =	simm.s32 $0x0;
	s4 =	sshll.u32 s4, $0x1;
	s5 =	sadd.s32 s21, s3  }
0x9d: {  	[timem:s22], [sflag:s6] =	dma.local [hbm:s5], s4  }
0x9e: {  	_ =	swait.ge [sflag:s6], s4  }
0x9f: {  	s4 =	ssub.s32 $0x0, s4;
	[sflag:s6] =	ssyncset.done $0x0  }
0xa0: {  	[sflag:s6] =	ssyncadd.s32 s4;
	_ =	sdelay $0x1  }
0xa1: {  	s23 =	simm.s32 $0x1B8B  }
0xa2: {  	_ =	swait.ge [sflag:s23], $0x1  }
0xa3: {  	[sflag:s23] =	ssyncset.done $0x0  }
0xa4: {  	[sflag:s23] =	ssyncadd.s32 $0xFFFFFFFF  }
0xa5: {  	s4 =	sld [smem:$0x0]  }
0xa6: {  	s5 =	sand.u32 $0xFFFFFFFE, s1  }
0xa7: {  	p0 =	sne.s32 s1, s5  }
0xa8: {  	s5 =	sshll.u32 @p0 s5, $0xE  }
0xa9: {  	s5 =	sadd.s32 @p0 $0x11B8D, s5;
	s6 =	sshll.u32 @p0 s4, $0x11  }
0xaa: {  	s5 =	sor.u32 @p0 s6, s5  }
0xab: {  	[sflag:s5] =	ssyncadd.remote.s32 @p0 $0x1;
	_ =	sdelay $0x1  }
0xac: {  	s5 =	simm.s32 @p0 $0x1B8D  }
0xad: {  	_ =	swait.eq @p0 [sflag:s5], $0x1  }
0xae: {  	[sflag:s5] =	ssyncadd.s32 @p0 $0xFFFFFFFF  }
0xaf: {  	s6 =	sshll.u32 @!p0 s1, $0xE  }
0xb0: {  	s6 =	sor.u32 @!p0 $0x4000, s6;
	s5 =	simm.s32 @!p0 $0x1B8D  }
0xb1: {  	s4 =	sshll.u32 @!p0 s4, $0x11;
	s6 =	sadd.s32 @!p0 $0x11B8D, s6;
	_ =	swait.eq @!p0 [sflag:s5], $0x1  }
0xb2: {  	s4 =	sor.u32 @!p0 s4, s6;
	[sflag:s5] =	ssyncadd.s32 @!p0 $0xFFFFFFFF  }
0xb3: {  	s25 =	simm.s32 $0x1B8E;
	s24 =	sld [smem:$0x3FFE];
	[sflag:s4] =	ssyncadd.remote.s32 @!p0 $0x1  }
0xb4: {  	s26 =	simm.s32 $execute0_lowered;
	[smem:$0x3FD2] =	sst s25  }
0xb5: {  	s5 =	sshll.u32 s26, $0x1;
	_ =	strace $0x80000055;
	[dreg:$0x1] =	wrdreg $0xFFFFFFFF  }
0xb6: {  	s28 =	simm.s32 $_size_execute0_lowered;
	s3 =	sadd.s32 s3, s5;
	[dreg:$0x0] =	wrdreg $0x0  }
0xb7: {  	s5 =	sshll.u32 s28, $0x1;
	[dreg:$0x2] =	wrdreg s3  }
0xb8: {  	[dreg:$0x3] =	wrdreg s5  }
0xb9: {  	[dreg:$0x4] =	wrdreg $0xC0  }
0xba: {  	_ =	task [dreg:s22], $0x5FFFF  }
0xbb: {  	[dreg:$0x1] =	wrdreg $0xFFFFFFFF  }
0xbc: {  	[dreg:$0x0] =	wrdreg $0x60  }
0xbd: {  	[dreg:$0x2] =	wrdreg s24  }
0xbe: {  	[dreg:$0x3] =	wrdreg $0xB  }
0xbf: {  	_ =	task.clear_ibuf [dreg:s22], $0x4FFFF;
	_ =	strace $0x90000055  }
0xc0: {  	s29 =	simm.s32 $0xB;
	_ =	strace $0x80000057  }
0xc1: {  	_ =	swait.ge [sflag:s29], $0x1  }
0xc2: {  	[sflag:s29] =	ssyncadd.s32 $0xFFFFFFFF  }
0xc3: {  	_ =	strace $0x90000057  }
0xc4: {  	_ =	sfence  }
0xc5: {  	s30 =	sld [smem:$0x0];
	_ =	sdelay $0x2  }
0xc6: {  	s31 =	sshll.u32 s1, $0xD;
	s1 =	sshrl.u32 s1, $0x2  }
0xc7: {  	s4 =	sand.u32 $0x4000, s31;
	s1 =	sadd.s32 s1, s30  }
0xc8: {  	s0 =	sor.u32 s4, s0;
	s1 =	sshll.u32 s1, $0x11  }
0xc9: {  	s0 =	sor.u32 s1, s0  }
0xca: {  	s0 =	sadd.s32 $0x8F2B, s0  }
0xcb: {  	[sflag:s0] =	ssyncadd.remote.s32 $0x1  }
0xcc: {  	_ =	sfence.sel $0xFFFF  }
0xcd: {  	[dreg:$0x0] =	wrdreg $0xFFFFFFFF;
	(pc) =	sbr.abs _section_cstart, $3  }
0xce: {  	[dreg:$0x1] =	wrdreg $0xFFFFFFFF  }
0xcf: {  	_ =	task.clear_ibuf [dreg:s22], $0x2FFFF;
	_ =	strace $0x9FFFFFFF  }
0xd0: {  	(tm) =	ssettm $0x7FFFFFFF  }
0xd1: {  	_ =	shalt  }
tec
execute0_lowered:
.L_overlay_start_1:
0x0: {  	(tag) =	ssettag $0x1  }
0x1: {  	s0 =	srdreg.scid  }
0x2: {  	s3 =	stileid.u32;
	s4 =	rddreg [dreg:$0x0];
	s15 =	simm.s32 $0x880  }
0x3: {  	s16 =	simm.s32 $0x1080;
	s18 =	simm.s32 $0x1880;
	s19 =	simm.s32 $0x2080  }
0x4: {  	s20 =	simm.s32 $0x2880;
	s0 =	sand.u32 $0x1, s0;
	s1 =	smul.u32 $0x5100, s3  }
0x5: {  	s21 =	simm.s32 $0x3080;
	s22 =	simm.s32 $0x3880;
	s2 =	smul.u32 $0x2880, s0  }
0x6: {  	s23 =	simm.s32 $0x4080;
	s24 =	simm.s32 $0x4880;
	s25 =	simm.s32 $0x5080  }
0x7: {  	s26 =	simm.s32 $0x5880;
	s1 =	sadd.s32 s2, s1;
	s2 =	simm.s32 $0x0  }
0x8: {  	s8 =	simm.s32 $0x80;
	s9 =	simm.s32 $0x6080;
	[smem:$0x7FF] =	sst s2  }
0x9: {  	s10 =	simm.s32 $0x6880;
	_ =	strace $0x80000056;
	[dreg:$0x3] =	wrdreg s15  }
0xa: {  	s11 =	simm.s32 $0x7080;
	s12 =	simm.s32 $0x7880;
	[dreg:$0x4] =	wrdreg s16  }
0xb: {  	s5 =	smul.u32 $0x144000, s3;
	s17 =	ssub.s32 $0x2, s0;
	[dreg:$0x5] =	wrdreg s18  }
0xc: {  	s13 =	simm.s32 $0x8080;
	s7 =	sshrl.u32 s17, $0x1;
	[dreg:$0x6] =	wrdreg s19  }
0xd: {  	s6 =	sadd.s32 s5, s4;
	s5 =	ssub.s32 s17, s7;
	[dreg:$0x7] =	wrdreg s20  }
0xe: {  	s0 =	smul.u32 $0xA2000, s0;
	s5 =	smax.u32 s5, $0x1;
	[dreg:$0x8] =	wrdreg s21  }
0xf: {  	s14 =	simm.s32 $0x8880;
	s28 =	simm.s32 $0xF080;
	[dreg:$0xe] =	wrdreg s5  }
0x10: {  	s29 =	simm.s32 $0xF880;
	s0 =	sadd.s32 s0, s6;
	[dreg:$0x9] =	wrdreg s22  }
0x11: {  	s30 =	simm.s32 $0x1;
	s0 =	sadd.s32 $0x14F7000, s0;
	[dreg:$0xa] =	wrdreg s23  }
0x12: {  	s31 =	simm.s32 $0x0;
	s3 =	sadd.s32 $0x1AC00, s4;
	[dreg:$0xf] =	wrdreg s0  }
0x13: {  	s7 =	simm.s32 $0x2;
	s1 =	sshrl.u32 s1, $0x3;
	[dreg:$0xb] =	wrdreg s24  }
0x14: {  	s17 =	simm.s32 $0xA080;
	s1 =	sadd.s32 s1, s4;
	[dreg:$0xc] =	wrdreg s25  }
0x15: {  	s4 =	sadd.s32 $0x1AD00, s4;
	[dreg:$0xd] =	wrdreg s26;
	s15 =	simm.s32 $0x9080  }
0x16: {  	s16 =	simm.s32 $0x9880;
	s18 =	simm.s32 $0xA880;
	s19 =	simm.s32 $0xB080  }
0x17: {  	v2 =	vlaneseq.u32;
	s20 =	simm.s32 $0xB880;
	s21 =	simm.s32 $0xC080;
	s22 =	simm.s32 $0xC880  }
0x18: {  	vm0 =	vmmov $0xffff;
	v1 =	vshrl.u32 v2, $0x3;
	s23 =	simm.s32 $0xD080;
	s24 =	simm.s32 $0xD880;
	s1 =	sadd.s32 $0x6400, s1  }
0x19: {  	v0 =	vand.u32 $0x7, v2;
	v2 =	vor.u32 $0x8, v2;
	v1 =	vmul.u32 $0x8, v1;
	s25 =	simm.s32 $0xE080;
	s26 =	simm.s32 $0xE880;
	[dreg:$0x2] =	wrdreg s1  }
.LBB2_1:
0x1a: {  	s6 =	rddreg [dreg:$0xf];
	s0 =	simm.s32 $0x0  }
.LBB2_2:
0x1b: {  	s5 =	rddreg [dreg:$0x2]  }
0x1c: {  	s5 =	sadd.s32 s0, s5  }
0x1d: {  	[tilespmem:s2], [sflag:$0x2] =	stream.linear.gather [hbm4b:s5+s2], $0x80, $0x38;
	[tilespmem:$0x10080] =	vst v63  }
0x1e: {  	_ =	swait.ge [sflag:s7], $0x80  }
0x1f: {  	[sflag:s7] =	ssyncset.done $0x0  }
0x20: {  	[sflag:s7] =	ssyncadd.s32 $0xFFFFFF80  }
0x21: {  	v3 =	vld [tilespmem:$0x0];
	_ =	sdelay $0x4  }
0x22: {  	v4 =	vshll.u32 v3, $0x2  }
0x23: {  	v3 =	vand.u32 $0x7, v3;
	v4 =	vand.u32 $0xFFFFFFE0, v4  }
0x24: {  	v3 =	vor.u32 v3, v4  }
0x25: {  	v4 =	vperm.xlane v3, v0;
	_ =	sdelay $0x1  }
0x26: {  	v4 =	vadd.s32 v1, v4;
	_ =	sdelay $0x1  }
0x27: {  	v3 =	vperm.xlane v3, v2;
	_ =	sdelay $0x1  }
0x28: {  	v3 =	vadd.s32 v1, v3  }
0x29: {  	[tilespmem:s8], [sflag:$0x1] =	stream.indirect_vreg.gather [hbm4b:s3+s2], $0x80, v4, vm0, $0xb8;
	[tilespmem:$0x10080] =	vst v63  }
0x2a: {  	s5 =	rddreg [dreg:$0x3]  }
0x2b: {  	[tilespmem:s5], [sflag:$0x1] =	stream.indirect_vreg.gather [hbm4b:s4+s2], $0x80, v4, vm0, $0xb8;
	[tilespmem:$0x10080] =	vst v63  }
0x2c: {  	s1 =	rddreg [dreg:$0x4]  }
0x2d: {  	[tilespmem:s1], [sflag:$0x1] =	stream.indirect_vreg.gather [hbm4b:s3+s2], $0x80, v3, vm0, $0xb8;
	[tilespmem:$0x10080] =	vst v63  }
0x2e: {  	s5 =	rddreg [dreg:$0x5]  }
0x2f: {  	[tilespmem:s5], [sflag:$0x1] =	stream.indirect_vreg.gather [hbm4b:s4+s2], $0x80, v3, vm0, $0xb8;
	[tilespmem:$0x10080] =	vst v63  }
0x30: {  	v3 =	vld [tilespmem:$0x10];
	_ =	sdelay $0x4  }
0x31: {  	v57 =	vshll.u32 v3, $0x2  }
0x32: {  	v3 =	vand.u32 $0x7, v3;
	v4 =	vand.u32 $0xFFFFFFE0, v57  }
0x33: {  	v3 =	vor.u32 v3, v4  }
0x34: {  	v4 =	vperm.xlane v3, v0;
	_ =	sdelay $0x1  }
0x35: {  	v4 =	vadd.s32 v1, v4;
	_ =	sdelay $0x1  }
0x36: {  	v3 =	vperm.xlane v3, v2;
	_ =	sdelay $0x1  }
0x37: {  	s1 =	rddreg [dreg:$0x6];
	v3 =	vadd.s32 v1, v3  }
0x38: {  	[tilespmem:s1], [sflag:$0x1] =	stream.indirect_vreg.gather [hbm4b:s3+s2], $0x80, v4, vm0, $0xb8;
	[tilespmem:$0x10080] =	vst v63  }
0x39: {  	s5 =	rddreg [dreg:$0x7]  }
0x3a: {  	[tilespmem:s5], [sflag:$0x1] =	stream.indirect_vreg.gather [hbm4b:s4+s2], $0x80, v4, vm0, $0xb8;
	[tilespmem:$0x10080] =	vst v63  }
0x3b: {  	s1 =	rddreg [dreg:$0x8]  }
0x3c: {  	[tilespmem:s1], [sflag:$0x1] =	stream.indirect_vreg.gather [hbm4b:s3+s2], $0x80, v3, vm0, $0xb8;
	[tilespmem:$0x10080] =	vst v63  }
0x3d: {  	s5 =	rddreg [dreg:$0x9]  }
0x3e: {  	[tilespmem:s5], [sflag:$0x1] =	stream.indirect_vreg.gather [hbm4b:s4+s2], $0x80, v3, vm0, $0xb8;
	[tilespmem:$0x10080] =	vst v63  }
0x3f: {  	v3 =	vld [tilespmem:$0x20];
	_ =	sdelay $0x4  }
0x40: {  	v58 =	vshll.u32 v3, $0x2  }
0x41: {  	v3 =	vand.u32 $0x7, v3;
	v4 =	vand.u32 $0xFFFFFFE0, v58  }
0x42: {  	v3 =	vor.u32 v3, v4  }
0x43: {  	v4 =	vperm.xlane v3, v0;
	_ =	sdelay $0x1  }
0x44: {  	v4 =	vadd.s32 v1, v4;
	_ =	sdelay $0x1  }
0x45: {  	v3 =	vperm.xlane v3, v2;
	_ =	sdelay $0x1  }
0x46: {  	s1 =	rddreg [dreg:$0xa];
	v3 =	vadd.s32 v1, v3  }
0x47: {  	[tilespmem:s1], [sflag:$0x1] =	stream.indirect_vreg.gather [hbm4b:s3+s2], $0x80, v4, vm0, $0xb8;
	[tilespmem:$0x10080] =	vst v63  }
0x48: {  	s5 =	rddreg [dreg:$0xb]  }
0x49: {  	[tilespmem:s5], [sflag:$0x1] =	stream.indirect_vreg.gather [hbm4b:s4+s2], $0x80, v4, vm0, $0xb8;
	[tilespmem:$0x10080] =	vst v63  }
0x4a: {  	s1 =	rddreg [dreg:$0xc]  }
0x4b: {  	[tilespmem:s1], [sflag:$0x1] =	stream.indirect_vreg.gather [hbm4b:s3+s2], $0x80, v3, vm0, $0xb8;
	[tilespmem:$0x10080] =	vst v63  }
0x4c: {  	s5 =	rddreg [dreg:$0xd]  }
0x4d: {  	[tilespmem:s5], [sflag:$0x1] =	stream.indirect_vreg.gather [hbm4b:s4+s2], $0x80, v3, vm0, $0xb8;
	[tilespmem:$0x10080] =	vst v63  }
0x4e: {  	v3 =	vld [tilespmem:$0x30];
	_ =	sdelay $0x4  }
0x4f: {  	v59 =	vshll.u32 v3, $0x2  }
0x50: {  	v3 =	vand.u32 $0x7, v3;
	v4 =	vand.u32 $0xFFFFFFE0, v59  }
0x51: {  	v3 =	vor.u32 v3, v4  }
0x52: {  	v4 =	vperm.xlane v3, v0;
	_ =	sdelay $0x1  }
0x53: {  	v4 =	vadd.s32 v1, v4;
	_ =	sdelay $0x1  }
0x54: {  	v3 =	vperm.xlane v3, v2;
	_ =	sdelay $0x1  }
0x55: {  	v3 =	vadd.s32 v1, v3  }
0x56: {  	[tilespmem:s9], [sflag:$0x1] =	stream.indirect_vreg.gather [hbm4b:s3+s2], $0x80, v4, vm0, $0xb8;
	[tilespmem:$0x10080] =	vst v63  }
0x57: {  	_ = 	snop  }
0x58: {  	[tilespmem:s10], [sflag:$0x1] =	stream.indirect_vreg.gather [hbm4b:s4+s2], $0x80, v4, vm0, $0xb8;
	[tilespmem:$0x10080] =	vst v63  }
0x59: {  	_ = 	snop  }
0x5a: {  	[tilespmem:s11], [sflag:$0x1] =	stream.indirect_vreg.gather [hbm4b:s3+s2], $0x80, v3, vm0, $0xb8;
	[tilespmem:$0x10080] =	vst v63  }
0x5b: {  	_ = 	snop  }
0x5c: {  	[tilespmem:s12], [sflag:$0x1] =	stream.indirect_vreg.gather [hbm4b:s4+s2], $0x80, v3, vm0, $0xb8;
	[tilespmem:$0x10080] =	vst v63  }
0x5d: {  	v3 =	vld [tilespmem:$0x40];
	_ =	sdelay $0x4  }
0x5e: {  	v60 =	vshll.u32 v3, $0x2  }
0x5f: {  	v3 =	vand.u32 $0x7, v3;
	v4 =	vand.u32 $0xFFFFFFE0, v60  }
0x60: {  	v3 =	vor.u32 v3, v4  }
0x61: {  	v4 =	vperm.xlane v3, v0;
	_ =	sdelay $0x1  }
0x62: {  	v4 =	vadd.s32 v1, v4;
	_ =	sdelay $0x1  }
0x63: {  	v3 =	vperm.xlane v3, v2;
	_ =	sdelay $0x1  }
0x64: {  	v3 =	vadd.s32 v1, v3  }
0x65: {  	[tilespmem:s13], [sflag:$0x1] =	stream.indirect_vreg.gather [hbm4b:s3+s2], $0x80, v4, vm0, $0xb8;
	[tilespmem:$0x10080] =	vst v63  }
0x66: {  	_ = 	snop  }
0x67: {  	[tilespmem:s14], [sflag:$0x1] =	stream.indirect_vreg.gather [hbm4b:s4+s2], $0x80, v4, vm0, $0xb8;
	[tilespmem:$0x10080] =	vst v63  }
0x68: {  	_ = 	snop  }
0x69: {  	[tilespmem:s15], [sflag:$0x1] =	stream.indirect_vreg.gather [hbm4b:s3+s2], $0x80, v3, vm0, $0xb8;
	[tilespmem:$0x10080] =	vst v63  }
0x6a: {  	_ = 	snop  }
0x6b: {  	[tilespmem:s16], [sflag:$0x1] =	stream.indirect_vreg.gather [hbm4b:s4+s2], $0x80, v3, vm0, $0xb8;
	[tilespmem:$0x10080] =	vst v63  }
0x6c: {  	v3 =	vld [tilespmem:$0x50];
	_ =	sdelay $0x4  }
0x6d: {  	v61 =	vshll.u32 v3, $0x2  }
0x6e: {  	v3 =	vand.u32 $0x7, v3;
	v4 =	vand.u32 $0xFFFFFFE0, v61  }
0x6f: {  	v3 =	vor.u32 v3, v4  }
0x70: {  	v4 =	vperm.xlane v3, v0;
	_ =	sdelay $0x1  }
0x71: {  	v4 =	vadd.s32 v1, v4;
	_ =	sdelay $0x1  }
0x72: {  	v3 =	vperm.xlane v3, v2;
	_ =	sdelay $0x1  }
0x73: {  	v3 =	vadd.s32 v1, v3  }
0x74: {  	[tilespmem:s17], [sflag:$0x1] =	stream.indirect_vreg.gather [hbm4b:s3+s2], $0x80, v4, vm0, $0xb8;
	[tilespmem:$0x10080] =	vst v63  }
0x75: {  	_ = 	snop  }
0x76: {  	[tilespmem:s18], [sflag:$0x1] =	stream.indirect_vreg.gather [hbm4b:s4+s2], $0x80, v4, vm0, $0xb8;
	[tilespmem:$0x10080] =	vst v63  }
0x77: {  	_ = 	snop  }
0x78: {  	[tilespmem:s19], [sflag:$0x1] =	stream.indirect_vreg.gather [hbm4b:s3+s2], $0x80, v3, vm0, $0xb8;
	[tilespmem:$0x10080] =	vst v63  }
0x79: {  	_ = 	snop  }
0x7a: {  	[tilespmem:s20], [sflag:$0x1] =	stream.indirect_vreg.gather [hbm4b:s4+s2], $0x80, v3, vm0, $0xb8;
	[tilespmem:$0x10080] =	vst v63  }
0x7b: {  	v3 =	vld [tilespmem:$0x60];
	_ =	sdelay $0x4  }
0x7c: {  	v62 =	vshll.u32 v3, $0x2  }
0x7d: {  	v3 =	vand.u32 $0x7, v3;
	v4 =	vand.u32 $0xFFFFFFE0, v62  }
0x7e: {  	v3 =	vor.u32 v3, v4  }
0x7f: {  	v4 =	vperm.xlane v3, v0;
	_ =	sdelay $0x1  }
0x80: {  	v4 =	vadd.s32 v1, v4;
	_ =	sdelay $0x1  }
0x81: {  	v3 =	vperm.xlane v3, v2;
	_ =	sdelay $0x1  }
0x82: {  	v3 =	vadd.s32 v1, v3  }
0x83: {  	[tilespmem:s21], [sflag:$0x1] =	stream.indirect_vreg.gather [hbm4b:s3+s2], $0x80, v4, vm0, $0xb8;
	[tilespmem:$0x10080] =	vst v63  }
0x84: {  	_ = 	snop  }
0x85: {  	[tilespmem:s22], [sflag:$0x1] =	stream.indirect_vreg.gather [hbm4b:s4+s2], $0x80, v4, vm0, $0xb8;
	[tilespmem:$0x10080] =	vst v63  }
0x86: {  	_ = 	snop  }
0x87: {  	[tilespmem:s23], [sflag:$0x1] =	stream.indirect_vreg.gather [hbm4b:s3+s2], $0x80, v3, vm0, $0xb8;
	[tilespmem:$0x10080] =	vst v63  }
0x88: {  	_ = 	snop  }
0x89: {  	[tilespmem:s24], [sflag:$0x1] =	stream.indirect_vreg.gather [hbm4b:s4+s2], $0x80, v3, vm0, $0xb8;
	[tilespmem:$0x10080] =	vst v63  }
0x8a: {  	v3 =	vld [tilespmem:$0x70];
	_ =	sdelay $0x4  }
0x8b: {  	v63 =	vshll.u32 v3, $0x2  }
0x8c: {  	v3 =	vand.u32 $0x7, v3;
	v4 =	vand.u32 $0xFFFFFFE0, v63  }
0x8d: {  	v3 =	vor.u32 v3, v4  }
0x8e: {  	v4 =	vperm.xlane v3, v0;
	_ =	sdelay $0x1  }
0x8f: {  	v4 =	vadd.s32 v1, v4;
	_ =	sdelay $0x1  }
0x90: {  	v3 =	vperm.xlane v3, v2;
	_ =	sdelay $0x1  }
0x91: {  	v3 =	vadd.s32 v1, v3  }
0x92: {  	[tilespmem:s25], [sflag:$0x1] =	stream.indirect_vreg.gather [hbm4b:s3+s2], $0x80, v4, vm0, $0xb8;
	[tilespmem:$0x10080] =	vst v63  }
0x93: {  	_ = 	snop  }
0x94: {  	[tilespmem:s26], [sflag:$0x1] =	stream.indirect_vreg.gather [hbm4b:s4+s2], $0x80, v4, vm0, $0xb8;
	[tilespmem:$0x10080] =	vst v63  }
0x95: {  	_ = 	snop  }
0x96: {  	[tilespmem:s28], [sflag:$0x1] =	stream.indirect_vreg.gather [hbm4b:s3+s2], $0x80, v3, vm0, $0xb8;
	[tilespmem:$0x10080] =	vst v63  }
0x97: {  	_ = 	snop  }
0x98: {  	[tilespmem:s29], [sflag:$0x1] =	stream.indirect_vreg.gather [hbm4b:s4+s2], $0x80, v3, vm0, $0xb8;
	[tilespmem:$0x10080] =	vst v63  }
0x99: {  	_ =	swait.ge [sflag:s30], $0x10000  }
0x9a: {  	p0 =	sne.s32 s0, $0x500;
	[sflag:s30] =	ssyncset.done $0x0  }
.Ltmp0:
0x9b: {  	[sflag:s30] =	ssyncadd.s32 $0xFFFF0000;
	(pc) =	sbr.rel @p0 .LBB2_2-.Ltmp0, $4  }
0x9c: {  	[hbm4b:s6+s2] =	stream.linear.scatter [tilespmem:s8], [sflag:$0x2], $0x10000, $0x38;
	[tilespmem:$0x10080] =	vst v63  }
0x9d: {  	_ =	swait.ge [sflag:s7], $0x10000  }
0x9e: {  	[sflag:s7] =	ssyncset.done $0x0  }
0x9f: {  	s0 =	sadd.s32 $0x10, s0;
	s6 =	sadd.s32 $0x2000, s6;
	[sflag:s7] =	ssyncadd.s32 $0xFFFF0000  }
0xa0: {  	s31 =	sadd.s32 $0x1, s31;
	s0 =	rddreg [dreg:$0xe]  }
0xa1: {  	p0 =	sne.s32 s31, s0  }
.Ltmp1:
0xa2: {  	_ = 	snop;
	(pc) =	sbr.rel @p0 .LBB2_1-.Ltmp1, $1  }
0xa3: {  	_ =	sdelay $0x3  }
0xa4: {  	_ =	sfence.sel $0x180000  }
0xa5: {  	[bflag:$0x0] =	sbarrier.arrive $0xFFFF  }
0xa6: {  	_ =	strace $0x90000056  }
0xa7: {  	s0 =	stileid.u32;
	[bflag:$0x2] =	sbarrier.arrive $0xFFFF  }
0xa8: {  	p0 =	sne.s32 s0, $0x0;
	s0 =	rddreg [dreg:$0x1]  }
0xa9: {  	s0 =	sadd.s32 @!p0 $0x100000, s0  }
0xaa: {  	[sflag:s0] =	ssyncadd.tile.s32 @!p0 $0x1;
	_ =	shalt  }
.Lfunc_end2:
_tile_overlayer_lowered:
.L_overlay_start_2:
0xab: {  	(tag) =	ssettag $0x2  }
0xac: {  	s0 =	rddreg [dreg:$0x0];
	s2 =	stileid.u32  }
0xad: {  	s1 =	rddreg [dreg:$0x1];
	p0 =	sne.s32 s2, $0x0  }
0xae: {  	s3 =	rddreg [dreg:$0x2];
	[bflag:$0x3] =	sbarrier.arrive $0xFFFF;
	s2 =	simm.s32 @!p0 $0x1C02  }
0xaf: {  	[timem:s3], [sflag:s2] =	dma.local @!p0 [hbm:s0], s1  }
0xb0: {  	s0 =	simm.s32 @!p0 $0x2  }
0xb1: {  	_ =	swait.ge @!p0 [sflag:s0], s1  }
0xb2: {  	s1 =	ssub.s32 @!p0 $0x0, s1;
	[sflag:s0] =	ssyncset.done @!p0 $0x0  }
0xb3: {  	[sflag:s0] =	ssyncadd.s32 @!p0 s1  }
0xb4: {  	[bflag:$0x3] =	sbarrier.arrive $0xFFFF  }
0xb5: {  	_ =	shalt  }

// kernel: kernel.44.cloned.1.call-start
scs
__scs_entry_jumppad:
0x0: {  	(pc) =	sbr.rel $0x88, $3  }
0x1: {  	(tag) =	ssettag $0x0;
	lr =	simm.s32 $0x1  }
0x2: {  	[smem:$0x3F95] =	sst lr;
	_ =	strace $0xD0000000  }
0x3: {  	_ = 	snop  }
0x4: {  	_ = 	snop  }
0x5: {  	_ = 	snop  }
0x6: {  	_ = 	snop  }
0x7: {  	_ = 	snop  }
__scs_overlays_trampoline_lowered:
0x8: {  	[smem:$0x3FA4] =	sst s0  }
0x9: {  	[smem:$0x3FA5] =	sst s1  }
0xa: {  	[smem:$0x3FA6] =	sst s2  }
0xb: {  	[smem:$0x3FA7] =	sst s3  }
0xc: {  	[smem:$0x3FA8] =	sst s4  }
0xd: {  	[smem:$0x3FA9] =	sst s5  }
0xe: {  	[smem:$0x3FAA] =	sst s6  }
0xf: {  	[smem:$0x3FAB] =	sst s7  }
0x10: {  	[smem:$0x3FAC] =	sst s8  }
0x11: {  	[smem:$0x3FAD] =	sst s9;
	s0 =	simm.s32 @!p0 $0x0  }
0x12: {  	s1 =	sld [smem:$0x3F93];
	s0 =	simm.s32 @p0 $0x1  }
0x13: {  	[smem:$0x3FAE] =	sst s0;
	s0 =	simm.s32 @!p1 $0x0  }
0x14: {  	s2 =	sld [smem:$0x3F92];
	s0 =	simm.s32 @p1 $0x1  }
0x15: {  	[smem:$0x3FAF] =	sst s0;
	s0 =	simm.s32 @!p2 $0x0  }
0x16: {  	s3 =	sld [smem:$0x3FDB];
	s0 =	simm.s32 @p2 $0x1  }
0x17: {  	s4 =	simm.s32 $0x1BF5;
	[smem:$0x3FB1] =	sst s0  }
0x18: {  	s0 =	sld [smem:$0x3F94];
	_ =	swait.ge [sflag:s4], $0x0  }
0x19: {  	s7 =	sld [smem:$0x3F95]  }
0x1a: {  	s8 =	sadd.s32 $0xFFFFE003, lr  }
0x1b: {  	s9 =	sadd.s32 $0xFFFFFEF7, lr;
	s5 =	simm.s32 $0xFFFFFFFF;
	p2 =	slt.u32 s8, $0xFFFFF086  }
0x1c: {  	p1 =	slt.u32 s9, $0xF7A;
	s5 =	simm.s32 @!p2 $0x0  }
0x1d: {  	s5 =	simm.s32 @p1 $0x1;
	p0 =	seq.s32 s7, s2  }
0x1e: {  	s7 =	smul.u32 @!p0 $0xF7A, s2;
	p2 =	seq.s32 @!p0 s5, $0x0  }
0x1f: {  	s9 =	smul.u32 $0xF7A, s1;
	s8 =	simm.s32 @!p0 $0x1BF5;
	p2 =	por !p2, p0  }
0x20: {  	[sflag:s8] =	ssyncset.s32 @!p0 $0xFFFFF086;
	s6 =	sadd.s32 @!p0 s3, s7;
	s7 =	simm.s32 @!p0 $0x108  }
0x21: {  	s3 =	sadd.s32 s3, s9;
	s6 =	sadd.s32 @!p0 $0x88, s6;
	s7 =	simm.s32 @p2 $0x1082  }
0x22: {  	[simem:s7], [sflag:s8] =	dma.local @!p0 [hbm:s6], $0xF7A  }
0x23: {  	s9 =	sor.u32 $0xD0000000, s2;
	s6 =	simm.s32 $0x108;
	_ =	swait.ge @!p0 [sflag:s8], $0x0  }
0x24: {  	s3 =	sadd.s32 $0x88, s3;
	s6 =	simm.s32 @!p1 $0x1082;
	[sflag:s4] =	ssyncset.s32 $0xFFFFF086  }
0x25: {  	[simem:s6], [sflag:s4] =	dma.local [hbm:s3], $0xF7A  }
0x26: {  	[smem:$0x3F95] =	sst s1;
	(tag) =	ssettag s2;
	_ =	strace s9  }
0x27: {  	s1 =	sld [smem:$0x3FA5]  }
0x28: {  	s2 =	sld [smem:$0x3FA6]  }
0x29: {  	s4 =	sld [smem:$0x3FA8]  }
0x2a: {  	p0 =	seq.s32 s5, $0x0;
	s5 =	sld [smem:$0x3FA9]  }
0x2b: {  	s6 =	sld [smem:$0x3FAA]  }
0x2c: {  	s7 =	sld [smem:$0x3FAB]  }
0x2d: {  	s3 =	simm.s32 $0x108;
	s8 =	sld [smem:$0x3FAC]  }
0x2e: {  	s3 =	simm.s32 @!p0 $0x1082;
	s9 =	sld [smem:$0x3FAD]  }
0x2f: {  	lr =	sadd.s32 s0, s3;
	s0 =	sld [smem:$0x3FA4]  }
0x30: {  	s3 =	sld [smem:$0x3FA7]  }
0x31: {  	[smem:$0x3FB0] =	sst s10  }
0x32: {  	s10 =	sld [smem:$0x3FAE];
	_ =	sdelay $0x3  }
0x33: {  	p0 =	seq.s32 s10, $0x1;
	s10 =	sld [smem:$0x3FB0];
	_ =	sdelay $0x3  }
0x34: {  	[smem:$0x3FB0] =	sst s10  }
0x35: {  	s10 =	sld [smem:$0x3FAF];
	_ =	sdelay $0x3  }
0x36: {  	p1 =	seq.s32 s10, $0x1;
	s10 =	sld [smem:$0x3FB0];
	_ =	sdelay $0x3  }
0x37: {  	[smem:$0x3FB0] =	sst s10  }
0x38: {  	s10 =	sld [smem:$0x3FB1]  }
0x39: {  	_ = 	snop;
	(pc) =	sbr.ind lr, $3  }
0x3a: {  	_ = 	snop  }
0x3b: {  	_ = 	snop  }
0x3c: {  	p2 =	seq.s32 s10, $0x1;
	s10 =	sld [smem:$0x3FB0]  }
0x3d: {  	_ =	shalt  }
0x3e: {  	_ =	shalt  }
0x3f: {  	_ =	shalt  }
0x40: {  	_ =	shalt  }
0x41: {  	_ =	shalt  }
0x42: {  	_ =	shalt  }
0x43: {  	_ =	shalt  }
0x44: {  	_ =	shalt  }
0x45: {  	_ =	shalt  }
0x46: {  	_ =	shalt  }
0x47: {  	_ =	shalt  }
0x48: {  	_ =	shalt  }
0x49: {  	_ =	shalt  }
0x4a: {  	_ =	shalt  }
0x4b: {  	_ =	shalt  }
0x4c: {  	_ =	shalt  }
0x4d: {  	_ =	shalt  }
0x4e: {  	_ =	shalt  }
0x4f: {  	_ =	shalt  }
0x50: {  	_ =	shalt  }
0x51: {  	_ =	shalt  }
0x52: {  	_ =	shalt  }
0x53: {  	_ =	shalt  }
0x54: {  	_ =	shalt  }
0x55: {  	_ =	shalt  }
0x56: {  	_ =	shalt  }
0x57: {  	_ =	shalt  }
0x58: {  	_ =	shalt  }
0x59: {  	_ =	shalt  }
0x5a: {  	_ =	shalt  }
0x5b: {  	_ =	shalt  }
0x5c: {  	_ =	shalt  }
0x5d: {  	_ =	shalt  }
0x5e: {  	_ =	shalt  }
0x5f: {  	_ =	shalt  }
0x60: {  	_ =	shalt  }
0x61: {  	_ =	shalt  }
0x62: {  	_ =	shalt  }
0x63: {  	_ =	shalt  }
0x64: {  	_ =	shalt  }
0x65: {  	_ =	shalt  }
0x66: {  	_ =	shalt  }
0x67: {  	_ =	shalt  }
0x68: {  	_ =	shalt  }
0x69: {  	_ =	shalt  }
0x6a: {  	_ =	shalt  }
0x6b: {  	_ =	shalt  }
0x6c: {  	_ =	shalt  }
0x6d: {  	_ =	shalt  }
0x6e: {  	_ =	shalt  }
0x6f: {  	_ =	shalt  }
0x70: {  	_ =	shalt  }
0x71: {  	_ =	shalt  }
0x72: {  	_ =	shalt  }
0x73: {  	_ =	shalt  }
0x74: {  	_ =	shalt  }
0x75: {  	_ =	shalt  }
0x76: {  	_ =	shalt  }
0x77: {  	_ =	shalt  }
0x78: {  	_ =	shalt  }
0x79: {  	_ =	shalt  }
0x7a: {  	_ =	shalt  }
0x7b: {  	_ =	shalt  }
0x7c: {  	_ =	shalt  }
0x7d: {  	_ =	shalt  }
0x7e: {  	_ =	shalt  }
0x7f: {  	_ =	shalt  }
0x80: {  	_ =	shalt  }
0x81: {  	_ =	shalt  }
0x82: {  	_ =	shalt  }
0x83: {  	_ =	shalt  }
0x84: {  	_ =	shalt  }
0x85: {  	_ =	shalt  }
0x86: {  	_ =	shalt  }
0x87: {  	_ =	shalt  }
.Lfunc_end0:
.L_simem_size_0:
called_computation.6_lowered:
.L_overlay_start_0:
0x88: {  	s2 =	sld [smem:$0x3FD9]  }
0x89: {  	s3 =	sld [smem:$0x3FFE];
	_ =	sdelay $0x1  }
0x8a: {  	s1 =	srdreg.scid  }
0x8b: {  	s0 =	sand.u32 $0x1, s1  }
0x8c: {  	s17 =	sshll.u32 s0, $0xA;
	s2 =	sadd.s32 s3, s2  }
0x8d: {  	s2 =	sadd.s32 s2, s17  }
0x8e: {  	[smem:$0x3FBC] =	sst s2  }
0x8f: {  	_ = 	snop  }
0x90: {  	s18 =	sld [smem:$0x3FD0];
	(tm) =	ssettm $0x1  }
0x91: {  	s19 =	sld [smem:$0x3FFB];
	_ =	sdelay $0x3  }
0x92: {  	_ =	strace s19  }
0x93: {  	s2 =	sld [smem:$0x3FFC];
	_ =	sdelay $0x3  }
0x94: {  	_ =	strace s2  }
0x95: {  	s2 =	sld [smem:$0x3FFD];
	_ =	sdelay $0x3  }
0x96: {  	_ =	strace s2  }
0x97: {  	_ =	strace $0x8FFFFFFF  }
0x98: {  	s20 =	sld [smem:$0x3FDB];
	_ =	sdelay $0x1  }
0x99: {  	s4 =	simm.s32 $_scs_section_size  }
0x9a: {  	s5 =	simm.s32 $_size__tile_overlayer_lowered;
	s6 =	simm.s32 $_tile_overlayer_lowered  }
0x9b: {  	s7 =	simm.s32 $0x1BFF;
	s21 =	sshll.u32 s6, $0x1;
	s4 =	sadd.s32 s4, s20  }
0x9c: {  	s22 =	simm.s32 $0x0;
	s5 =	sshll.u32 s5, $0x1;
	s6 =	sadd.s32 s21, s4  }
0x9d: {  	[timem:s22], [sflag:s7] =	dma.local [hbm:s6], s5  }
0x9e: {  	_ =	swait.ge [sflag:s7], s5  }
0x9f: {  	s5 =	ssub.s32 $0x0, s5;
	[sflag:s7] =	ssyncset.done $0x0  }
0xa0: {  	[sflag:s7] =	ssyncadd.s32 s5;
	_ =	sdelay $0x1  }
0xa1: {  	s23 =	simm.s32 $0x1B8B  }
0xa2: {  	_ =	swait.ge [sflag:s23], $0x1  }
0xa3: {  	[sflag:s23] =	ssyncset.done $0x0  }
0xa4: {  	[sflag:s23] =	ssyncadd.s32 $0xFFFFFFFF  }
0xa5: {  	s5 =	sld [smem:$0x0]  }
0xa6: {  	s6 =	sand.u32 $0xFFFFFFFE, s1  }
0xa7: {  	p0 =	sne.s32 s1, s6  }
0xa8: {  	s6 =	sshll.u32 @p0 s6, $0xE  }
0xa9: {  	s6 =	sadd.s32 @p0 $0x11B8D, s6;
	s7 =	sshll.u32 @p0 s5, $0x11  }
0xaa: {  	s6 =	sor.u32 @p0 s7, s6  }
0xab: {  	[sflag:s6] =	ssyncadd.remote.s32 @p0 $0x1;
	_ =	sdelay $0x1  }
0xac: {  	s6 =	simm.s32 @p0 $0x1B8D  }
0xad: {  	_ =	swait.eq @p0 [sflag:s6], $0x1  }
0xae: {  	[sflag:s6] =	ssyncadd.s32 @p0 $0xFFFFFFFF  }
0xaf: {  	s7 =	sshll.u32 @!p0 s1, $0xE  }
0xb0: {  	s7 =	sor.u32 @!p0 $0x4000, s7;
	s6 =	simm.s32 @!p0 $0x1B8D  }
0xb1: {  	s5 =	sshll.u32 @!p0 s5, $0x11;
	s7 =	sadd.s32 @!p0 $0x11B8D, s7;
	_ =	swait.eq @!p0 [sflag:s6], $0x1  }
0xb2: {  	s5 =	sor.u32 @!p0 s5, s7;
	[sflag:s6] =	ssyncadd.s32 @!p0 $0xFFFFFFFF  }
0xb3: {  	s25 =	simm.s32 $0x1B8E;
	s24 =	sld [smem:$0x3FFE];
	[sflag:s5] =	ssyncadd.remote.s32 @!p0 $0x1  }
0xb4: {  	s26 =	simm.s32 $execute0_lowered;
	[smem:$0x3FD2] =	sst s25  }
0xb5: {  	s6 =	sshll.u32 s26, $0x1;
	_ =	strace $0x80000061;
	[dreg:$0x1] =	wrdreg $0xFFFFFFFF  }
0xb6: {  	s28 =	simm.s32 $_size_execute0_lowered;
	s4 =	sadd.s32 s4, s6;
	[dreg:$0x0] =	wrdreg $0x0  }
0xb7: {  	s6 =	sshll.u32 s28, $0x1;
	[dreg:$0x2] =	wrdreg s4  }
0xb8: {  	[dreg:$0x3] =	wrdreg s6  }
0xb9: {  	[dreg:$0x4] =	wrdreg $0xC0  }
0xba: {  	_ =	task [dreg:s22], $0x5FFFF  }
0xbb: {  	[dreg:$0x1] =	wrdreg $0xFFFFFFFF  }
0xbc: {  	[dreg:$0x0] =	wrdreg $0x60  }
0xbd: {  	[dreg:$0x2] =	wrdreg s24  }
0xbe: {  	[dreg:$0x3] =	wrdreg s18  }
0xbf: {  	[dreg:$0x4] =	wrdreg $0x40800  }
0xc0: {  	[dreg:$0x5] =	wrdreg $0x9  }
0xc1: {  	_ =	task.clear_ibuf [dreg:s22], $0x6FFFF;
	_ =	strace $0x90000061  }
0xc2: {  	s29 =	simm.s32 $0x9;
	_ =	strace $0x80000063  }
0xc3: {  	_ =	swait.ge [sflag:s29], $0x1  }
0xc4: {  	[sflag:s29] =	ssyncadd.s32 $0xFFFFFFFF  }
0xc5: {  	_ =	strace $0x90000063  }
0xc6: {  	_ =	sfence  }
0xc7: {  	s30 =	sld [smem:$0x0];
	_ =	sdelay $0x2  }
0xc8: {  	s31 =	sshll.u32 s1, $0xD;
	s1 =	sshrl.u32 s1, $0x2  }
0xc9: {  	s4 =	sand.u32 $0x4000, s31;
	s1 =	sadd.s32 s1, s30  }
0xca: {  	s0 =	sor.u32 s4, s0;
	s1 =	sshll.u32 s1, $0x11  }
0xcb: {  	s0 =	sor.u32 s1, s0  }
0xcc: {  	s0 =	sadd.s32 $0x8F2B, s0  }
0xcd: {  	[sflag:s0] =	ssyncadd.remote.s32 $0x1  }
0xce: {  	_ =	sfence.sel $0xFFFF  }
0xcf: {  	[dreg:$0x0] =	wrdreg $0xFFFFFFFF;
	(pc) =	sbr.abs _section_cstart, $3  }
0xd0: {  	[dreg:$0x1] =	wrdreg $0xFFFFFFFF  }
0xd1: {  	_ =	task.clear_ibuf [dreg:s22], $0x2FFFF;
	_ =	strace $0x9FFFFFFF  }
0xd2: {  	(tm) =	ssettm $0x7FFFFFFF  }
0xd3: {  	_ =	shalt  }
tec
execute0_lowered:
.L_overlay_start_1:
0x0: {  	(tag) =	ssettag $0x1  }
0x1: {  	s4 =	rddreg [dreg:$0x0]  }
0x2: {  	s0 =	rddreg [dreg:$0x1]  }
0x3: {  	s6 =	stileid.u32;
	s1 =	srdreg.scid  }
0x4: {  	s2 =	rddreg [dreg:$0x2];
	s3 =	simm.s32 $0x0;
	s7 =	smul.u32 $0x5100, s6  }
0x5: {  	s5 =	sand.u32 $0x1, s1;
	s1 =	rddreg [dreg:$0x3];
	s9 =	smul.u32 $0x51000, s6  }
0x6: {  	[smem:$0x7FF] =	sst s3;
	s8 =	smul.u32 $0x2880, s5  }
0x7: {  	p0 =	sne.s32 s6, $0x0;
	_ =	strace $0x80000062;
	s29 =	smul.u32 $0x27100, s5  }
0x8: {  	s10 =	ssub.s32 $0x2, s5;
	s12 =	smul.u32 $0x28800, s5;
	s9 =	sadd.s32 s9, s4  }
0x9: {  	s11 =	sshrl.u32 s10, $0x1;
	s7 =	sadd.s32 s8, s7;
	s8 =	sadd.s32 s29, s4  }
0xa: {  	s30 =	ssub.s32 s10, s11;
	s31 =	sadd.s32 s12, s9;
	s9 =	simm.s32 $0x1  }
0xb: {  	s10 =	simm.s32 $0x80;
	s11 =	simm.s32 $0x0;
	s7 =	sshrl.u32 s7, $0x3  }
0xc: {  	s5 =	smax.u32 s30, $0x1;
	s6 =	sadd.s32 $0xF4AC00, s31;
	s7 =	sadd.s32 s7, s4  }
0xd: {  	s4 =	sadd.s32 $0x1545200, s8;
	s8 =	sshrl.u32 @!p0 s2, $0x3;
	s7 =	sadd.s32 $0x10A00, s7  }
.LBB2_1:
0xe: {  	s12 =	simm.s32 @!p0 $0x1C01  }
0xf: {  	[spmem:s8], [sflag:s12] =	dma.local @!p0 [hbm:s0], $0x27100  }
0x10: {  	s12 =	simm.s32 @!p0 $0x1  }
0x11: {  	_ =	swait.ge @!p0 [sflag:s12], $0x27100  }
0x12: {  	[sflag:s12] =	ssyncset.done @!p0 $0x0  }
0x13: {  	[sflag:s12] =	ssyncadd.s32 @!p0 $0xFFFD8F00  }
0x14: {  	s31 =	sadd.s32 $0x0, s7;
	[bflag:$0x0] =	sbarrier.arrive $0xFFFF  }
0x15: {  	[tilespmem:s3], [sflag:$0x1] =	stream.linear.gather [hbm4b:s31+s3], $0x80, $0x38;
	[tilespmem:$0x17900] =	vst v63  }
0x16: {  	_ =	swait.ge [sflag:s9], $0x80  }
0x17: {  	[sflag:s9] =	ssyncset.done $0x0  }
0x18: {  	[sflag:s9] =	ssyncadd.s32 $0xFFFFFF80  }
0x19: {  	[tilespmem:s10], [sflag:$0x1] =	stream.linear.gather [hbm4b:s6+s3], $0x4000, $0x38;
	[tilespmem:$0x17900] =	vst v63  }
0x1a: {  	_ =	swait.ge [sflag:s9], $0x4000  }
0x1b: {  	[sflag:s9] =	ssyncset.done $0x0  }
0x1c: {  	[sflag:s9] =	ssyncadd.s32 $0xFFFFC000  }
0x1d: {  	[spmem:s2] =	stream.indirect.scatter.add.f32 [tilespmem:s10], [sflag:$0x1], $0x80, s3, s10, $0xb8;
	[tilespmem:$0x17900] =	vst v63  }
0x1e: {  	s13 =	simm.s32 $0x10;
	_ =	swait.ge [sflag:s9], $0x4000  }
0x1f: {  	s14 =	simm.s32 $0x20;
	s12 =	sadd.s32 $0x800, s6;
	[sflag:s9] =	ssyncset.done $0x0  }
.LBB2_2:
0x20: {  	s15 =	sadd.s32 s13, s7  }
0x21: {  	[sflag:s9] =	ssyncadd.s32 $0xFFFFC000;
	s13 =	smov.u32 s14;
	s16 =	sadd.s32 $0x10, s14  }
0x22: {  	[tilespmem:s3], [sflag:$0x1] =	stream.linear.gather [hbm4b:s15+s3], $0x80, $0x38;
	[tilespmem:$0x17900] =	vst v63  }
0x23: {  	p1 =	sne.s32 s14, $0x500;
	_ =	swait.ge [sflag:s9], $0x80  }
0x24: {  	[sflag:s9] =	ssyncset.done $0x0  }
0x25: {  	[sflag:s9] =	ssyncadd.s32 $0xFFFFFF80  }
0x26: {  	[tilespmem:s10], [sflag:$0x1] =	stream.linear.gather [hbm4b:s12+s3], $0x4000, $0x38;
	[tilespmem:$0x17900] =	vst v63  }
0x27: {  	_ =	swait.ge [sflag:s9], $0x4000  }
.Ltmp0:
0x28: {  	[sflag:s9] =	ssyncset.done $0x0;
	(pc) =	sbr.rel @p1 .LBB2_2-.Ltmp0, $4  }
0x29: {  	[sflag:s9] =	ssyncadd.s32 $0xFFFFC000  }
0x2a: {  	[spmem:s2] =	stream.indirect.scatter.add.f32 [tilespmem:s10], [sflag:$0x1], $0x80, s3, s10, $0xb8;
	[tilespmem:$0x17900] =	vst v63  }
0x2b: {  	_ =	swait.ge [sflag:s9], $0x4000  }
0x2c: {  	s14 =	smov.u32 s16;
	s12 =	sadd.s32 $0x800, s12;
	[sflag:s9] =	ssyncset.done $0x0  }
0x2d: {  	s13 =	sadd.s32 s13, s7;
	[sflag:s9] =	ssyncadd.s32 $0xFFFFC000  }
0x2e: {  	[tilespmem:s3], [sflag:$0x1] =	stream.linear.gather [hbm4b:s13+s3], $0x80, $0x38;
	[tilespmem:$0x17900] =	vst v63  }
0x2f: {  	_ =	swait.ge [sflag:s9], $0x80  }
0x30: {  	[sflag:s9] =	ssyncset.done $0x0  }
0x31: {  	[sflag:s9] =	ssyncadd.s32 $0xFFFFFF80  }
0x32: {  	[tilespmem:s10], [sflag:$0x1] =	stream.linear.gather [hbm4b:s12+s3], $0x4000, $0x38;
	[tilespmem:$0x17900] =	vst v63  }
0x33: {  	_ =	swait.ge [sflag:s9], $0x4000  }
0x34: {  	[sflag:s9] =	ssyncset.done $0x0  }
0x35: {  	[sflag:s9] =	ssyncadd.s32 $0xFFFFC000  }
0x36: {  	[spmem:s2] =	stream.indirect.scatter.add.f32 [tilespmem:s10], [sflag:$0x1], $0x80, s3, s10, $0xb8;
	[tilespmem:$0x17900] =	vst v63  }
0x37: {  	_ =	swait.ge [sflag:s9], $0x4000  }
0x38: {  	[sflag:s9] =	ssyncset.done $0x0  }
0x39: {  	s11 =	sadd.s32 $0x1, s11;
	[sflag:s9] =	ssyncadd.s32 $0xFFFFC000  }
0x3a: {  	p1 =	sne.s32 s11, s5;
	s12 =	simm.s32 @!p0 $0x1C01;
	[bflag:$0x0] =	sbarrier.arrive $0xFFFF  }
0x3b: {  	[hbm:s4], [sflag:s12] =	dma.local @!p0 [spmem:s8], $0x27100  }
.Ltmp1:
0x3c: {  	_ = 	snop;
	(pc) =	sbr.rel @p1 .LBB2_1-.Ltmp1, $4  }
0x3d: {  	s12 =	simm.s32 @!p0 $0x1  }
0x3e: {  	_ =	swait.ge @!p0 [sflag:s12], $0x27100  }
0x3f: {  	[sflag:s12] =	ssyncset.done @!p0 $0x0  }
0x40: {  	[sflag:s12] =	ssyncadd.s32 @!p0 $0xFFFD8F00  }
0x41: {  	_ =	sfence.sel $0x180000  }
0x42: {  	[bflag:$0x0] =	sbarrier.arrive $0xFFFF  }
0x43: {  	_ =	strace $0x90000062  }
0x44: {  	s0 =	sadd.s32 @!p0 $0x100000, s1;
	[bflag:$0x2] =	sbarrier.arrive $0xFFFF  }
0x45: {  	[sflag:s0] =	ssyncadd.tile.s32 @!p0 $0x1;
	_ =	shalt  }
.Lfunc_end2:
_tile_overlayer_lowered:
.L_overlay_start_2:
0x46: {  	(tag) =	ssettag $0x2  }
0x47: {  	s0 =	rddreg [dreg:$0x0];
	s2 =	stileid.u32  }
0x48: {  	s1 =	rddreg [dreg:$0x1];
	p0 =	sne.s32 s2, $0x0  }
0x49: {  	s3 =	rddreg [dreg:$0x2];
	[bflag:$0x3] =	sbarrier.arrive $0xFFFF;
	s2 =	simm.s32 @!p0 $0x1C01  }
0x4a: {  	[timem:s3], [sflag:s2] =	dma.local @!p0 [hbm:s0], s1  }
0x4b: {  	s0 =	simm.s32 @!p0 $0x1  }
0x4c: {  	_ =	swait.ge @!p0 [sflag:s0], s1  }
0x4d: {  	s1 =	ssub.s32 @!p0 $0x0, s1;
	[sflag:s0] =	ssyncset.done @!p0 $0x0  }
0x4e: {  	[sflag:s0] =	ssyncadd.s32 @!p0 s1  }
0x4f: {  	[bflag:$0x3] =	sbarrier.arrive $0xFFFF  }
0x50: {  	_ =	shalt  }

// kernel: kernel.47.cloned.1.call-start
scs
__scs_entry_jumppad:
0x0: {  	(pc) =	sbr.rel $0x88, $3  }
0x1: {  	(tag) =	ssettag $0x0;
	lr =	simm.s32 $0x1  }
0x2: {  	[smem:$0x3F95] =	sst lr;
	_ =	strace $0xD0000000  }
0x3: {  	_ = 	snop  }
0x4: {  	_ = 	snop  }
0x5: {  	_ = 	snop  }
0x6: {  	_ = 	snop  }
0x7: {  	_ = 	snop  }
__scs_overlays_trampoline_lowered:
0x8: {  	[smem:$0x3FA4] =	sst s0  }
0x9: {  	[smem:$0x3FA5] =	sst s1  }
0xa: {  	[smem:$0x3FA6] =	sst s2  }
0xb: {  	[smem:$0x3FA7] =	sst s3  }
0xc: {  	[smem:$0x3FA8] =	sst s4  }
0xd: {  	[smem:$0x3FA9] =	sst s5  }
0xe: {  	[smem:$0x3FAA] =	sst s6  }
0xf: {  	[smem:$0x3FAB] =	sst s7  }
0x10: {  	[smem:$0x3FAC] =	sst s8  }
0x11: {  	[smem:$0x3FAD] =	sst s9;
	s0 =	simm.s32 @!p0 $0x0  }
0x12: {  	s1 =	sld [smem:$0x3F93];
	s0 =	simm.s32 @p0 $0x1  }
0x13: {  	[smem:$0x3FAE] =	sst s0;
	s0 =	simm.s32 @!p1 $0x0  }
0x14: {  	s2 =	sld [smem:$0x3F92];
	s0 =	simm.s32 @p1 $0x1  }
0x15: {  	[smem:$0x3FAF] =	sst s0;
	s0 =	simm.s32 @!p2 $0x0  }
0x16: {  	s3 =	sld [smem:$0x3FDB];
	s0 =	simm.s32 @p2 $0x1  }
0x17: {  	s4 =	simm.s32 $0x1BF5;
	[smem:$0x3FB1] =	sst s0  }
0x18: {  	s0 =	sld [smem:$0x3F94];
	_ =	swait.ge [sflag:s4], $0x0  }
0x19: {  	s7 =	sld [smem:$0x3F95]  }
0x1a: {  	s8 =	sadd.s32 $0xFFFFE003, lr  }
0x1b: {  	s9 =	sadd.s32 $0xFFFFFEF7, lr;
	s5 =	simm.s32 $0xFFFFFFFF;
	p2 =	slt.u32 s8, $0xFFFFF086  }
0x1c: {  	p1 =	slt.u32 s9, $0xF7A;
	s5 =	simm.s32 @!p2 $0x0  }
0x1d: {  	s5 =	simm.s32 @p1 $0x1;
	p0 =	seq.s32 s7, s2  }
0x1e: {  	s7 =	smul.u32 @!p0 $0xF7A, s2;
	p2 =	seq.s32 @!p0 s5, $0x0  }
0x1f: {  	s9 =	smul.u32 $0xF7A, s1;
	s8 =	simm.s32 @!p0 $0x1BF5;
	p2 =	por !p2, p0  }
0x20: {  	[sflag:s8] =	ssyncset.s32 @!p0 $0xFFFFF086;
	s6 =	sadd.s32 @!p0 s3, s7;
	s7 =	simm.s32 @!p0 $0x108  }
0x21: {  	s3 =	sadd.s32 s3, s9;
	s6 =	sadd.s32 @!p0 $0x88, s6;
	s7 =	simm.s32 @p2 $0x1082  }
0x22: {  	[simem:s7], [sflag:s8] =	dma.local @!p0 [hbm:s6], $0xF7A  }
0x23: {  	s9 =	sor.u32 $0xD0000000, s2;
	s6 =	simm.s32 $0x108;
	_ =	swait.ge @!p0 [sflag:s8], $0x0  }
0x24: {  	s3 =	sadd.s32 $0x88, s3;
	s6 =	simm.s32 @!p1 $0x1082;
	[sflag:s4] =	ssyncset.s32 $0xFFFFF086  }
0x25: {  	[simem:s6], [sflag:s4] =	dma.local [hbm:s3], $0xF7A  }
0x26: {  	[smem:$0x3F95] =	sst s1;
	(tag) =	ssettag s2;
	_ =	strace s9  }
0x27: {  	s1 =	sld [smem:$0x3FA5]  }
0x28: {  	s2 =	sld [smem:$0x3FA6]  }
0x29: {  	s4 =	sld [smem:$0x3FA8]  }
0x2a: {  	p0 =	seq.s32 s5, $0x0;
	s5 =	sld [smem:$0x3FA9]  }
0x2b: {  	s6 =	sld [smem:$0x3FAA]  }
0x2c: {  	s7 =	sld [smem:$0x3FAB]  }
0x2d: {  	s3 =	simm.s32 $0x108;
	s8 =	sld [smem:$0x3FAC]  }
0x2e: {  	s3 =	simm.s32 @!p0 $0x1082;
	s9 =	sld [smem:$0x3FAD]  }
0x2f: {  	lr =	sadd.s32 s0, s3;
	s0 =	sld [smem:$0x3FA4]  }
0x30: {  	s3 =	sld [smem:$0x3FA7]  }
0x31: {  	[smem:$0x3FB0] =	sst s10  }
0x32: {  	s10 =	sld [smem:$0x3FAE];
	_ =	sdelay $0x3  }
0x33: {  	p0 =	seq.s32 s10, $0x1;
	s10 =	sld [smem:$0x3FB0];
	_ =	sdelay $0x3  }
0x34: {  	[smem:$0x3FB0] =	sst s10  }
0x35: {  	s10 =	sld [smem:$0x3FAF];
	_ =	sdelay $0x3  }
0x36: {  	p1 =	seq.s32 s10, $0x1;
	s10 =	sld [smem:$0x3FB0];
	_ =	sdelay $0x3  }
0x37: {  	[smem:$0x3FB0] =	sst s10  }
0x38: {  	s10 =	sld [smem:$0x3FB1]  }
0x39: {  	_ = 	snop;
	(pc) =	sbr.ind lr, $3  }
0x3a: {  	_ = 	snop  }
0x3b: {  	_ = 	snop  }
0x3c: {  	p2 =	seq.s32 s10, $0x1;
	s10 =	sld [smem:$0x3FB0]  }
0x3d: {  	_ =	shalt  }
0x3e: {  	_ =	shalt  }
0x3f: {  	_ =	shalt  }
0x40: {  	_ =	shalt  }
0x41: {  	_ =	shalt  }
0x42: {  	_ =	shalt  }
0x43: {  	_ =	shalt  }
0x44: {  	_ =	shalt  }
0x45: {  	_ =	shalt  }
0x46: {  	_ =	shalt  }
0x47: {  	_ =	shalt  }
0x48: {  	_ =	shalt  }
0x49: {  	_ =	shalt  }
0x4a: {  	_ =	shalt  }
0x4b: {  	_ =	shalt  }
0x4c: {  	_ =	shalt  }
0x4d: {  	_ =	shalt  }
0x4e: {  	_ =	shalt  }
0x4f: {  	_ =	shalt  }
0x50: {  	_ =	shalt  }
0x51: {  	_ =	shalt  }
0x52: {  	_ =	shalt  }
0x53: {  	_ =	shalt  }
0x54: {  	_ =	shalt  }
0x55: {  	_ =	shalt  }
0x56: {  	_ =	shalt  }
0x57: {  	_ =	shalt  }
0x58: {  	_ =	shalt  }
0x59: {  	_ =	shalt  }
0x5a: {  	_ =	shalt  }
0x5b: {  	_ =	shalt  }
0x5c: {  	_ =	shalt  }
0x5d: {  	_ =	shalt  }
0x5e: {  	_ =	shalt  }
0x5f: {  	_ =	shalt  }
0x60: {  	_ =	shalt  }
0x61: {  	_ =	shalt  }
0x62: {  	_ =	shalt  }
0x63: {  	_ =	shalt  }
0x64: {  	_ =	shalt  }
0x65: {  	_ =	shalt  }
0x66: {  	_ =	shalt  }
0x67: {  	_ =	shalt  }
0x68: {  	_ =	shalt  }
0x69: {  	_ =	shalt  }
0x6a: {  	_ =	shalt  }
0x6b: {  	_ =	shalt  }
0x6c: {  	_ =	shalt  }
0x6d: {  	_ =	shalt  }
0x6e: {  	_ =	shalt  }
0x6f: {  	_ =	shalt  }
0x70: {  	_ =	shalt  }
0x71: {  	_ =	shalt  }
0x72: {  	_ =	shalt  }
0x73: {  	_ =	shalt  }
0x74: {  	_ =	shalt  }
0x75: {  	_ =	shalt  }
0x76: {  	_ =	shalt  }
0x77: {  	_ =	shalt  }
0x78: {  	_ =	shalt  }
0x79: {  	_ =	shalt  }
0x7a: {  	_ =	shalt  }
0x7b: {  	_ =	shalt  }
0x7c: {  	_ =	shalt  }
0x7d: {  	_ =	shalt  }
0x7e: {  	_ =	shalt  }
0x7f: {  	_ =	shalt  }
0x80: {  	_ =	shalt  }
0x81: {  	_ =	shalt  }
0x82: {  	_ =	shalt  }
0x83: {  	_ =	shalt  }
0x84: {  	_ =	shalt  }
0x85: {  	_ =	shalt  }
0x86: {  	_ =	shalt  }
0x87: {  	_ =	shalt  }
.Lfunc_end0:
.L_simem_size_0:
called_computation.7_lowered:
.L_overlay_start_0:
0x88: {  	s2 =	sld [smem:$0x3FD9]  }
0x89: {  	s3 =	sld [smem:$0x3FFE];
	_ =	sdelay $0x1  }
0x8a: {  	s1 =	srdreg.scid  }
0x8b: {  	s0 =	sand.u32 $0x1, s1  }
0x8c: {  	s17 =	sshll.u32 s0, $0xA;
	s2 =	sadd.s32 s3, s2  }
0x8d: {  	s2 =	sadd.s32 s2, s17  }
0x8e: {  	[smem:$0x3FBC] =	sst s2  }
0x8f: {  	_ = 	snop  }
0x90: {  	s18 =	sld [smem:$0x3FD0];
	(tm) =	ssettm $0x1  }
0x91: {  	s19 =	sld [smem:$0x3FFB];
	_ =	sdelay $0x3  }
0x92: {  	_ =	strace s19  }
0x93: {  	s2 =	sld [smem:$0x3FFC];
	_ =	sdelay $0x3  }
0x94: {  	_ =	strace s2  }
0x95: {  	s2 =	sld [smem:$0x3FFD];
	_ =	sdelay $0x3  }
0x96: {  	_ =	strace s2  }
0x97: {  	_ =	strace $0x8FFFFFFF  }
0x98: {  	s20 =	sld [smem:$0x3FDB];
	_ =	sdelay $0x1  }
0x99: {  	s4 =	simm.s32 $_scs_section_size  }
0x9a: {  	s5 =	simm.s32 $_size__tile_overlayer_lowered;
	s6 =	simm.s32 $_tile_overlayer_lowered  }
0x9b: {  	s7 =	simm.s32 $0x1BFF;
	s21 =	sshll.u32 s6, $0x1;
	s4 =	sadd.s32 s4, s20  }
0x9c: {  	s22 =	simm.s32 $0x0;
	s5 =	sshll.u32 s5, $0x1;
	s6 =	sadd.s32 s21, s4  }
0x9d: {  	[timem:s22], [sflag:s7] =	dma.local [hbm:s6], s5  }
0x9e: {  	_ =	swait.ge [sflag:s7], s5  }
0x9f: {  	s5 =	ssub.s32 $0x0, s5;
	[sflag:s7] =	ssyncset.done $0x0  }
0xa0: {  	[sflag:s7] =	ssyncadd.s32 s5;
	_ =	sdelay $0x1  }
0xa1: {  	s23 =	simm.s32 $0x1B8B  }
0xa2: {  	_ =	swait.ge [sflag:s23], $0x1  }
0xa3: {  	[sflag:s23] =	ssyncset.done $0x0  }
0xa4: {  	[sflag:s23] =	ssyncadd.s32 $0xFFFFFFFF  }
0xa5: {  	s5 =	sld [smem:$0x0]  }
0xa6: {  	s6 =	sand.u32 $0xFFFFFFFE, s1  }
0xa7: {  	p0 =	sne.s32 s1, s6  }
0xa8: {  	s6 =	sshll.u32 @p0 s6, $0xE  }
0xa9: {  	s6 =	sadd.s32 @p0 $0x11B8D, s6;
	s7 =	sshll.u32 @p0 s5, $0x11  }
0xaa: {  	s6 =	sor.u32 @p0 s7, s6  }
0xab: {  	[sflag:s6] =	ssyncadd.remote.s32 @p0 $0x1;
	_ =	sdelay $0x1  }
0xac: {  	s6 =	simm.s32 @p0 $0x1B8D  }
0xad: {  	_ =	swait.eq @p0 [sflag:s6], $0x1  }
0xae: {  	[sflag:s6] =	ssyncadd.s32 @p0 $0xFFFFFFFF  }
0xaf: {  	s7 =	sshll.u32 @!p0 s1, $0xE  }
0xb0: {  	s7 =	sor.u32 @!p0 $0x4000, s7;
	s6 =	simm.s32 @!p0 $0x1B8D  }
0xb1: {  	s5 =	sshll.u32 @!p0 s5, $0x11;
	s7 =	sadd.s32 @!p0 $0x11B8D, s7;
	_ =	swait.eq @!p0 [sflag:s6], $0x1  }
0xb2: {  	s5 =	sor.u32 @!p0 s5, s7;
	[sflag:s6] =	ssyncadd.s32 @!p0 $0xFFFFFFFF  }
0xb3: {  	s25 =	simm.s32 $0x1B8E;
	s24 =	sld [smem:$0x3FFE];
	[sflag:s5] =	ssyncadd.remote.s32 @!p0 $0x1  }
0xb4: {  	s26 =	simm.s32 $execute0_lowered;
	[smem:$0x3FD2] =	sst s25  }
0xb5: {  	s6 =	sshll.u32 s26, $0x1;
	_ =	strace $0x8000005E;
	[dreg:$0x1] =	wrdreg $0xFFFFFFFF  }
0xb6: {  	s28 =	simm.s32 $_size_execute0_lowered;
	s4 =	sadd.s32 s4, s6;
	[dreg:$0x0] =	wrdreg $0x0  }
0xb7: {  	s6 =	sshll.u32 s28, $0x1;
	[dreg:$0x2] =	wrdreg s4  }
0xb8: {  	[dreg:$0x3] =	wrdreg s6  }
0xb9: {  	[dreg:$0x4] =	wrdreg $0xC0  }
0xba: {  	_ =	task [dreg:s22], $0x5FFFF  }
0xbb: {  	[dreg:$0x1] =	wrdreg $0xFFFFFFFF  }
0xbc: {  	[dreg:$0x0] =	wrdreg $0x60  }
0xbd: {  	[dreg:$0x2] =	wrdreg s24  }
0xbe: {  	[dreg:$0x3] =	wrdreg s18  }
0xbf: {  	[dreg:$0x4] =	wrdreg $0x40800  }
0xc0: {  	[dreg:$0x5] =	wrdreg $0xA  }
0xc1: {  	_ =	task.clear_ibuf [dreg:s22], $0x6FFFF;
	_ =	strace $0x9000005E  }
0xc2: {  	s29 =	simm.s32 $0xA;
	_ =	strace $0x80000060  }
0xc3: {  	_ =	swait.ge [sflag:s29], $0x1  }
0xc4: {  	[sflag:s29] =	ssyncadd.s32 $0xFFFFFFFF  }
0xc5: {  	_ =	strace $0x90000060  }
0xc6: {  	_ =	sfence  }
0xc7: {  	s30 =	sld [smem:$0x0];
	_ =	sdelay $0x2  }
0xc8: {  	s31 =	sshll.u32 s1, $0xD;
	s1 =	sshrl.u32 s1, $0x2  }
0xc9: {  	s4 =	sand.u32 $0x4000, s31;
	s1 =	sadd.s32 s1, s30  }
0xca: {  	s0 =	sor.u32 s4, s0;
	s1 =	sshll.u32 s1, $0x11  }
0xcb: {  	s0 =	sor.u32 s1, s0  }
0xcc: {  	s0 =	sadd.s32 $0x8F2B, s0  }
0xcd: {  	[sflag:s0] =	ssyncadd.remote.s32 $0x1  }
0xce: {  	_ =	sfence.sel $0xFFFF  }
0xcf: {  	[dreg:$0x0] =	wrdreg $0xFFFFFFFF;
	(pc) =	sbr.abs _section_cstart, $3  }
0xd0: {  	[dreg:$0x1] =	wrdreg $0xFFFFFFFF  }
0xd1: {  	_ =	task.clear_ibuf [dreg:s22], $0x2FFFF;
	_ =	strace $0x9FFFFFFF  }
0xd2: {  	(tm) =	ssettm $0x7FFFFFFF  }
0xd3: {  	_ =	shalt  }
tec
execute0_lowered:
.L_overlay_start_1:
0x0: {  	(tag) =	ssettag $0x1  }
0x1: {  	s4 =	rddreg [dreg:$0x0]  }
0x2: {  	s0 =	rddreg [dreg:$0x1]  }
0x3: {  	s6 =	stileid.u32;
	s1 =	srdreg.scid  }
0x4: {  	s2 =	rddreg [dreg:$0x2];
	s3 =	simm.s32 $0x0;
	s7 =	smul.u32 $0x5100, s6  }
0x5: {  	s5 =	sand.u32 $0x1, s1;
	s1 =	rddreg [dreg:$0x3];
	s9 =	smul.u32 $0x51000, s6  }
0x6: {  	[smem:$0x7FF] =	sst s3;
	s8 =	smul.u32 $0x2880, s5  }
0x7: {  	p0 =	sne.s32 s6, $0x0;
	_ =	strace $0x8000005F;
	s29 =	smul.u32 $0x27100, s5  }
0x8: {  	s10 =	ssub.s32 $0x2, s5;
	s12 =	smul.u32 $0x28800, s5;
	s9 =	sadd.s32 s9, s4  }
0x9: {  	s11 =	sshrl.u32 s10, $0x1;
	s7 =	sadd.s32 s8, s7;
	s8 =	sadd.s32 s29, s4  }
0xa: {  	s30 =	ssub.s32 s10, s11;
	s31 =	sadd.s32 s12, s9;
	s9 =	simm.s32 $0x1  }
0xb: {  	s10 =	simm.s32 $0x80;
	s11 =	simm.s32 $0x0;
	s7 =	sshrl.u32 s7, $0x3  }
0xc: {  	s5 =	smax.u32 s30, $0x1;
	s6 =	sadd.s32 $0xA3AC00, s31;
	s7 =	sadd.s32 s7, s4  }
0xd: {  	s4 =	sadd.s32 $0x14F7000, s8;
	s8 =	sshrl.u32 @!p0 s2, $0x3;
	s7 =	sadd.s32 $0x10A00, s7  }
.LBB2_1:
0xe: {  	s12 =	simm.s32 @!p0 $0x1C01  }
0xf: {  	[spmem:s8], [sflag:s12] =	dma.local @!p0 [hbm:s0], $0x27100  }
0x10: {  	s12 =	simm.s32 @!p0 $0x1  }
0x11: {  	_ =	swait.ge @!p0 [sflag:s12], $0x27100  }
0x12: {  	[sflag:s12] =	ssyncset.done @!p0 $0x0  }
0x13: {  	[sflag:s12] =	ssyncadd.s32 @!p0 $0xFFFD8F00  }
0x14: {  	s31 =	sadd.s32 $0x0, s7;
	[bflag:$0x0] =	sbarrier.arrive $0xFFFF  }
0x15: {  	[tilespmem:s3], [sflag:$0x1] =	stream.linear.gather [hbm4b:s31+s3], $0x80, $0x38;
	[tilespmem:$0x17900] =	vst v63  }
0x16: {  	_ =	swait.ge [sflag:s9], $0x80  }
0x17: {  	[sflag:s9] =	ssyncset.done $0x0  }
0x18: {  	[sflag:s9] =	ssyncadd.s32 $0xFFFFFF80  }
0x19: {  	[tilespmem:s10], [sflag:$0x1] =	stream.linear.gather [hbm4b:s6+s3], $0x4000, $0x38;
	[tilespmem:$0x17900] =	vst v63  }
0x1a: {  	_ =	swait.ge [sflag:s9], $0x4000  }
0x1b: {  	[sflag:s9] =	ssyncset.done $0x0  }
0x1c: {  	[sflag:s9] =	ssyncadd.s32 $0xFFFFC000  }
0x1d: {  	[spmem:s2] =	stream.indirect.scatter.add.f32 [tilespmem:s10], [sflag:$0x1], $0x80, s3, s10, $0xb8;
	[tilespmem:$0x17900] =	vst v63  }
0x1e: {  	s13 =	simm.s32 $0x10;
	_ =	swait.ge [sflag:s9], $0x4000  }
0x1f: {  	s14 =	simm.s32 $0x20;
	s12 =	sadd.s32 $0x800, s6;
	[sflag:s9] =	ssyncset.done $0x0  }
.LBB2_2:
0x20: {  	s15 =	sadd.s32 s13, s7  }
0x21: {  	[sflag:s9] =	ssyncadd.s32 $0xFFFFC000;
	s13 =	smov.u32 s14;
	s16 =	sadd.s32 $0x10, s14  }
0x22: {  	[tilespmem:s3], [sflag:$0x1] =	stream.linear.gather [hbm4b:s15+s3], $0x80, $0x38;
	[tilespmem:$0x17900] =	vst v63  }
0x23: {  	p1 =	sne.s32 s14, $0x500;
	_ =	swait.ge [sflag:s9], $0x80  }
0x24: {  	[sflag:s9] =	ssyncset.done $0x0  }
0x25: {  	[sflag:s9] =	ssyncadd.s32 $0xFFFFFF80  }
0x26: {  	[tilespmem:s10], [sflag:$0x1] =	stream.linear.gather [hbm4b:s12+s3], $0x4000, $0x38;
	[tilespmem:$0x17900] =	vst v63  }
0x27: {  	_ =	swait.ge [sflag:s9], $0x4000  }
.Ltmp0:
0x28: {  	[sflag:s9] =	ssyncset.done $0x0;
	(pc) =	sbr.rel @p1 .LBB2_2-.Ltmp0, $4  }
0x29: {  	[sflag:s9] =	ssyncadd.s32 $0xFFFFC000  }
0x2a: {  	[spmem:s2] =	stream.indirect.scatter.add.f32 [tilespmem:s10], [sflag:$0x1], $0x80, s3, s10, $0xb8;
	[tilespmem:$0x17900] =	vst v63  }
0x2b: {  	_ =	swait.ge [sflag:s9], $0x4000  }
0x2c: {  	s14 =	smov.u32 s16;
	s12 =	sadd.s32 $0x800, s12;
	[sflag:s9] =	ssyncset.done $0x0  }
0x2d: {  	s13 =	sadd.s32 s13, s7;
	[sflag:s9] =	ssyncadd.s32 $0xFFFFC000  }
0x2e: {  	[tilespmem:s3], [sflag:$0x1] =	stream.linear.gather [hbm4b:s13+s3], $0x80, $0x38;
	[tilespmem:$0x17900] =	vst v63  }
0x2f: {  	_ =	swait.ge [sflag:s9], $0x80  }
0x30: {  	[sflag:s9] =	ssyncset.done $0x0  }
0x31: {  	[sflag:s9] =	ssyncadd.s32 $0xFFFFFF80  }
0x32: {  	[tilespmem:s10], [sflag:$0x1] =	stream.linear.gather [hbm4b:s12+s3], $0x4000, $0x38;
	[tilespmem:$0x17900] =	vst v63  }
0x33: {  	_ =	swait.ge [sflag:s9], $0x4000  }
0x34: {  	[sflag:s9] =	ssyncset.done $0x0  }
0x35: {  	[sflag:s9] =	ssyncadd.s32 $0xFFFFC000  }
0x36: {  	[spmem:s2] =	stream.indirect.scatter.add.f32 [tilespmem:s10], [sflag:$0x1], $0x80, s3, s10, $0xb8;
	[tilespmem:$0x17900] =	vst v63  }
0x37: {  	_ =	swait.ge [sflag:s9], $0x4000  }
0x38: {  	[sflag:s9] =	ssyncset.done $0x0  }
0x39: {  	s11 =	sadd.s32 $0x1, s11;
	[sflag:s9] =	ssyncadd.s32 $0xFFFFC000  }
0x3a: {  	p1 =	sne.s32 s11, s5;
	s12 =	simm.s32 @!p0 $0x1C01;
	[bflag:$0x0] =	sbarrier.arrive $0xFFFF  }
0x3b: {  	[hbm:s4], [sflag:s12] =	dma.local @!p0 [spmem:s8], $0x27100  }
.Ltmp1:
0x3c: {  	_ = 	snop;
	(pc) =	sbr.rel @p1 .LBB2_1-.Ltmp1, $4  }
0x3d: {  	s12 =	simm.s32 @!p0 $0x1  }
0x3e: {  	_ =	swait.ge @!p0 [sflag:s12], $0x27100  }
0x3f: {  	[sflag:s12] =	ssyncset.done @!p0 $0x0  }
0x40: {  	[sflag:s12] =	ssyncadd.s32 @!p0 $0xFFFD8F00  }
0x41: {  	_ =	sfence.sel $0x180000  }
0x42: {  	[bflag:$0x0] =	sbarrier.arrive $0xFFFF  }
0x43: {  	_ =	strace $0x9000005F  }
0x44: {  	s0 =	sadd.s32 @!p0 $0x100000, s1;
	[bflag:$0x2] =	sbarrier.arrive $0xFFFF  }
0x45: {  	[sflag:s0] =	ssyncadd.tile.s32 @!p0 $0x1;
	_ =	shalt  }
.Lfunc_end2:
_tile_overlayer_lowered:
.L_overlay_start_2:
0x46: {  	(tag) =	ssettag $0x2  }
0x47: {  	s0 =	rddreg [dreg:$0x0];
	s2 =	stileid.u32  }
0x48: {  	s1 =	rddreg [dreg:$0x1];
	p0 =	sne.s32 s2, $0x0  }
0x49: {  	s3 =	rddreg [dreg:$0x2];
	[bflag:$0x3] =	sbarrier.arrive $0xFFFF;
	s2 =	simm.s32 @!p0 $0x1C01  }
0x4a: {  	[timem:s3], [sflag:s2] =	dma.local @!p0 [hbm:s0], s1  }
0x4b: {  	s0 =	simm.s32 @!p0 $0x1  }
0x4c: {  	_ =	swait.ge @!p0 [sflag:s0], s1  }
0x4d: {  	s1 =	ssub.s32 @!p0 $0x0, s1;
	[sflag:s0] =	ssyncset.done @!p0 $0x0  }
0x4e: {  	[sflag:s0] =	ssyncadd.s32 @!p0 s1  }
0x4f: {  	[bflag:$0x3] =	sbarrier.arrive $0xFFFF  }
0x50: {  	_ =	shalt  }

// kernel: kernel.50.cloned.1.call-start
scs
__scs_entry_jumppad:
0x0: {  	(pc) =	sbr.rel $0x88, $3  }
0x1: {  	(tag) =	ssettag $0x0;
	lr =	simm.s32 $0x1  }
0x2: {  	[smem:$0x3F95] =	sst lr;
	_ =	strace $0xD0000000  }
0x3: {  	_ = 	snop  }
0x4: {  	_ = 	snop  }
0x5: {  	_ = 	snop  }
0x6: {  	_ = 	snop  }
0x7: {  	_ = 	snop  }
__scs_overlays_trampoline_lowered:
0x8: {  	[smem:$0x3FA4] =	sst s0  }
0x9: {  	[smem:$0x3FA5] =	sst s1  }
0xa: {  	[smem:$0x3FA6] =	sst s2  }
0xb: {  	[smem:$0x3FA7] =	sst s3  }
0xc: {  	[smem:$0x3FA8] =	sst s4  }
0xd: {  	[smem:$0x3FA9] =	sst s5  }
0xe: {  	[smem:$0x3FAA] =	sst s6  }
0xf: {  	[smem:$0x3FAB] =	sst s7  }
0x10: {  	[smem:$0x3FAC] =	sst s8  }
0x11: {  	[smem:$0x3FAD] =	sst s9;
	s0 =	simm.s32 @!p0 $0x0  }
0x12: {  	s1 =	sld [smem:$0x3F93];
	s0 =	simm.s32 @p0 $0x1  }
0x13: {  	[smem:$0x3FAE] =	sst s0;
	s0 =	simm.s32 @!p1 $0x0  }
0x14: {  	s2 =	sld [smem:$0x3F92];
	s0 =	simm.s32 @p1 $0x1  }
0x15: {  	[smem:$0x3FAF] =	sst s0;
	s0 =	simm.s32 @!p2 $0x0  }
0x16: {  	s3 =	sld [smem:$0x3FDB];
	s0 =	simm.s32 @p2 $0x1  }
0x17: {  	s4 =	simm.s32 $0x1BF5;
	[smem:$0x3FB1] =	sst s0  }
0x18: {  	s0 =	sld [smem:$0x3F94];
	_ =	swait.ge [sflag:s4], $0x0  }
0x19: {  	s7 =	sld [smem:$0x3F95]  }
0x1a: {  	s8 =	sadd.s32 $0xFFFFE003, lr  }
0x1b: {  	s9 =	sadd.s32 $0xFFFFFEF7, lr;
	s5 =	simm.s32 $0xFFFFFFFF;
	p2 =	slt.u32 s8, $0xFFFFF086  }
0x1c: {  	p1 =	slt.u32 s9, $0xF7A;
	s5 =	simm.s32 @!p2 $0x0  }
0x1d: {  	s5 =	simm.s32 @p1 $0x1;
	p0 =	seq.s32 s7, s2  }
0x1e: {  	s7 =	smul.u32 @!p0 $0xF7A, s2;
	p2 =	seq.s32 @!p0 s5, $0x0  }
0x1f: {  	s9 =	smul.u32 $0xF7A, s1;
	s8 =	simm.s32 @!p0 $0x1BF5;
	p2 =	por !p2, p0  }
0x20: {  	[sflag:s8] =	ssyncset.s32 @!p0 $0xFFFFF086;
	s6 =	sadd.s32 @!p0 s3, s7;
	s7 =	simm.s32 @!p0 $0x108  }
0x21: {  	s3 =	sadd.s32 s3, s9;
	s6 =	sadd.s32 @!p0 $0x88, s6;
	s7 =	simm.s32 @p2 $0x1082  }
0x22: {  	[simem:s7], [sflag:s8] =	dma.local @!p0 [hbm:s6], $0xF7A  }
0x23: {  	s9 =	sor.u32 $0xD0000000, s2;
	s6 =	simm.s32 $0x108;
	_ =	swait.ge @!p0 [sflag:s8], $0x0  }
0x24: {  	s3 =	sadd.s32 $0x88, s3;
	s6 =	simm.s32 @!p1 $0x1082;
	[sflag:s4] =	ssyncset.s32 $0xFFFFF086  }
0x25: {  	[simem:s6], [sflag:s4] =	dma.local [hbm:s3], $0xF7A  }
0x26: {  	[smem:$0x3F95] =	sst s1;
	(tag) =	ssettag s2;
	_ =	strace s9  }
0x27: {  	s1 =	sld [smem:$0x3FA5]  }
0x28: {  	s2 =	sld [smem:$0x3FA6]  }
0x29: {  	s4 =	sld [smem:$0x3FA8]  }
0x2a: {  	p0 =	seq.s32 s5, $0x0;
	s5 =	sld [smem:$0x3FA9]  }
0x2b: {  	s6 =	sld [smem:$0x3FAA]  }
0x2c: {  	s7 =	sld [smem:$0x3FAB]  }
0x2d: {  	s3 =	simm.s32 $0x108;
	s8 =	sld [smem:$0x3FAC]  }
0x2e: {  	s3 =	simm.s32 @!p0 $0x1082;
	s9 =	sld [smem:$0x3FAD]  }
0x2f: {  	lr =	sadd.s32 s0, s3;
	s0 =	sld [smem:$0x3FA4]  }
0x30: {  	s3 =	sld [smem:$0x3FA7]  }
0x31: {  	[smem:$0x3FB0] =	sst s10  }
0x32: {  	s10 =	sld [smem:$0x3FAE];
	_ =	sdelay $0x3  }
0x33: {  	p0 =	seq.s32 s10, $0x1;
	s10 =	sld [smem:$0x3FB0];
	_ =	sdelay $0x3  }
0x34: {  	[smem:$0x3FB0] =	sst s10  }
0x35: {  	s10 =	sld [smem:$0x3FAF];
	_ =	sdelay $0x3  }
0x36: {  	p1 =	seq.s32 s10, $0x1;
	s10 =	sld [smem:$0x3FB0];
	_ =	sdelay $0x3  }
0x37: {  	[smem:$0x3FB0] =	sst s10  }
0x38: {  	s10 =	sld [smem:$0x3FB1]  }
0x39: {  	_ = 	snop;
	(pc) =	sbr.ind lr, $3  }
0x3a: {  	_ = 	snop  }
0x3b: {  	_ = 	snop  }
0x3c: {  	p2 =	seq.s32 s10, $0x1;
	s10 =	sld [smem:$0x3FB0]  }
0x3d: {  	_ =	shalt  }
0x3e: {  	_ =	shalt  }
0x3f: {  	_ =	shalt  }
0x40: {  	_ =	shalt  }
0x41: {  	_ =	shalt  }
0x42: {  	_ =	shalt  }
0x43: {  	_ =	shalt  }
0x44: {  	_ =	shalt  }
0x45: {  	_ =	shalt  }
0x46: {  	_ =	shalt  }
0x47: {  	_ =	shalt  }
0x48: {  	_ =	shalt  }
0x49: {  	_ =	shalt  }
0x4a: {  	_ =	shalt  }
0x4b: {  	_ =	shalt  }
0x4c: {  	_ =	shalt  }
0x4d: {  	_ =	shalt  }
0x4e: {  	_ =	shalt  }
0x4f: {  	_ =	shalt  }
0x50: {  	_ =	shalt  }
0x51: {  	_ =	shalt  }
0x52: {  	_ =	shalt  }
0x53: {  	_ =	shalt  }
0x54: {  	_ =	shalt  }
0x55: {  	_ =	shalt  }
0x56: {  	_ =	shalt  }
0x57: {  	_ =	shalt  }
0x58: {  	_ =	shalt  }
0x59: {  	_ =	shalt  }
0x5a: {  	_ =	shalt  }
0x5b: {  	_ =	shalt  }
0x5c: {  	_ =	shalt  }
0x5d: {  	_ =	shalt  }
0x5e: {  	_ =	shalt  }
0x5f: {  	_ =	shalt  }
0x60: {  	_ =	shalt  }
0x61: {  	_ =	shalt  }
0x62: {  	_ =	shalt  }
0x63: {  	_ =	shalt  }
0x64: {  	_ =	shalt  }
0x65: {  	_ =	shalt  }
0x66: {  	_ =	shalt  }
0x67: {  	_ =	shalt  }
0x68: {  	_ =	shalt  }
0x69: {  	_ =	shalt  }
0x6a: {  	_ =	shalt  }
0x6b: {  	_ =	shalt  }
0x6c: {  	_ =	shalt  }
0x6d: {  	_ =	shalt  }
0x6e: {  	_ =	shalt  }
0x6f: {  	_ =	shalt  }
0x70: {  	_ =	shalt  }
0x71: {  	_ =	shalt  }
0x72: {  	_ =	shalt  }
0x73: {  	_ =	shalt  }
0x74: {  	_ =	shalt  }
0x75: {  	_ =	shalt  }
0x76: {  	_ =	shalt  }
0x77: {  	_ =	shalt  }
0x78: {  	_ =	shalt  }
0x79: {  	_ =	shalt  }
0x7a: {  	_ =	shalt  }
0x7b: {  	_ =	shalt  }
0x7c: {  	_ =	shalt  }
0x7d: {  	_ =	shalt  }
0x7e: {  	_ =	shalt  }
0x7f: {  	_ =	shalt  }
0x80: {  	_ =	shalt  }
0x81: {  	_ =	shalt  }
0x82: {  	_ =	shalt  }
0x83: {  	_ =	shalt  }
0x84: {  	_ =	shalt  }
0x85: {  	_ =	shalt  }
0x86: {  	_ =	shalt  }
0x87: {  	_ =	shalt  }
.Lfunc_end0:
.L_simem_size_0:
called_computation.8_lowered:
.L_overlay_start_0:
0x88: {  	s2 =	sld [smem:$0x3FD9]  }
0x89: {  	s3 =	sld [smem:$0x3FFE];
	_ =	sdelay $0x1  }
0x8a: {  	s1 =	srdreg.scid  }
0x8b: {  	s0 =	sand.u32 $0x1, s1  }
0x8c: {  	s17 =	sshll.u32 s0, $0xA;
	s2 =	sadd.s32 s3, s2  }
0x8d: {  	s2 =	sadd.s32 s2, s17  }
0x8e: {  	[smem:$0x3FBC] =	sst s2  }
0x8f: {  	_ = 	snop  }
0x90: {  	s18 =	sld [smem:$0x3FD0];
	(tm) =	ssettm $0x1  }
0x91: {  	s19 =	sld [smem:$0x3FFB];
	_ =	sdelay $0x3  }
0x92: {  	_ =	strace s19  }
0x93: {  	s2 =	sld [smem:$0x3FFC];
	_ =	sdelay $0x3  }
0x94: {  	_ =	strace s2  }
0x95: {  	s2 =	sld [smem:$0x3FFD];
	_ =	sdelay $0x3  }
0x96: {  	_ =	strace s2  }
0x97: {  	_ =	strace $0x8FFFFFFF  }
0x98: {  	s20 =	sld [smem:$0x3FDB];
	_ =	sdelay $0x1  }
0x99: {  	s4 =	simm.s32 $_scs_section_size  }
0x9a: {  	s5 =	simm.s32 $_size__tile_overlayer_lowered;
	s6 =	simm.s32 $_tile_overlayer_lowered  }
0x9b: {  	s7 =	simm.s32 $0x1BFF;
	s21 =	sshll.u32 s6, $0x1;
	s4 =	sadd.s32 s4, s20  }
0x9c: {  	s22 =	simm.s32 $0x0;
	s5 =	sshll.u32 s5, $0x1;
	s6 =	sadd.s32 s21, s4  }
0x9d: {  	[timem:s22], [sflag:s7] =	dma.local [hbm:s6], s5  }
0x9e: {  	_ =	swait.ge [sflag:s7], s5  }
0x9f: {  	s5 =	ssub.s32 $0x0, s5;
	[sflag:s7] =	ssyncset.done $0x0  }
0xa0: {  	[sflag:s7] =	ssyncadd.s32 s5;
	_ =	sdelay $0x1  }
0xa1: {  	s23 =	simm.s32 $0x1B8B  }
0xa2: {  	_ =	swait.ge [sflag:s23], $0x1  }
0xa3: {  	[sflag:s23] =	ssyncset.done $0x0  }
0xa4: {  	[sflag:s23] =	ssyncadd.s32 $0xFFFFFFFF  }
0xa5: {  	s5 =	sld [smem:$0x0]  }
0xa6: {  	s6 =	sand.u32 $0xFFFFFFFE, s1  }
0xa7: {  	p0 =	sne.s32 s1, s6  }
0xa8: {  	s6 =	sshll.u32 @p0 s6, $0xE  }
0xa9: {  	s6 =	sadd.s32 @p0 $0x11B8D, s6;
	s7 =	sshll.u32 @p0 s5, $0x11  }
0xaa: {  	s6 =	sor.u32 @p0 s7, s6  }
0xab: {  	[sflag:s6] =	ssyncadd.remote.s32 @p0 $0x1;
	_ =	sdelay $0x1  }
0xac: {  	s6 =	simm.s32 @p0 $0x1B8D  }
0xad: {  	_ =	swait.eq @p0 [sflag:s6], $0x1  }
0xae: {  	[sflag:s6] =	ssyncadd.s32 @p0 $0xFFFFFFFF  }
0xaf: {  	s7 =	sshll.u32 @!p0 s1, $0xE  }
0xb0: {  	s7 =	sor.u32 @!p0 $0x4000, s7;
	s6 =	simm.s32 @!p0 $0x1B8D  }
0xb1: {  	s5 =	sshll.u32 @!p0 s5, $0x11;
	s7 =	sadd.s32 @!p0 $0x11B8D, s7;
	_ =	swait.eq @!p0 [sflag:s6], $0x1  }
0xb2: {  	s5 =	sor.u32 @!p0 s5, s7;
	[sflag:s6] =	ssyncadd.s32 @!p0 $0xFFFFFFFF  }
0xb3: {  	s25 =	simm.s32 $0x1B8E;
	s24 =	sld [smem:$0x3FFE];
	[sflag:s5] =	ssyncadd.remote.s32 @!p0 $0x1  }
0xb4: {  	s26 =	simm.s32 $execute0_lowered;
	[smem:$0x3FD2] =	sst s25  }
0xb5: {  	s6 =	sshll.u32 s26, $0x1;
	_ =	strace $0x8000005B;
	[dreg:$0x1] =	wrdreg $0xFFFFFFFF  }
0xb6: {  	s28 =	simm.s32 $_size_execute0_lowered;
	s4 =	sadd.s32 s4, s6;
	[dreg:$0x0] =	wrdreg $0x0  }
0xb7: {  	s6 =	sshll.u32 s28, $0x1;
	[dreg:$0x2] =	wrdreg s4  }
0xb8: {  	[dreg:$0x3] =	wrdreg s6  }
0xb9: {  	[dreg:$0x4] =	wrdreg $0xC0  }
0xba: {  	_ =	task [dreg:s22], $0x5FFFF  }
0xbb: {  	[dreg:$0x1] =	wrdreg $0xFFFFFFFF  }
0xbc: {  	[dreg:$0x0] =	wrdreg $0x60  }
0xbd: {  	[dreg:$0x2] =	wrdreg s24  }
0xbe: {  	[dreg:$0x3] =	wrdreg s18  }
0xbf: {  	[dreg:$0x4] =	wrdreg $0x40800  }
0xc0: {  	[dreg:$0x5] =	wrdreg $0xB  }
0xc1: {  	_ =	task.clear_ibuf [dreg:s22], $0x6FFFF;
	_ =	strace $0x9000005B  }
0xc2: {  	s29 =	simm.s32 $0xB;
	_ =	strace $0x8000005D  }
0xc3: {  	_ =	swait.ge [sflag:s29], $0x1  }
0xc4: {  	[sflag:s29] =	ssyncadd.s32 $0xFFFFFFFF  }
0xc5: {  	_ =	strace $0x9000005D  }
0xc6: {  	_ =	sfence  }
0xc7: {  	s30 =	sld [smem:$0x0];
	_ =	sdelay $0x2  }
0xc8: {  	s31 =	sshll.u32 s1, $0xD;
	s1 =	sshrl.u32 s1, $0x2  }
0xc9: {  	s4 =	sand.u32 $0x4000, s31;
	s1 =	sadd.s32 s1, s30  }
0xca: {  	s0 =	sor.u32 s4, s0;
	s1 =	sshll.u32 s1, $0x11  }
0xcb: {  	s0 =	sor.u32 s1, s0  }
0xcc: {  	s0 =	sadd.s32 $0x8F2B, s0  }
0xcd: {  	[sflag:s0] =	ssyncadd.remote.s32 $0x1  }
0xce: {  	_ =	sfence.sel $0xFFFF  }
0xcf: {  	[dreg:$0x0] =	wrdreg $0xFFFFFFFF;
	(pc) =	sbr.abs _section_cstart, $3  }
0xd0: {  	[dreg:$0x1] =	wrdreg $0xFFFFFFFF  }
0xd1: {  	_ =	task.clear_ibuf [dreg:s22], $0x2FFFF;
	_ =	strace $0x9FFFFFFF  }
0xd2: {  	(tm) =	ssettm $0x7FFFFFFF  }
0xd3: {  	_ =	shalt  }
tec
execute0_lowered:
.L_overlay_start_1:
0x0: {  	(tag) =	ssettag $0x1  }
0x1: {  	s4 =	rddreg [dreg:$0x0]  }
0x2: {  	s0 =	rddreg [dreg:$0x1]  }
0x3: {  	s6 =	stileid.u32;
	s1 =	srdreg.scid  }
0x4: {  	s2 =	rddreg [dreg:$0x2];
	s3 =	simm.s32 $0x0;
	s7 =	smul.u32 $0x5100, s6  }
0x5: {  	s5 =	sand.u32 $0x1, s1;
	s1 =	rddreg [dreg:$0x3];
	s9 =	smul.u32 $0x51000, s6  }
0x6: {  	[smem:$0x7FF] =	sst s3;
	s8 =	smul.u32 $0x2880, s5  }
0x7: {  	p0 =	sne.s32 s6, $0x0;
	_ =	strace $0x8000005C;
	s29 =	smul.u32 $0x27100, s5  }
0x8: {  	s10 =	ssub.s32 $0x2, s5;
	s12 =	smul.u32 $0x28800, s5;
	s9 =	sadd.s32 s9, s4  }
0x9: {  	s11 =	sshrl.u32 s10, $0x1;
	s7 =	sadd.s32 s8, s7;
	s8 =	sadd.s32 s29, s4  }
0xa: {  	s30 =	ssub.s32 s10, s11;
	s31 =	sadd.s32 s12, s9;
	s9 =	simm.s32 $0x1  }
0xb: {  	s10 =	simm.s32 $0x80;
	s11 =	simm.s32 $0x0;
	s7 =	sshrl.u32 s7, $0x3  }
0xc: {  	s5 =	smax.u32 s30, $0x1;
	s6 =	sadd.s32 $0x52AC00, s31;
	s7 =	sadd.s32 s7, s4  }
0xd: {  	s4 =	sadd.s32 $0x14A8E00, s8;
	s8 =	sshrl.u32 @!p0 s2, $0x3;
	s7 =	sadd.s32 $0x10A00, s7  }
.LBB2_1:
0xe: {  	s12 =	simm.s32 @!p0 $0x1C01  }
0xf: {  	[spmem:s8], [sflag:s12] =	dma.local @!p0 [hbm:s0], $0x27100  }
0x10: {  	s12 =	simm.s32 @!p0 $0x1  }
0x11: {  	_ =	swait.ge @!p0 [sflag:s12], $0x27100  }
0x12: {  	[sflag:s12] =	ssyncset.done @!p0 $0x0  }
0x13: {  	[sflag:s12] =	ssyncadd.s32 @!p0 $0xFFFD8F00  }
0x14: {  	s31 =	sadd.s32 $0x0, s7;
	[bflag:$0x0] =	sbarrier.arrive $0xFFFF  }
0x15: {  	[tilespmem:s3], [sflag:$0x1] =	stream.linear.gather [hbm4b:s31+s3], $0x80, $0x38;
	[tilespmem:$0x17900] =	vst v63  }
0x16: {  	_ =	swait.ge [sflag:s9], $0x80  }
0x17: {  	[sflag:s9] =	ssyncset.done $0x0  }
0x18: {  	[sflag:s9] =	ssyncadd.s32 $0xFFFFFF80  }
0x19: {  	[tilespmem:s10], [sflag:$0x1] =	stream.linear.gather [hbm4b:s6+s3], $0x4000, $0x38;
	[tilespmem:$0x17900] =	vst v63  }
0x1a: {  	_ =	swait.ge [sflag:s9], $0x4000  }
0x1b: {  	[sflag:s9] =	ssyncset.done $0x0  }
0x1c: {  	[sflag:s9] =	ssyncadd.s32 $0xFFFFC000  }
0x1d: {  	[spmem:s2] =	stream.indirect.scatter.add.f32 [tilespmem:s10], [sflag:$0x1], $0x80, s3, s10, $0xb8;
	[tilespmem:$0x17900] =	vst v63  }
0x1e: {  	s13 =	simm.s32 $0x10;
	_ =	swait.ge [sflag:s9], $0x4000  }
0x1f: {  	s14 =	simm.s32 $0x20;
	s12 =	sadd.s32 $0x800, s6;
	[sflag:s9] =	ssyncset.done $0x0  }
.LBB2_2:
0x20: {  	s15 =	sadd.s32 s13, s7  }
0x21: {  	[sflag:s9] =	ssyncadd.s32 $0xFFFFC000;
	s13 =	smov.u32 s14;
	s16 =	sadd.s32 $0x10, s14  }
0x22: {  	[tilespmem:s3], [sflag:$0x1] =	stream.linear.gather [hbm4b:s15+s3], $0x80, $0x38;
	[tilespmem:$0x17900] =	vst v63  }
0x23: {  	p1 =	sne.s32 s14, $0x500;
	_ =	swait.ge [sflag:s9], $0x80  }
0x24: {  	[sflag:s9] =	ssyncset.done $0x0  }
0x25: {  	[sflag:s9] =	ssyncadd.s32 $0xFFFFFF80  }
0x26: {  	[tilespmem:s10], [sflag:$0x1] =	stream.linear.gather [hbm4b:s12+s3], $0x4000, $0x38;
	[tilespmem:$0x17900] =	vst v63  }
0x27: {  	_ =	swait.ge [sflag:s9], $0x4000  }
.Ltmp0:
0x28: {  	[sflag:s9] =	ssyncset.done $0x0;
	(pc) =	sbr.rel @p1 .LBB2_2-.Ltmp0, $4  }
0x29: {  	[sflag:s9] =	ssyncadd.s32 $0xFFFFC000  }
0x2a: {  	[spmem:s2] =	stream.indirect.scatter.add.f32 [tilespmem:s10], [sflag:$0x1], $0x80, s3, s10, $0xb8;
	[tilespmem:$0x17900] =	vst v63  }
0x2b: {  	_ =	swait.ge [sflag:s9], $0x4000  }
0x2c: {  	s14 =	smov.u32 s16;
	s12 =	sadd.s32 $0x800, s12;
	[sflag:s9] =	ssyncset.done $0x0  }
0x2d: {  	s13 =	sadd.s32 s13, s7;
	[sflag:s9] =	ssyncadd.s32 $0xFFFFC000  }
0x2e: {  	[tilespmem:s3], [sflag:$0x1] =	stream.linear.gather [hbm4b:s13+s3], $0x80, $0x38;
	[tilespmem:$0x17900] =	vst v63  }
0x2f: {  	_ =	swait.ge [sflag:s9], $0x80  }
0x30: {  	[sflag:s9] =	ssyncset.done $0x0  }
0x31: {  	[sflag:s9] =	ssyncadd.s32 $0xFFFFFF80  }
0x32: {  	[tilespmem:s10], [sflag:$0x1] =	stream.linear.gather [hbm4b:s12+s3], $0x4000, $0x38;
	[tilespmem:$0x17900] =	vst v63  }
0x33: {  	_ =	swait.ge [sflag:s9], $0x4000  }
0x34: {  	[sflag:s9] =	ssyncset.done $0x0  }
0x35: {  	[sflag:s9] =	ssyncadd.s32 $0xFFFFC000  }
0x36: {  	[spmem:s2] =	stream.indirect.scatter.add.f32 [tilespmem:s10], [sflag:$0x1], $0x80, s3, s10, $0xb8;
	[tilespmem:$0x17900] =	vst v63  }
0x37: {  	_ =	swait.ge [sflag:s9], $0x4000  }
0x38: {  	[sflag:s9] =	ssyncset.done $0x0  }
0x39: {  	s11 =	sadd.s32 $0x1, s11;
	[sflag:s9] =	ssyncadd.s32 $0xFFFFC000  }
0x3a: {  	p1 =	sne.s32 s11, s5;
	s12 =	simm.s32 @!p0 $0x1C01;
	[bflag:$0x0] =	sbarrier.arrive $0xFFFF  }
0x3b: {  	[hbm:s4], [sflag:s12] =	dma.local @!p0 [spmem:s8], $0x27100  }
.Ltmp1:
0x3c: {  	_ = 	snop;
	(pc) =	sbr.rel @p1 .LBB2_1-.Ltmp1, $4  }
0x3d: {  	s12 =	simm.s32 @!p0 $0x1  }
0x3e: {  	_ =	swait.ge @!p0 [sflag:s12], $0x27100  }
0x3f: {  	[sflag:s12] =	ssyncset.done @!p0 $0x0  }
0x40: {  	[sflag:s12] =	ssyncadd.s32 @!p0 $0xFFFD8F00  }
0x41: {  	_ =	sfence.sel $0x180000  }
0x42: {  	[bflag:$0x0] =	sbarrier.arrive $0xFFFF  }
0x43: {  	_ =	strace $0x9000005C  }
0x44: {  	s0 =	sadd.s32 @!p0 $0x100000, s1;
	[bflag:$0x2] =	sbarrier.arrive $0xFFFF  }
0x45: {  	[sflag:s0] =	ssyncadd.tile.s32 @!p0 $0x1;
	_ =	shalt  }
.Lfunc_end2:
_tile_overlayer_lowered:
.L_overlay_start_2:
0x46: {  	(tag) =	ssettag $0x2  }
0x47: {  	s0 =	rddreg [dreg:$0x0];
	s2 =	stileid.u32  }
0x48: {  	s1 =	rddreg [dreg:$0x1];
	p0 =	sne.s32 s2, $0x0  }
0x49: {  	s3 =	rddreg [dreg:$0x2];
	[bflag:$0x3] =	sbarrier.arrive $0xFFFF;
	s2 =	simm.s32 @!p0 $0x1C01  }
0x4a: {  	[timem:s3], [sflag:s2] =	dma.local @!p0 [hbm:s0], s1  }
0x4b: {  	s0 =	simm.s32 @!p0 $0x1  }
0x4c: {  	_ =	swait.ge @!p0 [sflag:s0], s1  }
0x4d: {  	s1 =	ssub.s32 @!p0 $0x0, s1;
	[sflag:s0] =	ssyncset.done @!p0 $0x0  }
0x4e: {  	[sflag:s0] =	ssyncadd.s32 @!p0 s1  }
0x4f: {  	[bflag:$0x3] =	sbarrier.arrive $0xFFFF  }
0x50: {  	_ =	shalt  }

// kernel: kernel.53.cloned.1.call-start
scs
__scs_entry_jumppad:
0x0: {  	(pc) =	sbr.rel $0x88, $3  }
0x1: {  	(tag) =	ssettag $0x0;
	lr =	simm.s32 $0x1  }
0x2: {  	[smem:$0x3F95] =	sst lr;
	_ =	strace $0xD0000000  }
0x3: {  	_ = 	snop  }
0x4: {  	_ = 	snop  }
0x5: {  	_ = 	snop  }
0x6: {  	_ = 	snop  }
0x7: {  	_ = 	snop  }
__scs_overlays_trampoline_lowered:
0x8: {  	[smem:$0x3FA4] =	sst s0  }
0x9: {  	[smem:$0x3FA5] =	sst s1  }
0xa: {  	[smem:$0x3FA6] =	sst s2  }
0xb: {  	[smem:$0x3FA7] =	sst s3  }
0xc: {  	[smem:$0x3FA8] =	sst s4  }
0xd: {  	[smem:$0x3FA9] =	sst s5  }
0xe: {  	[smem:$0x3FAA] =	sst s6  }
0xf: {  	[smem:$0x3FAB] =	sst s7  }
0x10: {  	[smem:$0x3FAC] =	sst s8  }
0x11: {  	[smem:$0x3FAD] =	sst s9;
	s0 =	simm.s32 @!p0 $0x0  }
0x12: {  	s1 =	sld [smem:$0x3F93];
	s0 =	simm.s32 @p0 $0x1  }
0x13: {  	[smem:$0x3FAE] =	sst s0;
	s0 =	simm.s32 @!p1 $0x0  }
0x14: {  	s2 =	sld [smem:$0x3F92];
	s0 =	simm.s32 @p1 $0x1  }
0x15: {  	[smem:$0x3FAF] =	sst s0;
	s0 =	simm.s32 @!p2 $0x0  }
0x16: {  	s3 =	sld [smem:$0x3FDB];
	s0 =	simm.s32 @p2 $0x1  }
0x17: {  	s4 =	simm.s32 $0x1BF5;
	[smem:$0x3FB1] =	sst s0  }
0x18: {  	s0 =	sld [smem:$0x3F94];
	_ =	swait.ge [sflag:s4], $0x0  }
0x19: {  	s7 =	sld [smem:$0x3F95]  }
0x1a: {  	s8 =	sadd.s32 $0xFFFFE003, lr  }
0x1b: {  	s9 =	sadd.s32 $0xFFFFFEF7, lr;
	s5 =	simm.s32 $0xFFFFFFFF;
	p2 =	slt.u32 s8, $0xFFFFF086  }
0x1c: {  	p1 =	slt.u32 s9, $0xF7A;
	s5 =	simm.s32 @!p2 $0x0  }
0x1d: {  	s5 =	simm.s32 @p1 $0x1;
	p0 =	seq.s32 s7, s2  }
0x1e: {  	s7 =	smul.u32 @!p0 $0xF7A, s2;
	p2 =	seq.s32 @!p0 s5, $0x0  }
0x1f: {  	s9 =	smul.u32 $0xF7A, s1;
	s8 =	simm.s32 @!p0 $0x1BF5;
	p2 =	por !p2, p0  }
0x20: {  	[sflag:s8] =	ssyncset.s32 @!p0 $0xFFFFF086;
	s6 =	sadd.s32 @!p0 s3, s7;
	s7 =	simm.s32 @!p0 $0x108  }
0x21: {  	s3 =	sadd.s32 s3, s9;
	s6 =	sadd.s32 @!p0 $0x88, s6;
	s7 =	simm.s32 @p2 $0x1082  }
0x22: {  	[simem:s7], [sflag:s8] =	dma.local @!p0 [hbm:s6], $0xF7A  }
0x23: {  	s9 =	sor.u32 $0xD0000000, s2;
	s6 =	simm.s32 $0x108;
	_ =	swait.ge @!p0 [sflag:s8], $0x0  }
0x24: {  	s3 =	sadd.s32 $0x88, s3;
	s6 =	simm.s32 @!p1 $0x1082;
	[sflag:s4] =	ssyncset.s32 $0xFFFFF086  }
0x25: {  	[simem:s6], [sflag:s4] =	dma.local [hbm:s3], $0xF7A  }
0x26: {  	[smem:$0x3F95] =	sst s1;
	(tag) =	ssettag s2;
	_ =	strace s9  }
0x27: {  	s1 =	sld [smem:$0x3FA5]  }
0x28: {  	s2 =	sld [smem:$0x3FA6]  }
0x29: {  	s4 =	sld [smem:$0x3FA8]  }
0x2a: {  	p0 =	seq.s32 s5, $0x0;
	s5 =	sld [smem:$0x3FA9]  }
0x2b: {  	s6 =	sld [smem:$0x3FAA]  }
0x2c: {  	s7 =	sld [smem:$0x3FAB]  }
0x2d: {  	s3 =	simm.s32 $0x108;
	s8 =	sld [smem:$0x3FAC]  }
0x2e: {  	s3 =	simm.s32 @!p0 $0x1082;
	s9 =	sld [smem:$0x3FAD]  }
0x2f: {  	lr =	sadd.s32 s0, s3;
	s0 =	sld [smem:$0x3FA4]  }
0x30: {  	s3 =	sld [smem:$0x3FA7]  }
0x31: {  	[smem:$0x3FB0] =	sst s10  }
0x32: {  	s10 =	sld [smem:$0x3FAE];
	_ =	sdelay $0x3  }
0x33: {  	p0 =	seq.s32 s10, $0x1;
	s10 =	sld [smem:$0x3FB0];
	_ =	sdelay $0x3  }
0x34: {  	[smem:$0x3FB0] =	sst s10  }
0x35: {  	s10 =	sld [smem:$0x3FAF];
	_ =	sdelay $0x3  }
0x36: {  	p1 =	seq.s32 s10, $0x1;
	s10 =	sld [smem:$0x3FB0];
	_ =	sdelay $0x3  }
0x37: {  	[smem:$0x3FB0] =	sst s10  }
0x38: {  	s10 =	sld [smem:$0x3FB1]  }
0x39: {  	_ = 	snop;
	(pc) =	sbr.ind lr, $3  }
0x3a: {  	_ = 	snop  }
0x3b: {  	_ = 	snop  }
0x3c: {  	p2 =	seq.s32 s10, $0x1;
	s10 =	sld [smem:$0x3FB0]  }
0x3d: {  	_ =	shalt  }
0x3e: {  	_ =	shalt  }
0x3f: {  	_ =	shalt  }
0x40: {  	_ =	shalt  }
0x41: {  	_ =	shalt  }
0x42: {  	_ =	shalt  }
0x43: {  	_ =	shalt  }
0x44: {  	_ =	shalt  }
0x45: {  	_ =	shalt  }
0x46: {  	_ =	shalt  }
0x47: {  	_ =	shalt  }
0x48: {  	_ =	shalt  }
0x49: {  	_ =	shalt  }
0x4a: {  	_ =	shalt  }
0x4b: {  	_ =	shalt  }
0x4c: {  	_ =	shalt  }
0x4d: {  	_ =	shalt  }
0x4e: {  	_ =	shalt  }
0x4f: {  	_ =	shalt  }
0x50: {  	_ =	shalt  }
0x51: {  	_ =	shalt  }
0x52: {  	_ =	shalt  }
0x53: {  	_ =	shalt  }
0x54: {  	_ =	shalt  }
0x55: {  	_ =	shalt  }
0x56: {  	_ =	shalt  }
0x57: {  	_ =	shalt  }
0x58: {  	_ =	shalt  }
0x59: {  	_ =	shalt  }
0x5a: {  	_ =	shalt  }
0x5b: {  	_ =	shalt  }
0x5c: {  	_ =	shalt  }
0x5d: {  	_ =	shalt  }
0x5e: {  	_ =	shalt  }
0x5f: {  	_ =	shalt  }
0x60: {  	_ =	shalt  }
0x61: {  	_ =	shalt  }
0x62: {  	_ =	shalt  }
0x63: {  	_ =	shalt  }
0x64: {  	_ =	shalt  }
0x65: {  	_ =	shalt  }
0x66: {  	_ =	shalt  }
0x67: {  	_ =	shalt  }
0x68: {  	_ =	shalt  }
0x69: {  	_ =	shalt  }
0x6a: {  	_ =	shalt  }
0x6b: {  	_ =	shalt  }
0x6c: {  	_ =	shalt  }
0x6d: {  	_ =	shalt  }
0x6e: {  	_ =	shalt  }
0x6f: {  	_ =	shalt  }
0x70: {  	_ =	shalt  }
0x71: {  	_ =	shalt  }
0x72: {  	_ =	shalt  }
0x73: {  	_ =	shalt  }
0x74: {  	_ =	shalt  }
0x75: {  	_ =	shalt  }
0x76: {  	_ =	shalt  }
0x77: {  	_ =	shalt  }
0x78: {  	_ =	shalt  }
0x79: {  	_ =	shalt  }
0x7a: {  	_ =	shalt  }
0x7b: {  	_ =	shalt  }
0x7c: {  	_ =	shalt  }
0x7d: {  	_ =	shalt  }
0x7e: {  	_ =	shalt  }
0x7f: {  	_ =	shalt  }
0x80: {  	_ =	shalt  }
0x81: {  	_ =	shalt  }
0x82: {  	_ =	shalt  }
0x83: {  	_ =	shalt  }
0x84: {  	_ =	shalt  }
0x85: {  	_ =	shalt  }
0x86: {  	_ =	shalt  }
0x87: {  	_ =	shalt  }
.Lfunc_end0:
.L_simem_size_0:
called_computation.9_lowered:
.L_overlay_start_0:
0x88: {  	s2 =	sld [smem:$0x3FD9]  }
0x89: {  	s3 =	sld [smem:$0x3FFE];
	_ =	sdelay $0x1  }
0x8a: {  	s1 =	srdreg.scid  }
0x8b: {  	s0 =	sand.u32 $0x1, s1  }
0x8c: {  	s17 =	sshll.u32 s0, $0xA;
	s2 =	sadd.s32 s3, s2  }
0x8d: {  	s2 =	sadd.s32 s2, s17  }
0x8e: {  	[smem:$0x3FBC] =	sst s2  }
0x8f: {  	_ = 	snop  }
0x90: {  	s2 =	sld [smem:$0x3FD0];
	(tm) =	ssettm $0x1  }
0x91: {  	s18 =	sld [smem:$0x3FFB];
	_ =	sdelay $0x3  }
0x92: {  	_ =	strace s18  }
0x93: {  	s3 =	sld [smem:$0x3FFC];
	_ =	sdelay $0x3  }
0x94: {  	_ =	strace s3  }
0x95: {  	s3 =	sld [smem:$0x3FFD];
	_ =	sdelay $0x3  }
0x96: {  	_ =	strace s3  }
0x97: {  	_ =	strace $0x8FFFFFFF  }
0x98: {  	s19 =	sld [smem:$0x3FDB];
	_ =	sdelay $0x1  }
0x99: {  	s4 =	simm.s32 $_scs_section_size  }
0x9a: {  	s5 =	simm.s32 $_size__tile_overlayer_lowered;
	s6 =	simm.s32 $_tile_overlayer_lowered  }
0x9b: {  	s22 =	simm.s32 $0x1BFF;
	s21 =	sshll.u32 s6, $0x1;
	s3 =	sadd.s32 s4, s19  }
0x9c: {  	s7 =	simm.s32 $0x0;
	s20 =	sshll.u32 s5, $0x1;
	s5 =	sadd.s32 s21, s3  }
0x9d: {  	[timem:s7], [sflag:s22] =	dma.local [hbm:s5], s20  }
0x9e: {  	_ =	swait.ge [sflag:s22], s20  }
0x9f: {  	s4 =	ssub.s32 $0x0, s20;
	[sflag:s22] =	ssyncset.done $0x0  }
0xa0: {  	[sflag:s22] =	ssyncadd.s32 s4;
	_ =	sdelay $0x1  }
0xa1: {  	s23 =	simm.s32 $0x1B8B  }
0xa2: {  	_ =	swait.ge [sflag:s23], $0x1  }
0xa3: {  	[sflag:s23] =	ssyncset.done $0x0  }
0xa4: {  	s25 =	simm.s32 $0x1B8E;
	s24 =	sld [smem:$0x3FFE];
	[sflag:s23] =	ssyncadd.s32 $0xFFFFFFFF  }
0xa5: {  	s26 =	simm.s32 $execute0_lowered;
	[smem:$0x3FD2] =	sst s25  }
0xa6: {  	s5 =	sshll.u32 s26, $0x1;
	_ =	strace $0x80000058;
	[dreg:$0x1] =	wrdreg $0xFFFFFFFF  }
0xa7: {  	s28 =	simm.s32 $_size_execute0_lowered;
	s3 =	sadd.s32 s3, s5;
	[dreg:$0x0] =	wrdreg $0x0  }
0xa8: {  	s5 =	sshll.u32 s28, $0x1;
	[dreg:$0x2] =	wrdreg s3  }
0xa9: {  	[dreg:$0x3] =	wrdreg s5  }
0xaa: {  	[dreg:$0x4] =	wrdreg $0xC0  }
0xab: {  	_ =	task [dreg:s7], $0x5FFFF  }
0xac: {  	[dreg:$0x1] =	wrdreg $0xFFFFFFFF  }
0xad: {  	[dreg:$0x0] =	wrdreg $0x60  }
0xae: {  	[dreg:$0x2] =	wrdreg s24  }
0xaf: {  	[dreg:$0x3] =	wrdreg s2  }
0xb0: {  	[dreg:$0x4] =	wrdreg $0x40800  }
0xb1: {  	[dreg:$0x5] =	wrdreg $0xC  }
0xb2: {  	_ =	task.clear_ibuf [dreg:s7], $0x6FFFF;
	_ =	strace $0x90000058  }
0xb3: {  	s29 =	simm.s32 $0xC;
	_ =	strace $0x8000005A  }
0xb4: {  	_ =	swait.ge [sflag:s29], $0x1  }
0xb5: {  	[sflag:s29] =	ssyncadd.s32 $0xFFFFFFFF  }
0xb6: {  	_ =	strace $0x9000005A  }
0xb7: {  	_ =	sfence  }
0xb8: {  	s30 =	sld [smem:$0x0];
	_ =	sdelay $0x2  }
0xb9: {  	s31 =	sshll.u32 s1, $0xD;
	s1 =	sshrl.u32 s1, $0x2  }
0xba: {  	s3 =	sand.u32 $0x4000, s31;
	s1 =	sadd.s32 s1, s30  }
0xbb: {  	s0 =	sor.u32 s3, s0;
	s1 =	sshll.u32 s1, $0x11  }
0xbc: {  	s0 =	sor.u32 s1, s0  }
0xbd: {  	s0 =	sadd.s32 $0x8F2B, s0  }
0xbe: {  	[sflag:s0] =	ssyncadd.remote.s32 $0x1  }
0xbf: {  	_ =	sfence.sel $0xFFFF  }
0xc0: {  	[dreg:$0x0] =	wrdreg $0xFFFFFFFF;
	(pc) =	sbr.abs _section_cstart, $3  }
0xc1: {  	[dreg:$0x1] =	wrdreg $0xFFFFFFFF  }
0xc2: {  	_ =	task.clear_ibuf [dreg:s7], $0x2FFFF;
	_ =	strace $0x9FFFFFFF  }
0xc3: {  	(tm) =	ssettm $0x7FFFFFFF  }
tec
execute0_lowered:
.L_overlay_start_1:
0x0: {  	(tag) =	ssettag $0x1  }
0x1: {  	s4 =	rddreg [dreg:$0x0]  }
0x2: {  	s0 =	rddreg [dreg:$0x1]  }
0x3: {  	s6 =	stileid.u32;
	s1 =	srdreg.scid  }
0x4: {  	s2 =	rddreg [dreg:$0x2];
	s3 =	simm.s32 $0x0;
	s7 =	smul.u32 $0x5100, s6  }
0x5: {  	s5 =	sand.u32 $0x1, s1;
	s1 =	rddreg [dreg:$0x3];
	s9 =	smul.u32 $0x51000, s6  }
0x6: {  	[smem:$0x7FF] =	sst s3;
	s8 =	smul.u32 $0x2880, s5  }
0x7: {  	p0 =	sne.s32 s6, $0x0;
	_ =	strace $0x80000059;
	s29 =	smul.u32 $0x27100, s5  }
0x8: {  	s10 =	ssub.s32 $0x2, s5;
	s12 =	smul.u32 $0x28800, s5;
	s9 =	sadd.s32 s9, s4  }
0x9: {  	s11 =	sshrl.u32 s10, $0x1;
	s7 =	sadd.s32 s8, s7;
	s8 =	sadd.s32 s29, s4  }
0xa: {  	s30 =	ssub.s32 s10, s11;
	s31 =	sadd.s32 s12, s9;
	s9 =	simm.s32 $0x1  }
0xb: {  	s10 =	simm.s32 $0x80;
	s11 =	simm.s32 $0x0;
	s7 =	sshrl.u32 s7, $0x3  }
0xc: {  	s5 =	smax.u32 s30, $0x1;
	s6 =	sadd.s32 $0x1AC00, s31;
	s7 =	sadd.s32 s7, s4  }
0xd: {  	s4 =	sadd.s32 $0x145AC00, s8;
	s8 =	sshrl.u32 @!p0 s2, $0x3;
	s7 =	sadd.s32 $0x10A00, s7  }
.LBB2_1:
0xe: {  	s12 =	simm.s32 @!p0 $0x1C01  }
0xf: {  	[spmem:s8], [sflag:s12] =	dma.local @!p0 [hbm:s0], $0x27100  }
0x10: {  	s12 =	simm.s32 @!p0 $0x1  }
0x11: {  	_ =	swait.ge @!p0 [sflag:s12], $0x27100  }
0x12: {  	[sflag:s12] =	ssyncset.done @!p0 $0x0  }
0x13: {  	[sflag:s12] =	ssyncadd.s32 @!p0 $0xFFFD8F00  }
0x14: {  	s31 =	sadd.s32 $0x0, s7;
	[bflag:$0x0] =	sbarrier.arrive $0xFFFF  }
0x15: {  	[tilespmem:s3], [sflag:$0x1] =	stream.linear.gather [hbm4b:s31+s3], $0x80, $0x38;
	[tilespmem:$0x17900] =	vst v63  }
0x16: {  	_ =	swait.ge [sflag:s9], $0x80  }
0x17: {  	[sflag:s9] =	ssyncset.done $0x0  }
0x18: {  	[sflag:s9] =	ssyncadd.s32 $0xFFFFFF80  }
0x19: {  	[tilespmem:s10], [sflag:$0x1] =	stream.linear.gather [hbm4b:s6+s3], $0x4000, $0x38;
	[tilespmem:$0x17900] =	vst v63  }
0x1a: {  	_ =	swait.ge [sflag:s9], $0x4000  }
0x1b: {  	[sflag:s9] =	ssyncset.done $0x0  }
0x1c: {  	[sflag:s9] =	ssyncadd.s32 $0xFFFFC000  }
0x1d: {  	[spmem:s2] =	stream.indirect.scatter.add.f32 [tilespmem:s10], [sflag:$0x1], $0x80, s3, s10, $0xb8;
	[tilespmem:$0x17900] =	vst v63  }
0x1e: {  	s13 =	simm.s32 $0x10;
	_ =	swait.ge [sflag:s9], $0x4000  }
0x1f: {  	s14 =	simm.s32 $0x20;
	s12 =	sadd.s32 $0x800, s6;
	[sflag:s9] =	ssyncset.done $0x0  }
.LBB2_2:
0x20: {  	s15 =	sadd.s32 s13, s7  }
0x21: {  	[sflag:s9] =	ssyncadd.s32 $0xFFFFC000;
	s13 =	smov.u32 s14;
	s16 =	sadd.s32 $0x10, s14  }
0x22: {  	[tilespmem:s3], [sflag:$0x1] =	stream.linear.gather [hbm4b:s15+s3], $0x80, $0x38;
	[tilespmem:$0x17900] =	vst v63  }
0x23: {  	p1 =	sne.s32 s14, $0x500;
	_ =	swait.ge [sflag:s9], $0x80  }
0x24: {  	[sflag:s9] =	ssyncset.done $0x0  }
0x25: {  	[sflag:s9] =	ssyncadd.s32 $0xFFFFFF80  }
0x26: {  	[tilespmem:s10], [sflag:$0x1] =	stream.linear.gather [hbm4b:s12+s3], $0x4000, $0x38;
	[tilespmem:$0x17900] =	vst v63  }
0x27: {  	_ =	swait.ge [sflag:s9], $0x4000  }
.Ltmp0:
0x28: {  	[sflag:s9] =	ssyncset.done $0x0;
	(pc) =	sbr.rel @p1 .LBB2_2-.Ltmp0, $4  }
0x29: {  	[sflag:s9] =	ssyncadd.s32 $0xFFFFC000  }
0x2a: {  	[spmem:s2] =	stream.indirect.scatter.add.f32 [tilespmem:s10], [sflag:$0x1], $0x80, s3, s10, $0xb8;
	[tilespmem:$0x17900] =	vst v63  }
0x2b: {  	_ =	swait.ge [sflag:s9], $0x4000  }
0x2c: {  	s14 =	smov.u32 s16;
	s12 =	sadd.s32 $0x800, s12;
	[sflag:s9] =	ssyncset.done $0x0  }
0x2d: {  	s13 =	sadd.s32 s13, s7;
	[sflag:s9] =	ssyncadd.s32 $0xFFFFC000  }
0x2e: {  	[tilespmem:s3], [sflag:$0x1] =	stream.linear.gather [hbm4b:s13+s3], $0x80, $0x38;
	[tilespmem:$0x17900] =	vst v63  }
0x2f: {  	_ =	swait.ge [sflag:s9], $0x80  }
0x30: {  	[sflag:s9] =	ssyncset.done $0x0  }
0x31: {  	[sflag:s9] =	ssyncadd.s32 $0xFFFFFF80  }
0x32: {  	[tilespmem:s10], [sflag:$0x1] =	stream.linear.gather [hbm4b:s12+s3], $0x4000, $0x38;
	[tilespmem:$0x17900] =	vst v63  }
0x33: {  	_ =	swait.ge [sflag:s9], $0x4000  }
0x34: {  	[sflag:s9] =	ssyncset.done $0x0  }
0x35: {  	[sflag:s9] =	ssyncadd.s32 $0xFFFFC000  }
0x36: {  	[spmem:s2] =	stream.indirect.scatter.add.f32 [tilespmem:s10], [sflag:$0x1], $0x80, s3, s10, $0xb8;
	[tilespmem:$0x17900] =	vst v63  }
0x37: {  	_ =	swait.ge [sflag:s9], $0x4000  }
0x38: {  	[sflag:s9] =	ssyncset.done $0x0  }
0x39: {  	s11 =	sadd.s32 $0x1, s11;
	[sflag:s9] =	ssyncadd.s32 $0xFFFFC000  }
0x3a: {  	p1 =	sne.s32 s11, s5;
	s12 =	simm.s32 @!p0 $0x1C01;
	[bflag:$0x0] =	sbarrier.arrive $0xFFFF  }
0x3b: {  	[hbm:s4], [sflag:s12] =	dma.local @!p0 [spmem:s8], $0x27100  }
.Ltmp1:
0x3c: {  	_ = 	snop;
	(pc) =	sbr.rel @p1 .LBB2_1-.Ltmp1, $4  }
0x3d: {  	s12 =	simm.s32 @!p0 $0x1  }
0x3e: {  	_ =	swait.ge @!p0 [sflag:s12], $0x27100  }
0x3f: {  	[sflag:s12] =	ssyncset.done @!p0 $0x0  }
0x40: {  	[sflag:s12] =	ssyncadd.s32 @!p0 $0xFFFD8F00  }
0x41: {  	_ =	sfence.sel $0x180000  }
0x42: {  	[bflag:$0x0] =	sbarrier.arrive $0xFFFF  }
0x43: {  	_ =	strace $0x90000059  }
0x44: {  	s0 =	sadd.s32 @!p0 $0x100000, s1;
	[bflag:$0x2] =	sbarrier.arrive $0xFFFF  }
0x45: {  	[sflag:s0] =	ssyncadd.tile.s32 @!p0 $0x1;
	_ =	shalt  }
.Lfunc_end2:
_tile_overlayer_lowered:
.L_overlay_start_2:
0x46: {  	(tag) =	ssettag $0x2  }
0x47: {  	s0 =	rddreg [dreg:$0x0];
	s2 =	stileid.u32  }
0x48: {  	s1 =	rddreg [dreg:$0x1];
	p0 =	sne.s32 s2, $0x0  }
0x49: {  	s3 =	rddreg [dreg:$0x2];
	[bflag:$0x3] =	sbarrier.arrive $0xFFFF;
	s2 =	simm.s32 @!p0 $0x1C01  }
0x4a: {  	[timem:s3], [sflag:s2] =	dma.local @!p0 [hbm:s0], s1  }
0x4b: {  	s0 =	simm.s32 @!p0 $0x1  }
0x4c: {  	_ =	swait.ge @!p0 [sflag:s0], s1  }
0x4d: {  	s1 =	ssub.s32 @!p0 $0x0, s1;
	[sflag:s0] =	ssyncset.done @!p0 $0x0  }
0x4e: {  	[sflag:s0] =	ssyncadd.s32 @!p0 s1  }
0x4f: {  	[bflag:$0x3] =	sbarrier.arrive $0xFFFF  }
0x50: {  	_ =	shalt  }

// kernel: kernel.56.cloned.1.call-start
scs
__scs_entry_jumppad:
0x0: {  	(pc) =	sbr.rel $0x88, $3  }
0x1: {  	(tag) =	ssettag $0x0;
	lr =	simm.s32 $0x1  }
0x2: {  	[smem:$0x3F95] =	sst lr;
	_ =	strace $0xD0000000  }
0x3: {  	_ = 	snop  }
0x4: {  	_ = 	snop  }
0x5: {  	_ = 	snop  }
0x6: {  	_ = 	snop  }
0x7: {  	_ = 	snop  }
__scs_overlays_trampoline_lowered:
0x8: {  	[smem:$0x3FA4] =	sst s0  }
0x9: {  	[smem:$0x3FA5] =	sst s1  }
0xa: {  	[smem:$0x3FA6] =	sst s2  }
0xb: {  	[smem:$0x3FA7] =	sst s3  }
0xc: {  	[smem:$0x3FA8] =	sst s4  }
0xd: {  	[smem:$0x3FA9] =	sst s5  }
0xe: {  	[smem:$0x3FAA] =	sst s6  }
0xf: {  	[smem:$0x3FAB] =	sst s7  }
0x10: {  	[smem:$0x3FAC] =	sst s8  }
0x11: {  	[smem:$0x3FAD] =	sst s9;
	s0 =	simm.s32 @!p0 $0x0  }
0x12: {  	s1 =	sld [smem:$0x3F93];
	s0 =	simm.s32 @p0 $0x1  }
0x13: {  	[smem:$0x3FAE] =	sst s0;
	s0 =	simm.s32 @!p1 $0x0  }
0x14: {  	s2 =	sld [smem:$0x3F92];
	s0 =	simm.s32 @p1 $0x1  }
0x15: {  	[smem:$0x3FAF] =	sst s0;
	s0 =	simm.s32 @!p2 $0x0  }
0x16: {  	s3 =	sld [smem:$0x3FDB];
	s0 =	simm.s32 @p2 $0x1  }
0x17: {  	s4 =	simm.s32 $0x1BF5;
	[smem:$0x3FB1] =	sst s0  }
0x18: {  	s0 =	sld [smem:$0x3F94];
	_ =	swait.ge [sflag:s4], $0x0  }
0x19: {  	s7 =	sld [smem:$0x3F95]  }
0x1a: {  	s8 =	sadd.s32 $0xFFFFE003, lr  }
0x1b: {  	s9 =	sadd.s32 $0xFFFFFEF7, lr;
	s5 =	simm.s32 $0xFFFFFFFF;
	p2 =	slt.u32 s8, $0xFFFFF086  }
0x1c: {  	p1 =	slt.u32 s9, $0xF7A;
	s5 =	simm.s32 @!p2 $0x0  }
0x1d: {  	s5 =	simm.s32 @p1 $0x1;
	p0 =	seq.s32 s7, s2  }
0x1e: {  	s7 =	smul.u32 @!p0 $0xF7A, s2;
	p2 =	seq.s32 @!p0 s5, $0x0  }
0x1f: {  	s9 =	smul.u32 $0xF7A, s1;
	s8 =	simm.s32 @!p0 $0x1BF5;
	p2 =	por !p2, p0  }
0x20: {  	[sflag:s8] =	ssyncset.s32 @!p0 $0xFFFFF086;
	s6 =	sadd.s32 @!p0 s3, s7;
	s7 =	simm.s32 @!p0 $0x108  }
0x21: {  	s3 =	sadd.s32 s3, s9;
	s6 =	sadd.s32 @!p0 $0x88, s6;
	s7 =	simm.s32 @p2 $0x1082  }
0x22: {  	[simem:s7], [sflag:s8] =	dma.local @!p0 [hbm:s6], $0xF7A  }
0x23: {  	s9 =	sor.u32 $0xD0000000, s2;
	s6 =	simm.s32 $0x108;
	_ =	swait.ge @!p0 [sflag:s8], $0x0  }
0x24: {  	s3 =	sadd.s32 $0x88, s3;
	s6 =	simm.s32 @!p1 $0x1082;
	[sflag:s4] =	ssyncset.s32 $0xFFFFF086  }
0x25: {  	[simem:s6], [sflag:s4] =	dma.local [hbm:s3], $0xF7A  }
0x26: {  	[smem:$0x3F95] =	sst s1;
	(tag) =	ssettag s2;
	_ =	strace s9  }
0x27: {  	s1 =	sld [smem:$0x3FA5]  }
0x28: {  	s2 =	sld [smem:$0x3FA6]  }
0x29: {  	s4 =	sld [smem:$0x3FA8]  }
0x2a: {  	p0 =	seq.s32 s5, $0x0;
	s5 =	sld [smem:$0x3FA9]  }
0x2b: {  	s6 =	sld [smem:$0x3FAA]  }
0x2c: {  	s7 =	sld [smem:$0x3FAB]  }
0x2d: {  	s3 =	simm.s32 $0x108;
	s8 =	sld [smem:$0x3FAC]  }
0x2e: {  	s3 =	simm.s32 @!p0 $0x1082;
	s9 =	sld [smem:$0x3FAD]  }
0x2f: {  	lr =	sadd.s32 s0, s3;
	s0 =	sld [smem:$0x3FA4]  }
0x30: {  	s3 =	sld [smem:$0x3FA7]  }
0x31: {  	[smem:$0x3FB0] =	sst s10  }
0x32: {  	s10 =	sld [smem:$0x3FAE];
	_ =	sdelay $0x3  }
0x33: {  	p0 =	seq.s32 s10, $0x1;
	s10 =	sld [smem:$0x3FB0];
	_ =	sdelay $0x3  }
0x34: {  	[smem:$0x3FB0] =	sst s10  }
0x35: {  	s10 =	sld [smem:$0x3FAF];
	_ =	sdelay $0x3  }
0x36: {  	p1 =	seq.s32 s10, $0x1;
	s10 =	sld [smem:$0x3FB0];
	_ =	sdelay $0x3  }
0x37: {  	[smem:$0x3FB0] =	sst s10  }
0x38: {  	s10 =	sld [smem:$0x3FB1]  }
0x39: {  	_ = 	snop;
	(pc) =	sbr.ind lr, $3  }
0x3a: {  	_ = 	snop  }
0x3b: {  	_ = 	snop  }
0x3c: {  	p2 =	seq.s32 s10, $0x1;
	s10 =	sld [smem:$0x3FB0]  }
0x3d: {  	_ =	shalt  }
0x3e: {  	_ =	shalt  }
0x3f: {  	_ =	shalt  }
0x40: {  	_ =	shalt  }
0x41: {  	_ =	shalt  }
0x42: {  	_ =	shalt  }
0x43: {  	_ =	shalt  }
0x44: {  	_ =	shalt  }
0x45: {  	_ =	shalt  }
0x46: {  	_ =	shalt  }
0x47: {  	_ =	shalt  }
0x48: {  	_ =	shalt  }
0x49: {  	_ =	shalt  }
0x4a: {  	_ =	shalt  }
0x4b: {  	_ =	shalt  }
0x4c: {  	_ =	shalt  }
0x4d: {  	_ =	shalt  }
0x4e: {  	_ =	shalt  }
0x4f: {  	_ =	shalt  }
0x50: {  	_ =	shalt  }
0x51: {  	_ =	shalt  }
0x52: {  	_ =	shalt  }
0x53: {  	_ =	shalt  }
0x54: {  	_ =	shalt  }
0x55: {  	_ =	shalt  }
0x56: {  	_ =	shalt  }
0x57: {  	_ =	shalt  }
0x58: {  	_ =	shalt  }
0x59: {  	_ =	shalt  }
0x5a: {  	_ =	shalt  }
0x5b: {  	_ =	shalt  }
0x5c: {  	_ =	shalt  }
0x5d: {  	_ =	shalt  }
0x5e: {  	_ =	shalt  }
0x5f: {  	_ =	shalt  }
0x60: {  	_ =	shalt  }
0x61: {  	_ =	shalt  }
0x62: {  	_ =	shalt  }
0x63: {  	_ =	shalt  }
0x64: {  	_ =	shalt  }
0x65: {  	_ =	shalt  }
0x66: {  	_ =	shalt  }
0x67: {  	_ =	shalt  }
0x68: {  	_ =	shalt  }
0x69: {  	_ =	shalt  }
0x6a: {  	_ =	shalt  }
0x6b: {  	_ =	shalt  }
0x6c: {  	_ =	shalt  }
0x6d: {  	_ =	shalt  }
0x6e: {  	_ =	shalt  }
0x6f: {  	_ =	shalt  }
0x70: {  	_ =	shalt  }
0x71: {  	_ =	shalt  }
0x72: {  	_ =	shalt  }
0x73: {  	_ =	shalt  }
0x74: {  	_ =	shalt  }
0x75: {  	_ =	shalt  }
0x76: {  	_ =	shalt  }
0x77: {  	_ =	shalt  }
0x78: {  	_ =	shalt  }
0x79: {  	_ =	shalt  }
0x7a: {  	_ =	shalt  }
0x7b: {  	_ =	shalt  }
0x7c: {  	_ =	shalt  }
0x7d: {  	_ =	shalt  }
0x7e: {  	_ =	shalt  }
0x7f: {  	_ =	shalt  }
0x80: {  	_ =	shalt  }
0x81: {  	_ =	shalt  }
0x82: {  	_ =	shalt  }
0x83: {  	_ =	shalt  }
0x84: {  	_ =	shalt  }
0x85: {  	_ =	shalt  }
0x86: {  	_ =	shalt  }
0x87: {  	_ =	shalt  }
.Lfunc_end0:
.L_simem_size_0:
called_computation.10_lowered:
.L_overlay_start_0:
0x88: {  	s2 =	sld [smem:$0x3FD9]  }
0x89: {  	s3 =	sld [smem:$0x3FFE];
	_ =	sdelay $0x1  }
0x8a: {  	s1 =	srdreg.scid  }
0x8b: {  	s0 =	sand.u32 $0x1, s1  }
0x8c: {  	s16 =	sshll.u32 s0, $0xA;
	s2 =	sadd.s32 s3, s2  }
0x8d: {  	s2 =	sadd.s32 s2, s16  }
0x8e: {  	[smem:$0x3FBC] =	sst s2  }
0x8f: {  	_ = 	snop  }
0x90: {  	(tm) =	ssettm $0x1  }
0x91: {  	s17 =	sld [smem:$0x3FFB];
	_ =	sdelay $0x3  }
0x92: {  	_ =	strace s17  }
0x93: {  	s2 =	sld [smem:$0x3FFC];
	_ =	sdelay $0x3  }
0x94: {  	_ =	strace s2  }
0x95: {  	s2 =	sld [smem:$0x3FFD];
	_ =	sdelay $0x3  }
0x96: {  	_ =	strace s2  }
0x97: {  	_ =	strace $0x8FFFFFFF  }
0x98: {  	s18 =	sld [smem:$0x3FDB];
	_ =	sdelay $0x1  }
0x99: {  	s19 =	simm.s32 $_scs_section_size  }
0x9a: {  	s4 =	simm.s32 $_size__tile_overlayer_lowered;
	s5 =	simm.s32 $_tile_overlayer_lowered  }
0x9b: {  	s22 =	simm.s32 $0x1BFF;
	s21 =	sshll.u32 s5, $0x1;
	s2 =	sadd.s32 s19, s18  }
0x9c: {  	s6 =	simm.s32 $0x0;
	s20 =	sshll.u32 s4, $0x1;
	s4 =	sadd.s32 s21, s2  }
0x9d: {  	[timem:s6], [sflag:s22] =	dma.local [hbm:s4], s20  }
0x9e: {  	_ =	swait.ge [sflag:s22], s20  }
0x9f: {  	s3 =	ssub.s32 $0x0, s20;
	[sflag:s22] =	ssyncset.done $0x0  }
0xa0: {  	[sflag:s22] =	ssyncadd.s32 s3;
	_ =	sdelay $0x1  }
0xa1: {  	s23 =	simm.s32 $0x1B8B  }
0xa2: {  	_ =	swait.ge [sflag:s23], $0x1  }
0xa3: {  	[sflag:s23] =	ssyncset.done $0x0  }
0xa4: {  	s25 =	simm.s32 $0x1B8E;
	s24 =	sld [smem:$0x3FFE];
	[sflag:s23] =	ssyncadd.s32 $0xFFFFFFFF  }
0xa5: {  	s26 =	simm.s32 $execute0_lowered;
	[smem:$0x3FD2] =	sst s25  }
0xa6: {  	s4 =	sshll.u32 s26, $0x1;
	_ =	strace $0x80000064;
	[dreg:$0x1] =	wrdreg $0xFFFFFFFF  }
0xa7: {  	s28 =	simm.s32 $_size_execute0_lowered;
	s2 =	sadd.s32 s2, s4;
	[dreg:$0x0] =	wrdreg $0x0  }
0xa8: {  	s4 =	sshll.u32 s28, $0x1;
	[dreg:$0x2] =	wrdreg s2  }
0xa9: {  	[dreg:$0x3] =	wrdreg s4  }
0xaa: {  	[dreg:$0x4] =	wrdreg $0xC0  }
0xab: {  	_ =	task [dreg:s6], $0x5FFFF  }
0xac: {  	[dreg:$0x1] =	wrdreg $0xFFFFFFFF  }
0xad: {  	[dreg:$0x0] =	wrdreg $0x60  }
0xae: {  	[dreg:$0x2] =	wrdreg s24  }
0xaf: {  	[dreg:$0x3] =	wrdreg $0x9  }
0xb0: {  	_ =	task.clear_ibuf [dreg:s6], $0x4FFFF;
	_ =	strace $0x90000064  }
0xb1: {  	s29 =	simm.s32 $0x9;
	_ =	strace $0x80000066  }
0xb2: {  	_ =	swait.ge [sflag:s29], $0x1  }
0xb3: {  	[sflag:s29] =	ssyncadd.s32 $0xFFFFFFFF  }
0xb4: {  	_ =	strace $0x90000066  }
0xb5: {  	_ =	sfence  }
0xb6: {  	s30 =	sld [smem:$0x0];
	_ =	sdelay $0x2  }
0xb7: {  	s31 =	sshll.u32 s1, $0xD;
	s1 =	sshrl.u32 s1, $0x2  }
0xb8: {  	s3 =	sand.u32 $0x4000, s31;
	s1 =	sadd.s32 s1, s30  }
0xb9: {  	s0 =	sor.u32 s3, s0;
	s1 =	sshll.u32 s1, $0x11  }
0xba: {  	s0 =	sor.u32 s1, s0  }
0xbb: {  	s0 =	sadd.s32 $0x8F2B, s0  }
0xbc: {  	[sflag:s0] =	ssyncadd.remote.s32 $0x1  }
0xbd: {  	_ =	sfence.sel $0xFFFF  }
0xbe: {  	[dreg:$0x0] =	wrdreg $0xFFFFFFFF;
	(pc) =	sbr.abs _section_cstart, $3  }
0xbf: {  	[dreg:$0x1] =	wrdreg $0xFFFFFFFF  }
0xc0: {  	_ =	task.clear_ibuf [dreg:s6], $0x2FFFF;
	_ =	strace $0x9FFFFFFF  }
0xc1: {  	(tm) =	ssettm $0x7FFFFFFF  }
tec
execute0_lowered:
.L_overlay_start_1:
0x0: {  	(tag) =	ssettag $0x1  }
0x1: {  	s4 =	rddreg [dreg:$0x0]  }
0x2: {  	s0 =	rddreg [dreg:$0x1];
	s2 =	simm.s32 $0x0;
	s1 =	stileid.u32  }
0x3: {  	s3 =	srdreg.scid;
	s10 =	simm.s32 $0x0;
	s6 =	smul.u32 $0x5100, s1  }
0x4: {  	[smem:$0x7FF] =	sst s2;
	s5 =	sand.u32 $0x1, s3;
	s8 =	smul.u32 $0x51000, s1  }
0x5: {  	s3 =	sadd.s32 $0x1AC00, s4;
	s7 =	smul.u32 $0x2880, s5;
	s9 =	ssub.s32 $0x2, s5  }
0x6: {  	_ =	strace $0x80000065;
	s5 =	smul.u32 $0x28800, s5;
	s31 =	sshrl.u32 s9, $0x1  }
0x7: {  	s8 =	sadd.s32 s8, s4;
	s6 =	sadd.s32 s7, s6;
	s7 =	ssub.s32 s9, s31  }
0x8: {  	s5 =	sadd.s32 s5, s8;
	s8 =	simm.s32 $0x80;
	s6 =	sshrl.u32 s6, $0x3  }
0x9: {  	s9 =	simm.s32 $0x1;
	s5 =	sadd.s32 $0x41E00, s5;
	s6 =	sadd.s32 s6, s4  }
0xa: {  	s4 =	smax.u32 s7, $0x1;
	s7 =	simm.s32 $0x2;
	s6 =	sadd.s32 $0x6400, s6  }
.LBB2_1:
0xb: {  	s11 =	sadd.s32 $0x0, s6  }
0xc: {  	[tilespmem:s2], [sflag:$0x2] =	stream.linear.gather [hbm4b:s11+s2], $0x80, $0x38;
	[tilespmem:$0x4080] =	vst v63  }
0xd: {  	_ =	swait.ge [sflag:s7], $0x80  }
0xe: {  	[sflag:s7] =	ssyncset.done $0x0  }
0xf: {  	[sflag:s7] =	ssyncadd.s32 $0xFFFFFF80  }
0x10: {  	[tilespmem:s8], [sflag:$0x1] =	stream.indirect.gather [hbm4b:s3+s8], $0x80, s2, s8, $0xb8;
	[tilespmem:$0x4080] =	vst v63  }
0x11: {  	_ =	swait.ge [sflag:s9], $0x4000  }
0x12: {  	[sflag:s9] =	ssyncset.done $0x0  }
0x13: {  	[sflag:s9] =	ssyncadd.s32 $0xFFFFC000  }
0x14: {  	[hbm4b:s5+s2] =	stream.linear.scatter [tilespmem:s8], [sflag:$0x2], $0x4000, $0x38;
	[tilespmem:$0x4080] =	vst v63  }
0x15: {  	s12 =	simm.s32 $0x10;
	_ =	swait.ge [sflag:s7], $0x4000  }
0x16: {  	s13 =	simm.s32 $0x20;
	s11 =	sadd.s32 $0x800, s5;
	[sflag:s7] =	ssyncset.done $0x0  }
.LBB2_2:
0x17: {  	s14 =	sadd.s32 s12, s6  }
0x18: {  	[sflag:s7] =	ssyncadd.s32 $0xFFFFC000;
	s12 =	smov.u32 s13;
	s15 =	sadd.s32 $0x10, s13  }
0x19: {  	[tilespmem:s2], [sflag:$0x2] =	stream.linear.gather [hbm4b:s14+s2], $0x80, $0x38;
	[tilespmem:$0x4080] =	vst v63  }
0x1a: {  	p0 =	sne.s32 s13, $0x500;
	_ =	swait.ge [sflag:s7], $0x80  }
0x1b: {  	[sflag:s7] =	ssyncset.done $0x0  }
0x1c: {  	[sflag:s7] =	ssyncadd.s32 $0xFFFFFF80  }
0x1d: {  	[tilespmem:s8], [sflag:$0x1] =	stream.indirect.gather [hbm4b:s3+s8], $0x80, s2, s8, $0xb8;
	[tilespmem:$0x4080] =	vst v63  }
0x1e: {  	_ =	swait.ge [sflag:s9], $0x4000  }
.Ltmp0:
0x1f: {  	[sflag:s9] =	ssyncset.done $0x0;
	(pc) =	sbr.rel @p0 .LBB2_2-.Ltmp0, $4  }
0x20: {  	[sflag:s9] =	ssyncadd.s32 $0xFFFFC000  }
0x21: {  	[hbm4b:s11+s2] =	stream.linear.scatter [tilespmem:s8], [sflag:$0x2], $0x4000, $0x38;
	[tilespmem:$0x4080] =	vst v63  }
0x22: {  	_ =	swait.ge [sflag:s7], $0x4000  }
0x23: {  	s13 =	smov.u32 s15;
	s11 =	sadd.s32 $0x800, s11;
	[sflag:s7] =	ssyncset.done $0x0  }
0x24: {  	s12 =	sadd.s32 s12, s6;
	[sflag:s7] =	ssyncadd.s32 $0xFFFFC000  }
0x25: {  	[tilespmem:s2], [sflag:$0x2] =	stream.linear.gather [hbm4b:s12+s2], $0x80, $0x38;
	[tilespmem:$0x4080] =	vst v63  }
0x26: {  	_ =	swait.ge [sflag:s7], $0x80  }
0x27: {  	[sflag:s7] =	ssyncset.done $0x0  }
0x28: {  	[sflag:s7] =	ssyncadd.s32 $0xFFFFFF80  }
0x29: {  	[tilespmem:s8], [sflag:$0x1] =	stream.indirect.gather [hbm4b:s3+s8], $0x80, s2, s8, $0xb8;
	[tilespmem:$0x4080] =	vst v63  }
0x2a: {  	s10 =	sadd.s32 $0x1, s10;
	_ =	swait.ge [sflag:s9], $0x4000  }
0x2b: {  	p0 =	sne.s32 s10, s4;
	[sflag:s9] =	ssyncset.done $0x0  }
.Ltmp1:
0x2c: {  	[sflag:s9] =	ssyncadd.s32 $0xFFFFC000;
	(pc) =	sbr.rel @p0 .LBB2_1-.Ltmp1, $4  }
0x2d: {  	[hbm4b:s11+s2] =	stream.linear.scatter [tilespmem:s8], [sflag:$0x2], $0x4000, $0x38;
	[tilespmem:$0x4080] =	vst v63  }
0x2e: {  	_ =	swait.ge [sflag:s7], $0x4000  }
0x2f: {  	[sflag:s7] =	ssyncset.done $0x0  }
0x30: {  	[sflag:s7] =	ssyncadd.s32 $0xFFFFC000  }
0x31: {  	_ =	sfence.sel $0x180000  }
0x32: {  	[bflag:$0x0] =	sbarrier.arrive $0xFFFF  }
0x33: {  	p0 =	sne.s32 s1, $0x0;
	_ =	strace $0x90000065  }
0x34: {  	s0 =	sadd.s32 @!p0 $0x100000, s0;
	[bflag:$0x2] =	sbarrier.arrive $0xFFFF  }
0x35: {  	[sflag:s0] =	ssyncadd.tile.s32 @!p0 $0x1;
	_ =	shalt  }
.Lfunc_end2:
_tile_overlayer_lowered:
.L_overlay_start_2:
0x36: {  	(tag) =	ssettag $0x2  }
0x37: {  	s0 =	rddreg [dreg:$0x0];
	s2 =	stileid.u32  }
0x38: {  	s1 =	rddreg [dreg:$0x1];
	p0 =	sne.s32 s2, $0x0  }
0x39: {  	s3 =	rddreg [dreg:$0x2];
	[bflag:$0x3] =	sbarrier.arrive $0xFFFF;
	s2 =	simm.s32 @!p0 $0x1C02  }
0x3a: {  	[timem:s3], [sflag:s2] =	dma.local @!p0 [hbm:s0], s1  }
0x3b: {  	s0 =	simm.s32 @!p0 $0x2  }
0x3c: {  	_ =	swait.ge @!p0 [sflag:s0], s1  }
0x3d: {  	s1 =	ssub.s32 @!p0 $0x0, s1;
	[sflag:s0] =	ssyncset.done @!p0 $0x0  }
0x3e: {  	[sflag:s0] =	ssyncadd.s32 @!p0 s1  }
0x3f: {  	[bflag:$0x3] =	sbarrier.arrive $0xFFFF  }
0x40: {  	_ =	shalt  }

// kernel: kernel.59.cloned.1.call-start
scs
__scs_entry_jumppad:
0x0: {  	(pc) =	sbr.rel $0x88, $3  }
0x1: {  	(tag) =	ssettag $0x0;
	lr =	simm.s32 $0x1  }
0x2: {  	[smem:$0x3F95] =	sst lr;
	_ =	strace $0xD0000000  }
0x3: {  	_ = 	snop  }
0x4: {  	_ = 	snop  }
0x5: {  	_ = 	snop  }
0x6: {  	_ = 	snop  }
0x7: {  	_ = 	snop  }
__scs_overlays_trampoline_lowered:
0x8: {  	[smem:$0x3FA4] =	sst s0  }
0x9: {  	[smem:$0x3FA5] =	sst s1  }
0xa: {  	[smem:$0x3FA6] =	sst s2  }
0xb: {  	[smem:$0x3FA7] =	sst s3  }
0xc: {  	[smem:$0x3FA8] =	sst s4  }
0xd: {  	[smem:$0x3FA9] =	sst s5  }
0xe: {  	[smem:$0x3FAA] =	sst s6  }
0xf: {  	[smem:$0x3FAB] =	sst s7  }
0x10: {  	[smem:$0x3FAC] =	sst s8  }
0x11: {  	[smem:$0x3FAD] =	sst s9;
	s0 =	simm.s32 @!p0 $0x0  }
0x12: {  	s1 =	sld [smem:$0x3F93];
	s0 =	simm.s32 @p0 $0x1  }
0x13: {  	[smem:$0x3FAE] =	sst s0;
	s0 =	simm.s32 @!p1 $0x0  }
0x14: {  	s2 =	sld [smem:$0x3F92];
	s0 =	simm.s32 @p1 $0x1  }
0x15: {  	[smem:$0x3FAF] =	sst s0;
	s0 =	simm.s32 @!p2 $0x0  }
0x16: {  	s3 =	sld [smem:$0x3FDB];
	s0 =	simm.s32 @p2 $0x1  }
0x17: {  	s4 =	simm.s32 $0x1BF5;
	[smem:$0x3FB1] =	sst s0  }
0x18: {  	s0 =	sld [smem:$0x3F94];
	_ =	swait.ge [sflag:s4], $0x0  }
0x19: {  	s7 =	sld [smem:$0x3F95]  }
0x1a: {  	s8 =	sadd.s32 $0xFFFFE003, lr  }
0x1b: {  	s9 =	sadd.s32 $0xFFFFFEF7, lr;
	s5 =	simm.s32 $0xFFFFFFFF;
	p2 =	slt.u32 s8, $0xFFFFF086  }
0x1c: {  	p1 =	slt.u32 s9, $0xF7A;
	s5 =	simm.s32 @!p2 $0x0  }
0x1d: {  	s5 =	simm.s32 @p1 $0x1;
	p0 =	seq.s32 s7, s2  }
0x1e: {  	s7 =	smul.u32 @!p0 $0xF7A, s2;
	p2 =	seq.s32 @!p0 s5, $0x0  }
0x1f: {  	s9 =	smul.u32 $0xF7A, s1;
	s8 =	simm.s32 @!p0 $0x1BF5;
	p2 =	por !p2, p0  }
0x20: {  	[sflag:s8] =	ssyncset.s32 @!p0 $0xFFFFF086;
	s6 =	sadd.s32 @!p0 s3, s7;
	s7 =	simm.s32 @!p0 $0x108  }
0x21: {  	s3 =	sadd.s32 s3, s9;
	s6 =	sadd.s32 @!p0 $0x88, s6;
	s7 =	simm.s32 @p2 $0x1082  }
0x22: {  	[simem:s7], [sflag:s8] =	dma.local @!p0 [hbm:s6], $0xF7A  }
0x23: {  	s9 =	sor.u32 $0xD0000000, s2;
	s6 =	simm.s32 $0x108;
	_ =	swait.ge @!p0 [sflag:s8], $0x0  }
0x24: {  	s3 =	sadd.s32 $0x88, s3;
	s6 =	simm.s32 @!p1 $0x1082;
	[sflag:s4] =	ssyncset.s32 $0xFFFFF086  }
0x25: {  	[simem:s6], [sflag:s4] =	dma.local [hbm:s3], $0xF7A  }
0x26: {  	[smem:$0x3F95] =	sst s1;
	(tag) =	ssettag s2;
	_ =	strace s9  }
0x27: {  	s1 =	sld [smem:$0x3FA5]  }
0x28: {  	s2 =	sld [smem:$0x3FA6]  }
0x29: {  	s4 =	sld [smem:$0x3FA8]  }
0x2a: {  	p0 =	seq.s32 s5, $0x0;
	s5 =	sld [smem:$0x3FA9]  }
0x2b: {  	s6 =	sld [smem:$0x3FAA]  }
0x2c: {  	s7 =	sld [smem:$0x3FAB]  }
0x2d: {  	s3 =	simm.s32 $0x108;
	s8 =	sld [smem:$0x3FAC]  }
0x2e: {  	s3 =	simm.s32 @!p0 $0x1082;
	s9 =	sld [smem:$0x3FAD]  }
0x2f: {  	lr =	sadd.s32 s0, s3;
	s0 =	sld [smem:$0x3FA4]  }
0x30: {  	s3 =	sld [smem:$0x3FA7]  }
0x31: {  	[smem:$0x3FB0] =	sst s10  }
0x32: {  	s10 =	sld [smem:$0x3FAE];
	_ =	sdelay $0x3  }
0x33: {  	p0 =	seq.s32 s10, $0x1;
	s10 =	sld [smem:$0x3FB0];
	_ =	sdelay $0x3  }
0x34: {  	[smem:$0x3FB0] =	sst s10  }
0x35: {  	s10 =	sld [smem:$0x3FAF];
	_ =	sdelay $0x3  }
0x36: {  	p1 =	seq.s32 s10, $0x1;
	s10 =	sld [smem:$0x3FB0];
	_ =	sdelay $0x3  }
0x37: {  	[smem:$0x3FB0] =	sst s10  }
0x38: {  	s10 =	sld [smem:$0x3FB1]  }
0x39: {  	_ = 	snop;
	(pc) =	sbr.ind lr, $3  }
0x3a: {  	_ = 	snop  }
0x3b: {  	_ = 	snop  }
0x3c: {  	p2 =	seq.s32 s10, $0x1;
	s10 =	sld [smem:$0x3FB0]  }
0x3d: {  	_ =	shalt  }
0x3e: {  	_ =	shalt  }
0x3f: {  	_ =	shalt  }
0x40: {  	_ =	shalt  }
0x41: {  	_ =	shalt  }
0x42: {  	_ =	shalt  }
0x43: {  	_ =	shalt  }
0x44: {  	_ =	shalt  }
0x45: {  	_ =	shalt  }
0x46: {  	_ =	shalt  }
0x47: {  	_ =	shalt  }
0x48: {  	_ =	shalt  }
0x49: {  	_ =	shalt  }
0x4a: {  	_ =	shalt  }
0x4b: {  	_ =	shalt  }
0x4c: {  	_ =	shalt  }
0x4d: {  	_ =	shalt  }
0x4e: {  	_ =	shalt  }
0x4f: {  	_ =	shalt  }
0x50: {  	_ =	shalt  }
0x51: {  	_ =	shalt  }
0x52: {  	_ =	shalt  }
0x53: {  	_ =	shalt  }
0x54: {  	_ =	shalt  }
0x55: {  	_ =	shalt  }
0x56: {  	_ =	shalt  }
0x57: {  	_ =	shalt  }
0x58: {  	_ =	shalt  }
0x59: {  	_ =	shalt  }
0x5a: {  	_ =	shalt  }
0x5b: {  	_ =	shalt  }
0x5c: {  	_ =	shalt  }
0x5d: {  	_ =	shalt  }
0x5e: {  	_ =	shalt  }
0x5f: {  	_ =	shalt  }
0x60: {  	_ =	shalt  }
0x61: {  	_ =	shalt  }
0x62: {  	_ =	shalt  }
0x63: {  	_ =	shalt  }
0x64: {  	_ =	shalt  }
0x65: {  	_ =	shalt  }
0x66: {  	_ =	shalt  }
0x67: {  	_ =	shalt  }
0x68: {  	_ =	shalt  }
0x69: {  	_ =	shalt  }
0x6a: {  	_ =	shalt  }
0x6b: {  	_ =	shalt  }
0x6c: {  	_ =	shalt  }
0x6d: {  	_ =	shalt  }
0x6e: {  	_ =	shalt  }
0x6f: {  	_ =	shalt  }
0x70: {  	_ =	shalt  }
0x71: {  	_ =	shalt  }
0x72: {  	_ =	shalt  }
0x73: {  	_ =	shalt  }
0x74: {  	_ =	shalt  }
0x75: {  	_ =	shalt  }
0x76: {  	_ =	shalt  }
0x77: {  	_ =	shalt  }
0x78: {  	_ =	shalt  }
0x79: {  	_ =	shalt  }
0x7a: {  	_ =	shalt  }
0x7b: {  	_ =	shalt  }
0x7c: {  	_ =	shalt  }
0x7d: {  	_ =	shalt  }
0x7e: {  	_ =	shalt  }
0x7f: {  	_ =	shalt  }
0x80: {  	_ =	shalt  }
0x81: {  	_ =	shalt  }
0x82: {  	_ =	shalt  }
0x83: {  	_ =	shalt  }
0x84: {  	_ =	shalt  }
0x85: {  	_ =	shalt  }
0x86: {  	_ =	shalt  }
0x87: {  	_ =	shalt  }
.Lfunc_end0:
.L_simem_size_0:
called_computation.11_lowered:
.L_overlay_start_0:
0x88: {  	s2 =	sld [smem:$0x3FD9]  }
0x89: {  	s3 =	sld [smem:$0x3FFE];
	_ =	sdelay $0x1  }
0x8a: {  	s1 =	srdreg.scid  }
0x8b: {  	s0 =	sand.u32 $0x1, s1  }
0x8c: {  	s17 =	sshll.u32 s0, $0xA;
	s2 =	sadd.s32 s3, s2  }
0x8d: {  	s2 =	sadd.s32 s2, s17  }
0x8e: {  	[smem:$0x3FBC] =	sst s2  }
0x8f: {  	_ = 	snop  }
0x90: {  	s2 =	sld [smem:$0x3FD0];
	(tm) =	ssettm $0x1  }
0x91: {  	s18 =	sld [smem:$0x3FFB];
	_ =	sdelay $0x3  }
0x92: {  	_ =	strace s18  }
0x93: {  	s3 =	sld [smem:$0x3FFC];
	_ =	sdelay $0x3  }
0x94: {  	_ =	strace s3  }
0x95: {  	s3 =	sld [smem:$0x3FFD];
	_ =	sdelay $0x3  }
0x96: {  	_ =	strace s3  }
0x97: {  	_ =	strace $0x8FFFFFFF  }
0x98: {  	s19 =	sld [smem:$0x3FDB];
	_ =	sdelay $0x1  }
0x99: {  	s4 =	simm.s32 $_scs_section_size  }
0x9a: {  	s5 =	simm.s32 $_size__tile_overlayer_lowered;
	s6 =	simm.s32 $_tile_overlayer_lowered  }
0x9b: {  	s22 =	simm.s32 $0x1BFF;
	s21 =	sshll.u32 s6, $0x1;
	s3 =	sadd.s32 s4, s19  }
0x9c: {  	s7 =	simm.s32 $0x0;
	s20 =	sshll.u32 s5, $0x1;
	s5 =	sadd.s32 s21, s3  }
0x9d: {  	[timem:s7], [sflag:s22] =	dma.local [hbm:s5], s20  }
0x9e: {  	_ =	swait.ge [sflag:s22], s20  }
0x9f: {  	s4 =	ssub.s32 $0x0, s20;
	[sflag:s22] =	ssyncset.done $0x0  }
0xa0: {  	[sflag:s22] =	ssyncadd.s32 s4;
	_ =	sdelay $0x1  }
0xa1: {  	s23 =	simm.s32 $0x1B8B  }
0xa2: {  	_ =	swait.ge [sflag:s23], $0x1  }
0xa3: {  	[sflag:s23] =	ssyncset.done $0x0  }
0xa4: {  	s25 =	simm.s32 $0x1B8E;
	s24 =	sld [smem:$0x3FFE];
	[sflag:s23] =	ssyncadd.s32 $0xFFFFFFFF  }
0xa5: {  	s26 =	simm.s32 $execute0_lowered;
	[smem:$0x3FD2] =	sst s25  }
0xa6: {  	s5 =	sshll.u32 s26, $0x1;
	_ =	strace $0x80000067;
	[dreg:$0x1] =	wrdreg $0xFFFFFFFF  }
0xa7: {  	s28 =	simm.s32 $_size_execute0_lowered;
	s3 =	sadd.s32 s3, s5;
	[dreg:$0x0] =	wrdreg $0x0  }
0xa8: {  	s5 =	sshll.u32 s28, $0x1;
	[dreg:$0x2] =	wrdreg s3  }
0xa9: {  	[dreg:$0x3] =	wrdreg s5  }
0xaa: {  	[dreg:$0x4] =	wrdreg $0xC0  }
0xab: {  	_ =	task [dreg:s7], $0x5FFFF  }
0xac: {  	[dreg:$0x1] =	wrdreg $0xFFFFFFFF  }
0xad: {  	[dreg:$0x0] =	wrdreg $0x60  }
0xae: {  	[dreg:$0x2] =	wrdreg s24  }
0xaf: {  	[dreg:$0x3] =	wrdreg s2  }
0xb0: {  	[dreg:$0x4] =	wrdreg $0x40800  }
0xb1: {  	[dreg:$0x5] =	wrdreg $0x9  }
0xb2: {  	_ =	task.clear_ibuf [dreg:s7], $0x6FFFF;
	_ =	strace $0x90000067  }
0xb3: {  	s29 =	simm.s32 $0x9;
	_ =	strace $0x80000069  }
0xb4: {  	_ =	swait.ge [sflag:s29], $0x1  }
0xb5: {  	[sflag:s29] =	ssyncadd.s32 $0xFFFFFFFF  }
0xb6: {  	_ =	strace $0x90000069  }
0xb7: {  	_ =	sfence  }
0xb8: {  	s30 =	sld [smem:$0x0];
	_ =	sdelay $0x2  }
0xb9: {  	s31 =	sshll.u32 s1, $0xD;
	s1 =	sshrl.u32 s1, $0x2  }
0xba: {  	s3 =	sand.u32 $0x4000, s31;
	s1 =	sadd.s32 s1, s30  }
0xbb: {  	s0 =	sor.u32 s3, s0;
	s1 =	sshll.u32 s1, $0x11  }
0xbc: {  	s0 =	sor.u32 s1, s0  }
0xbd: {  	s0 =	sadd.s32 $0x8F2B, s0  }
0xbe: {  	[sflag:s0] =	ssyncadd.remote.s32 $0x1  }
0xbf: {  	_ =	sfence.sel $0xFFFF  }
0xc0: {  	[dreg:$0x0] =	wrdreg $0xFFFFFFFF;
	(pc) =	sbr.abs _section_cstart, $3  }
0xc1: {  	[dreg:$0x1] =	wrdreg $0xFFFFFFFF  }
0xc2: {  	_ =	task.clear_ibuf [dreg:s7], $0x2FFFF;
	_ =	strace $0x9FFFFFFF  }
0xc3: {  	(tm) =	ssettm $0x7FFFFFFF  }
tec
execute0_lowered:
.L_overlay_start_1:
0x0: {  	(tag) =	ssettag $0x1  }
0x1: {  	s4 =	rddreg [dreg:$0x0]  }
0x2: {  	s0 =	rddreg [dreg:$0x1]  }
0x3: {  	s6 =	stileid.u32;
	s1 =	srdreg.scid  }
0x4: {  	s2 =	rddreg [dreg:$0x2];
	s3 =	simm.s32 $0x0;
	s7 =	smul.u32 $0x5100, s6  }
0x5: {  	s5 =	sand.u32 $0x1, s1;
	s1 =	rddreg [dreg:$0x3];
	s9 =	smul.u32 $0x51000, s6  }
0x6: {  	[smem:$0x7FF] =	sst s3;
	s8 =	smul.u32 $0x2880, s5  }
0x7: {  	p0 =	sne.s32 s6, $0x0;
	_ =	strace $0x80000068;
	s29 =	smul.u32 $0x27100, s5  }
0x8: {  	s10 =	ssub.s32 $0x2, s5;
	s12 =	smul.u32 $0x28800, s5;
	s9 =	sadd.s32 s9, s4  }
0x9: {  	s11 =	sshrl.u32 s10, $0x1;
	s7 =	sadd.s32 s8, s7;
	s8 =	sadd.s32 s29, s4  }
0xa: {  	s30 =	ssub.s32 s10, s11;
	s31 =	sadd.s32 s12, s9;
	s9 =	simm.s32 $0x1  }
0xb: {  	s10 =	simm.s32 $0x80;
	s11 =	simm.s32 $0x0;
	s7 =	sshrl.u32 s7, $0x3  }
0xc: {  	s5 =	smax.u32 s30, $0x1;
	s6 =	sadd.s32 $0x551E00, s31;
	s7 =	sadd.s32 s7, s4  }
0xd: {  	s4 =	sadd.s32 $0x1AC00, s8;
	s8 =	sshrl.u32 @!p0 s2, $0x3;
	s7 =	sadd.s32 $0x10A00, s7  }
.LBB2_1:
0xe: {  	s12 =	simm.s32 @!p0 $0x1C01  }
0xf: {  	[spmem:s8], [sflag:s12] =	dma.local @!p0 [hbm:s0], $0x27100  }
0x10: {  	s12 =	simm.s32 @!p0 $0x1  }
0x11: {  	_ =	swait.ge @!p0 [sflag:s12], $0x27100  }
0x12: {  	[sflag:s12] =	ssyncset.done @!p0 $0x0  }
0x13: {  	[sflag:s12] =	ssyncadd.s32 @!p0 $0xFFFD8F00  }
0x14: {  	s31 =	sadd.s32 $0x0, s7;
	[bflag:$0x0] =	sbarrier.arrive $0xFFFF  }
0x15: {  	[tilespmem:s3], [sflag:$0x1] =	stream.linear.gather [hbm4b:s31+s3], $0x80, $0x38;
	[tilespmem:$0x17900] =	vst v63  }
0x16: {  	_ =	swait.ge [sflag:s9], $0x80  }
0x17: {  	[sflag:s9] =	ssyncset.done $0x0  }
0x18: {  	[sflag:s9] =	ssyncadd.s32 $0xFFFFFF80  }
0x19: {  	[tilespmem:s10], [sflag:$0x1] =	stream.linear.gather [hbm4b:s6+s3], $0x4000, $0x38;
	[tilespmem:$0x17900] =	vst v63  }
0x1a: {  	_ =	swait.ge [sflag:s9], $0x4000  }
0x1b: {  	[sflag:s9] =	ssyncset.done $0x0  }
0x1c: {  	[sflag:s9] =	ssyncadd.s32 $0xFFFFC000  }
0x1d: {  	[spmem:s2] =	stream.indirect.scatter.add.f32 [tilespmem:s10], [sflag:$0x1], $0x80, s3, s10, $0xb8;
	[tilespmem:$0x17900] =	vst v63  }
0x1e: {  	s13 =	simm.s32 $0x10;
	_ =	swait.ge [sflag:s9], $0x4000  }
0x1f: {  	s14 =	simm.s32 $0x20;
	s12 =	sadd.s32 $0x800, s6;
	[sflag:s9] =	ssyncset.done $0x0  }
.LBB2_2:
0x20: {  	s15 =	sadd.s32 s13, s7  }
0x21: {  	[sflag:s9] =	ssyncadd.s32 $0xFFFFC000;
	s13 =	smov.u32 s14;
	s16 =	sadd.s32 $0x10, s14  }
0x22: {  	[tilespmem:s3], [sflag:$0x1] =	stream.linear.gather [hbm4b:s15+s3], $0x80, $0x38;
	[tilespmem:$0x17900] =	vst v63  }
0x23: {  	p1 =	sne.s32 s14, $0x500;
	_ =	swait.ge [sflag:s9], $0x80  }
0x24: {  	[sflag:s9] =	ssyncset.done $0x0  }
0x25: {  	[sflag:s9] =	ssyncadd.s32 $0xFFFFFF80  }
0x26: {  	[tilespmem:s10], [sflag:$0x1] =	stream.linear.gather [hbm4b:s12+s3], $0x4000, $0x38;
	[tilespmem:$0x17900] =	vst v63  }
0x27: {  	_ =	swait.ge [sflag:s9], $0x4000  }
.Ltmp0:
0x28: {  	[sflag:s9] =	ssyncset.done $0x0;
	(pc) =	sbr.rel @p1 .LBB2_2-.Ltmp0, $4  }
0x29: {  	[sflag:s9] =	ssyncadd.s32 $0xFFFFC000  }
0x2a: {  	[spmem:s2] =	stream.indirect.scatter.add.f32 [tilespmem:s10], [sflag:$0x1], $0x80, s3, s10, $0xb8;
	[tilespmem:$0x17900] =	vst v63  }
0x2b: {  	_ =	swait.ge [sflag:s9], $0x4000  }
0x2c: {  	s14 =	smov.u32 s16;
	s12 =	sadd.s32 $0x800, s12;
	[sflag:s9] =	ssyncset.done $0x0  }
0x2d: {  	s13 =	sadd.s32 s13, s7;
	[sflag:s9] =	ssyncadd.s32 $0xFFFFC000  }
0x2e: {  	[tilespmem:s3], [sflag:$0x1] =	stream.linear.gather [hbm4b:s13+s3], $0x80, $0x38;
	[tilespmem:$0x17900] =	vst v63  }
0x2f: {  	_ =	swait.ge [sflag:s9], $0x80  }
0x30: {  	[sflag:s9] =	ssyncset.done $0x0  }
0x31: {  	[sflag:s9] =	ssyncadd.s32 $0xFFFFFF80  }
0x32: {  	[tilespmem:s10], [sflag:$0x1] =	stream.linear.gather [hbm4b:s12+s3], $0x4000, $0x38;
	[tilespmem:$0x17900] =	vst v63  }
0x33: {  	_ =	swait.ge [sflag:s9], $0x4000  }
0x34: {  	[sflag:s9] =	ssyncset.done $0x0  }
0x35: {  	[sflag:s9] =	ssyncadd.s32 $0xFFFFC000  }
0x36: {  	[spmem:s2] =	stream.indirect.scatter.add.f32 [tilespmem:s10], [sflag:$0x1], $0x80, s3, s10, $0xb8;
	[tilespmem:$0x17900] =	vst v63  }
0x37: {  	_ =	swait.ge [sflag:s9], $0x4000  }
0x38: {  	[sflag:s9] =	ssyncset.done $0x0  }
0x39: {  	s11 =	sadd.s32 $0x1, s11;
	[sflag:s9] =	ssyncadd.s32 $0xFFFFC000  }
0x3a: {  	p1 =	sne.s32 s11, s5;
	s12 =	simm.s32 @!p0 $0x1C01;
	[bflag:$0x0] =	sbarrier.arrive $0xFFFF  }
0x3b: {  	[hbm:s4], [sflag:s12] =	dma.local @!p0 [spmem:s8], $0x27100  }
.Ltmp1:
0x3c: {  	_ = 	snop;
	(pc) =	sbr.rel @p1 .LBB2_1-.Ltmp1, $4  }
0x3d: {  	s12 =	simm.s32 @!p0 $0x1  }
0x3e: {  	_ =	swait.ge @!p0 [sflag:s12], $0x27100  }
0x3f: {  	[sflag:s12] =	ssyncset.done @!p0 $0x0  }
0x40: {  	[sflag:s12] =	ssyncadd.s32 @!p0 $0xFFFD8F00  }
0x41: {  	_ =	sfence.sel $0x180000  }
0x42: {  	[bflag:$0x0] =	sbarrier.arrive $0xFFFF  }
0x43: {  	_ =	strace $0x90000068  }
0x44: {  	s0 =	sadd.s32 @!p0 $0x100000, s1;
	[bflag:$0x2] =	sbarrier.arrive $0xFFFF  }
0x45: {  	[sflag:s0] =	ssyncadd.tile.s32 @!p0 $0x1;
	_ =	shalt  }
.Lfunc_end2:
_tile_overlayer_lowered:
.L_overlay_start_2:
0x46: {  	(tag) =	ssettag $0x2  }
0x47: {  	s0 =	rddreg [dreg:$0x0];
	s2 =	stileid.u32  }
0x48: {  	s1 =	rddreg [dreg:$0x1];
	p0 =	sne.s32 s2, $0x0  }
0x49: {  	s3 =	rddreg [dreg:$0x2];
	[bflag:$0x3] =	sbarrier.arrive $0xFFFF;
	s2 =	simm.s32 @!p0 $0x1C01  }
0x4a: {  	[timem:s3], [sflag:s2] =	dma.local @!p0 [hbm:s0], s1  }
0x4b: {  	s0 =	simm.s32 @!p0 $0x1  }
0x4c: {  	_ =	swait.ge @!p0 [sflag:s0], s1  }
0x4d: {  	s1 =	ssub.s32 @!p0 $0x0, s1;
	[sflag:s0] =	ssyncset.done @!p0 $0x0  }
0x4e: {  	[sflag:s0] =	ssyncadd.s32 @!p0 s1  }
0x4f: {  	[bflag:$0x3] =	sbarrier.arrive $0xFFFF  }
0x50: {  	_ =	shalt  }

// kernel: kernel.62.cloned.1.call-start
scs
__scs_entry_jumppad:
0x0: {  	(pc) =	sbr.rel $0x88, $3  }
0x1: {  	(tag) =	ssettag $0x0;
	lr =	simm.s32 $0x1  }
0x2: {  	[smem:$0x3F95] =	sst lr;
	_ =	strace $0xD0000000  }
0x3: {  	_ = 	snop  }
0x4: {  	_ = 	snop  }
0x5: {  	_ = 	snop  }
0x6: {  	_ = 	snop  }
0x7: {  	_ = 	snop  }
__scs_overlays_trampoline_lowered:
0x8: {  	[smem:$0x3FA4] =	sst s0  }
0x9: {  	[smem:$0x3FA5] =	sst s1  }
0xa: {  	[smem:$0x3FA6] =	sst s2  }
0xb: {  	[smem:$0x3FA7] =	sst s3  }
0xc: {  	[smem:$0x3FA8] =	sst s4  }
0xd: {  	[smem:$0x3FA9] =	sst s5  }
0xe: {  	[smem:$0x3FAA] =	sst s6  }
0xf: {  	[smem:$0x3FAB] =	sst s7  }
0x10: {  	[smem:$0x3FAC] =	sst s8  }
0x11: {  	[smem:$0x3FAD] =	sst s9;
	s0 =	simm.s32 @!p0 $0x0  }
0x12: {  	s1 =	sld [smem:$0x3F93];
	s0 =	simm.s32 @p0 $0x1  }
0x13: {  	[smem:$0x3FAE] =	sst s0;
	s0 =	simm.s32 @!p1 $0x0  }
0x14: {  	s2 =	sld [smem:$0x3F92];
	s0 =	simm.s32 @p1 $0x1  }
0x15: {  	[smem:$0x3FAF] =	sst s0;
	s0 =	simm.s32 @!p2 $0x0  }
0x16: {  	s3 =	sld [smem:$0x3FDB];
	s0 =	simm.s32 @p2 $0x1  }
0x17: {  	s4 =	simm.s32 $0x1BF5;
	[smem:$0x3FB1] =	sst s0  }
0x18: {  	s0 =	sld [smem:$0x3F94];
	_ =	swait.ge [sflag:s4], $0x0  }
0x19: {  	s7 =	sld [smem:$0x3F95]  }
0x1a: {  	s8 =	sadd.s32 $0xFFFFE003, lr  }
0x1b: {  	s9 =	sadd.s32 $0xFFFFFEF7, lr;
	s5 =	simm.s32 $0xFFFFFFFF;
	p2 =	slt.u32 s8, $0xFFFFF086  }
0x1c: {  	p1 =	slt.u32 s9, $0xF7A;
	s5 =	simm.s32 @!p2 $0x0  }
0x1d: {  	s5 =	simm.s32 @p1 $0x1;
	p0 =	seq.s32 s7, s2  }
0x1e: {  	s7 =	smul.u32 @!p0 $0xF7A, s2;
	p2 =	seq.s32 @!p0 s5, $0x0  }
0x1f: {  	s9 =	smul.u32 $0xF7A, s1;
	s8 =	simm.s32 @!p0 $0x1BF5;
	p2 =	por !p2, p0  }
0x20: {  	[sflag:s8] =	ssyncset.s32 @!p0 $0xFFFFF086;
	s6 =	sadd.s32 @!p0 s3, s7;
	s7 =	simm.s32 @!p0 $0x108  }
0x21: {  	s3 =	sadd.s32 s3, s9;
	s6 =	sadd.s32 @!p0 $0x88, s6;
	s7 =	simm.s32 @p2 $0x1082  }
0x22: {  	[simem:s7], [sflag:s8] =	dma.local @!p0 [hbm:s6], $0xF7A  }
0x23: {  	s9 =	sor.u32 $0xD0000000, s2;
	s6 =	simm.s32 $0x108;
	_ =	swait.ge @!p0 [sflag:s8], $0x0  }
0x24: {  	s3 =	sadd.s32 $0x88, s3;
	s6 =	simm.s32 @!p1 $0x1082;
	[sflag:s4] =	ssyncset.s32 $0xFFFFF086  }
0x25: {  	[simem:s6], [sflag:s4] =	dma.local [hbm:s3], $0xF7A  }
0x26: {  	[smem:$0x3F95] =	sst s1;
	(tag) =	ssettag s2;
	_ =	strace s9  }
0x27: {  	s1 =	sld [smem:$0x3FA5]  }
0x28: {  	s2 =	sld [smem:$0x3FA6]  }
0x29: {  	s4 =	sld [smem:$0x3FA8]  }
0x2a: {  	p0 =	seq.s32 s5, $0x0;
	s5 =	sld [smem:$0x3FA9]  }
0x2b: {  	s6 =	sld [smem:$0x3FAA]  }
0x2c: {  	s7 =	sld [smem:$0x3FAB]  }
0x2d: {  	s3 =	simm.s32 $0x108;
	s8 =	sld [smem:$0x3FAC]  }
0x2e: {  	s3 =	simm.s32 @!p0 $0x1082;
	s9 =	sld [smem:$0x3FAD]  }
0x2f: {  	lr =	sadd.s32 s0, s3;
	s0 =	sld [smem:$0x3FA4]  }
0x30: {  	s3 =	sld [smem:$0x3FA7]  }
0x31: {  	[smem:$0x3FB0] =	sst s10  }
0x32: {  	s10 =	sld [smem:$0x3FAE];
	_ =	sdelay $0x3  }
0x33: {  	p0 =	seq.s32 s10, $0x1;
	s10 =	sld [smem:$0x3FB0];
	_ =	sdelay $0x3  }
0x34: {  	[smem:$0x3FB0] =	sst s10  }
0x35: {  	s10 =	sld [smem:$0x3FAF];
	_ =	sdelay $0x3  }
0x36: {  	p1 =	seq.s32 s10, $0x1;
	s10 =	sld [smem:$0x3FB0];
	_ =	sdelay $0x3  }
0x37: {  	[smem:$0x3FB0] =	sst s10  }
0x38: {  	s10 =	sld [smem:$0x3FB1]  }
0x39: {  	_ = 	snop;
	(pc) =	sbr.ind lr, $3  }
0x3a: {  	_ = 	snop  }
0x3b: {  	_ = 	snop  }
0x3c: {  	p2 =	seq.s32 s10, $0x1;
	s10 =	sld [smem:$0x3FB0]  }
0x3d: {  	_ =	shalt  }
0x3e: {  	_ =	shalt  }
0x3f: {  	_ =	shalt  }
0x40: {  	_ =	shalt  }
0x41: {  	_ =	shalt  }
0x42: {  	_ =	shalt  }
0x43: {  	_ =	shalt  }
0x44: {  	_ =	shalt  }
0x45: {  	_ =	shalt  }
0x46: {  	_ =	shalt  }
0x47: {  	_ =	shalt  }
0x48: {  	_ =	shalt  }
0x49: {  	_ =	shalt  }
0x4a: {  	_ =	shalt  }
0x4b: {  	_ =	shalt  }
0x4c: {  	_ =	shalt  }
0x4d: {  	_ =	shalt  }
0x4e: {  	_ =	shalt  }
0x4f: {  	_ =	shalt  }
0x50: {  	_ =	shalt  }
0x51: {  	_ =	shalt  }
0x52: {  	_ =	shalt  }
0x53: {  	_ =	shalt  }
0x54: {  	_ =	shalt  }
0x55: {  	_ =	shalt  }
0x56: {  	_ =	shalt  }
0x57: {  	_ =	shalt  }
0x58: {  	_ =	shalt  }
0x59: {  	_ =	shalt  }
0x5a: {  	_ =	shalt  }
0x5b: {  	_ =	shalt  }
0x5c: {  	_ =	shalt  }
0x5d: {  	_ =	shalt  }
0x5e: {  	_ =	shalt  }
0x5f: {  	_ =	shalt  }
0x60: {  	_ =	shalt  }
0x61: {  	_ =	shalt  }
0x62: {  	_ =	shalt  }
0x63: {  	_ =	shalt  }
0x64: {  	_ =	shalt  }
0x65: {  	_ =	shalt  }
0x66: {  	_ =	shalt  }
0x67: {  	_ =	shalt  }
0x68: {  	_ =	shalt  }
0x69: {  	_ =	shalt  }
0x6a: {  	_ =	shalt  }
0x6b: {  	_ =	shalt  }
0x6c: {  	_ =	shalt  }
0x6d: {  	_ =	shalt  }
0x6e: {  	_ =	shalt  }
0x6f: {  	_ =	shalt  }
0x70: {  	_ =	shalt  }
0x71: {  	_ =	shalt  }
0x72: {  	_ =	shalt  }
0x73: {  	_ =	shalt  }
0x74: {  	_ =	shalt  }
0x75: {  	_ =	shalt  }
0x76: {  	_ =	shalt  }
0x77: {  	_ =	shalt  }
0x78: {  	_ =	shalt  }
0x79: {  	_ =	shalt  }
0x7a: {  	_ =	shalt  }
0x7b: {  	_ =	shalt  }
0x7c: {  	_ =	shalt  }
0x7d: {  	_ =	shalt  }
0x7e: {  	_ =	shalt  }
0x7f: {  	_ =	shalt  }
0x80: {  	_ =	shalt  }
0x81: {  	_ =	shalt  }
0x82: {  	_ =	shalt  }
0x83: {  	_ =	shalt  }
0x84: {  	_ =	shalt  }
0x85: {  	_ =	shalt  }
0x86: {  	_ =	shalt  }
0x87: {  	_ =	shalt  }
.Lfunc_end0:
.L_simem_size_0:
called_computation.12_lowered:
.L_overlay_start_0:
0x88: {  	s2 =	sld [smem:$0x3FD9]  }
0x89: {  	s3 =	sld [smem:$0x3FFE];
	_ =	sdelay $0x1  }
0x8a: {  	s1 =	srdreg.scid  }
0x8b: {  	s0 =	sand.u32 $0x1, s1  }
0x8c: {  	s16 =	sshll.u32 s0, $0xA;
	s2 =	sadd.s32 s3, s2  }
0x8d: {  	s2 =	sadd.s32 s2, s16  }
0x8e: {  	[smem:$0x3FBC] =	sst s2  }
0x8f: {  	_ = 	snop  }
0x90: {  	(tm) =	ssettm $0x1  }
0x91: {  	s17 =	sld [smem:$0x3FFB];
	_ =	sdelay $0x3  }
0x92: {  	_ =	strace s17  }
0x93: {  	s2 =	sld [smem:$0x3FFC];
	_ =	sdelay $0x3  }
0x94: {  	_ =	strace s2  }
0x95: {  	s2 =	sld [smem:$0x3FFD];
	_ =	sdelay $0x3  }
0x96: {  	_ =	strace s2  }
0x97: {  	_ =	strace $0x8FFFFFFF  }
0x98: {  	s18 =	sld [smem:$0x3FDB];
	_ =	sdelay $0x1  }
0x99: {  	s19 =	simm.s32 $_scs_section_size  }
0x9a: {  	s4 =	simm.s32 $_size__tile_overlayer_lowered;
	s5 =	simm.s32 $_tile_overlayer_lowered  }
0x9b: {  	s22 =	simm.s32 $0x1BFF;
	s21 =	sshll.u32 s5, $0x1;
	s2 =	sadd.s32 s19, s18  }
0x9c: {  	s6 =	simm.s32 $0x0;
	s20 =	sshll.u32 s4, $0x1;
	s4 =	sadd.s32 s21, s2  }
0x9d: {  	[timem:s6], [sflag:s22] =	dma.local [hbm:s4], s20  }
0x9e: {  	_ =	swait.ge [sflag:s22], s20  }
0x9f: {  	s3 =	ssub.s32 $0x0, s20;
	[sflag:s22] =	ssyncset.done $0x0  }
0xa0: {  	[sflag:s22] =	ssyncadd.s32 s3;
	_ =	sdelay $0x1  }
0xa1: {  	s23 =	simm.s32 $0x1B8B  }
0xa2: {  	_ =	swait.ge [sflag:s23], $0x1  }
0xa3: {  	[sflag:s23] =	ssyncset.done $0x0  }
0xa4: {  	s25 =	simm.s32 $0x1B8E;
	s24 =	sld [smem:$0x3FFE];
	[sflag:s23] =	ssyncadd.s32 $0xFFFFFFFF  }
0xa5: {  	s26 =	simm.s32 $execute0_lowered;
	[smem:$0x3FD2] =	sst s25  }
0xa6: {  	s4 =	sshll.u32 s26, $0x1;
	_ =	strace $0x8000006A;
	[dreg:$0x1] =	wrdreg $0xFFFFFFFF  }
0xa7: {  	s28 =	simm.s32 $_size_execute0_lowered;
	s2 =	sadd.s32 s2, s4;
	[dreg:$0x0] =	wrdreg $0x0  }
0xa8: {  	s4 =	sshll.u32 s28, $0x1;
	[dreg:$0x2] =	wrdreg s2  }
0xa9: {  	[dreg:$0x3] =	wrdreg s4  }
0xaa: {  	[dreg:$0x4] =	wrdreg $0xC0  }
0xab: {  	_ =	task [dreg:s6], $0x5FFFF  }
0xac: {  	[dreg:$0x1] =	wrdreg $0xFFFFFFFF  }
0xad: {  	[dreg:$0x0] =	wrdreg $0x60  }
0xae: {  	[dreg:$0x2] =	wrdreg s24  }
0xaf: {  	[dreg:$0x3] =	wrdreg $0x9  }
0xb0: {  	_ =	task.clear_ibuf [dreg:s6], $0x4FFFF;
	_ =	strace $0x9000006A  }
0xb1: {  	s29 =	simm.s32 $0x9;
	_ =	strace $0x8000006C  }
0xb2: {  	_ =	swait.ge [sflag:s29], $0x1  }
0xb3: {  	[sflag:s29] =	ssyncadd.s32 $0xFFFFFFFF  }
0xb4: {  	_ =	strace $0x9000006C  }
0xb5: {  	_ =	sfence  }
0xb6: {  	s30 =	sld [smem:$0x0];
	_ =	sdelay $0x2  }
0xb7: {  	s31 =	sshll.u32 s1, $0xD;
	s1 =	sshrl.u32 s1, $0x2  }
0xb8: {  	s3 =	sand.u32 $0x4000, s31;
	s1 =	sadd.s32 s1, s30  }
0xb9: {  	s0 =	sor.u32 s3, s0;
	s1 =	sshll.u32 s1, $0x11  }
0xba: {  	s0 =	sor.u32 s1, s0  }
0xbb: {  	s0 =	sadd.s32 $0x8F2B, s0  }
0xbc: {  	[sflag:s0] =	ssyncadd.remote.s32 $0x1  }
0xbd: {  	_ =	sfence.sel $0xFFFF  }
0xbe: {  	[dreg:$0x0] =	wrdreg $0xFFFFFFFF;
	(pc) =	sbr.abs _section_cstart, $3  }
0xbf: {  	[dreg:$0x1] =	wrdreg $0xFFFFFFFF  }
0xc0: {  	_ =	task.clear_ibuf [dreg:s6], $0x2FFFF;
	_ =	strace $0x9FFFFFFF  }
0xc1: {  	(tm) =	ssettm $0x7FFFFFFF  }
tec
execute0_lowered:
.L_overlay_start_1:
0x0: {  	(tag) =	ssettag $0x1  }
0x1: {  	s4 =	rddreg [dreg:$0x0]  }
0x2: {  	s0 =	rddreg [dreg:$0x1];
	s2 =	simm.s32 $0x0;
	s1 =	stileid.u32  }
0x3: {  	s3 =	srdreg.scid;
	s10 =	simm.s32 $0x0;
	s6 =	smul.u32 $0x5100, s1  }
0x4: {  	[smem:$0x7FF] =	sst s2;
	s5 =	sand.u32 $0x1, s3;
	s8 =	smul.u32 $0x51000, s1  }
0x5: {  	s3 =	sadd.s32 $0x1AC00, s4;
	s7 =	smul.u32 $0x2880, s5;
	s9 =	ssub.s32 $0x2, s5  }
0x6: {  	_ =	strace $0x8000006B;
	s5 =	smul.u32 $0x28800, s5;
	s31 =	sshrl.u32 s9, $0x1  }
0x7: {  	s8 =	sadd.s32 s8, s4;
	s6 =	sadd.s32 s7, s6;
	s7 =	ssub.s32 s9, s31  }
0x8: {  	s5 =	sadd.s32 s5, s8;
	s8 =	simm.s32 $0x80;
	s6 =	sshrl.u32 s6, $0x3  }
0x9: {  	s9 =	simm.s32 $0x1;
	s5 =	sadd.s32 $0x41E00, s5;
	s6 =	sadd.s32 s6, s4  }
0xa: {  	s4 =	smax.u32 s7, $0x1;
	s7 =	simm.s32 $0x2;
	s6 =	sadd.s32 $0x6400, s6  }
.LBB2_1:
0xb: {  	s11 =	sadd.s32 $0x0, s6  }
0xc: {  	[tilespmem:s2], [sflag:$0x2] =	stream.linear.gather [hbm4b:s11+s2], $0x80, $0x38;
	[tilespmem:$0x4080] =	vst v63  }
0xd: {  	_ =	swait.ge [sflag:s7], $0x80  }
0xe: {  	[sflag:s7] =	ssyncset.done $0x0  }
0xf: {  	[sflag:s7] =	ssyncadd.s32 $0xFFFFFF80  }
0x10: {  	[tilespmem:s8], [sflag:$0x1] =	stream.indirect.gather [hbm4b:s3+s8], $0x80, s2, s8, $0xb8;
	[tilespmem:$0x4080] =	vst v63  }
0x11: {  	_ =	swait.ge [sflag:s9], $0x4000  }
0x12: {  	[sflag:s9] =	ssyncset.done $0x0  }
0x13: {  	[sflag:s9] =	ssyncadd.s32 $0xFFFFC000  }
0x14: {  	[hbm4b:s5+s2] =	stream.linear.scatter [tilespmem:s8], [sflag:$0x2], $0x4000, $0x38;
	[tilespmem:$0x4080] =	vst v63  }
0x15: {  	s12 =	simm.s32 $0x10;
	_ =	swait.ge [sflag:s7], $0x4000  }
0x16: {  	s13 =	simm.s32 $0x20;
	s11 =	sadd.s32 $0x800, s5;
	[sflag:s7] =	ssyncset.done $0x0  }
.LBB2_2:
0x17: {  	s14 =	sadd.s32 s12, s6  }
0x18: {  	[sflag:s7] =	ssyncadd.s32 $0xFFFFC000;
	s12 =	smov.u32 s13;
	s15 =	sadd.s32 $0x10, s13  }
0x19: {  	[tilespmem:s2], [sflag:$0x2] =	stream.linear.gather [hbm4b:s14+s2], $0x80, $0x38;
	[tilespmem:$0x4080] =	vst v63  }
0x1a: {  	p0 =	sne.s32 s13, $0x500;
	_ =	swait.ge [sflag:s7], $0x80  }
0x1b: {  	[sflag:s7] =	ssyncset.done $0x0  }
0x1c: {  	[sflag:s7] =	ssyncadd.s32 $0xFFFFFF80  }
0x1d: {  	[tilespmem:s8], [sflag:$0x1] =	stream.indirect.gather [hbm4b:s3+s8], $0x80, s2, s8, $0xb8;
	[tilespmem:$0x4080] =	vst v63  }
0x1e: {  	_ =	swait.ge [sflag:s9], $0x4000  }
.Ltmp0:
0x1f: {  	[sflag:s9] =	ssyncset.done $0x0;
	(pc) =	sbr.rel @p0 .LBB2_2-.Ltmp0, $4  }
0x20: {  	[sflag:s9] =	ssyncadd.s32 $0xFFFFC000  }
0x21: {  	[hbm4b:s11+s2] =	stream.linear.scatter [tilespmem:s8], [sflag:$0x2], $0x4000, $0x38;
	[tilespmem:$0x4080] =	vst v63  }
0x22: {  	_ =	swait.ge [sflag:s7], $0x4000  }
0x23: {  	s13 =	smov.u32 s15;
	s11 =	sadd.s32 $0x800, s11;
	[sflag:s7] =	ssyncset.done $0x0  }
0x24: {  	s12 =	sadd.s32 s12, s6;
	[sflag:s7] =	ssyncadd.s32 $0xFFFFC000  }
0x25: {  	[tilespmem:s2], [sflag:$0x2] =	stream.linear.gather [hbm4b:s12+s2], $0x80, $0x38;
	[tilespmem:$0x4080] =	vst v63  }
0x26: {  	_ =	swait.ge [sflag:s7], $0x80  }
0x27: {  	[sflag:s7] =	ssyncset.done $0x0  }
0x28: {  	[sflag:s7] =	ssyncadd.s32 $0xFFFFFF80  }
0x29: {  	[tilespmem:s8], [sflag:$0x1] =	stream.indirect.gather [hbm4b:s3+s8], $0x80, s2, s8, $0xb8;
	[tilespmem:$0x4080] =	vst v63  }
0x2a: {  	s10 =	sadd.s32 $0x1, s10;
	_ =	swait.ge [sflag:s9], $0x4000  }
0x2b: {  	p0 =	sne.s32 s10, s4;
	[sflag:s9] =	ssyncset.done $0x0  }
.Ltmp1:
0x2c: {  	[sflag:s9] =	ssyncadd.s32 $0xFFFFC000;
	(pc) =	sbr.rel @p0 .LBB2_1-.Ltmp1, $4  }
0x2d: {  	[hbm4b:s11+s2] =	stream.linear.scatter [tilespmem:s8], [sflag:$0x2], $0x4000, $0x38;
	[tilespmem:$0x4080] =	vst v63  }
0x2e: {  	_ =	swait.ge [sflag:s7], $0x4000  }
0x2f: {  	[sflag:s7] =	ssyncset.done $0x0  }
0x30: {  	[sflag:s7] =	ssyncadd.s32 $0xFFFFC000  }
0x31: {  	_ =	sfence.sel $0x180000  }
0x32: {  	[bflag:$0x0] =	sbarrier.arrive $0xFFFF  }
0x33: {  	p0 =	sne.s32 s1, $0x0;
	_ =	strace $0x9000006B  }
0x34: {  	s0 =	sadd.s32 @!p0 $0x100000, s0;
	[bflag:$0x2] =	sbarrier.arrive $0xFFFF  }
0x35: {  	[sflag:s0] =	ssyncadd.tile.s32 @!p0 $0x1;
	_ =	shalt  }
.Lfunc_end2:
_tile_overlayer_lowered:
.L_overlay_start_2:
0x36: {  	(tag) =	ssettag $0x2  }
0x37: {  	s0 =	rddreg [dreg:$0x0];
	s2 =	stileid.u32  }
0x38: {  	s1 =	rddreg [dreg:$0x1];
	p0 =	sne.s32 s2, $0x0  }
0x39: {  	s3 =	rddreg [dreg:$0x2];
	[bflag:$0x3] =	sbarrier.arrive $0xFFFF;
	s2 =	simm.s32 @!p0 $0x1C02  }
0x3a: {  	[timem:s3], [sflag:s2] =	dma.local @!p0 [hbm:s0], s1  }
0x3b: {  	s0 =	simm.s32 @!p0 $0x2  }
0x3c: {  	_ =	swait.ge @!p0 [sflag:s0], s1  }
0x3d: {  	s1 =	ssub.s32 @!p0 $0x0, s1;
	[sflag:s0] =	ssyncset.done @!p0 $0x0  }
0x3e: {  	[sflag:s0] =	ssyncadd.s32 @!p0 s1  }
0x3f: {  	[bflag:$0x3] =	sbarrier.arrive $0xFFFF  }
0x40: {  	_ =	shalt  }

// kernel: kernel.65.cloned.1.call-start
scs
__scs_entry_jumppad:
0x0: {  	(pc) =	sbr.rel $0x88, $3  }
0x1: {  	(tag) =	ssettag $0x0;
	lr =	simm.s32 $0x1  }
0x2: {  	[smem:$0x3F95] =	sst lr;
	_ =	strace $0xD0000000  }
0x3: {  	_ = 	snop  }
0x4: {  	_ = 	snop  }
0x5: {  	_ = 	snop  }
0x6: {  	_ = 	snop  }
0x7: {  	_ = 	snop  }
__scs_overlays_trampoline_lowered:
0x8: {  	[smem:$0x3FA4] =	sst s0  }
0x9: {  	[smem:$0x3FA5] =	sst s1  }
0xa: {  	[smem:$0x3FA6] =	sst s2  }
0xb: {  	[smem:$0x3FA7] =	sst s3  }
0xc: {  	[smem:$0x3FA8] =	sst s4  }
0xd: {  	[smem:$0x3FA9] =	sst s5  }
0xe: {  	[smem:$0x3FAA] =	sst s6  }
0xf: {  	[smem:$0x3FAB] =	sst s7  }
0x10: {  	[smem:$0x3FAC] =	sst s8  }
0x11: {  	[smem:$0x3FAD] =	sst s9;
	s0 =	simm.s32 @!p0 $0x0  }
0x12: {  	s1 =	sld [smem:$0x3F93];
	s0 =	simm.s32 @p0 $0x1  }
0x13: {  	[smem:$0x3FAE] =	sst s0;
	s0 =	simm.s32 @!p1 $0x0  }
0x14: {  	s2 =	sld [smem:$0x3F92];
	s0 =	simm.s32 @p1 $0x1  }
0x15: {  	[smem:$0x3FAF] =	sst s0;
	s0 =	simm.s32 @!p2 $0x0  }
0x16: {  	s3 =	sld [smem:$0x3FDB];
	s0 =	simm.s32 @p2 $0x1  }
0x17: {  	s4 =	simm.s32 $0x1BF5;
	[smem:$0x3FB1] =	sst s0  }
0x18: {  	s0 =	sld [smem:$0x3F94];
	_ =	swait.ge [sflag:s4], $0x0  }
0x19: {  	s7 =	sld [smem:$0x3F95]  }
0x1a: {  	s8 =	sadd.s32 $0xFFFFE003, lr  }
0x1b: {  	s9 =	sadd.s32 $0xFFFFFEF7, lr;
	s5 =	simm.s32 $0xFFFFFFFF;
	p2 =	slt.u32 s8, $0xFFFFF086  }
0x1c: {  	p1 =	slt.u32 s9, $0xF7A;
	s5 =	simm.s32 @!p2 $0x0  }
0x1d: {  	s5 =	simm.s32 @p1 $0x1;
	p0 =	seq.s32 s7, s2  }
0x1e: {  	s7 =	smul.u32 @!p0 $0xF7A, s2;
	p2 =	seq.s32 @!p0 s5, $0x0  }
0x1f: {  	s9 =	smul.u32 $0xF7A, s1;
	s8 =	simm.s32 @!p0 $0x1BF5;
	p2 =	por !p2, p0  }
0x20: {  	[sflag:s8] =	ssyncset.s32 @!p0 $0xFFFFF086;
	s6 =	sadd.s32 @!p0 s3, s7;
	s7 =	simm.s32 @!p0 $0x108  }
0x21: {  	s3 =	sadd.s32 s3, s9;
	s6 =	sadd.s32 @!p0 $0x88, s6;
	s7 =	simm.s32 @p2 $0x1082  }
0x22: {  	[simem:s7], [sflag:s8] =	dma.local @!p0 [hbm:s6], $0xF7A  }
0x23: {  	s9 =	sor.u32 $0xD0000000, s2;
	s6 =	simm.s32 $0x108;
	_ =	swait.ge @!p0 [sflag:s8], $0x0  }
0x24: {  	s3 =	sadd.s32 $0x88, s3;
	s6 =	simm.s32 @!p1 $0x1082;
	[sflag:s4] =	ssyncset.s32 $0xFFFFF086  }
0x25: {  	[simem:s6], [sflag:s4] =	dma.local [hbm:s3], $0xF7A  }
0x26: {  	[smem:$0x3F95] =	sst s1;
	(tag) =	ssettag s2;
	_ =	strace s9  }
0x27: {  	s1 =	sld [smem:$0x3FA5]  }
0x28: {  	s2 =	sld [smem:$0x3FA6]  }
0x29: {  	s4 =	sld [smem:$0x3FA8]  }
0x2a: {  	p0 =	seq.s32 s5, $0x0;
	s5 =	sld [smem:$0x3FA9]  }
0x2b: {  	s6 =	sld [smem:$0x3FAA]  }
0x2c: {  	s7 =	sld [smem:$0x3FAB]  }
0x2d: {  	s3 =	simm.s32 $0x108;
	s8 =	sld [smem:$0x3FAC]  }
0x2e: {  	s3 =	simm.s32 @!p0 $0x1082;
	s9 =	sld [smem:$0x3FAD]  }
0x2f: {  	lr =	sadd.s32 s0, s3;
	s0 =	sld [smem:$0x3FA4]  }
0x30: {  	s3 =	sld [smem:$0x3FA7]  }
0x31: {  	[smem:$0x3FB0] =	sst s10  }
0x32: {  	s10 =	sld [smem:$0x3FAE];
	_ =	sdelay $0x3  }
0x33: {  	p0 =	seq.s32 s10, $0x1;
	s10 =	sld [smem:$0x3FB0];
	_ =	sdelay $0x3  }
0x34: {  	[smem:$0x3FB0] =	sst s10  }
0x35: {  	s10 =	sld [smem:$0x3FAF];
	_ =	sdelay $0x3  }
0x36: {  	p1 =	seq.s32 s10, $0x1;
	s10 =	sld [smem:$0x3FB0];
	_ =	sdelay $0x3  }
0x37: {  	[smem:$0x3FB0] =	sst s10  }
0x38: {  	s10 =	sld [smem:$0x3FB1]  }
0x39: {  	_ = 	snop;
	(pc) =	sbr.ind lr, $3  }
0x3a: {  	_ = 	snop  }
0x3b: {  	_ = 	snop  }
0x3c: {  	p2 =	seq.s32 s10, $0x1;
	s10 =	sld [smem:$0x3FB0]  }
0x3d: {  	_ =	shalt  }
0x3e: {  	_ =	shalt  }
0x3f: {  	_ =	shalt  }
0x40: {  	_ =	shalt  }
0x41: {  	_ =	shalt  }
0x42: {  	_ =	shalt  }
0x43: {  	_ =	shalt  }
0x44: {  	_ =	shalt  }
0x45: {  	_ =	shalt  }
0x46: {  	_ =	shalt  }
0x47: {  	_ =	shalt  }
0x48: {  	_ =	shalt  }
0x49: {  	_ =	shalt  }
0x4a: {  	_ =	shalt  }
0x4b: {  	_ =	shalt  }
0x4c: {  	_ =	shalt  }
0x4d: {  	_ =	shalt  }
0x4e: {  	_ =	shalt  }
0x4f: {  	_ =	shalt  }
0x50: {  	_ =	shalt  }
0x51: {  	_ =	shalt  }
0x52: {  	_ =	shalt  }
0x53: {  	_ =	shalt  }
0x54: {  	_ =	shalt  }
0x55: {  	_ =	shalt  }
0x56: {  	_ =	shalt  }
0x57: {  	_ =	shalt  }
0x58: {  	_ =	shalt  }
0x59: {  	_ =	shalt  }
0x5a: {  	_ =	shalt  }
0x5b: {  	_ =	shalt  }
0x5c: {  	_ =	shalt  }
0x5d: {  	_ =	shalt  }
0x5e: {  	_ =	shalt  }
0x5f: {  	_ =	shalt  }
0x60: {  	_ =	shalt  }
0x61: {  	_ =	shalt  }
0x62: {  	_ =	shalt  }
0x63: {  	_ =	shalt  }
0x64: {  	_ =	shalt  }
0x65: {  	_ =	shalt  }
0x66: {  	_ =	shalt  }
0x67: {  	_ =	shalt  }
0x68: {  	_ =	shalt  }
0x69: {  	_ =	shalt  }
0x6a: {  	_ =	shalt  }
0x6b: {  	_ =	shalt  }
0x6c: {  	_ =	shalt  }
0x6d: {  	_ =	shalt  }
0x6e: {  	_ =	shalt  }
0x6f: {  	_ =	shalt  }
0x70: {  	_ =	shalt  }
0x71: {  	_ =	shalt  }
0x72: {  	_ =	shalt  }
0x73: {  	_ =	shalt  }
0x74: {  	_ =	shalt  }
0x75: {  	_ =	shalt  }
0x76: {  	_ =	shalt  }
0x77: {  	_ =	shalt  }
0x78: {  	_ =	shalt  }
0x79: {  	_ =	shalt  }
0x7a: {  	_ =	shalt  }
0x7b: {  	_ =	shalt  }
0x7c: {  	_ =	shalt  }
0x7d: {  	_ =	shalt  }
0x7e: {  	_ =	shalt  }
0x7f: {  	_ =	shalt  }
0x80: {  	_ =	shalt  }
0x81: {  	_ =	shalt  }
0x82: {  	_ =	shalt  }
0x83: {  	_ =	shalt  }
0x84: {  	_ =	shalt  }
0x85: {  	_ =	shalt  }
0x86: {  	_ =	shalt  }
0x87: {  	_ =	shalt  }
.Lfunc_end0:
.L_simem_size_0:
called_computation.13_lowered:
.L_overlay_start_0:
0x88: {  	s2 =	sld [smem:$0x3FD9]  }
0x89: {  	s3 =	sld [smem:$0x3FFE];
	_ =	sdelay $0x1  }
0x8a: {  	s1 =	srdreg.scid  }
0x8b: {  	s0 =	sand.u32 $0x1, s1  }
0x8c: {  	s17 =	sshll.u32 s0, $0xA;
	s2 =	sadd.s32 s3, s2  }
0x8d: {  	s2 =	sadd.s32 s2, s17  }
0x8e: {  	[smem:$0x3FBC] =	sst s2  }
0x8f: {  	_ = 	snop  }
0x90: {  	s2 =	sld [smem:$0x3FD0];
	(tm) =	ssettm $0x1  }
0x91: {  	s18 =	sld [smem:$0x3FFB];
	_ =	sdelay $0x3  }
0x92: {  	_ =	strace s18  }
0x93: {  	s3 =	sld [smem:$0x3FFC];
	_ =	sdelay $0x3  }
0x94: {  	_ =	strace s3  }
0x95: {  	s3 =	sld [smem:$0x3FFD];
	_ =	sdelay $0x3  }
0x96: {  	_ =	strace s3  }
0x97: {  	_ =	strace $0x8FFFFFFF  }
0x98: {  	s19 =	sld [smem:$0x3FDB];
	_ =	sdelay $0x1  }
0x99: {  	s4 =	simm.s32 $_scs_section_size  }
0x9a: {  	s5 =	simm.s32 $_size__tile_overlayer_lowered;
	s6 =	simm.s32 $_tile_overlayer_lowered  }
0x9b: {  	s22 =	simm.s32 $0x1BFF;
	s21 =	sshll.u32 s6, $0x1;
	s3 =	sadd.s32 s4, s19  }
0x9c: {  	s7 =	simm.s32 $0x0;
	s20 =	sshll.u32 s5, $0x1;
	s5 =	sadd.s32 s21, s3  }
0x9d: {  	[timem:s7], [sflag:s22] =	dma.local [hbm:s5], s20  }
0x9e: {  	_ =	swait.ge [sflag:s22], s20  }
0x9f: {  	s4 =	ssub.s32 $0x0, s20;
	[sflag:s22] =	ssyncset.done $0x0  }
0xa0: {  	[sflag:s22] =	ssyncadd.s32 s4;
	_ =	sdelay $0x1  }
0xa1: {  	s23 =	simm.s32 $0x1B8B  }
0xa2: {  	_ =	swait.ge [sflag:s23], $0x1  }
0xa3: {  	[sflag:s23] =	ssyncset.done $0x0  }
0xa4: {  	s25 =	simm.s32 $0x1B8E;
	s24 =	sld [smem:$0x3FFE];
	[sflag:s23] =	ssyncadd.s32 $0xFFFFFFFF  }
0xa5: {  	s26 =	simm.s32 $execute0_lowered;
	[smem:$0x3FD2] =	sst s25  }
0xa6: {  	s5 =	sshll.u32 s26, $0x1;
	_ =	strace $0x8000006D;
	[dreg:$0x1] =	wrdreg $0xFFFFFFFF  }
0xa7: {  	s28 =	simm.s32 $_size_execute0_lowered;
	s3 =	sadd.s32 s3, s5;
	[dreg:$0x0] =	wrdreg $0x0  }
0xa8: {  	s5 =	sshll.u32 s28, $0x1;
	[dreg:$0x2] =	wrdreg s3  }
0xa9: {  	[dreg:$0x3] =	wrdreg s5  }
0xaa: {  	[dreg:$0x4] =	wrdreg $0xC0  }
0xab: {  	_ =	task [dreg:s7], $0x5FFFF  }
0xac: {  	[dreg:$0x1] =	wrdreg $0xFFFFFFFF  }
0xad: {  	[dreg:$0x0] =	wrdreg $0x60  }
0xae: {  	[dreg:$0x2] =	wrdreg s24  }
0xaf: {  	[dreg:$0x3] =	wrdreg s2  }
0xb0: {  	[dreg:$0x4] =	wrdreg $0x40800  }
0xb1: {  	[dreg:$0x5] =	wrdreg $0x9  }
0xb2: {  	_ =	task.clear_ibuf [dreg:s7], $0x6FFFF;
	_ =	strace $0x9000006D  }
0xb3: {  	s29 =	simm.s32 $0x9;
	_ =	strace $0x8000006F  }
0xb4: {  	_ =	swait.ge [sflag:s29], $0x1  }
0xb5: {  	[sflag:s29] =	ssyncadd.s32 $0xFFFFFFFF  }
0xb6: {  	_ =	strace $0x9000006F  }
0xb7: {  	_ =	sfence  }
0xb8: {  	s30 =	sld [smem:$0x0];
	_ =	sdelay $0x2  }
0xb9: {  	s31 =	sshll.u32 s1, $0xD;
	s1 =	sshrl.u32 s1, $0x2  }
0xba: {  	s3 =	sand.u32 $0x4000, s31;
	s1 =	sadd.s32 s1, s30  }
0xbb: {  	s0 =	sor.u32 s3, s0;
	s1 =	sshll.u32 s1, $0x11  }
0xbc: {  	s0 =	sor.u32 s1, s0  }
0xbd: {  	s0 =	sadd.s32 $0x8F2B, s0  }
0xbe: {  	[sflag:s0] =	ssyncadd.remote.s32 $0x1  }
0xbf: {  	_ =	sfence.sel $0xFFFF  }
0xc0: {  	[dreg:$0x0] =	wrdreg $0xFFFFFFFF;
	(pc) =	sbr.abs _section_cstart, $3  }
0xc1: {  	[dreg:$0x1] =	wrdreg $0xFFFFFFFF  }
0xc2: {  	_ =	task.clear_ibuf [dreg:s7], $0x2FFFF;
	_ =	strace $0x9FFFFFFF  }
0xc3: {  	(tm) =	ssettm $0x7FFFFFFF  }
tec
execute0_lowered:
.L_overlay_start_1:
0x0: {  	(tag) =	ssettag $0x1  }
0x1: {  	s4 =	rddreg [dreg:$0x0]  }
0x2: {  	s0 =	rddreg [dreg:$0x1]  }
0x3: {  	s6 =	stileid.u32;
	s1 =	srdreg.scid  }
0x4: {  	s2 =	rddreg [dreg:$0x2];
	s3 =	simm.s32 $0x0;
	s7 =	smul.u32 $0x5100, s6  }
0x5: {  	s5 =	sand.u32 $0x1, s1;
	s1 =	rddreg [dreg:$0x3];
	s9 =	smul.u32 $0x51000, s6  }
0x6: {  	[smem:$0x7FF] =	sst s3;
	s8 =	smul.u32 $0x2880, s5  }
0x7: {  	p0 =	sne.s32 s6, $0x0;
	_ =	strace $0x8000006E;
	s29 =	smul.u32 $0x27100, s5  }
0x8: {  	s10 =	ssub.s32 $0x2, s5;
	s12 =	smul.u32 $0x28800, s5;
	s9 =	sadd.s32 s9, s4  }
0x9: {  	s11 =	sshrl.u32 s10, $0x1;
	s7 =	sadd.s32 s8, s7;
	s8 =	sadd.s32 s29, s4  }
0xa: {  	s30 =	ssub.s32 s10, s11;
	s31 =	sadd.s32 s12, s9;
	s9 =	simm.s32 $0x1  }
0xb: {  	s10 =	simm.s32 $0x80;
	s11 =	simm.s32 $0x0;
	s7 =	sshrl.u32 s7, $0x3  }
0xc: {  	s5 =	smax.u32 s30, $0x1;
	s6 =	sadd.s32 $0x551E00, s31;
	s7 =	sadd.s32 s7, s4  }
0xd: {  	s4 =	sadd.s32 $0x1AC00, s8;
	s8 =	sshrl.u32 @!p0 s2, $0x3;
	s7 =	sadd.s32 $0x10A00, s7  }
.LBB2_1:
0xe: {  	s12 =	simm.s32 @!p0 $0x1C01  }
0xf: {  	[spmem:s8], [sflag:s12] =	dma.local @!p0 [hbm:s0], $0x27100  }
0x10: {  	s12 =	simm.s32 @!p0 $0x1  }
0x11: {  	_ =	swait.ge @!p0 [sflag:s12], $0x27100  }
0x12: {  	[sflag:s12] =	ssyncset.done @!p0 $0x0  }
0x13: {  	[sflag:s12] =	ssyncadd.s32 @!p0 $0xFFFD8F00  }
0x14: {  	s31 =	sadd.s32 $0x0, s7;
	[bflag:$0x0] =	sbarrier.arrive $0xFFFF  }
0x15: {  	[tilespmem:s3], [sflag:$0x1] =	stream.linear.gather [hbm4b:s31+s3], $0x80, $0x38;
	[tilespmem:$0x17900] =	vst v63  }
0x16: {  	_ =	swait.ge [sflag:s9], $0x80  }
0x17: {  	[sflag:s9] =	ssyncset.done $0x0  }
0x18: {  	[sflag:s9] =	ssyncadd.s32 $0xFFFFFF80  }
0x19: {  	[tilespmem:s10], [sflag:$0x1] =	stream.linear.gather [hbm4b:s6+s3], $0x4000, $0x38;
	[tilespmem:$0x17900] =	vst v63  }
0x1a: {  	_ =	swait.ge [sflag:s9], $0x4000  }
0x1b: {  	[sflag:s9] =	ssyncset.done $0x0  }
0x1c: {  	[sflag:s9] =	ssyncadd.s32 $0xFFFFC000  }
0x1d: {  	[spmem:s2] =	stream.indirect.scatter.add.f32 [tilespmem:s10], [sflag:$0x1], $0x80, s3, s10, $0xb8;
	[tilespmem:$0x17900] =	vst v63  }
0x1e: {  	s13 =	simm.s32 $0x10;
	_ =	swait.ge [sflag:s9], $0x4000  }
0x1f: {  	s14 =	simm.s32 $0x20;
	s12 =	sadd.s32 $0x800, s6;
	[sflag:s9] =	ssyncset.done $0x0  }
.LBB2_2:
0x20: {  	s15 =	sadd.s32 s13, s7  }
0x21: {  	[sflag:s9] =	ssyncadd.s32 $0xFFFFC000;
	s13 =	smov.u32 s14;
	s16 =	sadd.s32 $0x10, s14  }
0x22: {  	[tilespmem:s3], [sflag:$0x1] =	stream.linear.gather [hbm4b:s15+s3], $0x80, $0x38;
	[tilespmem:$0x17900] =	vst v63  }
0x23: {  	p1 =	sne.s32 s14, $0x500;
	_ =	swait.ge [sflag:s9], $0x80  }
0x24: {  	[sflag:s9] =	ssyncset.done $0x0  }
0x25: {  	[sflag:s9] =	ssyncadd.s32 $0xFFFFFF80  }
0x26: {  	[tilespmem:s10], [sflag:$0x1] =	stream.linear.gather [hbm4b:s12+s3], $0x4000, $0x38;
	[tilespmem:$0x17900] =	vst v63  }
0x27: {  	_ =	swait.ge [sflag:s9], $0x4000  }
.Ltmp0:
0x28: {  	[sflag:s9] =	ssyncset.done $0x0;
	(pc) =	sbr.rel @p1 .LBB2_2-.Ltmp0, $4  }
0x29: {  	[sflag:s9] =	ssyncadd.s32 $0xFFFFC000  }
0x2a: {  	[spmem:s2] =	stream.indirect.scatter.add.f32 [tilespmem:s10], [sflag:$0x1], $0x80, s3, s10, $0xb8;
	[tilespmem:$0x17900] =	vst v63  }
0x2b: {  	_ =	swait.ge [sflag:s9], $0x4000  }
0x2c: {  	s14 =	smov.u32 s16;
	s12 =	sadd.s32 $0x800, s12;
	[sflag:s9] =	ssyncset.done $0x0  }
0x2d: {  	s13 =	sadd.s32 s13, s7;
	[sflag:s9] =	ssyncadd.s32 $0xFFFFC000  }
0x2e: {  	[tilespmem:s3], [sflag:$0x1] =	stream.linear.gather [hbm4b:s13+s3], $0x80, $0x38;
	[tilespmem:$0x17900] =	vst v63  }
0x2f: {  	_ =	swait.ge [sflag:s9], $0x80  }
0x30: {  	[sflag:s9] =	ssyncset.done $0x0  }
0x31: {  	[sflag:s9] =	ssyncadd.s32 $0xFFFFFF80  }
0x32: {  	[tilespmem:s10], [sflag:$0x1] =	stream.linear.gather [hbm4b:s12+s3], $0x4000, $0x38;
	[tilespmem:$0x17900] =	vst v63  }
0x33: {  	_ =	swait.ge [sflag:s9], $0x4000  }
0x34: {  	[sflag:s9] =	ssyncset.done $0x0  }
0x35: {  	[sflag:s9] =	ssyncadd.s32 $0xFFFFC000  }
0x36: {  	[spmem:s2] =	stream.indirect.scatter.add.f32 [tilespmem:s10], [sflag:$0x1], $0x80, s3, s10, $0xb8;
	[tilespmem:$0x17900] =	vst v63  }
0x37: {  	_ =	swait.ge [sflag:s9], $0x4000  }
0x38: {  	[sflag:s9] =	ssyncset.done $0x0  }
0x39: {  	s11 =	sadd.s32 $0x1, s11;
	[sflag:s9] =	ssyncadd.s32 $0xFFFFC000  }
0x3a: {  	p1 =	sne.s32 s11, s5;
	s12 =	simm.s32 @!p0 $0x1C01;
	[bflag:$0x0] =	sbarrier.arrive $0xFFFF  }
0x3b: {  	[hbm:s4], [sflag:s12] =	dma.local @!p0 [spmem:s8], $0x27100  }
.Ltmp1:
0x3c: {  	_ = 	snop;
	(pc) =	sbr.rel @p1 .LBB2_1-.Ltmp1, $4  }
0x3d: {  	s12 =	simm.s32 @!p0 $0x1  }
0x3e: {  	_ =	swait.ge @!p0 [sflag:s12], $0x27100  }
0x3f: {  	[sflag:s12] =	ssyncset.done @!p0 $0x0  }
0x40: {  	[sflag:s12] =	ssyncadd.s32 @!p0 $0xFFFD8F00  }
0x41: {  	_ =	sfence.sel $0x180000  }
0x42: {  	[bflag:$0x0] =	sbarrier.arrive $0xFFFF  }
0x43: {  	_ =	strace $0x9000006E  }
0x44: {  	s0 =	sadd.s32 @!p0 $0x100000, s1;
	[bflag:$0x2] =	sbarrier.arrive $0xFFFF  }
0x45: {  	[sflag:s0] =	ssyncadd.tile.s32 @!p0 $0x1;
	_ =	shalt  }
.Lfunc_end2:
_tile_overlayer_lowered:
.L_overlay_start_2:
0x46: {  	(tag) =	ssettag $0x2  }
0x47: {  	s0 =	rddreg [dreg:$0x0];
	s2 =	stileid.u32  }
0x48: {  	s1 =	rddreg [dreg:$0x1];
	p0 =	sne.s32 s2, $0x0  }
0x49: {  	s3 =	rddreg [dreg:$0x2];
	[bflag:$0x3] =	sbarrier.arrive $0xFFFF;
	s2 =	simm.s32 @!p0 $0x1C01  }
0x4a: {  	[timem:s3], [sflag:s2] =	dma.local @!p0 [hbm:s0], s1  }
0x4b: {  	s0 =	simm.s32 @!p0 $0x1  }
0x4c: {  	_ =	swait.ge @!p0 [sflag:s0], s1  }
0x4d: {  	s1 =	ssub.s32 @!p0 $0x0, s1;
	[sflag:s0] =	ssyncset.done @!p0 $0x0  }
0x4e: {  	[sflag:s0] =	ssyncadd.s32 @!p0 s1  }
0x4f: {  	[bflag:$0x3] =	sbarrier.arrive $0xFFFF  }
0x50: {  	_ =	shalt  }

</sc_bundles>
